<compile_context>
chip_gen: v7x
topology: tpu7x:2x2x1
jax: 0.10.2.dev20260603
libtpu: 0.0.44.dev20260713+nightly
codegen_flags: <defaults>
</compile_context>

<pallas_src>
import dataclasses
import functools

import jax
import jax.numpy as jnp
from jax import lax
from jax.experimental import pallas as pl
from jax.experimental.pallas import tpu as pltpu
from jax.experimental.pallas import tpu_sc as plsc

N_NODES = 10000
N_EDGES = 320000
D_FEAT = 128
D_PK = D_FEAT // 2
L = 16
NUM_CORES = 2
NUM_SUBCORES = 16
NW = NUM_CORES * NUM_SUBCORES
E_PER_TILE = N_EDGES // NW
W = 128
NWIN = E_PER_TILE // W
TAIL = E_PER_TILE - NWIN * W
R_PER_TILE = N_NODES // NUM_SUBCORES
R_CHUNK = 125


def _sqrt_vec(x):
    bits = plsc.bitcast(x, jnp.int32)
    y = plsc.bitcast(jnp.int32(0x5F3759DF) - (bits >> 1), jnp.float32)
    half = x * 0.5
    for _ in range(3):
        y = y * (1.5 - half * y * y)
    return x * y


def kernel(z, edge_index):
    mesh = plsc.VectorSubcoreMesh(core_axis_name="c", subcore_axis_name="s")
    cp = pltpu.CompilerParams()
    if "needs_layout_passes" in pltpu.CompilerParams.__dataclass_fields__:
        cp = dataclasses.replace(cp, needs_layout_passes=False)
    if "use_tc_tiling_on_sc" in pltpu.CompilerParams.__dataclass_fields__:
        cp = dataclasses.replace(cp, use_tc_tiling_on_sc=False)

    @functools.partial(
        pl.kernel,
        out_type=(
            jax.ShapeDtypeStruct((N_EDGES,), jnp.float32),
            jax.ShapeDtypeStruct((N_NODES, D_PK), jnp.int32),
        ),
        mesh=mesh,
        compiler_params=cp,
        scratch_types=[
            pltpu.VMEM((R_CHUNK, D_FEAT), jnp.float32),
            pltpu.VMEM((R_CHUNK, D_FEAT), jnp.float32),
            pltpu.VMEM((R_CHUNK, D_PK), jnp.int32),
            pltpu.VMEM((R_CHUNK, D_PK), jnp.int32),
            pltpu.SemaphoreType.DMA, pltpu.SemaphoreType.DMA,
            pltpu.SemaphoreType.DMA, pltpu.SemaphoreType.DMA,
            pltpu.VMEM((W,), jnp.int32), pltpu.VMEM((W,), jnp.int32),
            pltpu.VMEM((W,), jnp.int32), pltpu.VMEM((W,), jnp.int32),
            pltpu.VMEM((W, D_PK), jnp.int32),
            pltpu.VMEM((W, D_PK), jnp.int32),
            pltpu.VMEM((W, D_PK), jnp.int32),
            pltpu.VMEM((W, D_PK), jnp.int32),
            pltpu.VMEM((W,), jnp.float32), pltpu.VMEM((W,), jnp.float32),
            pltpu.VMEM((TAIL,), jnp.int32), pltpu.VMEM((TAIL,), jnp.int32),
            pltpu.VMEM((TAIL, D_PK), jnp.int32),
            pltpu.VMEM((TAIL, D_PK), jnp.int32),
            pltpu.VMEM((TAIL,), jnp.float32),
            pltpu.SemaphoreType.DMA, pltpu.SemaphoreType.DMA,
            pltpu.SemaphoreType.DMA, pltpu.SemaphoreType.DMA,
            pltpu.SemaphoreType.DMA, pltpu.SemaphoreType.DMA,
        ],
    )
    def sc_kernel(z_hbm, ei_hbm, out_hbm, zpk_hbm,
                  pin0, pin1, pout0, pout1,
                  sem_pi0, sem_pi1, sem_po0, sem_po1,
                  idx_s0, idx_d0, idx_s1, idx_d1,
                  rows_s0, rows_d0, rows_s1, rows_d1,
                  out_v0, out_v1,
                  idx_ts, idx_td, rows_ts, rows_td, out_t,
                  sem_i0, sem_i1, sem_r0, sem_r1, sem_o0, sem_o1):
        cid = lax.axis_index("c")
        sid = lax.axis_index("s")
        wid = sid * NUM_CORES + cid
        tile_base = wid * E_PER_TILE
        idx_bufs = [(idx_s0, idx_d0, sem_i0), (idx_s1, idx_d1, sem_i1)]
        row_bufs = [(rows_s0, rows_d0, sem_r0), (rows_s1, rows_d1, sem_r1)]
        out_bufs = [(out_v0, sem_o0), (out_v1, sem_o1)]
        lane = lax.broadcasted_iota(jnp.int32, (L,), 0)

        def base_of(w):
            return pl.multiple_of(tile_base + w * W, L)

        def stage_idx(w, b):
            idx_s, idx_d, sem = idx_bufs[b]
            base = base_of(w)
            pltpu.async_copy(ei_hbm.at[0, pl.ds(base, W)], idx_s, sem)
            pltpu.async_copy(ei_hbm.at[1, pl.ds(base, W)], idx_d, sem)

        def wait_idx(b):
            idx_s, idx_d, sem = idx_bufs[b]
            pltpu.make_async_copy(ei_hbm.at[0, pl.ds(0, W)], idx_s, sem).wait()
            pltpu.make_async_copy(ei_hbm.at[1, pl.ds(0, W)], idx_d, sem).wait()

        def stage_rows(b):
            idx_s, idx_d, _ = idx_bufs[b]
            rows_s, rows_d, sem = row_bufs[b]
            wait_idx(b)
            pltpu.async_copy(zpk_hbm.at[idx_s], rows_s, sem)
            pltpu.async_copy(zpk_hbm.at[idx_d], rows_d, sem)

        def wait_rows(b):
            idx_s, idx_d, _ = idx_bufs[b]
            rows_s, rows_d, sem = row_bufs[b]
            pltpu.make_async_copy(zpk_hbm.at[idx_s], rows_s, sem).wait()
            pltpu.make_async_copy(zpk_hbm.at[idx_d], rows_d, sem).wait()

        def wait_out(b):
            out_v, sem = out_bufs[b]
            pltpu.make_async_copy(
                out_v, out_hbm.at[pl.ds(0, W)], sem).wait()

        def distance_group(rows_s, rows_d, out_v, e0):

            @plsc.parallel_loop(0, L, 1, unroll=4,
                                carry=jnp.zeros((L,), jnp.float32))
            def d2(k, res):
                e = e0 + k
                acc = jnp.zeros((L,), jnp.float32)
                for j in range(D_PK // L):
                    vs = plsc.bitcast(rows_s[e, pl.ds(j * L, L)],
                                      jnp.bfloat16)
                    vd = plsc.bitcast(rows_d[e, pl.ds(j * L, L)],
                                      jnp.bfloat16)
                    df = vs - vd
                    lo, hi = plsc.unpack(
                        df, format=plsc.PackFormat.INTERLEAVED)
                    acc = acc + lo * lo
                    acc = acc + hi * hi
                return jnp.where(lane == k, jnp.sum(acc), res)

            out_v[pl.ds(e0, L)] = jnp.exp(-_sqrt_vec(d2))

        def compute(w, b, drain_prev):
            rows_s, rows_d, _ = row_bufs[b]
            out_v, sem = out_bufs[b]
            if drain_prev:
                @pl.when(w >= 2)
                def _drain():
                    wait_out(b)

            @pl.loop(0, W // L)
            def _group(g):
                distance_group(rows_s, rows_d, out_v,
                               pl.multiple_of(g * L, L))

            pltpu.async_copy(out_v, out_hbm.at[pl.ds(base_of(w), W)], sem)

        stage_idx(0, 0)
        stage_idx(1, 1)

        r0 = sid * R_PER_TILE
        pins = [(pin0, sem_pi0), (pin1, sem_pi1)]
        pouts = [(pout0, sem_po0), (pout1, sem_po1)]
        n_chunks = R_PER_TILE // R_CHUNK

        def chunk_in(ci, b):
            pin, sem = pins[b]
            pltpu.async_copy(
                z_hbm.at[pl.ds(r0 + ci * R_CHUNK, R_CHUNK)], pin, sem)

        def chunk_in_wait(b):
            pin, sem = pins[b]
            pltpu.make_async_copy(
                z_hbm.at[pl.ds(0, R_CHUNK)], pin, sem).wait()

        def chunk_out_wait(b):
            pout, sem = pouts[b]
            pltpu.make_async_copy(
                pout, zpk_hbm.at[pl.ds(0, R_CHUNK)], sem).wait()

        chunk_in(0, 0)
        for ci in range(n_chunks):
            b = ci % 2
            if ci + 1 < n_chunks:
                chunk_in(ci + 1, 1 - b)
            chunk_in_wait(b)
            if ci >= 2:
                chunk_out_wait(b)
            pin, _ = pins[b]
            pout, sem_po = pouts[b]

            @plsc.parallel_loop(0, R_CHUNK, 1, unroll=4)
            def _row(r):
                for j in range(D_PK // L):
                    a = pin[r, pl.ds(j * 2 * L, L)]
                    bb = pin[r, pl.ds(j * 2 * L + L, L)]
                    pk = plsc.pack(a, bb, format=plsc.PackFormat.INTERLEAVED)
                    pout[r, pl.ds(j * L, L)] = plsc.bitcast(pk, jnp.int32)

            pltpu.async_copy(
                pout, zpk_hbm.at[pl.ds(r0 + ci * R_CHUNK, R_CHUNK)], sem_po)

        chunk_out_wait((n_chunks - 2) % 2)
        chunk_out_wait((n_chunks - 1) % 2)
        plsc.subcore_barrier()

        stage_rows(0)

        @pl.loop(0, (NWIN - 2) // 2)
        def _pair(p):
            w = p * 2
            stage_rows(1)
            wait_rows(0)
            stage_idx(w + 2, 0)
            compute(w, 0, drain_prev=True)
            wait_rows(1)
            stage_idx(w + 3, 1)
            stage_rows(0)
            compute(w + 1, 1, drain_prev=True)

        stage_rows(1)
        wait_rows(0)
        compute(NWIN - 2, 0, drain_prev=True)
        wait_rows(1)
        compute(NWIN - 1, 1, drain_prev=True)

        base_t = pl.multiple_of(tile_base + NWIN * W, L)
        pltpu.async_copy(ei_hbm.at[0, pl.ds(base_t, TAIL)], idx_ts, sem_i0)
        pltpu.async_copy(ei_hbm.at[1, pl.ds(base_t, TAIL)], idx_td, sem_i0)
        pltpu.make_async_copy(ei_hbm.at[0, pl.ds(0, TAIL)], idx_ts,
                              sem_i0).wait()
        pltpu.make_async_copy(ei_hbm.at[1, pl.ds(0, TAIL)], idx_td,
                              sem_i0).wait()
        pltpu.async_copy(zpk_hbm.at[idx_ts], rows_ts, sem_r0)
        pltpu.async_copy(zpk_hbm.at[idx_td], rows_td, sem_r0)
        pltpu.make_async_copy(zpk_hbm.at[idx_ts], rows_ts, sem_r0).wait()
        pltpu.make_async_copy(zpk_hbm.at[idx_td], rows_td, sem_r0).wait()
        distance_group(rows_ts, rows_td, out_t, 0)
        pltpu.sync_copy(out_t, out_hbm.at[pl.ds(base_t, TAIL)])

        wait_out(0)
        wait_out(1)

    probs, _ = sc_kernel(z, edge_index)
    return probs

# --- scband reference (transcript-rebuilt; emitter-appended) ---
"""Pipeline reference for scband-euclidean-link-predictor-28887950033461 (READ-ONLY COPY).

The authoritative reference and input builder live on the scoring server;
editing this copy changes nothing except your own understanding.
"""

import jax, jax.numpy as jnp
import numpy as np

N_NODES = 10000
N_EDGES = 320000
D_FEAT = 128


def setup_inputs(seed: int = 0) -> dict:
    key = jax.random.key(seed)
    k1, k2, k3 = jax.random.split(key, 3)
    z = jax.random.normal(k1, (N_NODES, D_FEAT), dtype=jnp.float32)
    src = jax.random.randint(k2, (N_EDGES,), 0, N_NODES)
    # offset trick guarantees dst != src so dist > 0 (avoids norm at zero)
    off = jax.random.randint(k3, (N_EDGES,), 1, N_NODES)
    dst = (src + off) % N_NODES
    edge_index = jnp.stack([src, dst]).astype(jnp.int32)
    return {"z": z, "edge_index": edge_index}


def reference(z, edge_index):
    # src = z[edge_index[0]]; tgt = z[edge_index[1]]
    src = jnp.take(z, edge_index[0], axis=0)
    tgt = jnp.take(z, edge_index[1], axis=0)
    # dist = torch.norm(src - tgt, dim=1)
    dist = jnp.linalg.norm(src - tgt, axis=1)
    # probs = torch.exp(-dist)
    probs = jnp.exp(-dist)
    return probs

if __name__ == "__main__":
    import jax
    _d = setup_inputs()
    print(jax.jit(kernel)(*tuple(_d.values())))

</pallas_src>

<mosaic_0001>
#map = affine_map<(d0, d1) -> (0, 0)>
#map1 = affine_map<(d0, d1) -> (0)>
module attributes {stable_mosaic.version = 14 : i64} {
  func.func @sc_kernel(%arg0: i32, %arg1: i32, %arg2: memref<10000x128xf32, #tpu.memory_space<hbm>>, %arg3: memref<2x320000xi32, #tpu.memory_space<hbm>>, %arg4: memref<320000xf32, #tpu.memory_space<hbm>>, %arg5: memref<10000x64xi32, #tpu.memory_space<hbm>>, %arg6: memref<125x128xf32, #tpu.memory_space<vmem>>, %arg7: memref<125x128xf32, #tpu.memory_space<vmem>>, %arg8: memref<125x64xi32, #tpu.memory_space<vmem>>, %arg9: memref<125x64xi32, #tpu.memory_space<vmem>>, %arg10: memref<!tpu.dma_semaphore, #tpu.memory_space<semaphore_mem>>, %arg11: memref<!tpu.dma_semaphore, #tpu.memory_space<semaphore_mem>>, %arg12: memref<!tpu.dma_semaphore, #tpu.memory_space<semaphore_mem>>, %arg13: memref<!tpu.dma_semaphore, #tpu.memory_space<semaphore_mem>>, %arg14: memref<128xi32, #tpu.memory_space<vmem>>, %arg15: memref<128xi32, #tpu.memory_space<vmem>>, %arg16: memref<128xi32, #tpu.memory_space<vmem>>, %arg17: memref<128xi32, #tpu.memory_space<vmem>>, %arg18: memref<128x64xi32, #tpu.memory_space<vmem>>, %arg19: memref<128x64xi32, #tpu.memory_space<vmem>>, %arg20: memref<128x64xi32, #tpu.memory_space<vmem>>, %arg21: memref<128x64xi32, #tpu.memory_space<vmem>>, %arg22: memref<128xf32, #tpu.memory_space<vmem>>, %arg23: memref<128xf32, #tpu.memory_space<vmem>>, %arg24: memref<16xi32, #tpu.memory_space<vmem>>, %arg25: memref<16xi32, #tpu.memory_space<vmem>>, %arg26: memref<16x64xi32, #tpu.memory_space<vmem>>, %arg27: memref<16x64xi32, #tpu.memory_space<vmem>>, %arg28: memref<16xf32, #tpu.memory_space<vmem>>, %arg29: memref<!tpu.dma_semaphore, #tpu.memory_space<semaphore_mem>>, %arg30: memref<!tpu.dma_semaphore, #tpu.memory_space<semaphore_mem>>, %arg31: memref<!tpu.dma_semaphore, #tpu.memory_space<semaphore_mem>>, %arg32: memref<!tpu.dma_semaphore, #tpu.memory_space<semaphore_mem>>, %arg33: memref<!tpu.dma_semaphore, #tpu.memory_space<semaphore_mem>>, %arg34: memref<!tpu.dma_semaphore, #tpu.memory_space<semaphore_mem>>) attributes {dimension_semantics = [#tpu.dimension_semantics<core_parallel>, #tpu.dimension_semantics<subcore_parallel>], iteration_bounds = array<i64: 2, 16>, scalar_prefetch = 0 : i64, scratch_operands = 29 : i64, tpu.core_type = #tpu.core_type<sc_vector_subcore>, window_params = [{transform_indices = #map}, {transform_indices = #map}, {transform_indices = #map1}, {transform_indices = #map}]} {
    %mul3A = arith.constant 2 : i32
    %mul3A_0 = arith.muli %arg1, %mul3A : i32
    %add3A = arith.addi %mul3A_0, %arg0 : i32
    %mul3A_1 = arith.constant 10000 : i32
    %mul3A_2 = arith.muli %add3A, %mul3A_1 : i32
    %iota3A = tpu.iota {dimensions = array<i32: 0>} : vector<16xi32>
    %add3A_3 = arith.constant 0 : i32
    %add3A_4 = arith.addi %mul3A_2, %add3A_3 : i32
    %multiple_of3A = tpu.assume_multiple %add3A_4, 16 : i32
    %dma_start3A = arith.constant 0 : i32
    %dma_start3A_5 = tpu.memref_slice %arg3[%dma_start3A, %multiple_of3A] : memref<2x320000xi32, #tpu.memory_space<hbm>> -> memref<1x128xi32, #tpu.memory_space<hbm>>
    %dma_start3A_6 = tpu.memref_squeeze %dma_start3A_5 : memref<1x128xi32, #tpu.memory_space<hbm>> -> memref<128xi32, #tpu.memory_space<hbm>>
    %dma_start3A_7 = tpu.memref_slice %arg3[%dma_start3A, %multiple_of3A] : memref<2x320000xi32, #tpu.memory_space<hbm>> -> memref<1x128xi32, #tpu.memory_space<hbm>>
    %dma_start3A_8 = tpu.memref_squeeze %dma_start3A_7 : memref<1x128xi32, #tpu.memory_space<hbm>> -> memref<128xi32, #tpu.memory_space<hbm>>
    tpu.enqueue_dma source(%dma_start3A_8 : memref<128xi32, #tpu.memory_space<hbm>>) target(%arg14 : memref<128xi32, #tpu.memory_space<vmem>>) target_semaphore(%arg29 : memref<!tpu.dma_semaphore, #tpu.memory_space<semaphore_mem>>)
    %dma_start3A_9 = arith.constant 1 : i32
    %dma_start3A_10 = tpu.memref_slice %arg3[%dma_start3A_9, %multiple_of3A] : memref<2x320000xi32, #tpu.memory_space<hbm>> -> memref<1x128xi32, #tpu.memory_space<hbm>>
    %dma_start3A_11 = tpu.memref_squeeze %dma_start3A_10 : memref<1x128xi32, #tpu.memory_space<hbm>> -> memref<128xi32, #tpu.memory_space<hbm>>
    %dma_start3A_12 = tpu.memref_slice %arg3[%dma_start3A_9, %multiple_of3A] : memref<2x320000xi32, #tpu.memory_space<hbm>> -> memref<1x128xi32, #tpu.memory_space<hbm>>
    %dma_start3A_13 = tpu.memref_squeeze %dma_start3A_12 : memref<1x128xi32, #tpu.memory_space<hbm>> -> memref<128xi32, #tpu.memory_space<hbm>>
    tpu.enqueue_dma source(%dma_start3A_13 : memref<128xi32, #tpu.memory_space<hbm>>) target(%arg15 : memref<128xi32, #tpu.memory_space<vmem>>) target_semaphore(%arg29 : memref<!tpu.dma_semaphore, #tpu.memory_space<semaphore_mem>>)
    %add3A_14 = arith.constant 128 : i32
    %add3A_15 = arith.addi %mul3A_2, %add3A_14 : i32
    %multiple_of3A_16 = tpu.assume_multiple %add3A_15, 16 : i32
    %dma_start3A_17 = arith.constant 0 : i32
    %dma_start3A_18 = tpu.memref_slice %arg3[%dma_start3A_17, %multiple_of3A_16] : memref<2x320000xi32, #tpu.memory_space<hbm>> -> memref<1x128xi32, #tpu.memory_space<hbm>>
    %dma_start3A_19 = tpu.memref_squeeze %dma_start3A_18 : memref<1x128xi32, #tpu.memory_space<hbm>> -> memref<128xi32, #tpu.memory_space<hbm>>
    %dma_start3A_20 = tpu.memref_slice %arg3[%dma_start3A_17, %multiple_of3A_16] : memref<2x320000xi32, #tpu.memory_space<hbm>> -> memref<1x128xi32, #tpu.memory_space<hbm>>
    %dma_start3A_21 = tpu.memref_squeeze %dma_start3A_20 : memref<1x128xi32, #tpu.memory_space<hbm>> -> memref<128xi32, #tpu.memory_space<hbm>>
    tpu.enqueue_dma source(%dma_start3A_21 : memref<128xi32, #tpu.memory_space<hbm>>) target(%arg16 : memref<128xi32, #tpu.memory_space<vmem>>) target_semaphore(%arg30 : memref<!tpu.dma_semaphore, #tpu.memory_space<semaphore_mem>>)
    %dma_start3A_22 = arith.constant 1 : i32
    %dma_start3A_23 = tpu.memref_slice %arg3[%dma_start3A_22, %multiple_of3A_16] : memref<2x320000xi32, #tpu.memory_space<hbm>> -> memref<1x128xi32, #tpu.memory_space<hbm>>
    %dma_start3A_24 = tpu.memref_squeeze %dma_start3A_23 : memref<1x128xi32, #tpu.memory_space<hbm>> -> memref<128xi32, #tpu.memory_space<hbm>>
    %dma_start3A_25 = tpu.memref_slice %arg3[%dma_start3A_22, %multiple_of3A_16] : memref<2x320000xi32, #tpu.memory_space<hbm>> -> memref<1x128xi32, #tpu.memory_space<hbm>>
    %dma_start3A_26 = tpu.memref_squeeze %dma_start3A_25 : memref<1x128xi32, #tpu.memory_space<hbm>> -> memref<128xi32, #tpu.memory_space<hbm>>
    tpu.enqueue_dma source(%dma_start3A_26 : memref<128xi32, #tpu.memory_space<hbm>>) target(%arg17 : memref<128xi32, #tpu.memory_space<vmem>>) target_semaphore(%arg30 : memref<!tpu.dma_semaphore, #tpu.memory_space<semaphore_mem>>)
    %mul3A_27 = arith.constant 625 : i32
    %mul3A_28 = arith.muli %arg1, %mul3A_27 : i32
    %add3A_29 = arith.constant 0 : i32
    %add3A_30 = arith.addi %mul3A_28, %add3A_29 : i32
    %dma_start3A_31 = arith.constant 0 : i32
    %dma_start3A_32 = tpu.memref_slice %arg2[%add3A_30, %dma_start3A_31] : memref<10000x128xf32, #tpu.memory_space<hbm>> -> memref<125x128xf32, #tpu.memory_space<hbm>>
    %dma_start3A_33 = arith.constant 0 : i32
    %dma_start3A_34 = tpu.memref_slice %arg2[%add3A_30, %dma_start3A_33] : memref<10000x128xf32, #tpu.memory_space<hbm>> -> memref<125x128xf32, #tpu.memory_space<hbm>>
    tpu.enqueue_dma source(%dma_start3A_34 : memref<125x128xf32, #tpu.memory_space<hbm>>) target(%arg6 : memref<125x128xf32, #tpu.memory_space<vmem>>) target_semaphore(%arg10 : memref<!tpu.dma_semaphore, #tpu.memory_space<semaphore_mem>>)
    %add3A_35 = arith.constant 125 : i32
    %add3A_36 = arith.addi %mul3A_28, %add3A_35 : i32
    %dma_start3A_37 = arith.constant 0 : i32
    %dma_start3A_38 = tpu.memref_slice %arg2[%add3A_36, %dma_start3A_37] : memref<10000x128xf32, #tpu.memory_space<hbm>> -> memref<125x128xf32, #tpu.memory_space<hbm>>
    %dma_start3A_39 = arith.constant 0 : i32
    %dma_start3A_40 = tpu.memref_slice %arg2[%add3A_36, %dma_start3A_39] : memref<10000x128xf32, #tpu.memory_space<hbm>> -> memref<125x128xf32, #tpu.memory_space<hbm>>
    tpu.enqueue_dma source(%dma_start3A_40 : memref<125x128xf32, #tpu.memory_space<hbm>>) target(%arg7 : memref<125x128xf32, #tpu.memory_space<vmem>>) target_semaphore(%arg11 : memref<!tpu.dma_semaphore, #tpu.memory_space<semaphore_mem>>)
    %dma_wait3A = arith.constant 0 : i32
    %dma_wait3A_41 = arith.constant 0 : i32
    %dma_wait3A_42 = tpu.memref_slice %arg2[%dma_wait3A, %dma_wait3A_41] : memref<10000x128xf32, #tpu.memory_space<hbm>> -> memref<125x128xf32, #tpu.memory_space<hbm>>
    %dma_wait3A_43 = arith.constant 0 : i32
    %dma_wait3A_44 = arith.constant 0 : i32
    %dma_wait3A_45 = tpu.memref_slice %arg2[%dma_wait3A_43, %dma_wait3A_44] : memref<10000x128xf32, #tpu.memory_space<hbm>> -> memref<125x128xf32, #tpu.memory_space<hbm>>
    tpu.wait_dma2 semaphore(%arg10 : memref<!tpu.dma_semaphore, #tpu.memory_space<semaphore_mem>>) src(%dma_wait3A_45 : memref<125x128xf32, #tpu.memory_space<hbm>>) dst(%arg6 : memref<125x128xf32, #tpu.memory_space<vmem>>)
    %parallel_loop3A = arith.constant 0 : i32
    %parallel_loop3A_46 = arith.constant 125 : i32
    %parallel_loop3A_47 = arith.constant 1 : i32
    scf.for %parallel_loop3A_328 = %parallel_loop3A to %parallel_loop3A_46 step %parallel_loop3A_47  : i32 {
      %parallel_loop3A_329 = arith.index_cast %parallel_loop3A_328 : i32 to index
      %parallel_loop3A_330 = arith.constant 0 : index
      %parallel_loop3A_331 = tpu.vector_load %arg6[%parallel_loop3A_329, %parallel_loop3A_330] {strides = array<i32>} : memref<125x128xf32, #tpu.memory_space<vmem>>, vector<16xf32>,
      %parallel_loop3A_332 = arith.index_cast %parallel_loop3A_328 : i32 to index
      %parallel_loop3A_333 = arith.constant 16 : index
      %parallel_loop3A_334 = tpu.vector_load %arg6[%parallel_loop3A_332, %parallel_loop3A_333] {strides = array<i32>} : memref<125x128xf32, #tpu.memory_space<vmem>>, vector<16xf32>,
      %parallel_loop3A_335 = tpu.pack_subelements %parallel_loop3A_331, %parallel_loop3A_334 {pack_format = #tpu.pack_format<interleaved>, positions = array<i32: 0, 1>} : vector<16xf32>, vector<16xf32> -> vector<32xbf16>
      %parallel_loop3A_336 = vector.bitcast %parallel_loop3A_335 : vector<32xbf16> to vector<16xi32>
      %parallel_loop3A_337 = arith.index_cast %parallel_loop3A_328 : i32 to index
      %parallel_loop3A_338 = arith.constant 0 : index
      %parallel_loop3A_339 = tpu.vector_load %arg8[%parallel_loop3A_337, %parallel_loop3A_338] {strides = array<i32>} : memref<125x64xi32, #tpu.memory_space<vmem>>, vector<16xi32>,
      tpu.vector_store %arg8[%parallel_loop3A_337, %parallel_loop3A_338], %parallel_loop3A_336 {strides = array<i32>} : memref<125x64xi32, #tpu.memory_space<vmem>>, vector<16xi32>,
      %parallel_loop3A_340 = arith.index_cast %parallel_loop3A_328 : i32 to index
      %parallel_loop3A_341 = arith.constant 32 : index
      %parallel_loop3A_342 = tpu.vector_load %arg6[%parallel_loop3A_340, %parallel_loop3A_341] {strides = array<i32>} : memref<125x128xf32, #tpu.memory_space<vmem>>, vector<16xf32>,
      %parallel_loop3A_343 = arith.index_cast %parallel_loop3A_328 : i32 to index
      %parallel_loop3A_344 = arith.constant 48 : index
      %parallel_loop3A_345 = tpu.vector_load %arg6[%parallel_loop3A_343, %parallel_loop3A_344] {strides = array<i32>} : memref<125x128xf32, #tpu.memory_space<vmem>>, vector<16xf32>,
      %parallel_loop3A_346 = tpu.pack_subelements %parallel_loop3A_342, %parallel_loop3A_345 {pack_format = #tpu.pack_format<interleaved>, positions = array<i32: 0, 1>} : vector<16xf32>, vector<16xf32> -> vector<32xbf16>
      %parallel_loop3A_347 = vector.bitcast %parallel_loop3A_346 : vector<32xbf16> to vector<16xi32>
      %parallel_loop3A_348 = arith.index_cast %parallel_loop3A_328 : i32 to index
      %parallel_loop3A_349 = arith.constant 16 : index
      %parallel_loop3A_350 = tpu.vector_load %arg8[%parallel_loop3A_348, %parallel_loop3A_349] {strides = array<i32>} : memref<125x64xi32, #tpu.memory_space<vmem>>, vector<16xi32>,
      tpu.vector_store %arg8[%parallel_loop3A_348, %parallel_loop3A_349], %parallel_loop3A_347 {strides = array<i32>} : memref<125x64xi32, #tpu.memory_space<vmem>>, vector<16xi32>,
      %parallel_loop3A_351 = arith.index_cast %parallel_loop3A_328 : i32 to index
      %parallel_loop3A_352 = arith.constant 64 : index
      %parallel_loop3A_353 = tpu.vector_load %arg6[%parallel_loop3A_351, %parallel_loop3A_352] {strides = array<i32>} : memref<125x128xf32, #tpu.memory_space<vmem>>, vector<16xf32>,
      %parallel_loop3A_354 = arith.index_cast %parallel_loop3A_328 : i32 to index
      %parallel_loop3A_355 = arith.constant 80 : index
      %parallel_loop3A_356 = tpu.vector_load %arg6[%parallel_loop3A_354, %parallel_loop3A_355] {strides = array<i32>} : memref<125x128xf32, #tpu.memory_space<vmem>>, vector<16xf32>,
      %parallel_loop3A_357 = tpu.pack_subelements %parallel_loop3A_353, %parallel_loop3A_356 {pack_format = #tpu.pack_format<interleaved>, positions = array<i32: 0, 1>} : vector<16xf32>, vector<16xf32> -> vector<32xbf16>
      %parallel_loop3A_358 = vector.bitcast %parallel_loop3A_357 : vector<32xbf16> to vector<16xi32>
      %parallel_loop3A_359 = arith.index_cast %parallel_loop3A_328 : i32 to index
      %parallel_loop3A_360 = arith.constant 32 : index
      %parallel_loop3A_361 = tpu.vector_load %arg8[%parallel_loop3A_359, %parallel_loop3A_360] {strides = array<i32>} : memref<125x64xi32, #tpu.memory_space<vmem>>, vector<16xi32>,
      tpu.vector_store %arg8[%parallel_loop3A_359, %parallel_loop3A_360], %parallel_loop3A_358 {strides = array<i32>} : memref<125x64xi32, #tpu.memory_space<vmem>>, vector<16xi32>,
      %parallel_loop3A_362 = arith.index_cast %parallel_loop3A_328 : i32 to index
      %parallel_loop3A_363 = arith.constant 96 : index
      %parallel_loop3A_364 = tpu.vector_load %arg6[%parallel_loop3A_362, %parallel_loop3A_363] {strides = array<i32>} : memref<125x128xf32, #tpu.memory_space<vmem>>, vector<16xf32>,
      %parallel_loop3A_365 = arith.index_cast %parallel_loop3A_328 : i32 to index
      %parallel_loop3A_366 = arith.constant 112 : index
      %parallel_loop3A_367 = tpu.vector_load %arg6[%parallel_loop3A_365, %parallel_loop3A_366] {strides = array<i32>} : memref<125x128xf32, #tpu.memory_space<vmem>>, vector<16xf32>,
      %parallel_loop3A_368 = tpu.pack_subelements %parallel_loop3A_364, %parallel_loop3A_367 {pack_format = #tpu.pack_format<interleaved>, positions = array<i32: 0, 1>} : vector<16xf32>, vector<16xf32> -> vector<32xbf16>
      %parallel_loop3A_369 = vector.bitcast %parallel_loop3A_368 : vector<32xbf16> to vector<16xi32>
      %parallel_loop3A_370 = arith.index_cast %parallel_loop3A_328 : i32 to index
      %parallel_loop3A_371 = arith.constant 48 : index
      %parallel_loop3A_372 = tpu.vector_load %arg8[%parallel_loop3A_370, %parallel_loop3A_371] {strides = array<i32>} : memref<125x64xi32, #tpu.memory_space<vmem>>, vector<16xi32>,
      tpu.vector_store %arg8[%parallel_loop3A_370, %parallel_loop3A_371], %parallel_loop3A_369 {strides = array<i32>} : memref<125x64xi32, #tpu.memory_space<vmem>>, vector<16xi32>,
    } {sc.loop_unroll_factor = 4 : i64, sc.parallel_access}
    %add3A_48 = arith.constant 0 : i32
    %add3A_49 = arith.addi %mul3A_28, %add3A_48 : i32
    %dma_start3A_50 = arith.constant 0 : i32
    %dma_start3A_51 = tpu.memref_slice %arg5[%add3A_49, %dma_start3A_50] : memref<10000x64xi32, #tpu.memory_space<hbm>> -> memref<125x64xi32, #tpu.memory_space<hbm>>
    %dma_start3A_52 = arith.constant 0 : i32
    %dma_start3A_53 = tpu.memref_slice %arg5[%add3A_49, %dma_start3A_52] : memref<10000x64xi32, #tpu.memory_space<hbm>> -> memref<125x64xi32, #tpu.memory_space<hbm>>
    tpu.enqueue_dma source(%arg8 : memref<125x64xi32, #tpu.memory_space<vmem>>) target(%dma_start3A_53 : memref<125x64xi32, #tpu.memory_space<hbm>>) target_semaphore(%arg12 : memref<!tpu.dma_semaphore, #tpu.memory_space<semaphore_mem>>)
    %add3A_54 = arith.constant 250 : i32
    %add3A_55 = arith.addi %mul3A_28, %add3A_54 : i32
    %dma_start3A_56 = arith.constant 0 : i32
    %dma_start3A_57 = tpu.memref_slice %arg2[%add3A_55, %dma_start3A_56] : memref<10000x128xf32, #tpu.memory_space<hbm>> -> memref<125x128xf32, #tpu.memory_space<hbm>>
    %dma_start3A_58 = arith.constant 0 : i32
    %dma_start3A_59 = tpu.memref_slice %arg2[%add3A_55, %dma_start3A_58] : memref<10000x128xf32, #tpu.memory_space<hbm>> -> memref<125x128xf32, #tpu.memory_space<hbm>>
    tpu.enqueue_dma source(%dma_start3A_59 : memref<125x128xf32, #tpu.memory_space<hbm>>) target(%arg6 : memref<125x128xf32, #tpu.memory_space<vmem>>) target_semaphore(%arg10 : memref<!tpu.dma_semaphore, #tpu.memory_space<semaphore_mem>>)
    %dma_wait3A_60 = arith.constant 0 : i32
    %dma_wait3A_61 = arith.constant 0 : i32
    %dma_wait3A_62 = tpu.memref_slice %arg2[%dma_wait3A_60, %dma_wait3A_61] : memref<10000x128xf32, #tpu.memory_space<hbm>> -> memref<125x128xf32, #tpu.memory_space<hbm>>
    %dma_wait3A_63 = arith.constant 0 : i32
    %dma_wait3A_64 = arith.constant 0 : i32
    %dma_wait3A_65 = tpu.memref_slice %arg2[%dma_wait3A_63, %dma_wait3A_64] : memref<10000x128xf32, #tpu.memory_space<hbm>> -> memref<125x128xf32, #tpu.memory_space<hbm>>
    tpu.wait_dma2 semaphore(%arg11 : memref<!tpu.dma_semaphore, #tpu.memory_space<semaphore_mem>>) src(%dma_wait3A_65 : memref<125x128xf32, #tpu.memory_space<hbm>>) dst(%arg7 : memref<125x128xf32, #tpu.memory_space<vmem>>)
    %parallel_loop3A_66 = arith.constant 0 : i32
    %parallel_loop3A_67 = arith.constant 125 : i32
    %parallel_loop3A_68 = arith.constant 1 : i32
    scf.for %parallel_loop3A_328 = %parallel_loop3A_66 to %parallel_loop3A_67 step %parallel_loop3A_68  : i32 {
      %parallel_loop3A_329 = arith.index_cast %parallel_loop3A_328 : i32 to index
      %parallel_loop3A_330 = arith.constant 0 : index
      %parallel_loop3A_331 = tpu.vector_load %arg7[%parallel_loop3A_329, %parallel_loop3A_330] {strides = array<i32>} : memref<125x128xf32, #tpu.memory_space<vmem>>, vector<16xf32>,
      %parallel_loop3A_332 = arith.index_cast %parallel_loop3A_328 : i32 to index
      %parallel_loop3A_333 = arith.constant 16 : index
      %parallel_loop3A_334 = tpu.vector_load %arg7[%parallel_loop3A_332, %parallel_loop3A_333] {strides = array<i32>} : memref<125x128xf32, #tpu.memory_space<vmem>>, vector<16xf32>,
      %parallel_loop3A_335 = tpu.pack_subelements %parallel_loop3A_331, %parallel_loop3A_334 {pack_format = #tpu.pack_format<interleaved>, positions = array<i32: 0, 1>} : vector<16xf32>, vector<16xf32> -> vector<32xbf16>
      %parallel_loop3A_336 = vector.bitcast %parallel_loop3A_335 : vector<32xbf16> to vector<16xi32>
      %parallel_loop3A_337 = arith.index_cast %parallel_loop3A_328 : i32 to index
      %parallel_loop3A_338 = arith.constant 0 : index
      %parallel_loop3A_339 = tpu.vector_load %arg9[%parallel_loop3A_337, %parallel_loop3A_338] {strides = array<i32>} : memref<125x64xi32, #tpu.memory_space<vmem>>, vector<16xi32>,
      tpu.vector_store %arg9[%parallel_loop3A_337, %parallel_loop3A_338], %parallel_loop3A_336 {strides = array<i32>} : memref<125x64xi32, #tpu.memory_space<vmem>>, vector<16xi32>,
      %parallel_loop3A_340 = arith.index_cast %parallel_loop3A_328 : i32 to index
      %parallel_loop3A_341 = arith.constant 32 : index
      %parallel_loop3A_342 = tpu.vector_load %arg7[%parallel_loop3A_340, %parallel_loop3A_341] {strides = array<i32>} : memref<125x128xf32, #tpu.memory_space<vmem>>, vector<16xf32>,
      %parallel_loop3A_343 = arith.index_cast %parallel_loop3A_328 : i32 to index
      %parallel_loop3A_344 = arith.constant 48 : index
      %parallel_loop3A_345 = tpu.vector_load %arg7[%parallel_loop3A_343, %parallel_loop3A_344] {strides = array<i32>} : memref<125x128xf32, #tpu.memory_space<vmem>>, vector<16xf32>,
      %parallel_loop3A_346 = tpu.pack_subelements %parallel_loop3A_342, %parallel_loop3A_345 {pack_format = #tpu.pack_format<interleaved>, positions = array<i32: 0, 1>} : vector<16xf32>, vector<16xf32> -> vector<32xbf16>
      %parallel_loop3A_347 = vector.bitcast %parallel_loop3A_346 : vector<32xbf16> to vector<16xi32>
      %parallel_loop3A_348 = arith.index_cast %parallel_loop3A_328 : i32 to index
      %parallel_loop3A_349 = arith.constant 16 : index
      %parallel_loop3A_350 = tpu.vector_load %arg9[%parallel_loop3A_348, %parallel_loop3A_349] {strides = array<i32>} : memref<125x64xi32, #tpu.memory_space<vmem>>, vector<16xi32>,
      tpu.vector_store %arg9[%parallel_loop3A_348, %parallel_loop3A_349], %parallel_loop3A_347 {strides = array<i32>} : memref<125x64xi32, #tpu.memory_space<vmem>>, vector<16xi32>,
      %parallel_loop3A_351 = arith.index_cast %parallel_loop3A_328 : i32 to index
      %parallel_loop3A_352 = arith.constant 64 : index
      %parallel_loop3A_353 = tpu.vector_load %arg7[%parallel_loop3A_351, %parallel_loop3A_352] {strides = array<i32>} : memref<125x128xf32, #tpu.memory_space<vmem>>, vector<16xf32>,
      %parallel_loop3A_354 = arith.index_cast %parallel_loop3A_328 : i32 to index
      %parallel_loop3A_355 = arith.constant 80 : index
      %parallel_loop3A_356 = tpu.vector_load %arg7[%parallel_loop3A_354, %parallel_loop3A_355] {strides = array<i32>} : memref<125x128xf32, #tpu.memory_space<vmem>>, vector<16xf32>,
      %parallel_loop3A_357 = tpu.pack_subelements %parallel_loop3A_353, %parallel_loop3A_356 {pack_format = #tpu.pack_format<interleaved>, positions = array<i32: 0, 1>} : vector<16xf32>, vector<16xf32> -> vector<32xbf16>
      %parallel_loop3A_358 = vector.bitcast %parallel_loop3A_357 : vector<32xbf16> to vector<16xi32>
      %parallel_loop3A_359 = arith.index_cast %parallel_loop3A_328 : i32 to index
      %parallel_loop3A_360 = arith.constant 32 : index
      %parallel_loop3A_361 = tpu.vector_load %arg9[%parallel_loop3A_359, %parallel_loop3A_360] {strides = array<i32>} : memref<125x64xi32, #tpu.memory_space<vmem>>, vector<16xi32>,
      tpu.vector_store %arg9[%parallel_loop3A_359, %parallel_loop3A_360], %parallel_loop3A_358 {strides = array<i32>} : memref<125x64xi32, #tpu.memory_space<vmem>>, vector<16xi32>,
      %parallel_loop3A_362 = arith.index_cast %parallel_loop3A_328 : i32 to index
      %parallel_loop3A_363 = arith.constant 96 : index
      %parallel_loop3A_364 = tpu.vector_load %arg7[%parallel_loop3A_362, %parallel_loop3A_363] {strides = array<i32>} : memref<125x128xf32, #tpu.memory_space<vmem>>, vector<16xf32>,
      %parallel_loop3A_365 = arith.index_cast %parallel_loop3A_328 : i32 to index
      %parallel_loop3A_366 = arith.constant 112 : index
      %parallel_loop3A_367 = tpu.vector_load %arg7[%parallel_loop3A_365, %parallel_loop3A_366] {strides = array<i32>} : memref<125x128xf32, #tpu.memory_space<vmem>>, vector<16xf32>,
      %parallel_loop3A_368 = tpu.pack_subelements %parallel_loop3A_364, %parallel_loop3A_367 {pack_format = #tpu.pack_format<interleaved>, positions = array<i32: 0, 1>} : vector<16xf32>, vector<16xf32> -> vector<32xbf16>
      %parallel_loop3A_369 = vector.bitcast %parallel_loop3A_368 : vector<32xbf16> to vector<16xi32>
      %parallel_loop3A_370 = arith.index_cast %parallel_loop3A_328 : i32 to index
      %parallel_loop3A_371 = arith.constant 48 : index
      %parallel_loop3A_372 = tpu.vector_load %arg9[%parallel_loop3A_370, %parallel_loop3A_371] {strides = array<i32>} : memref<125x64xi32, #tpu.memory_space<vmem>>, vector<16xi32>,
      tpu.vector_store %arg9[%parallel_loop3A_370, %parallel_loop3A_371], %parallel_loop3A_369 {strides = array<i32>} : memref<125x64xi32, #tpu.memory_space<vmem>>, vector<16xi32>,
    } {sc.loop_unroll_factor = 4 : i64, sc.parallel_access}
    %add3A_69 = arith.constant 125 : i32
    %add3A_70 = arith.addi %mul3A_28, %add3A_69 : i32
    %dma_start3A_71 = arith.constant 0 : i32
    %dma_start3A_72 = tpu.memref_slice %arg5[%add3A_70, %dma_start3A_71] : memref<10000x64xi32, #tpu.memory_space<hbm>> -> memref<125x64xi32, #tpu.memory_space<hbm>>
    %dma_start3A_73 = arith.constant 0 : i32
    %dma_start3A_74 = tpu.memref_slice %arg5[%add3A_70, %dma_start3A_73] : memref<10000x64xi32, #tpu.memory_space<hbm>> -> memref<125x64xi32, #tpu.memory_space<hbm>>
    tpu.enqueue_dma source(%arg9 : memref<125x64xi32, #tpu.memory_space<vmem>>) target(%dma_start3A_74 : memref<125x64xi32, #tpu.memory_space<hbm>>) target_semaphore(%arg13 : memref<!tpu.dma_semaphore, #tpu.memory_space<semaphore_mem>>)
    %add3A_75 = arith.constant 375 : i32
    %add3A_76 = arith.addi %mul3A_28, %add3A_75 : i32
    %dma_start3A_77 = arith.constant 0 : i32
    %dma_start3A_78 = tpu.memref_slice %arg2[%add3A_76, %dma_start3A_77] : memref<10000x128xf32, #tpu.memory_space<hbm>> -> memref<125x128xf32, #tpu.memory_space<hbm>>
    %dma_start3A_79 = arith.constant 0 : i32
    %dma_start3A_80 = tpu.memref_slice %arg2[%add3A_76, %dma_start3A_79] : memref<10000x128xf32, #tpu.memory_space<hbm>> -> memref<125x128xf32, #tpu.memory_space<hbm>>
    tpu.enqueue_dma source(%dma_start3A_80 : memref<125x128xf32, #tpu.memory_space<hbm>>) target(%arg7 : memref<125x128xf32, #tpu.memory_space<vmem>>) target_semaphore(%arg11 : memref<!tpu.dma_semaphore, #tpu.memory_space<semaphore_mem>>)
    %dma_wait3A_81 = arith.constant 0 : i32
    %dma_wait3A_82 = arith.constant 0 : i32
    %dma_wait3A_83 = tpu.memref_slice %arg2[%dma_wait3A_81, %dma_wait3A_82] : memref<10000x128xf32, #tpu.memory_space<hbm>> -> memref<125x128xf32, #tpu.memory_space<hbm>>
    %dma_wait3A_84 = arith.constant 0 : i32
    %dma_wait3A_85 = arith.constant 0 : i32
    %dma_wait3A_86 = tpu.memref_slice %arg2[%dma_wait3A_84, %dma_wait3A_85] : memref<10000x128xf32, #tpu.memory_space<hbm>> -> memref<125x128xf32, #tpu.memory_space<hbm>>
    tpu.wait_dma2 semaphore(%arg10 : memref<!tpu.dma_semaphore, #tpu.memory_space<semaphore_mem>>) src(%dma_wait3A_86 : memref<125x128xf32, #tpu.memory_space<hbm>>) dst(%arg6 : memref<125x128xf32, #tpu.memory_space<vmem>>)
    %dma_wait3A_87 = arith.constant 0 : i32
    %dma_wait3A_88 = arith.constant 0 : i32
    %dma_wait3A_89 = tpu.memref_slice %arg5[%dma_wait3A_87, %dma_wait3A_88] : memref<10000x64xi32, #tpu.memory_space<hbm>> -> memref<125x64xi32, #tpu.memory_space<hbm>>
    %dma_wait3A_90 = arith.constant 0 : i32
    %dma_wait3A_91 = arith.constant 0 : i32
    %dma_wait3A_92 = tpu.memref_slice %arg5[%dma_wait3A_90, %dma_wait3A_91] : memref<10000x64xi32, #tpu.memory_space<hbm>> -> memref<125x64xi32, #tpu.memory_space<hbm>>
    tpu.wait_dma2 semaphore(%arg12 : memref<!tpu.dma_semaphore, #tpu.memory_space<semaphore_mem>>) src(%arg8 : memref<125x64xi32, #tpu.memory_space<vmem>>) dst(%dma_wait3A_92 : memref<125x64xi32, #tpu.memory_space<hbm>>)
    %parallel_loop3A_93 = arith.constant 0 : i32
    %parallel_loop3A_94 = arith.constant 125 : i32
    %parallel_loop3A_95 = arith.constant 1 : i32
    scf.for %parallel_loop3A_328 = %parallel_loop3A_93 to %parallel_loop3A_94 step %parallel_loop3A_95  : i32 {
      %parallel_loop3A_329 = arith.index_cast %parallel_loop3A_328 : i32 to index
      %parallel_loop3A_330 = arith.constant 0 : index
      %parallel_loop3A_331 = tpu.vector_load %arg6[%parallel_loop3A_329, %parallel_loop3A_330] {strides = array<i32>} : memref<125x128xf32, #tpu.memory_space<vmem>>, vector<16xf32>,
      %parallel_loop3A_332 = arith.index_cast %parallel_loop3A_328 : i32 to index
      %parallel_loop3A_333 = arith.constant 16 : index
      %parallel_loop3A_334 = tpu.vector_load %arg6[%parallel_loop3A_332, %parallel_loop3A_333] {strides = array<i32>} : memref<125x128xf32, #tpu.memory_space<vmem>>, vector<16xf32>,
      %parallel_loop3A_335 = tpu.pack_subelements %parallel_loop3A_331, %parallel_loop3A_334 {pack_format = #tpu.pack_format<interleaved>, positions = array<i32: 0, 1>} : vector<16xf32>, vector<16xf32> -> vector<32xbf16>
      %parallel_loop3A_336 = vector.bitcast %parallel_loop3A_335 : vector<32xbf16> to vector<16xi32>
      %parallel_loop3A_337 = arith.index_cast %parallel_loop3A_328 : i32 to index
      %parallel_loop3A_338 = arith.constant 0 : index
      %parallel_loop3A_339 = tpu.vector_load %arg8[%parallel_loop3A_337, %parallel_loop3A_338] {strides = array<i32>} : memref<125x64xi32, #tpu.memory_space<vmem>>, vector<16xi32>,
      tpu.vector_store %arg8[%parallel_loop3A_337, %parallel_loop3A_338], %parallel_loop3A_336 {strides = array<i32>} : memref<125x64xi32, #tpu.memory_space<vmem>>, vector<16xi32>,
      %parallel_loop3A_340 = arith.index_cast %parallel_loop3A_328 : i32 to index
      %parallel_loop3A_341 = arith.constant 32 : index
      %parallel_loop3A_342 = tpu.vector_load %arg6[%parallel_loop3A_340, %parallel_loop3A_341] {strides = array<i32>} : memref<125x128xf32, #tpu.memory_space<vmem>>, vector<16xf32>,
      %parallel_loop3A_343 = arith.index_cast %parallel_loop3A_328 : i32 to index
      %parallel_loop3A_344 = arith.constant 48 : index
      %parallel_loop3A_345 = tpu.vector_load %arg6[%parallel_loop3A_343, %parallel_loop3A_344] {strides = array<i32>} : memref<125x128xf32, #tpu.memory_space<vmem>>, vector<16xf32>,
      %parallel_loop3A_346 = tpu.pack_subelements %parallel_loop3A_342, %parallel_loop3A_345 {pack_format = #tpu.pack_format<interleaved>, positions = array<i32: 0, 1>} : vector<16xf32>, vector<16xf32> -> vector<32xbf16>
      %parallel_loop3A_347 = vector.bitcast %parallel_loop3A_346 : vector<32xbf16> to vector<16xi32>
      %parallel_loop3A_348 = arith.index_cast %parallel_loop3A_328 : i32 to index
      %parallel_loop3A_349 = arith.constant 16 : index
      %parallel_loop3A_350 = tpu.vector_load %arg8[%parallel_loop3A_348, %parallel_loop3A_349] {strides = array<i32>} : memref<125x64xi32, #tpu.memory_space<vmem>>, vector<16xi32>,
      tpu.vector_store %arg8[%parallel_loop3A_348, %parallel_loop3A_349], %parallel_loop3A_347 {strides = array<i32>} : memref<125x64xi32, #tpu.memory_space<vmem>>, vector<16xi32>,
      %parallel_loop3A_351 = arith.index_cast %parallel_loop3A_328 : i32 to index
      %parallel_loop3A_352 = arith.constant 64 : index
      %parallel_loop3A_353 = tpu.vector_load %arg6[%parallel_loop3A_351, %parallel_loop3A_352] {strides = array<i32>} : memref<125x128xf32, #tpu.memory_space<vmem>>, vector<16xf32>,
      %parallel_loop3A_354 = arith.index_cast %parallel_loop3A_328 : i32 to index
      %parallel_loop3A_355 = arith.constant 80 : index
      %parallel_loop3A_356 = tpu.vector_load %arg6[%parallel_loop3A_354, %parallel_loop3A_355] {strides = array<i32>} : memref<125x128xf32, #tpu.memory_space<vmem>>, vector<16xf32>,
      %parallel_loop3A_357 = tpu.pack_subelements %parallel_loop3A_353, %parallel_loop3A_356 {pack_format = #tpu.pack_format<interleaved>, positions = array<i32: 0, 1>} : vector<16xf32>, vector<16xf32> -> vector<32xbf16>
      %parallel_loop3A_358 = vector.bitcast %parallel_loop3A_357 : vector<32xbf16> to vector<16xi32>
      %parallel_loop3A_359 = arith.index_cast %parallel_loop3A_328 : i32 to index
      %parallel_loop3A_360 = arith.constant 32 : index
      %parallel_loop3A_361 = tpu.vector_load %arg8[%parallel_loop3A_359, %parallel_loop3A_360] {strides = array<i32>} : memref<125x64xi32, #tpu.memory_space<vmem>>, vector<16xi32>,
      tpu.vector_store %arg8[%parallel_loop3A_359, %parallel_loop3A_360], %parallel_loop3A_358 {strides = array<i32>} : memref<125x64xi32, #tpu.memory_space<vmem>>, vector<16xi32>,
      %parallel_loop3A_362 = arith.index_cast %parallel_loop3A_328 : i32 to index
      %parallel_loop3A_363 = arith.constant 96 : index
      %parallel_loop3A_364 = tpu.vector_load %arg6[%parallel_loop3A_362, %parallel_loop3A_363] {strides = array<i32>} : memref<125x128xf32, #tpu.memory_space<vmem>>, vector<16xf32>,
      %parallel_loop3A_365 = arith.index_cast %parallel_loop3A_328 : i32 to index
      %parallel_loop3A_366 = arith.constant 112 : index
      %parallel_loop3A_367 = tpu.vector_load %arg6[%parallel_loop3A_365, %parallel_loop3A_366] {strides = array<i32>} : memref<125x128xf32, #tpu.memory_space<vmem>>, vector<16xf32>,
      %parallel_loop3A_368 = tpu.pack_subelements %parallel_loop3A_364, %parallel_loop3A_367 {pack_format = #tpu.pack_format<interleaved>, positions = array<i32: 0, 1>} : vector<16xf32>, vector<16xf32> -> vector<32xbf16>
      %parallel_loop3A_369 = vector.bitcast %parallel_loop3A_368 : vector<32xbf16> to vector<16xi32>
      %parallel_loop3A_370 = arith.index_cast %parallel_loop3A_328 : i32 to index
      %parallel_loop3A_371 = arith.constant 48 : index
      %parallel_loop3A_372 = tpu.vector_load %arg8[%parallel_loop3A_370, %parallel_loop3A_371] {strides = array<i32>} : memref<125x64xi32, #tpu.memory_space<vmem>>, vector<16xi32>,
      tpu.vector_store %arg8[%parallel_loop3A_370, %parallel_loop3A_371], %parallel_loop3A_369 {strides = array<i32>} : memref<125x64xi32, #tpu.memory_space<vmem>>, vector<16xi32>,
    } {sc.loop_unroll_factor = 4 : i64, sc.parallel_access}
    %add3A_96 = arith.constant 250 : i32
    %add3A_97 = arith.addi %mul3A_28, %add3A_96 : i32
    %dma_start3A_98 = arith.constant 0 : i32
    %dma_start3A_99 = tpu.memref_slice %arg5[%add3A_97, %dma_start3A_98] : memref<10000x64xi32, #tpu.memory_space<hbm>> -> memref<125x64xi32, #tpu.memory_space<hbm>>
    %dma_start3A_100 = arith.constant 0 : i32
    %dma_start3A_101 = tpu.memref_slice %arg5[%add3A_97, %dma_start3A_100] : memref<10000x64xi32, #tpu.memory_space<hbm>> -> memref<125x64xi32, #tpu.memory_space<hbm>>
    tpu.enqueue_dma source(%arg8 : memref<125x64xi32, #tpu.memory_space<vmem>>) target(%dma_start3A_101 : memref<125x64xi32, #tpu.memory_space<hbm>>) target_semaphore(%arg12 : memref<!tpu.dma_semaphore, #tpu.memory_space<semaphore_mem>>)
    %add3A_102 = arith.constant 500 : i32
    %add3A_103 = arith.addi %mul3A_28, %add3A_102 : i32
    %dma_start3A_104 = arith.constant 0 : i32
    %dma_start3A_105 = tpu.memref_slice %arg2[%add3A_103, %dma_start3A_104] : memref<10000x128xf32, #tpu.memory_space<hbm>> -> memref<125x128xf32, #tpu.memory_space<hbm>>
    %dma_start3A_106 = arith.constant 0 : i32
    %dma_start3A_107 = tpu.memref_slice %arg2[%add3A_103, %dma_start3A_106] : memref<10000x128xf32, #tpu.memory_space<hbm>> -> memref<125x128xf32, #tpu.memory_space<hbm>>
    tpu.enqueue_dma source(%dma_start3A_107 : memref<125x128xf32, #tpu.memory_space<hbm>>) target(%arg6 : memref<125x128xf32, #tpu.memory_space<vmem>>) target_semaphore(%arg10 : memref<!tpu.dma_semaphore, #tpu.memory_space<semaphore_mem>>)
    %dma_wait3A_108 = arith.constant 0 : i32
    %dma_wait3A_109 = arith.constant 0 : i32
    %dma_wait3A_110 = tpu.memref_slice %arg2[%dma_wait3A_108, %dma_wait3A_109] : memref<10000x128xf32, #tpu.memory_space<hbm>> -> memref<125x128xf32, #tpu.memory_space<hbm>>
    %dma_wait3A_111 = arith.constant 0 : i32
    %dma_wait3A_112 = arith.constant 0 : i32
    %dma_wait3A_113 = tpu.memref_slice %arg2[%dma_wait3A_111, %dma_wait3A_112] : memref<10000x128xf32, #tpu.memory_space<hbm>> -> memref<125x128xf32, #tpu.memory_space<hbm>>
    tpu.wait_dma2 semaphore(%arg11 : memref<!tpu.dma_semaphore, #tpu.memory_space<semaphore_mem>>) src(%dma_wait3A_113 : memref<125x128xf32, #tpu.memory_space<hbm>>) dst(%arg7 : memref<125x128xf32, #tpu.memory_space<vmem>>)
    %dma_wait3A_114 = arith.constant 0 : i32
    %dma_wait3A_115 = arith.constant 0 : i32
    %dma_wait3A_116 = tpu.memref_slice %arg5[%dma_wait3A_114, %dma_wait3A_115] : memref<10000x64xi32, #tpu.memory_space<hbm>> -> memref<125x64xi32, #tpu.memory_space<hbm>>
    %dma_wait3A_117 = arith.constant 0 : i32
    %dma_wait3A_118 = arith.constant 0 : i32
    %dma_wait3A_119 = tpu.memref_slice %arg5[%dma_wait3A_117, %dma_wait3A_118] : memref<10000x64xi32, #tpu.memory_space<hbm>> -> memref<125x64xi32, #tpu.memory_space<hbm>>
    tpu.wait_dma2 semaphore(%arg13 : memref<!tpu.dma_semaphore, #tpu.memory_space<semaphore_mem>>) src(%arg9 : memref<125x64xi32, #tpu.memory_space<vmem>>) dst(%dma_wait3A_119 : memref<125x64xi32, #tpu.memory_space<hbm>>)
    %parallel_loop3A_120 = arith.constant 0 : i32
    %parallel_loop3A_121 = arith.constant 125 : i32
    %parallel_loop3A_122 = arith.constant 1 : i32
    scf.for %parallel_loop3A_328 = %parallel_loop3A_120 to %parallel_loop3A_121 step %parallel_loop3A_122  : i32 {
      %parallel_loop3A_329 = arith.index_cast %parallel_loop3A_328 : i32 to index
      %parallel_loop3A_330 = arith.constant 0 : index
      %parallel_loop3A_331 = tpu.vector_load %arg7[%parallel_loop3A_329, %parallel_loop3A_330] {strides = array<i32>} : memref<125x128xf32, #tpu.memory_space<vmem>>, vector<16xf32>,
      %parallel_loop3A_332 = arith.index_cast %parallel_loop3A_328 : i32 to index
      %parallel_loop3A_333 = arith.constant 16 : index
      %parallel_loop3A_334 = tpu.vector_load %arg7[%parallel_loop3A_332, %parallel_loop3A_333] {strides = array<i32>} : memref<125x128xf32, #tpu.memory_space<vmem>>, vector<16xf32>,
      %parallel_loop3A_335 = tpu.pack_subelements %parallel_loop3A_331, %parallel_loop3A_334 {pack_format = #tpu.pack_format<interleaved>, positions = array<i32: 0, 1>} : vector<16xf32>, vector<16xf32> -> vector<32xbf16>
      %parallel_loop3A_336 = vector.bitcast %parallel_loop3A_335 : vector<32xbf16> to vector<16xi32>
      %parallel_loop3A_337 = arith.index_cast %parallel_loop3A_328 : i32 to index
      %parallel_loop3A_338 = arith.constant 0 : index
      %parallel_loop3A_339 = tpu.vector_load %arg9[%parallel_loop3A_337, %parallel_loop3A_338] {strides = array<i32>} : memref<125x64xi32, #tpu.memory_space<vmem>>, vector<16xi32>,
      tpu.vector_store %arg9[%parallel_loop3A_337, %parallel_loop3A_338], %parallel_loop3A_336 {strides = array<i32>} : memref<125x64xi32, #tpu.memory_space<vmem>>, vector<16xi32>,
      %parallel_loop3A_340 = arith.index_cast %parallel_loop3A_328 : i32 to index
      %parallel_loop3A_341 = arith.constant 32 : index
      %parallel_loop3A_342 = tpu.vector_load %arg7[%parallel_loop3A_340, %parallel_loop3A_341] {strides = array<i32>} : memref<125x128xf32, #tpu.memory_space<vmem>>, vector<16xf32>,
      %parallel_loop3A_343 = arith.index_cast %parallel_loop3A_328 : i32 to index
      %parallel_loop3A_344 = arith.constant 48 : index
      %parallel_loop3A_345 = tpu.vector_load %arg7[%parallel_loop3A_343, %parallel_loop3A_344] {strides = array<i32>} : memref<125x128xf32, #tpu.memory_space<vmem>>, vector<16xf32>,
      %parallel_loop3A_346 = tpu.pack_subelements %parallel_loop3A_342, %parallel_loop3A_345 {pack_format = #tpu.pack_format<interleaved>, positions = array<i32: 0, 1>} : vector<16xf32>, vector<16xf32> -> vector<32xbf16>
      %parallel_loop3A_347 = vector.bitcast %parallel_loop3A_346 : vector<32xbf16> to vector<16xi32>
      %parallel_loop3A_348 = arith.index_cast %parallel_loop3A_328 : i32 to index
      %parallel_loop3A_349 = arith.constant 16 : index
      %parallel_loop3A_350 = tpu.vector_load %arg9[%parallel_loop3A_348, %parallel_loop3A_349] {strides = array<i32>} : memref<125x64xi32, #tpu.memory_space<vmem>>, vector<16xi32>,
      tpu.vector_store %arg9[%parallel_loop3A_348, %parallel_loop3A_349], %parallel_loop3A_347 {strides = array<i32>} : memref<125x64xi32, #tpu.memory_space<vmem>>, vector<16xi32>,
      %parallel_loop3A_351 = arith.index_cast %parallel_loop3A_328 : i32 to index
      %parallel_loop3A_352 = arith.constant 64 : index
      %parallel_loop3A_353 = tpu.vector_load %arg7[%parallel_loop3A_351, %parallel_loop3A_352] {strides = array<i32>} : memref<125x128xf32, #tpu.memory_space<vmem>>, vector<16xf32>,
      %parallel_loop3A_354 = arith.index_cast %parallel_loop3A_328 : i32 to index
      %parallel_loop3A_355 = arith.constant 80 : index
      %parallel_loop3A_356 = tpu.vector_load %arg7[%parallel_loop3A_354, %parallel_loop3A_355] {strides = array<i32>} : memref<125x128xf32, #tpu.memory_space<vmem>>, vector<16xf32>,
      %parallel_loop3A_357 = tpu.pack_subelements %parallel_loop3A_353, %parallel_loop3A_356 {pack_format = #tpu.pack_format<interleaved>, positions = array<i32: 0, 1>} : vector<16xf32>, vector<16xf32> -> vector<32xbf16>
      %parallel_loop3A_358 = vector.bitcast %parallel_loop3A_357 : vector<32xbf16> to vector<16xi32>
      %parallel_loop3A_359 = arith.index_cast %parallel_loop3A_328 : i32 to index
      %parallel_loop3A_360 = arith.constant 32 : index
      %parallel_loop3A_361 = tpu.vector_load %arg9[%parallel_loop3A_359, %parallel_loop3A_360] {strides = array<i32>} : memref<125x64xi32, #tpu.memory_space<vmem>>, vector<16xi32>,
      tpu.vector_store %arg9[%parallel_loop3A_359, %parallel_loop3A_360], %parallel_loop3A_358 {strides = array<i32>} : memref<125x64xi32, #tpu.memory_space<vmem>>, vector<16xi32>,
      %parallel_loop3A_362 = arith.index_cast %parallel_loop3A_328 : i32 to index
      %parallel_loop3A_363 = arith.constant 96 : index
      %parallel_loop3A_364 = tpu.vector_load %arg7[%parallel_loop3A_362, %parallel_loop3A_363] {strides = array<i32>} : memref<125x128xf32, #tpu.memory_space<vmem>>, vector<16xf32>,
      %parallel_loop3A_365 = arith.index_cast %parallel_loop3A_328 : i32 to index
      %parallel_loop3A_366 = arith.constant 112 : index
      %parallel_loop3A_367 = tpu.vector_load %arg7[%parallel_loop3A_365, %parallel_loop3A_366] {strides = array<i32>} : memref<125x128xf32, #tpu.memory_space<vmem>>, vector<16xf32>,
      %parallel_loop3A_368 = tpu.pack_subelements %parallel_loop3A_364, %parallel_loop3A_367 {pack_format = #tpu.pack_format<interleaved>, positions = array<i32: 0, 1>} : vector<16xf32>, vector<16xf32> -> vector<32xbf16>
      %parallel_loop3A_369 = vector.bitcast %parallel_loop3A_368 : vector<32xbf16> to vector<16xi32>
      %parallel_loop3A_370 = arith.index_cast %parallel_loop3A_328 : i32 to index
      %parallel_loop3A_371 = arith.constant 48 : index
      %parallel_loop3A_372 = tpu.vector_load %arg9[%parallel_loop3A_370, %parallel_loop3A_371] {strides = array<i32>} : memref<125x64xi32, #tpu.memory_space<vmem>>, vector<16xi32>,
      tpu.vector_store %arg9[%parallel_loop3A_370, %parallel_loop3A_371], %parallel_loop3A_369 {strides = array<i32>} : memref<125x64xi32, #tpu.memory_space<vmem>>, vector<16xi32>,
    } {sc.loop_unroll_factor = 4 : i64, sc.parallel_access}
    %add3A_123 = arith.constant 375 : i32
    %add3A_124 = arith.addi %mul3A_28, %add3A_123 : i32
    %dma_start3A_125 = arith.constant 0 : i32
    %dma_start3A_126 = tpu.memref_slice %arg5[%add3A_124, %dma_start3A_125] : memref<10000x64xi32, #tpu.memory_space<hbm>> -> memref<125x64xi32, #tpu.memory_space<hbm>>
    %dma_start3A_127 = arith.constant 0 : i32
    %dma_start3A_128 = tpu.memref_slice %arg5[%add3A_124, %dma_start3A_127] : memref<10000x64xi32, #tpu.memory_space<hbm>> -> memref<125x64xi32, #tpu.memory_space<hbm>>
    tpu.enqueue_dma source(%arg9 : memref<125x64xi32, #tpu.memory_space<vmem>>) target(%dma_start3A_128 : memref<125x64xi32, #tpu.memory_space<hbm>>) target_semaphore(%arg13 : memref<!tpu.dma_semaphore, #tpu.memory_space<semaphore_mem>>)
    %dma_wait3A_129 = arith.constant 0 : i32
    %dma_wait3A_130 = arith.constant 0 : i32
    %dma_wait3A_131 = tpu.memref_slice %arg2[%dma_wait3A_129, %dma_wait3A_130] : memref<10000x128xf32, #tpu.memory_space<hbm>> -> memref<125x128xf32, #tpu.memory_space<hbm>>
    %dma_wait3A_132 = arith.constant 0 : i32
    %dma_wait3A_133 = arith.constant 0 : i32
    %dma_wait3A_134 = tpu.memref_slice %arg2[%dma_wait3A_132, %dma_wait3A_133] : memref<10000x128xf32, #tpu.memory_space<hbm>> -> memref<125x128xf32, #tpu.memory_space<hbm>>
    tpu.wait_dma2 semaphore(%arg10 : memref<!tpu.dma_semaphore, #tpu.memory_space<semaphore_mem>>) src(%dma_wait3A_134 : memref<125x128xf32, #tpu.memory_space<hbm>>) dst(%arg6 : memref<125x128xf32, #tpu.memory_space<vmem>>)
    %dma_wait3A_135 = arith.constant 0 : i32
    %dma_wait3A_136 = arith.constant 0 : i32
    %dma_wait3A_137 = tpu.memref_slice %arg5[%dma_wait3A_135, %dma_wait3A_136] : memref<10000x64xi32, #tpu.memory_space<hbm>> -> memref<125x64xi32, #tpu.memory_space<hbm>>
    %dma_wait3A_138 = arith.constant 0 : i32
    %dma_wait3A_139 = arith.constant 0 : i32
    %dma_wait3A_140 = tpu.memref_slice %arg5[%dma_wait3A_138, %dma_wait3A_139] : memref<10000x64xi32, #tpu.memory_space<hbm>> -> memref<125x64xi32, #tpu.memory_space<hbm>>
    tpu.wait_dma2 semaphore(%arg12 : memref<!tpu.dma_semaphore, #tpu.memory_space<semaphore_mem>>) src(%arg8 : memref<125x64xi32, #tpu.memory_space<vmem>>) dst(%dma_wait3A_140 : memref<125x64xi32, #tpu.memory_space<hbm>>)
    %parallel_loop3A_141 = arith.constant 0 : i32
    %parallel_loop3A_142 = arith.constant 125 : i32
    %parallel_loop3A_143 = arith.constant 1 : i32
    scf.for %parallel_loop3A_328 = %parallel_loop3A_141 to %parallel_loop3A_142 step %parallel_loop3A_143  : i32 {
      %parallel_loop3A_329 = arith.index_cast %parallel_loop3A_328 : i32 to index
      %parallel_loop3A_330 = arith.constant 0 : index
      %parallel_loop3A_331 = tpu.vector_load %arg6[%parallel_loop3A_329, %parallel_loop3A_330] {strides = array<i32>} : memref<125x128xf32, #tpu.memory_space<vmem>>, vector<16xf32>,
      %parallel_loop3A_332 = arith.index_cast %parallel_loop3A_328 : i32 to index
      %parallel_loop3A_333 = arith.constant 16 : index
      %parallel_loop3A_334 = tpu.vector_load %arg6[%parallel_loop3A_332, %parallel_loop3A_333] {strides = array<i32>} : memref<125x128xf32, #tpu.memory_space<vmem>>, vector<16xf32>,
      %parallel_loop3A_335 = tpu.pack_subelements %parallel_loop3A_331, %parallel_loop3A_334 {pack_format = #tpu.pack_format<interleaved>, positions = array<i32: 0, 1>} : vector<16xf32>, vector<16xf32> -> vector<32xbf16>
      %parallel_loop3A_336 = vector.bitcast %parallel_loop3A_335 : vector<32xbf16> to vector<16xi32>
      %parallel_loop3A_337 = arith.index_cast %parallel_loop3A_328 : i32 to index
      %parallel_loop3A_338 = arith.constant 0 : index
      %parallel_loop3A_339 = tpu.vector_load %arg8[%parallel_loop3A_337, %parallel_loop3A_338] {strides = array<i32>} : memref<125x64xi32, #tpu.memory_space<vmem>>, vector<16xi32>,
      tpu.vector_store %arg8[%parallel_loop3A_337, %parallel_loop3A_338], %parallel_loop3A_336 {strides = array<i32>} : memref<125x64xi32, #tpu.memory_space<vmem>>, vector<16xi32>,
      %parallel_loop3A_340 = arith.index_cast %parallel_loop3A_328 : i32 to index
      %parallel_loop3A_341 = arith.constant 32 : index
      %parallel_loop3A_342 = tpu.vector_load %arg6[%parallel_loop3A_340, %parallel_loop3A_341] {strides = array<i32>} : memref<125x128xf32, #tpu.memory_space<vmem>>, vector<16xf32>,
      %parallel_loop3A_343 = arith.index_cast %parallel_loop3A_328 : i32 to index
      %parallel_loop3A_344 = arith.constant 48 : index
      %parallel_loop3A_345 = tpu.vector_load %arg6[%parallel_loop3A_343, %parallel_loop3A_344] {strides = array<i32>} : memref<125x128xf32, #tpu.memory_space<vmem>>, vector<16xf32>,
      %parallel_loop3A_346 = tpu.pack_subelements %parallel_loop3A_342, %parallel_loop3A_345 {pack_format = #tpu.pack_format<interleaved>, positions = array<i32: 0, 1>} : vector<16xf32>, vector<16xf32> -> vector<32xbf16>
      %parallel_loop3A_347 = vector.bitcast %parallel_loop3A_346 : vector<32xbf16> to vector<16xi32>
      %parallel_loop3A_348 = arith.index_cast %parallel_loop3A_328 : i32 to index
      %parallel_loop3A_349 = arith.constant 16 : index
      %parallel_loop3A_350 = tpu.vector_load %arg8[%parallel_loop3A_348, %parallel_loop3A_349] {strides = array<i32>} : memref<125x64xi32, #tpu.memory_space<vmem>>, vector<16xi32>,
      tpu.vector_store %arg8[%parallel_loop3A_348, %parallel_loop3A_349], %parallel_loop3A_347 {strides = array<i32>} : memref<125x64xi32, #tpu.memory_space<vmem>>, vector<16xi32>,
      %parallel_loop3A_351 = arith.index_cast %parallel_loop3A_328 : i32 to index
      %parallel_loop3A_352 = arith.constant 64 : index
      %parallel_loop3A_353 = tpu.vector_load %arg6[%parallel_loop3A_351, %parallel_loop3A_352] {strides = array<i32>} : memref<125x128xf32, #tpu.memory_space<vmem>>, vector<16xf32>,
      %parallel_loop3A_354 = arith.index_cast %parallel_loop3A_328 : i32 to index
      %parallel_loop3A_355 = arith.constant 80 : index
      %parallel_loop3A_356 = tpu.vector_load %arg6[%parallel_loop3A_354, %parallel_loop3A_355] {strides = array<i32>} : memref<125x128xf32, #tpu.memory_space<vmem>>, vector<16xf32>,
      %parallel_loop3A_357 = tpu.pack_subelements %parallel_loop3A_353, %parallel_loop3A_356 {pack_format = #tpu.pack_format<interleaved>, positions = array<i32: 0, 1>} : vector<16xf32>, vector<16xf32> -> vector<32xbf16>
      %parallel_loop3A_358 = vector.bitcast %parallel_loop3A_357 : vector<32xbf16> to vector<16xi32>
      %parallel_loop3A_359 = arith.index_cast %parallel_loop3A_328 : i32 to index
      %parallel_loop3A_360 = arith.constant 32 : index
      %parallel_loop3A_361 = tpu.vector_load %arg8[%parallel_loop3A_359, %parallel_loop3A_360] {strides = array<i32>} : memref<125x64xi32, #tpu.memory_space<vmem>>, vector<16xi32>,
      tpu.vector_store %arg8[%parallel_loop3A_359, %parallel_loop3A_360], %parallel_loop3A_358 {strides = array<i32>} : memref<125x64xi32, #tpu.memory_space<vmem>>, vector<16xi32>,
      %parallel_loop3A_362 = arith.index_cast %parallel_loop3A_328 : i32 to index
      %parallel_loop3A_363 = arith.constant 96 : index
      %parallel_loop3A_364 = tpu.vector_load %arg6[%parallel_loop3A_362, %parallel_loop3A_363] {strides = array<i32>} : memref<125x128xf32, #tpu.memory_space<vmem>>, vector<16xf32>,
      %parallel_loop3A_365 = arith.index_cast %parallel_loop3A_328 : i32 to index
      %parallel_loop3A_366 = arith.constant 112 : index
      %parallel_loop3A_367 = tpu.vector_load %arg6[%parallel_loop3A_365, %parallel_loop3A_366] {strides = array<i32>} : memref<125x128xf32, #tpu.memory_space<vmem>>, vector<16xf32>,
      %parallel_loop3A_368 = tpu.pack_subelements %parallel_loop3A_364, %parallel_loop3A_367 {pack_format = #tpu.pack_format<interleaved>, positions = array<i32: 0, 1>} : vector<16xf32>, vector<16xf32> -> vector<32xbf16>
      %parallel_loop3A_369 = vector.bitcast %parallel_loop3A_368 : vector<32xbf16> to vector<16xi32>
      %parallel_loop3A_370 = arith.index_cast %parallel_loop3A_328 : i32 to index
      %parallel_loop3A_371 = arith.constant 48 : index
      %parallel_loop3A_372 = tpu.vector_load %arg8[%parallel_loop3A_370, %parallel_loop3A_371] {strides = array<i32>} : memref<125x64xi32, #tpu.memory_space<vmem>>, vector<16xi32>,
      tpu.vector_store %arg8[%parallel_loop3A_370, %parallel_loop3A_371], %parallel_loop3A_369 {strides = array<i32>} : memref<125x64xi32, #tpu.memory_space<vmem>>, vector<16xi32>,
    } {sc.loop_unroll_factor = 4 : i64, sc.parallel_access}
    %add3A_144 = arith.constant 500 : i32
    %add3A_145 = arith.addi %mul3A_28, %add3A_144 : i32
    %dma_start3A_146 = arith.constant 0 : i32
    %dma_start3A_147 = tpu.memref_slice %arg5[%add3A_145, %dma_start3A_146] : memref<10000x64xi32, #tpu.memory_space<hbm>> -> memref<125x64xi32, #tpu.memory_space<hbm>>
    %dma_start3A_148 = arith.constant 0 : i32
    %dma_start3A_149 = tpu.memref_slice %arg5[%add3A_145, %dma_start3A_148] : memref<10000x64xi32, #tpu.memory_space<hbm>> -> memref<125x64xi32, #tpu.memory_space<hbm>>
    tpu.enqueue_dma source(%arg8 : memref<125x64xi32, #tpu.memory_space<vmem>>) target(%dma_start3A_149 : memref<125x64xi32, #tpu.memory_space<hbm>>) target_semaphore(%arg12 : memref<!tpu.dma_semaphore, #tpu.memory_space<semaphore_mem>>)
    %dma_wait3A_150 = arith.constant 0 : i32
    %dma_wait3A_151 = arith.constant 0 : i32
    %dma_wait3A_152 = tpu.memref_slice %arg5[%dma_wait3A_150, %dma_wait3A_151] : memref<10000x64xi32, #tpu.memory_space<hbm>> -> memref<125x64xi32, #tpu.memory_space<hbm>>
    %dma_wait3A_153 = arith.constant 0 : i32
    %dma_wait3A_154 = arith.constant 0 : i32
    %dma_wait3A_155 = tpu.memref_slice %arg5[%dma_wait3A_153, %dma_wait3A_154] : memref<10000x64xi32, #tpu.memory_space<hbm>> -> memref<125x64xi32, #tpu.memory_space<hbm>>
    tpu.wait_dma2 semaphore(%arg13 : memref<!tpu.dma_semaphore, #tpu.memory_space<semaphore_mem>>) src(%arg9 : memref<125x64xi32, #tpu.memory_space<vmem>>) dst(%dma_wait3A_155 : memref<125x64xi32, #tpu.memory_space<hbm>>)
    %dma_wait3A_156 = arith.constant 0 : i32
    %dma_wait3A_157 = arith.constant 0 : i32
    %dma_wait3A_158 = tpu.memref_slice %arg5[%dma_wait3A_156, %dma_wait3A_157] : memref<10000x64xi32, #tpu.memory_space<hbm>> -> memref<125x64xi32, #tpu.memory_space<hbm>>
    %dma_wait3A_159 = arith.constant 0 : i32
    %dma_wait3A_160 = arith.constant 0 : i32
    %dma_wait3A_161 = tpu.memref_slice %arg5[%dma_wait3A_159, %dma_wait3A_160] : memref<10000x64xi32, #tpu.memory_space<hbm>> -> memref<125x64xi32, #tpu.memory_space<hbm>>
    tpu.wait_dma2 semaphore(%arg12 : memref<!tpu.dma_semaphore, #tpu.memory_space<semaphore_mem>>) src(%arg8 : memref<125x64xi32, #tpu.memory_space<vmem>>) dst(%dma_wait3A_161 : memref<125x64xi32, #tpu.memory_space<hbm>>)
    %barrier3A = arith.constant 0 : index
    tpu.barrier barrier_id(%barrier3A)
    %dma_wait3A_162 = arith.constant 0 : i32
    %dma_wait3A_163 = arith.constant 0 : i32
    %dma_wait3A_164 = tpu.memref_slice %arg3[%dma_wait3A_162, %dma_wait3A_163] : memref<2x320000xi32, #tpu.memory_space<hbm>> -> memref<1x128xi32, #tpu.memory_space<hbm>>
    %dma_wait3A_165 = tpu.memref_squeeze %dma_wait3A_164 : memref<1x128xi32, #tpu.memory_space<hbm>> -> memref<128xi32, #tpu.memory_space<hbm>>
    %dma_wait3A_166 = arith.constant 0 : i32
    %dma_wait3A_167 = tpu.memref_slice %arg3[%dma_wait3A_162, %dma_wait3A_166] : memref<2x320000xi32, #tpu.memory_space<hbm>> -> memref<1x128xi32, #tpu.memory_space<hbm>>
    %dma_wait3A_168 = tpu.memref_squeeze %dma_wait3A_167 : memref<1x128xi32, #tpu.memory_space<hbm>> -> memref<128xi32, #tpu.memory_space<hbm>>
    tpu.wait_dma2 semaphore(%arg29 : memref<!tpu.dma_semaphore, #tpu.memory_space<semaphore_mem>>) src(%dma_wait3A_168 : memref<128xi32, #tpu.memory_space<hbm>>) dst(%arg14 : memref<128xi32, #tpu.memory_space<vmem>>)
    %dma_wait3A_169 = arith.constant 1 : i32
    %dma_wait3A_170 = arith.constant 0 : i32
    %dma_wait3A_171 = tpu.memref_slice %arg3[%dma_wait3A_169, %dma_wait3A_170] : memref<2x320000xi32, #tpu.memory_space<hbm>> -> memref<1x128xi32, #tpu.memory_space<hbm>>
    %dma_wait3A_172 = tpu.memref_squeeze %dma_wait3A_171 : memref<1x128xi32, #tpu.memory_space<hbm>> -> memref<128xi32, #tpu.memory_space<hbm>>
    %dma_wait3A_173 = arith.constant 0 : i32
    %dma_wait3A_174 = tpu.memref_slice %arg3[%dma_wait3A_169, %dma_wait3A_173] : memref<2x320000xi32, #tpu.memory_space<hbm>> -> memref<1x128xi32, #tpu.memory_space<hbm>>
    %dma_wait3A_175 = tpu.memref_squeeze %dma_wait3A_174 : memref<1x128xi32, #tpu.memory_space<hbm>> -> memref<128xi32, #tpu.memory_space<hbm>>
    tpu.wait_dma2 semaphore(%arg29 : memref<!tpu.dma_semaphore, #tpu.memory_space<semaphore_mem>>) src(%dma_wait3A_175 : memref<128xi32, #tpu.memory_space<hbm>>) dst(%arg15 : memref<128xi32, #tpu.memory_space<vmem>>)
    %dma_start3A_176 = arith.constant 0 : i32
    %dma_start3A_177 = arith.constant 0 : i32
    %dma_start3A_178 = tpu.memref_slice %arg5[%dma_start3A_176, %dma_start3A_177] : memref<10000x64xi32, #tpu.memory_space<hbm>> -> memref<10000x64xi32, #tpu.memory_space<hbm>>
    tpu.enqueue_indirect_dma source(%dma_start3A_178 : memref<10000x64xi32, #tpu.memory_space<hbm>>) target(%arg18 : memref<128x64xi32, #tpu.memory_space<vmem>>) offsets(%arg14 : memref<128xi32, #tpu.memory_space<vmem>>) semaphore(%arg31 : memref<!tpu.dma_semaphore, #tpu.memory_space<semaphore_mem>>)
    %dma_start3A_179 = arith.constant 0 : i32
    %dma_start3A_180 = arith.constant 0 : i32
    %dma_start3A_181 = tpu.memref_slice %arg5[%dma_start3A_179, %dma_start3A_180] : memref<10000x64xi32, #tpu.memory_space<hbm>> -> memref<10000x64xi32, #tpu.memory_space<hbm>>
    tpu.enqueue_indirect_dma source(%dma_start3A_181 : memref<10000x64xi32, #tpu.memory_space<hbm>>) target(%arg19 : memref<128x64xi32, #tpu.memory_space<vmem>>) offsets(%arg15 : memref<128xi32, #tpu.memory_space<vmem>>) semaphore(%arg31 : memref<!tpu.dma_semaphore, #tpu.memory_space<semaphore_mem>>)
    %scan3A = arith.constant 0 : i32
    %scan3A_182 = arith.constant 38 : i32
    %scan3A_183 = arith.addi %scan3A, %scan3A_182 : i32
    %scan3A_184 = arith.constant 1 : i32
    scf.for %scan3A_328 = %scan3A to %scan3A_183 step %scan3A_184  : i32 {
      %mul3A_329 = arith.constant 1 : i32
      %mul3A_330 = arith.muli %scan3A_328, %mul3A_329 : i32
      %add3A_331 = arith.constant 0 : i32
      %add3A_332 = arith.addi %add3A_331, %mul3A_330 : i32
      %mul3A_333 = arith.constant 2 : i32
      %mul3A_334 = arith.muli %add3A_332, %mul3A_333 : i32
      %dma_wait3A_335 = arith.constant 0 : i32
      %dma_wait3A_336 = arith.constant 0 : i32
      %dma_wait3A_337 = tpu.memref_slice %arg3[%dma_wait3A_335, %dma_wait3A_336] : memref<2x320000xi32, #tpu.memory_space<hbm>> -> memref<1x128xi32, #tpu.memory_space<hbm>>
      %dma_wait3A_338 = tpu.memref_squeeze %dma_wait3A_337 : memref<1x128xi32, #tpu.memory_space<hbm>> -> memref<128xi32, #tpu.memory_space<hbm>>
      %dma_wait3A_339 = arith.constant 0 : i32
      %dma_wait3A_340 = tpu.memref_slice %arg3[%dma_wait3A_335, %dma_wait3A_339] : memref<2x320000xi32, #tpu.memory_space<hbm>> -> memref<1x128xi32, #tpu.memory_space<hbm>>
      %dma_wait3A_341 = tpu.memref_squeeze %dma_wait3A_340 : memref<1x128xi32, #tpu.memory_space<hbm>> -> memref<128xi32, #tpu.memory_space<hbm>>
      tpu.wait_dma2 semaphore(%arg30 : memref<!tpu.dma_semaphore, #tpu.memory_space<semaphore_mem>>) src(%dma_wait3A_341 : memref<128xi32, #tpu.memory_space<hbm>>) dst(%arg16 : memref<128xi32, #tpu.memory_space<vmem>>)
      %dma_wait3A_342 = arith.constant 1 : i32
      %dma_wait3A_343 = arith.constant 0 : i32
      %dma_wait3A_344 = tpu.memref_slice %arg3[%dma_wait3A_342, %dma_wait3A_343] : memref<2x320000xi32, #tpu.memory_space<hbm>> -> memref<1x128xi32, #tpu.memory_space<hbm>>
      %dma_wait3A_345 = tpu.memref_squeeze %dma_wait3A_344 : memref<1x128xi32, #tpu.memory_space<hbm>> -> memref<128xi32, #tpu.memory_space<hbm>>
      %dma_wait3A_346 = arith.constant 0 : i32
      %dma_wait3A_347 = tpu.memref_slice %arg3[%dma_wait3A_342, %dma_wait3A_346] : memref<2x320000xi32, #tpu.memory_space<hbm>> -> memref<1x128xi32, #tpu.memory_space<hbm>>
      %dma_wait3A_348 = tpu.memref_squeeze %dma_wait3A_347 : memref<1x128xi32, #tpu.memory_space<hbm>> -> memref<128xi32, #tpu.memory_space<hbm>>
      tpu.wait_dma2 semaphore(%arg30 : memref<!tpu.dma_semaphore, #tpu.memory_space<semaphore_mem>>) src(%dma_wait3A_348 : memref<128xi32, #tpu.memory_space<hbm>>) dst(%arg17 : memref<128xi32, #tpu.memory_space<vmem>>)
      %dma_start3A_349 = arith.constant 0 : i32
      %dma_start3A_350 = arith.constant 0 : i32
      %dma_start3A_351 = tpu.memref_slice %arg5[%dma_start3A_349, %dma_start3A_350] : memref<10000x64xi32, #tpu.memory_space<hbm>> -> memref<10000x64xi32, #tpu.memory_space<hbm>>
      tpu.enqueue_indirect_dma source(%dma_start3A_351 : memref<10000x64xi32, #tpu.memory_space<hbm>>) target(%arg20 : memref<128x64xi32, #tpu.memory_space<vmem>>) offsets(%arg16 : memref<128xi32, #tpu.memory_space<vmem>>) semaphore(%arg32 : memref<!tpu.dma_semaphore, #tpu.memory_space<semaphore_mem>>)
      %dma_start3A_352 = arith.constant 0 : i32
      %dma_start3A_353 = arith.constant 0 : i32
      %dma_start3A_354 = tpu.memref_slice %arg5[%dma_start3A_352, %dma_start3A_353] : memref<10000x64xi32, #tpu.memory_space<hbm>> -> memref<10000x64xi32, #tpu.memory_space<hbm>>
      tpu.enqueue_indirect_dma source(%dma_start3A_354 : memref<10000x64xi32, #tpu.memory_space<hbm>>) target(%arg21 : memref<128x64xi32, #tpu.memory_space<vmem>>) offsets(%arg17 : memref<128xi32, #tpu.memory_space<vmem>>) semaphore(%arg32 : memref<!tpu.dma_semaphore, #tpu.memory_space<semaphore_mem>>)
      %dma_wait3A_355 = arith.constant 0 : i32
      %dma_wait3A_356 = arith.constant 0 : i32
      %dma_wait3A_357 = tpu.memref_slice %arg5[%dma_wait3A_355, %dma_wait3A_356] : memref<10000x64xi32, #tpu.memory_space<hbm>> -> memref<10000x64xi32, #tpu.memory_space<hbm>>
      tpu.wait_indirect_dma semaphore(%arg31 : memref<!tpu.dma_semaphore, #tpu.memory_space<semaphore_mem>>) src(%dma_wait3A_357 : memref<10000x64xi32, #tpu.memory_space<hbm>>) dst(%arg18 : memref<128x64xi32, #tpu.memory_space<vmem>>)
      %dma_wait3A_358 = arith.constant 0 : i32
      %dma_wait3A_359 = arith.constant 0 : i32
      %dma_wait3A_360 = tpu.memref_slice %arg5[%dma_wait3A_358, %dma_wait3A_359] : memref<10000x64xi32, #tpu.memory_space<hbm>> -> memref<10000x64xi32, #tpu.memory_space<hbm>>
      tpu.wait_indirect_dma semaphore(%arg31 : memref<!tpu.dma_semaphore, #tpu.memory_space<semaphore_mem>>) src(%dma_wait3A_360 : memref<10000x64xi32, #tpu.memory_space<hbm>>) dst(%arg19 : memref<128x64xi32, #tpu.memory_space<vmem>>)
      %add3A_361 = arith.constant 2 : i32
      %add3A_362 = arith.addi %mul3A_334, %add3A_361 : i32
      %mul3A_363 = arith.constant 128 : i32
      %mul3A_364 = arith.muli %add3A_362, %mul3A_363 : i32
      %add3A_365 = arith.addi %mul3A_2, %mul3A_364 : i32
      %multiple_of3A_366 = tpu.assume_multiple %add3A_365, 16 : i32
      %dma_start3A_367 = arith.constant 0 : i32
      %dma_start3A_368 = tpu.memref_slice %arg3[%dma_start3A_367, %multiple_of3A_366] : memref<2x320000xi32, #tpu.memory_space<hbm>> -> memref<1x128xi32, #tpu.memory_space<hbm>>
      %dma_start3A_369 = tpu.memref_squeeze %dma_start3A_368 : memref<1x128xi32, #tpu.memory_space<hbm>> -> memref<128xi32, #tpu.memory_space<hbm>>
      %dma_start3A_370 = tpu.memref_slice %arg3[%dma_start3A_367, %multiple_of3A_366] : memref<2x320000xi32, #tpu.memory_space<hbm>> -> memref<1x128xi32, #tpu.memory_space<hbm>>
      %dma_start3A_371 = tpu.memref_squeeze %dma_start3A_370 : memref<1x128xi32, #tpu.memory_space<hbm>> -> memref<128xi32, #tpu.memory_space<hbm>>
      tpu.enqueue_dma source(%dma_start3A_371 : memref<128xi32, #tpu.memory_space<hbm>>) target(%arg14 : memref<128xi32, #tpu.memory_space<vmem>>) target_semaphore(%arg29 : memref<!tpu.dma_semaphore, #tpu.memory_space<semaphore_mem>>)
      %dma_start3A_372 = arith.constant 1 : i32
      %dma_start3A_373 = tpu.memref_slice %arg3[%dma_start3A_372, %multiple_of3A_366] : memref<2x320000xi32, #tpu.memory_space<hbm>> -> memref<1x128xi32, #tpu.memory_space<hbm>>
      %dma_start3A_374 = tpu.memref_squeeze %dma_start3A_373 : memref<1x128xi32, #tpu.memory_space<hbm>> -> memref<128xi32, #tpu.memory_space<hbm>>
      %dma_start3A_375 = tpu.memref_slice %arg3[%dma_start3A_372, %multiple_of3A_366] : memref<2x320000xi32, #tpu.memory_space<hbm>> -> memref<1x128xi32, #tpu.memory_space<hbm>>
      %dma_start3A_376 = tpu.memref_squeeze %dma_start3A_375 : memref<1x128xi32, #tpu.memory_space<hbm>> -> memref<128xi32, #tpu.memory_space<hbm>>
      tpu.enqueue_dma source(%dma_start3A_376 : memref<128xi32, #tpu.memory_space<hbm>>) target(%arg15 : memref<128xi32, #tpu.memory_space<vmem>>) target_semaphore(%arg29 : memref<!tpu.dma_semaphore, #tpu.memory_space<semaphore_mem>>)
      %ge3A = arith.constant 2 : i32
      %ge3A_377 = arith.cmpi sge, %mul3A_334, %ge3A : i32
      %convert_element_type3A = arith.extui %ge3A_377 : i1 to i32
      %cond3A = arith.constant 0 : i32
      %cond3A_378 = arith.cmpi ne, %convert_element_type3A, %cond3A : i32
      scf.if %cond3A_378 {
        %dma_wait3A_450 = arith.constant 0 : i32
        %dma_wait3A_451 = tpu.memref_slice %arg4[%dma_wait3A_450] : memref<320000xf32, #tpu.memory_space<hbm>> -> memref<128xf32, #tpu.memory_space<hbm>>
        %dma_wait3A_452 = arith.constant 0 : i32
        %dma_wait3A_453 = tpu.memref_slice %arg4[%dma_wait3A_452] : memref<320000xf32, #tpu.memory_space<hbm>> -> memref<128xf32, #tpu.memory_space<hbm>>
        tpu.wait_dma2 semaphore(%arg33 : memref<!tpu.dma_semaphore, #tpu.memory_space<semaphore_mem>>) src(%arg22 : memref<128xf32, #tpu.memory_space<vmem>>) dst(%dma_wait3A_453 : memref<128xf32, #tpu.memory_space<hbm>>)
      } else {
      }
      %scan3A_379 = arith.constant 0 : i32
      %scan3A_380 = arith.constant 8 : i32
      %scan3A_381 = arith.addi %scan3A_379, %scan3A_380 : i32
      %scan3A_382 = arith.constant 1 : i32
      scf.for %scan3A_450 = %scan3A_379 to %scan3A_381 step %scan3A_382  : i32 {
        %mul3A_451 = arith.constant 1 : i32
        %mul3A_452 = arith.muli %scan3A_450, %mul3A_451 : i32
        %add3A_453 = arith.constant 0 : i32
        %add3A_454 = arith.addi %add3A_453, %mul3A_452 : i32
        %mul3A_455 = arith.constant 16 : i32
        %mul3A_456 = arith.muli %add3A_454, %mul3A_455 : i32
        %multiple_of3A_457 = tpu.assume_multiple %mul3A_456, 16 : i32
        %broadcast_in_dim3A_458 = arith.constant 0.000000e+00 : f32
        %broadcast_in_dim3A_459 = vector.broadcast %broadcast_in_dim3A_458 : f32 to vector<16xf32>
        %parallel_loop3A_460 = arith.constant 0 : i32
        %parallel_loop3A_461 = arith.constant 16 : i32
        %parallel_loop3A_462 = arith.constant 1 : i32
        %parallel_loop3A_463 = scf.for %parallel_loop3A_500 = %parallel_loop3A_460 to %parallel_loop3A_461 step %parallel_loop3A_462 iter_args(%parallel_loop3A_501 = %broadcast_in_dim3A_459) -> (vector<16xf32>)  : i32 {
          %parallel_loop3A_502 = arith.addi %multiple_of3A_457, %parallel_loop3A_500 : i32
          %parallel_loop3A_503 = arith.constant 0.000000e+00 : f32
          %parallel_loop3A_504 = vector.broadcast %parallel_loop3A_503 : f32 to vector<16xf32>
          %parallel_loop3A_505 = arith.index_cast %parallel_loop3A_502 : i32 to index
          %parallel_loop3A_506 = arith.constant 0 : index
          %parallel_loop3A_507 = tpu.vector_load %arg18[%parallel_loop3A_505, %parallel_loop3A_506] {strides = array<i32>} : memref<128x64xi32, #tpu.memory_space<vmem>>, vector<16xi32>,
          %parallel_loop3A_508 = vector.bitcast %parallel_loop3A_507 : vector<16xi32> to vector<32xbf16>
          %parallel_loop3A_509 = arith.index_cast %parallel_loop3A_502 : i32 to index
          %parallel_loop3A_510 = arith.constant 0 : index
          %parallel_loop3A_511 = tpu.vector_load %arg19[%parallel_loop3A_509, %parallel_loop3A_510] {strides = array<i32>} : memref<128x64xi32, #tpu.memory_space<vmem>>, vector<16xi32>,
          %parallel_loop3A_512 = vector.bitcast %parallel_loop3A_511 : vector<16xi32> to vector<32xbf16>
          %parallel_loop3A_513 = arith.subf %parallel_loop3A_508, %parallel_loop3A_512 : vector<32xbf16>
          %parallel_loop3A_514 = tpu.unpack_subelements %parallel_loop3A_513, 0 {pack_format = #tpu.pack_format<interleaved>} : vector<32xbf16> -> vector<16xf32>
          %parallel_loop3A_515 = tpu.unpack_subelements %parallel_loop3A_513, 1 {pack_format = #tpu.pack_format<interleaved>} : vector<32xbf16> -> vector<16xf32>
          %parallel_loop3A_516 = arith.mulf %parallel_loop3A_514, %parallel_loop3A_514 : vector<16xf32>
          %parallel_loop3A_517 = arith.addf %parallel_loop3A_504, %parallel_loop3A_516 : vector<16xf32>
          %parallel_loop3A_518 = arith.mulf %parallel_loop3A_515, %parallel_loop3A_515 : vector<16xf32>
          %parallel_loop3A_519 = arith.addf %parallel_loop3A_517, %parallel_loop3A_518 : vector<16xf32>
          %parallel_loop3A_520 = arith.index_cast %parallel_loop3A_502 : i32 to index
          %parallel_loop3A_521 = arith.constant 16 : index
          %parallel_loop3A_522 = tpu.vector_load %arg18[%parallel_loop3A_520, %parallel_loop3A_521] {strides = array<i32>} : memref<128x64xi32, #tpu.memory_space<vmem>>, vector<16xi32>,
          %parallel_loop3A_523 = vector.bitcast %parallel_loop3A_522 : vector<16xi32> to vector<32xbf16>
          %parallel_loop3A_524 = arith.index_cast %parallel_loop3A_502 : i32 to index
          %parallel_loop3A_525 = arith.constant 16 : index
          %parallel_loop3A_526 = tpu.vector_load %arg19[%parallel_loop3A_524, %parallel_loop3A_525] {strides = array<i32>} : memref<128x64xi32, #tpu.memory_space<vmem>>, vector<16xi32>,
          %parallel_loop3A_527 = vector.bitcast %parallel_loop3A_526 : vector<16xi32> to vector<32xbf16>
          %parallel_loop3A_528 = arith.subf %parallel_loop3A_523, %parallel_loop3A_527 : vector<32xbf16>
          %parallel_loop3A_529 = tpu.unpack_subelements %parallel_loop3A_528, 0 {pack_format = #tpu.pack_format<interleaved>} : vector<32xbf16> -> vector<16xf32>
          %parallel_loop3A_530 = tpu.unpack_subelements %parallel_loop3A_528, 1 {pack_format = #tpu.pack_format<interleaved>} : vector<32xbf16> -> vector<16xf32>
          %parallel_loop3A_531 = arith.mulf %parallel_loop3A_529, %parallel_loop3A_529 : vector<16xf32>
          %parallel_loop3A_532 = arith.addf %parallel_loop3A_519, %parallel_loop3A_531 : vector<16xf32>
          %parallel_loop3A_533 = arith.mulf %parallel_loop3A_530, %parallel_loop3A_530 : vector<16xf32>
          %parallel_loop3A_534 = arith.addf %parallel_loop3A_532, %parallel_loop3A_533 : vector<16xf32>
          %parallel_loop3A_535 = arith.index_cast %parallel_loop3A_502 : i32 to index
          %parallel_loop3A_536 = arith.constant 32 : index
          %parallel_loop3A_537 = tpu.vector_load %arg18[%parallel_loop3A_535, %parallel_loop3A_536] {strides = array<i32>} : memref<128x64xi32, #tpu.memory_space<vmem>>, vector<16xi32>,
          %parallel_loop3A_538 = vector.bitcast %parallel_loop3A_537 : vector<16xi32> to vector<32xbf16>
          %parallel_loop3A_539 = arith.index_cast %parallel_loop3A_502 : i32 to index
          %parallel_loop3A_540 = arith.constant 32 : index
          %parallel_loop3A_541 = tpu.vector_load %arg19[%parallel_loop3A_539, %parallel_loop3A_540] {strides = array<i32>} : memref<128x64xi32, #tpu.memory_space<vmem>>, vector<16xi32>,
          %parallel_loop3A_542 = vector.bitcast %parallel_loop3A_541 : vector<16xi32> to vector<32xbf16>
          %parallel_loop3A_543 = arith.subf %parallel_loop3A_538, %parallel_loop3A_542 : vector<32xbf16>
          %parallel_loop3A_544 = tpu.unpack_subelements %parallel_loop3A_543, 0 {pack_format = #tpu.pack_format<interleaved>} : vector<32xbf16> -> vector<16xf32>
          %parallel_loop3A_545 = tpu.unpack_subelements %parallel_loop3A_543, 1 {pack_format = #tpu.pack_format<interleaved>} : vector<32xbf16> -> vector<16xf32>
          %parallel_loop3A_546 = arith.mulf %parallel_loop3A_544, %parallel_loop3A_544 : vector<16xf32>
          %parallel_loop3A_547 = arith.addf %parallel_loop3A_534, %parallel_loop3A_546 : vector<16xf32>
          %parallel_loop3A_548 = arith.mulf %parallel_loop3A_545, %parallel_loop3A_545 : vector<16xf32>
          %parallel_loop3A_549 = arith.addf %parallel_loop3A_547, %parallel_loop3A_548 : vector<16xf32>
          %parallel_loop3A_550 = arith.index_cast %parallel_loop3A_502 : i32 to index
          %parallel_loop3A_551 = arith.constant 48 : index
          %parallel_loop3A_552 = tpu.vector_load %arg18[%parallel_loop3A_550, %parallel_loop3A_551] {strides = array<i32>} : memref<128x64xi32, #tpu.memory_space<vmem>>, vector<16xi32>,
          %parallel_loop3A_553 = vector.bitcast %parallel_loop3A_552 : vector<16xi32> to vector<32xbf16>
          %parallel_loop3A_554 = arith.index_cast %parallel_loop3A_502 : i32 to index
          %parallel_loop3A_555 = arith.constant 48 : index
          %parallel_loop3A_556 = tpu.vector_load %arg19[%parallel_loop3A_554, %parallel_loop3A_555] {strides = array<i32>} : memref<128x64xi32, #tpu.memory_space<vmem>>, vector<16xi32>,
          %parallel_loop3A_557 = vector.bitcast %parallel_loop3A_556 : vector<16xi32> to vector<32xbf16>
          %parallel_loop3A_558 = arith.subf %parallel_loop3A_553, %parallel_loop3A_557 : vector<32xbf16>
          %parallel_loop3A_559 = tpu.unpack_subelements %parallel_loop3A_558, 0 {pack_format = #tpu.pack_format<interleaved>} : vector<32xbf16> -> vector<16xf32>
          %parallel_loop3A_560 = tpu.unpack_subelements %parallel_loop3A_558, 1 {pack_format = #tpu.pack_format<interleaved>} : vector<32xbf16> -> vector<16xf32>
          %parallel_loop3A_561 = arith.mulf %parallel_loop3A_559, %parallel_loop3A_559 : vector<16xf32>
          %parallel_loop3A_562 = arith.addf %parallel_loop3A_549, %parallel_loop3A_561 : vector<16xf32>
          %parallel_loop3A_563 = arith.mulf %parallel_loop3A_560, %parallel_loop3A_560 : vector<16xf32>
          %parallel_loop3A_564 = arith.addf %parallel_loop3A_562, %parallel_loop3A_563 : vector<16xf32>
          %parallel_loop3A_565 = vector.broadcast %parallel_loop3A_500 : i32 to vector<16xi32>
          %parallel_loop3A_566 = arith.cmpi eq, %iota3A, %parallel_loop3A_565 : vector<16xi32>
          %parallel_loop3A_567 = arith.constant true
          %parallel_loop3A_568 = vector.broadcast %parallel_loop3A_567 : i1 to vector<16xi1>
          %parallel_loop3A_569 = tpu.scan <sum>, %parallel_loop3A_564 masked %parallel_loop3A_568 : vector<16xf32>, vector<16xi1> -> vector<16xf32>
          %parallel_loop3A_570 = vector.extract %parallel_loop3A_569[15] : f32 from vector<16xf32>
          %parallel_loop3A_571 = vector.broadcast %parallel_loop3A_570 : f32 to vector<16xf32>
          %parallel_loop3A_572 = arith.select %parallel_loop3A_566, %parallel_loop3A_571, %parallel_loop3A_501 : vector<16xi1>, vector<16xf32>
          scf.yield %parallel_loop3A_572 : vector<16xf32>
        } {sc.loop_unroll_factor = 4 : i64, sc.parallel_access}
        %bitcast3A_464 = vector.bitcast %parallel_loop3A_463 : vector<16xf32> to vector<16xi32>
        %shift_right_arithmetic3A_465 = arith.constant 1 : i32
        %shift_right_arithmetic3A_466 = vector.broadcast %shift_right_arithmetic3A_465 : i32 to vector<16xi32>
        %shift_right_arithmetic3A_467 = arith.shrsi %bitcast3A_464, %shift_right_arithmetic3A_466 : vector<16xi32>
        %sub3A_468 = arith.constant 1597463007 : i32
        %sub3A_469 = vector.broadcast %sub3A_468 : i32 to vector<16xi32>
        %sub3A_470 = arith.subi %sub3A_469, %shift_right_arithmetic3A_467 : vector<16xi32>
        %bitcast3A_471 = vector.bitcast %sub3A_470 : vector<16xi32> to vector<16xf32>
        %mul3A_472 = arith.constant 5.000000e-01 : f32
        %mul3A_473 = vector.broadcast %mul3A_472 : f32 to vector<16xf32>
        %mul3A_474 = arith.mulf %parallel_loop3A_463, %mul3A_473 : vector<16xf32>
        %mul3A_475 = arith.mulf %mul3A_474, %bitcast3A_471 : vector<16xf32>
        %mul3A_476 = arith.mulf %mul3A_475, %bitcast3A_471 : vector<16xf32>
        %sub3A_477 = arith.constant 1.500000e+00 : f32
        %sub3A_478 = vector.broadcast %sub3A_477 : f32 to vector<16xf32>
        %sub3A_479 = arith.subf %sub3A_478, %mul3A_476 : vector<16xf32>
        %mul3A_480 = arith.mulf %bitcast3A_471, %sub3A_479 : vector<16xf32>
        %mul3A_481 = arith.mulf %mul3A_474, %mul3A_480 : vector<16xf32>
        %mul3A_482 = arith.mulf %mul3A_481, %mul3A_480 : vector<16xf32>
        %sub3A_483 = arith.constant 1.500000e+00 : f32
        %sub3A_484 = vector.broadcast %sub3A_483 : f32 to vector<16xf32>
        %sub3A_485 = arith.subf %sub3A_484, %mul3A_482 : vector<16xf32>
        %mul3A_486 = arith.mulf %mul3A_480, %sub3A_485 : vector<16xf32>
        %mul3A_487 = arith.mulf %mul3A_474, %mul3A_486 : vector<16xf32>
        %mul3A_488 = arith.mulf %mul3A_487, %mul3A_486 : vector<16xf32>
        %sub3A_489 = arith.constant 1.500000e+00 : f32
        %sub3A_490 = vector.broadcast %sub3A_489 : f32 to vector<16xf32>
        %sub3A_491 = arith.subf %sub3A_490, %mul3A_488 : vector<16xf32>
        %mul3A_492 = arith.mulf %mul3A_486, %sub3A_491 : vector<16xf32>
        %mul3A_493 = arith.mulf %parallel_loop3A_463, %mul3A_492 : vector<16xf32>
        %neg3A_494 = arith.constant 0.000000e+00 : f32
        %neg3A_495 = vector.broadcast %neg3A_494 : f32 to vector<16xf32>
        %neg3A_496 = arith.subf %neg3A_495, %mul3A_493 : vector<16xf32>
        %exp3A_497 = math.exp %neg3A_496 : vector<16xf32>
        %swap3A_498 = arith.index_cast %multiple_of3A_457 : i32 to index
        %swap3A_499 = tpu.vector_load %arg22[%swap3A_498] {strides = array<i32>} : memref<128xf32, #tpu.memory_space<vmem>>, vector<16xf32>,
        tpu.vector_store %arg22[%swap3A_498], %exp3A_497 {strides = array<i32>} : memref<128xf32, #tpu.memory_space<vmem>>, vector<16xf32>,
      }
      %scan3A_383 = arith.constant 8 : i32
      %mul3A_384 = arith.constant 128 : i32
      %mul3A_385 = arith.muli %mul3A_334, %mul3A_384 : i32
      %add3A_386 = arith.addi %mul3A_2, %mul3A_385 : i32
      %multiple_of3A_387 = tpu.assume_multiple %add3A_386, 16 : i32
      %dma_start3A_388 = tpu.memref_slice %arg4[%multiple_of3A_387] : memref<320000xf32, #tpu.memory_space<hbm>> -> memref<128xf32, #tpu.memory_space<hbm>>
      %dma_start3A_389 = tpu.memref_slice %arg4[%multiple_of3A_387] : memref<320000xf32, #tpu.memory_space<hbm>> -> memref<128xf32, #tpu.memory_space<hbm>>
      tpu.enqueue_dma source(%arg22 : memref<128xf32, #tpu.memory_space<vmem>>) target(%dma_start3A_389 : memref<128xf32, #tpu.memory_space<hbm>>) target_semaphore(%arg33 : memref<!tpu.dma_semaphore, #tpu.memory_space<semaphore_mem>>)
      %dma_wait3A_390 = arith.constant 0 : i32
      %dma_wait3A_391 = arith.constant 0 : i32
      %dma_wait3A_392 = tpu.memref_slice %arg5[%dma_wait3A_390, %dma_wait3A_391] : memref<10000x64xi32, #tpu.memory_space<hbm>> -> memref<10000x64xi32, #tpu.memory_space<hbm>>
      tpu.wait_indirect_dma semaphore(%arg32 : memref<!tpu.dma_semaphore, #tpu.memory_space<semaphore_mem>>) src(%dma_wait3A_392 : memref<10000x64xi32, #tpu.memory_space<hbm>>) dst(%arg20 : memref<128x64xi32, #tpu.memory_space<vmem>>)
      %dma_wait3A_393 = arith.constant 0 : i32
      %dma_wait3A_394 = arith.constant 0 : i32
      %dma_wait3A_395 = tpu.memref_slice %arg5[%dma_wait3A_393, %dma_wait3A_394] : memref<10000x64xi32, #tpu.memory_space<hbm>> -> memref<10000x64xi32, #tpu.memory_space<hbm>>
      tpu.wait_indirect_dma semaphore(%arg32 : memref<!tpu.dma_semaphore, #tpu.memory_space<semaphore_mem>>) src(%dma_wait3A_395 : memref<10000x64xi32, #tpu.memory_space<hbm>>) dst(%arg21 : memref<128x64xi32, #tpu.memory_space<vmem>>)
      %add3A_396 = arith.constant 3 : i32
      %add3A_397 = arith.addi %mul3A_334, %add3A_396 : i32
      %mul3A_398 = arith.constant 128 : i32
      %mul3A_399 = arith.muli %add3A_397, %mul3A_398 : i32
      %add3A_400 = arith.addi %mul3A_2, %mul3A_399 : i32
      %multiple_of3A_401 = tpu.assume_multiple %add3A_400, 16 : i32
      %dma_start3A_402 = arith.constant 0 : i32
      %dma_start3A_403 = tpu.memref_slice %arg3[%dma_start3A_402, %multiple_of3A_401] : memref<2x320000xi32, #tpu.memory_space<hbm>> -> memref<1x128xi32, #tpu.memory_space<hbm>>
      %dma_start3A_404 = tpu.memref_squeeze %dma_start3A_403 : memref<1x128xi32, #tpu.memory_space<hbm>> -> memref<128xi32, #tpu.memory_space<hbm>>
      %dma_start3A_405 = tpu.memref_slice %arg3[%dma_start3A_402, %multiple_of3A_401] : memref<2x320000xi32, #tpu.memory_space<hbm>> -> memref<1x128xi32, #tpu.memory_space<hbm>>
      %dma_start3A_406 = tpu.memref_squeeze %dma_start3A_405 : memref<1x128xi32, #tpu.memory_space<hbm>> -> memref<128xi32, #tpu.memory_space<hbm>>
      tpu.enqueue_dma source(%dma_start3A_406 : memref<128xi32, #tpu.memory_space<hbm>>) target(%arg16 : memref<128xi32, #tpu.memory_space<vmem>>) target_semaphore(%arg30 : memref<!tpu.dma_semaphore, #tpu.memory_space<semaphore_mem>>)
      %dma_start3A_407 = arith.constant 1 : i32
      %dma_start3A_408 = tpu.memref_slice %arg3[%dma_start3A_407, %multiple_of3A_401] : memref<2x320000xi32, #tpu.memory_space<hbm>> -> memref<1x128xi32, #tpu.memory_space<hbm>>
      %dma_start3A_409 = tpu.memref_squeeze %dma_start3A_408 : memref<1x128xi32, #tpu.memory_space<hbm>> -> memref<128xi32, #tpu.memory_space<hbm>>
      %dma_start3A_410 = tpu.memref_slice %arg3[%dma_start3A_407, %multiple_of3A_401] : memref<2x320000xi32, #tpu.memory_space<hbm>> -> memref<1x128xi32, #tpu.memory_space<hbm>>
      %dma_start3A_411 = tpu.memref_squeeze %dma_start3A_410 : memref<1x128xi32, #tpu.memory_space<hbm>> -> memref<128xi32, #tpu.memory_space<hbm>>
      tpu.enqueue_dma source(%dma_start3A_411 : memref<128xi32, #tpu.memory_space<hbm>>) target(%arg17 : memref<128xi32, #tpu.memory_space<vmem>>) target_semaphore(%arg30 : memref<!tpu.dma_semaphore, #tpu.memory_space<semaphore_mem>>)
      %dma_wait3A_412 = arith.constant 0 : i32
      %dma_wait3A_413 = arith.constant 0 : i32
      %dma_wait3A_414 = tpu.memref_slice %arg3[%dma_wait3A_412, %dma_wait3A_413] : memref<2x320000xi32, #tpu.memory_space<hbm>> -> memref<1x128xi32, #tpu.memory_space<hbm>>
      %dma_wait3A_415 = tpu.memref_squeeze %dma_wait3A_414 : memref<1x128xi32, #tpu.memory_space<hbm>> -> memref<128xi32, #tpu.memory_space<hbm>>
      %dma_wait3A_416 = arith.constant 0 : i32
      %dma_wait3A_417 = tpu.memref_slice %arg3[%dma_wait3A_412, %dma_wait3A_416] : memref<2x320000xi32, #tpu.memory_space<hbm>> -> memref<1x128xi32, #tpu.memory_space<hbm>>
      %dma_wait3A_418 = tpu.memref_squeeze %dma_wait3A_417 : memref<1x128xi32, #tpu.memory_space<hbm>> -> memref<128xi32, #tpu.memory_space<hbm>>
      tpu.wait_dma2 semaphore(%arg29 : memref<!tpu.dma_semaphore, #tpu.memory_space<semaphore_mem>>) src(%dma_wait3A_418 : memref<128xi32, #tpu.memory_space<hbm>>) dst(%arg14 : memref<128xi32, #tpu.memory_space<vmem>>)
      %dma_wait3A_419 = arith.constant 1 : i32
      %dma_wait3A_420 = arith.constant 0 : i32
      %dma_wait3A_421 = tpu.memref_slice %arg3[%dma_wait3A_419, %dma_wait3A_420] : memref<2x320000xi32, #tpu.memory_space<hbm>> -> memref<1x128xi32, #tpu.memory_space<hbm>>
      %dma_wait3A_422 = tpu.memref_squeeze %dma_wait3A_421 : memref<1x128xi32, #tpu.memory_space<hbm>> -> memref<128xi32, #tpu.memory_space<hbm>>
      %dma_wait3A_423 = arith.constant 0 : i32
      %dma_wait3A_424 = tpu.memref_slice %arg3[%dma_wait3A_419, %dma_wait3A_423] : memref<2x320000xi32, #tpu.memory_space<hbm>> -> memref<1x128xi32, #tpu.memory_space<hbm>>
      %dma_wait3A_425 = tpu.memref_squeeze %dma_wait3A_424 : memref<1x128xi32, #tpu.memory_space<hbm>> -> memref<128xi32, #tpu.memory_space<hbm>>
      tpu.wait_dma2 semaphore(%arg29 : memref<!tpu.dma_semaphore, #tpu.memory_space<semaphore_mem>>) src(%dma_wait3A_425 : memref<128xi32, #tpu.memory_space<hbm>>) dst(%arg15 : memref<128xi32, #tpu.memory_space<vmem>>)
      %dma_start3A_426 = arith.constant 0 : i32
      %dma_start3A_427 = arith.constant 0 : i32
      %dma_start3A_428 = tpu.memref_slice %arg5[%dma_start3A_426, %dma_start3A_427] : memref<10000x64xi32, #tpu.memory_space<hbm>> -> memref<10000x64xi32, #tpu.memory_space<hbm>>
      tpu.enqueue_indirect_dma source(%dma_start3A_428 : memref<10000x64xi32, #tpu.memory_space<hbm>>) target(%arg18 : memref<128x64xi32, #tpu.memory_space<vmem>>) offsets(%arg14 : memref<128xi32, #tpu.memory_space<vmem>>) semaphore(%arg31 : memref<!tpu.dma_semaphore, #tpu.memory_space<semaphore_mem>>)
      %dma_start3A_429 = arith.constant 0 : i32
      %dma_start3A_430 = arith.constant 0 : i32
      %dma_start3A_431 = tpu.memref_slice %arg5[%dma_start3A_429, %dma_start3A_430] : memref<10000x64xi32, #tpu.memory_space<hbm>> -> memref<10000x64xi32, #tpu.memory_space<hbm>>
      tpu.enqueue_indirect_dma source(%dma_start3A_431 : memref<10000x64xi32, #tpu.memory_space<hbm>>) target(%arg19 : memref<128x64xi32, #tpu.memory_space<vmem>>) offsets(%arg15 : memref<128xi32, #tpu.memory_space<vmem>>) semaphore(%arg31 : memref<!tpu.dma_semaphore, #tpu.memory_space<semaphore_mem>>)
      %add3A_432 = arith.constant 1 : i32
      %add3A_433 = arith.addi %mul3A_334, %add3A_432 : i32
      %ge3A_434 = arith.constant 2 : i32
      %ge3A_435 = arith.cmpi sge, %add3A_433, %ge3A_434 : i32
      %convert_element_type3A_436 = arith.extui %ge3A_435 : i1 to i32
      %cond3A_437 = arith.constant 0 : i32
      %cond3A_438 = arith.cmpi ne, %convert_element_type3A_436, %cond3A_437 : i32
      scf.if %cond3A_438 {
        %dma_wait3A_450 = arith.constant 0 : i32
        %dma_wait3A_451 = tpu.memref_slice %arg4[%dma_wait3A_450] : memref<320000xf32, #tpu.memory_space<hbm>> -> memref<128xf32, #tpu.memory_space<hbm>>
        %dma_wait3A_452 = arith.constant 0 : i32
        %dma_wait3A_453 = tpu.memref_slice %arg4[%dma_wait3A_452] : memref<320000xf32, #tpu.memory_space<hbm>> -> memref<128xf32, #tpu.memory_space<hbm>>
        tpu.wait_dma2 semaphore(%arg34 : memref<!tpu.dma_semaphore, #tpu.memory_space<semaphore_mem>>) src(%arg23 : memref<128xf32, #tpu.memory_space<vmem>>) dst(%dma_wait3A_453 : memref<128xf32, #tpu.memory_space<hbm>>)
      } else {
      }
      %scan3A_439 = arith.constant 0 : i32
      %scan3A_440 = arith.constant 8 : i32
      %scan3A_441 = arith.addi %scan3A_439, %scan3A_440 : i32
      %scan3A_442 = arith.constant 1 : i32
      scf.for %scan3A_450 = %scan3A_439 to %scan3A_441 step %scan3A_442  : i32 {
        %mul3A_451 = arith.constant 1 : i32
        %mul3A_452 = arith.muli %scan3A_450, %mul3A_451 : i32
        %add3A_453 = arith.constant 0 : i32
        %add3A_454 = arith.addi %add3A_453, %mul3A_452 : i32
        %mul3A_455 = arith.constant 16 : i32
        %mul3A_456 = arith.muli %add3A_454, %mul3A_455 : i32
        %multiple_of3A_457 = tpu.assume_multiple %mul3A_456, 16 : i32
        %broadcast_in_dim3A_458 = arith.constant 0.000000e+00 : f32
        %broadcast_in_dim3A_459 = vector.broadcast %broadcast_in_dim3A_458 : f32 to vector<16xf32>
        %parallel_loop3A_460 = arith.constant 0 : i32
        %parallel_loop3A_461 = arith.constant 16 : i32
        %parallel_loop3A_462 = arith.constant 1 : i32
        %parallel_loop3A_463 = scf.for %parallel_loop3A_500 = %parallel_loop3A_460 to %parallel_loop3A_461 step %parallel_loop3A_462 iter_args(%parallel_loop3A_501 = %broadcast_in_dim3A_459) -> (vector<16xf32>)  : i32 {
          %parallel_loop3A_502 = arith.addi %multiple_of3A_457, %parallel_loop3A_500 : i32
          %parallel_loop3A_503 = arith.constant 0.000000e+00 : f32
          %parallel_loop3A_504 = vector.broadcast %parallel_loop3A_503 : f32 to vector<16xf32>
          %parallel_loop3A_505 = arith.index_cast %parallel_loop3A_502 : i32 to index
          %parallel_loop3A_506 = arith.constant 0 : index
          %parallel_loop3A_507 = tpu.vector_load %arg20[%parallel_loop3A_505, %parallel_loop3A_506] {strides = array<i32>} : memref<128x64xi32, #tpu.memory_space<vmem>>, vector<16xi32>,
          %parallel_loop3A_508 = vector.bitcast %parallel_loop3A_507 : vector<16xi32> to vector<32xbf16>
          %parallel_loop3A_509 = arith.index_cast %parallel_loop3A_502 : i32 to index
          %parallel_loop3A_510 = arith.constant 0 : index
          %parallel_loop3A_511 = tpu.vector_load %arg21[%parallel_loop3A_509, %parallel_loop3A_510] {strides = array<i32>} : memref<128x64xi32, #tpu.memory_space<vmem>>, vector<16xi32>,
          %parallel_loop3A_512 = vector.bitcast %parallel_loop3A_511 : vector<16xi32> to vector<32xbf16>
          %parallel_loop3A_513 = arith.subf %parallel_loop3A_508, %parallel_loop3A_512 : vector<32xbf16>
          %parallel_loop3A_514 = tpu.unpack_subelements %parallel_loop3A_513, 0 {pack_format = #tpu.pack_format<interleaved>} : vector<32xbf16> -> vector<16xf32>
          %parallel_loop3A_515 = tpu.unpack_subelements %parallel_loop3A_513, 1 {pack_format = #tpu.pack_format<interleaved>} : vector<32xbf16> -> vector<16xf32>
          %parallel_loop3A_516 = arith.mulf %parallel_loop3A_514, %parallel_loop3A_514 : vector<16xf32>
          %parallel_loop3A_517 = arith.addf %parallel_loop3A_504, %parallel_loop3A_516 : vector<16xf32>
          %parallel_loop3A_518 = arith.mulf %parallel_loop3A_515, %parallel_loop3A_515 : vector<16xf32>
          %parallel_loop3A_519 = arith.addf %parallel_loop3A_517, %parallel_loop3A_518 : vector<16xf32>
          %parallel_loop3A_520 = arith.index_cast %parallel_loop3A_502 : i32 to index
          %parallel_loop3A_521 = arith.constant 16 : index
          %parallel_loop3A_522 = tpu.vector_load %arg20[%parallel_loop3A_520, %parallel_loop3A_521] {strides = array<i32>} : memref<128x64xi32, #tpu.memory_space<vmem>>, vector<16xi32>,
          %parallel_loop3A_523 = vector.bitcast %parallel_loop3A_522 : vector<16xi32> to vector<32xbf16>
          %parallel_loop3A_524 = arith.index_cast %parallel_loop3A_502 : i32 to index
          %parallel_loop3A_525 = arith.constant 16 : index
          %parallel_loop3A_526 = tpu.vector_load %arg21[%parallel_loop3A_524, %parallel_loop3A_525] {strides = array<i32>} : memref<128x64xi32, #tpu.memory_space<vmem>>, vector<16xi32>,
          %parallel_loop3A_527 = vector.bitcast %parallel_loop3A_526 : vector<16xi32> to vector<32xbf16>
          %parallel_loop3A_528 = arith.subf %parallel_loop3A_523, %parallel_loop3A_527 : vector<32xbf16>
          %parallel_loop3A_529 = tpu.unpack_subelements %parallel_loop3A_528, 0 {pack_format = #tpu.pack_format<interleaved>} : vector<32xbf16> -> vector<16xf32>
          %parallel_loop3A_530 = tpu.unpack_subelements %parallel_loop3A_528, 1 {pack_format = #tpu.pack_format<interleaved>} : vector<32xbf16> -> vector<16xf32>
          %parallel_loop3A_531 = arith.mulf %parallel_loop3A_529, %parallel_loop3A_529 : vector<16xf32>
          %parallel_loop3A_532 = arith.addf %parallel_loop3A_519, %parallel_loop3A_531 : vector<16xf32>
          %parallel_loop3A_533 = arith.mulf %parallel_loop3A_530, %parallel_loop3A_530 : vector<16xf32>
          %parallel_loop3A_534 = arith.addf %parallel_loop3A_532, %parallel_loop3A_533 : vector<16xf32>
          %parallel_loop3A_535 = arith.index_cast %parallel_loop3A_502 : i32 to index
          %parallel_loop3A_536 = arith.constant 32 : index
          %parallel_loop3A_537 = tpu.vector_load %arg20[%parallel_loop3A_535, %parallel_loop3A_536] {strides = array<i32>} : memref<128x64xi32, #tpu.memory_space<vmem>>, vector<16xi32>,
          %parallel_loop3A_538 = vector.bitcast %parallel_loop3A_537 : vector<16xi32> to vector<32xbf16>
          %parallel_loop3A_539 = arith.index_cast %parallel_loop3A_502 : i32 to index
          %parallel_loop3A_540 = arith.constant 32 : index
          %parallel_loop3A_541 = tpu.vector_load %arg21[%parallel_loop3A_539, %parallel_loop3A_540] {strides = array<i32>} : memref<128x64xi32, #tpu.memory_space<vmem>>, vector<16xi32>,
          %parallel_loop3A_542 = vector.bitcast %parallel_loop3A_541 : vector<16xi32> to vector<32xbf16>
          %parallel_loop3A_543 = arith.subf %parallel_loop3A_538, %parallel_loop3A_542 : vector<32xbf16>
          %parallel_loop3A_544 = tpu.unpack_subelements %parallel_loop3A_543, 0 {pack_format = #tpu.pack_format<interleaved>} : vector<32xbf16> -> vector<16xf32>
          %parallel_loop3A_545 = tpu.unpack_subelements %parallel_loop3A_543, 1 {pack_format = #tpu.pack_format<interleaved>} : vector<32xbf16> -> vector<16xf32>
          %parallel_loop3A_546 = arith.mulf %parallel_loop3A_544, %parallel_loop3A_544 : vector<16xf32>
          %parallel_loop3A_547 = arith.addf %parallel_loop3A_534, %parallel_loop3A_546 : vector<16xf32>
          %parallel_loop3A_548 = arith.mulf %parallel_loop3A_545, %parallel_loop3A_545 : vector<16xf32>
          %parallel_loop3A_549 = arith.addf %parallel_loop3A_547, %parallel_loop3A_548 : vector<16xf32>
          %parallel_loop3A_550 = arith.index_cast %parallel_loop3A_502 : i32 to index
          %parallel_loop3A_551 = arith.constant 48 : index
          %parallel_loop3A_552 = tpu.vector_load %arg20[%parallel_loop3A_550, %parallel_loop3A_551] {strides = array<i32>} : memref<128x64xi32, #tpu.memory_space<vmem>>, vector<16xi32>,
          %parallel_loop3A_553 = vector.bitcast %parallel_loop3A_552 : vector<16xi32> to vector<32xbf16>
          %parallel_loop3A_554 = arith.index_cast %parallel_loop3A_502 : i32 to index
          %parallel_loop3A_555 = arith.constant 48 : index
          %parallel_loop3A_556 = tpu.vector_load %arg21[%parallel_loop3A_554, %parallel_loop3A_555] {strides = array<i32>} : memref<128x64xi32, #tpu.memory_space<vmem>>, vector<16xi32>,
          %parallel_loop3A_557 = vector.bitcast %parallel_loop3A_556 : vector<16xi32> to vector<32xbf16>
          %parallel_loop3A_558 = arith.subf %parallel_loop3A_553, %parallel_loop3A_557 : vector<32xbf16>
          %parallel_loop3A_559 = tpu.unpack_subelements %parallel_loop3A_558, 0 {pack_format = #tpu.pack_format<interleaved>} : vector<32xbf16> -> vector<16xf32>
          %parallel_loop3A_560 = tpu.unpack_subelements %parallel_loop3A_558, 1 {pack_format = #tpu.pack_format<interleaved>} : vector<32xbf16> -> vector<16xf32>
          %parallel_loop3A_561 = arith.mulf %parallel_loop3A_559, %parallel_loop3A_559 : vector<16xf32>
          %parallel_loop3A_562 = arith.addf %parallel_loop3A_549, %parallel_loop3A_561 : vector<16xf32>
          %parallel_loop3A_563 = arith.mulf %parallel_loop3A_560, %parallel_loop3A_560 : vector<16xf32>
          %parallel_loop3A_564 = arith.addf %parallel_loop3A_562, %parallel_loop3A_563 : vector<16xf32>
          %parallel_loop3A_565 = vector.broadcast %parallel_loop3A_500 : i32 to vector<16xi32>
          %parallel_loop3A_566 = arith.cmpi eq, %iota3A, %parallel_loop3A_565 : vector<16xi32>
          %parallel_loop3A_567 = arith.constant true
          %parallel_loop3A_568 = vector.broadcast %parallel_loop3A_567 : i1 to vector<16xi1>
          %parallel_loop3A_569 = tpu.scan <sum>, %parallel_loop3A_564 masked %parallel_loop3A_568 : vector<16xf32>, vector<16xi1> -> vector<16xf32>
          %parallel_loop3A_570 = vector.extract %parallel_loop3A_569[15] : f32 from vector<16xf32>
          %parallel_loop3A_571 = vector.broadcast %parallel_loop3A_570 : f32 to vector<16xf32>
          %parallel_loop3A_572 = arith.select %parallel_loop3A_566, %parallel_loop3A_571, %parallel_loop3A_501 : vector<16xi1>, vector<16xf32>
          scf.yield %parallel_loop3A_572 : vector<16xf32>
        } {sc.loop_unroll_factor = 4 : i64, sc.parallel_access}
        %bitcast3A_464 = vector.bitcast %parallel_loop3A_463 : vector<16xf32> to vector<16xi32>
        %shift_right_arithmetic3A_465 = arith.constant 1 : i32
        %shift_right_arithmetic3A_466 = vector.broadcast %shift_right_arithmetic3A_465 : i32 to vector<16xi32>
        %shift_right_arithmetic3A_467 = arith.shrsi %bitcast3A_464, %shift_right_arithmetic3A_466 : vector<16xi32>
        %sub3A_468 = arith.constant 1597463007 : i32
        %sub3A_469 = vector.broadcast %sub3A_468 : i32 to vector<16xi32>
        %sub3A_470 = arith.subi %sub3A_469, %shift_right_arithmetic3A_467 : vector<16xi32>
        %bitcast3A_471 = vector.bitcast %sub3A_470 : vector<16xi32> to vector<16xf32>
        %mul3A_472 = arith.constant 5.000000e-01 : f32
        %mul3A_473 = vector.broadcast %mul3A_472 : f32 to vector<16xf32>
        %mul3A_474 = arith.mulf %parallel_loop3A_463, %mul3A_473 : vector<16xf32>
        %mul3A_475 = arith.mulf %mul3A_474, %bitcast3A_471 : vector<16xf32>
        %mul3A_476 = arith.mulf %mul3A_475, %bitcast3A_471 : vector<16xf32>
        %sub3A_477 = arith.constant 1.500000e+00 : f32
        %sub3A_478 = vector.broadcast %sub3A_477 : f32 to vector<16xf32>
        %sub3A_479 = arith.subf %sub3A_478, %mul3A_476 : vector<16xf32>
        %mul3A_480 = arith.mulf %bitcast3A_471, %sub3A_479 : vector<16xf32>
        %mul3A_481 = arith.mulf %mul3A_474, %mul3A_480 : vector<16xf32>
        %mul3A_482 = arith.mulf %mul3A_481, %mul3A_480 : vector<16xf32>
        %sub3A_483 = arith.constant 1.500000e+00 : f32
        %sub3A_484 = vector.broadcast %sub3A_483 : f32 to vector<16xf32>
        %sub3A_485 = arith.subf %sub3A_484, %mul3A_482 : vector<16xf32>
        %mul3A_486 = arith.mulf %mul3A_480, %sub3A_485 : vector<16xf32>
        %mul3A_487 = arith.mulf %mul3A_474, %mul3A_486 : vector<16xf32>
        %mul3A_488 = arith.mulf %mul3A_487, %mul3A_486 : vector<16xf32>
        %sub3A_489 = arith.constant 1.500000e+00 : f32
        %sub3A_490 = vector.broadcast %sub3A_489 : f32 to vector<16xf32>
        %sub3A_491 = arith.subf %sub3A_490, %mul3A_488 : vector<16xf32>
        %mul3A_492 = arith.mulf %mul3A_486, %sub3A_491 : vector<16xf32>
        %mul3A_493 = arith.mulf %parallel_loop3A_463, %mul3A_492 : vector<16xf32>
        %neg3A_494 = arith.constant 0.000000e+00 : f32
        %neg3A_495 = vector.broadcast %neg3A_494 : f32 to vector<16xf32>
        %neg3A_496 = arith.subf %neg3A_495, %mul3A_493 : vector<16xf32>
        %exp3A_497 = math.exp %neg3A_496 : vector<16xf32>
        %swap3A_498 = arith.index_cast %multiple_of3A_457 : i32 to index
        %swap3A_499 = tpu.vector_load %arg23[%swap3A_498] {strides = array<i32>} : memref<128xf32, #tpu.memory_space<vmem>>, vector<16xf32>,
        tpu.vector_store %arg23[%swap3A_498], %exp3A_497 {strides = array<i32>} : memref<128xf32, #tpu.memory_space<vmem>>, vector<16xf32>,
      }
      %scan3A_443 = arith.constant 8 : i32
      %mul3A_444 = arith.constant 128 : i32
      %mul3A_445 = arith.muli %add3A_433, %mul3A_444 : i32
      %add3A_446 = arith.addi %mul3A_2, %mul3A_445 : i32
      %multiple_of3A_447 = tpu.assume_multiple %add3A_446, 16 : i32
      %dma_start3A_448 = tpu.memref_slice %arg4[%multiple_of3A_447] : memref<320000xf32, #tpu.memory_space<hbm>> -> memref<128xf32, #tpu.memory_space<hbm>>
      %dma_start3A_449 = tpu.memref_slice %arg4[%multiple_of3A_447] : memref<320000xf32, #tpu.memory_space<hbm>> -> memref<128xf32, #tpu.memory_space<hbm>>
      tpu.enqueue_dma source(%arg23 : memref<128xf32, #tpu.memory_space<vmem>>) target(%dma_start3A_449 : memref<128xf32, #tpu.memory_space<hbm>>) target_semaphore(%arg34 : memref<!tpu.dma_semaphore, #tpu.memory_space<semaphore_mem>>)
    }
    %scan3A_185 = arith.constant 38 : i32
    %dma_wait3A_186 = arith.constant 0 : i32
    %dma_wait3A_187 = arith.constant 0 : i32
    %dma_wait3A_188 = tpu.memref_slice %arg3[%dma_wait3A_186, %dma_wait3A_187] : memref<2x320000xi32, #tpu.memory_space<hbm>> -> memref<1x128xi32, #tpu.memory_space<hbm>>
    %dma_wait3A_189 = tpu.memref_squeeze %dma_wait3A_188 : memref<1x128xi32, #tpu.memory_space<hbm>> -> memref<128xi32, #tpu.memory_space<hbm>>
    %dma_wait3A_190 = arith.constant 0 : i32
    %dma_wait3A_191 = tpu.memref_slice %arg3[%dma_wait3A_186, %dma_wait3A_190] : memref<2x320000xi32, #tpu.memory_space<hbm>> -> memref<1x128xi32, #tpu.memory_space<hbm>>
    %dma_wait3A_192 = tpu.memref_squeeze %dma_wait3A_191 : memref<1x128xi32, #tpu.memory_space<hbm>> -> memref<128xi32, #tpu.memory_space<hbm>>
    tpu.wait_dma2 semaphore(%arg30 : memref<!tpu.dma_semaphore, #tpu.memory_space<semaphore_mem>>) src(%dma_wait3A_192 : memref<128xi32, #tpu.memory_space<hbm>>) dst(%arg16 : memref<128xi32, #tpu.memory_space<vmem>>)
    %dma_wait3A_193 = arith.constant 1 : i32
    %dma_wait3A_194 = arith.constant 0 : i32
    %dma_wait3A_195 = tpu.memref_slice %arg3[%dma_wait3A_193, %dma_wait3A_194] : memref<2x320000xi32, #tpu.memory_space<hbm>> -> memref<1x128xi32, #tpu.memory_space<hbm>>
    %dma_wait3A_196 = tpu.memref_squeeze %dma_wait3A_195 : memref<1x128xi32, #tpu.memory_space<hbm>> -> memref<128xi32, #tpu.memory_space<hbm>>
    %dma_wait3A_197 = arith.constant 0 : i32
    %dma_wait3A_198 = tpu.memref_slice %arg3[%dma_wait3A_193, %dma_wait3A_197] : memref<2x320000xi32, #tpu.memory_space<hbm>> -> memref<1x128xi32, #tpu.memory_space<hbm>>
    %dma_wait3A_199 = tpu.memref_squeeze %dma_wait3A_198 : memref<1x128xi32, #tpu.memory_space<hbm>> -> memref<128xi32, #tpu.memory_space<hbm>>
    tpu.wait_dma2 semaphore(%arg30 : memref<!tpu.dma_semaphore, #tpu.memory_space<semaphore_mem>>) src(%dma_wait3A_199 : memref<128xi32, #tpu.memory_space<hbm>>) dst(%arg17 : memref<128xi32, #tpu.memory_space<vmem>>)
    %dma_start3A_200 = arith.constant 0 : i32
    %dma_start3A_201 = arith.constant 0 : i32
    %dma_start3A_202 = tpu.memref_slice %arg5[%dma_start3A_200, %dma_start3A_201] : memref<10000x64xi32, #tpu.memory_space<hbm>> -> memref<10000x64xi32, #tpu.memory_space<hbm>>
    tpu.enqueue_indirect_dma source(%dma_start3A_202 : memref<10000x64xi32, #tpu.memory_space<hbm>>) target(%arg20 : memref<128x64xi32, #tpu.memory_space<vmem>>) offsets(%arg16 : memref<128xi32, #tpu.memory_space<vmem>>) semaphore(%arg32 : memref<!tpu.dma_semaphore, #tpu.memory_space<semaphore_mem>>)
    %dma_start3A_203 = arith.constant 0 : i32
    %dma_start3A_204 = arith.constant 0 : i32
    %dma_start3A_205 = tpu.memref_slice %arg5[%dma_start3A_203, %dma_start3A_204] : memref<10000x64xi32, #tpu.memory_space<hbm>> -> memref<10000x64xi32, #tpu.memory_space<hbm>>
    tpu.enqueue_indirect_dma source(%dma_start3A_205 : memref<10000x64xi32, #tpu.memory_space<hbm>>) target(%arg21 : memref<128x64xi32, #tpu.memory_space<vmem>>) offsets(%arg17 : memref<128xi32, #tpu.memory_space<vmem>>) semaphore(%arg32 : memref<!tpu.dma_semaphore, #tpu.memory_space<semaphore_mem>>)
    %dma_wait3A_206 = arith.constant 0 : i32
    %dma_wait3A_207 = arith.constant 0 : i32
    %dma_wait3A_208 = tpu.memref_slice %arg5[%dma_wait3A_206, %dma_wait3A_207] : memref<10000x64xi32, #tpu.memory_space<hbm>> -> memref<10000x64xi32, #tpu.memory_space<hbm>>
    tpu.wait_indirect_dma semaphore(%arg31 : memref<!tpu.dma_semaphore, #tpu.memory_space<semaphore_mem>>) src(%dma_wait3A_208 : memref<10000x64xi32, #tpu.memory_space<hbm>>) dst(%arg18 : memref<128x64xi32, #tpu.memory_space<vmem>>)
    %dma_wait3A_209 = arith.constant 0 : i32
    %dma_wait3A_210 = arith.constant 0 : i32
    %dma_wait3A_211 = tpu.memref_slice %arg5[%dma_wait3A_209, %dma_wait3A_210] : memref<10000x64xi32, #tpu.memory_space<hbm>> -> memref<10000x64xi32, #tpu.memory_space<hbm>>
    tpu.wait_indirect_dma semaphore(%arg31 : memref<!tpu.dma_semaphore, #tpu.memory_space<semaphore_mem>>) src(%dma_wait3A_211 : memref<10000x64xi32, #tpu.memory_space<hbm>>) dst(%arg19 : memref<128x64xi32, #tpu.memory_space<vmem>>)
    %dma_wait3A_212 = arith.constant 0 : i32
    %dma_wait3A_213 = tpu.memref_slice %arg4[%dma_wait3A_212] : memref<320000xf32, #tpu.memory_space<hbm>> -> memref<128xf32, #tpu.memory_space<hbm>>
    %dma_wait3A_214 = arith.constant 0 : i32
    %dma_wait3A_215 = tpu.memref_slice %arg4[%dma_wait3A_214] : memref<320000xf32, #tpu.memory_space<hbm>> -> memref<128xf32, #tpu.memory_space<hbm>>
    tpu.wait_dma2 semaphore(%arg33 : memref<!tpu.dma_semaphore, #tpu.memory_space<semaphore_mem>>) src(%arg22 : memref<128xf32, #tpu.memory_space<vmem>>) dst(%dma_wait3A_215 : memref<128xf32, #tpu.memory_space<hbm>>)
    %scan3A_216 = arith.constant 0 : i32
    %scan3A_217 = arith.constant 8 : i32
    %scan3A_218 = arith.addi %scan3A_216, %scan3A_217 : i32
    %scan3A_219 = arith.constant 1 : i32
    scf.for %scan3A_328 = %scan3A_216 to %scan3A_218 step %scan3A_219  : i32 {
      %mul3A_329 = arith.constant 1 : i32
      %mul3A_330 = arith.muli %scan3A_328, %mul3A_329 : i32
      %add3A_331 = arith.constant 0 : i32
      %add3A_332 = arith.addi %add3A_331, %mul3A_330 : i32
      %mul3A_333 = arith.constant 16 : i32
      %mul3A_334 = arith.muli %add3A_332, %mul3A_333 : i32
      %multiple_of3A_335 = tpu.assume_multiple %mul3A_334, 16 : i32
      %broadcast_in_dim3A_336 = arith.constant 0.000000e+00 : f32
      %broadcast_in_dim3A_337 = vector.broadcast %broadcast_in_dim3A_336 : f32 to vector<16xf32>
      %parallel_loop3A_338 = arith.constant 0 : i32
      %parallel_loop3A_339 = arith.constant 16 : i32
      %parallel_loop3A_340 = arith.constant 1 : i32
      %parallel_loop3A_341 = scf.for %parallel_loop3A_378 = %parallel_loop3A_338 to %parallel_loop3A_339 step %parallel_loop3A_340 iter_args(%parallel_loop3A_379 = %broadcast_in_dim3A_337) -> (vector<16xf32>)  : i32 {
        %parallel_loop3A_380 = arith.addi %multiple_of3A_335, %parallel_loop3A_378 : i32
        %parallel_loop3A_381 = arith.constant 0.000000e+00 : f32
        %parallel_loop3A_382 = vector.broadcast %parallel_loop3A_381 : f32 to vector<16xf32>
        %parallel_loop3A_383 = arith.index_cast %parallel_loop3A_380 : i32 to index
        %parallel_loop3A_384 = arith.constant 0 : index
        %parallel_loop3A_385 = tpu.vector_load %arg18[%parallel_loop3A_383, %parallel_loop3A_384] {strides = array<i32>} : memref<128x64xi32, #tpu.memory_space<vmem>>, vector<16xi32>,
        %parallel_loop3A_386 = vector.bitcast %parallel_loop3A_385 : vector<16xi32> to vector<32xbf16>
        %parallel_loop3A_387 = arith.index_cast %parallel_loop3A_380 : i32 to index
        %parallel_loop3A_388 = arith.constant 0 : index
        %parallel_loop3A_389 = tpu.vector_load %arg19[%parallel_loop3A_387, %parallel_loop3A_388] {strides = array<i32>} : memref<128x64xi32, #tpu.memory_space<vmem>>, vector<16xi32>,
        %parallel_loop3A_390 = vector.bitcast %parallel_loop3A_389 : vector<16xi32> to vector<32xbf16>
        %parallel_loop3A_391 = arith.subf %parallel_loop3A_386, %parallel_loop3A_390 : vector<32xbf16>
        %parallel_loop3A_392 = tpu.unpack_subelements %parallel_loop3A_391, 0 {pack_format = #tpu.pack_format<interleaved>} : vector<32xbf16> -> vector<16xf32>
        %parallel_loop3A_393 = tpu.unpack_subelements %parallel_loop3A_391, 1 {pack_format = #tpu.pack_format<interleaved>} : vector<32xbf16> -> vector<16xf32>
        %parallel_loop3A_394 = arith.mulf %parallel_loop3A_392, %parallel_loop3A_392 : vector<16xf32>
        %parallel_loop3A_395 = arith.addf %parallel_loop3A_382, %parallel_loop3A_394 : vector<16xf32>
        %parallel_loop3A_396 = arith.mulf %parallel_loop3A_393, %parallel_loop3A_393 : vector<16xf32>
        %parallel_loop3A_397 = arith.addf %parallel_loop3A_395, %parallel_loop3A_396 : vector<16xf32>
        %parallel_loop3A_398 = arith.index_cast %parallel_loop3A_380 : i32 to index
        %parallel_loop3A_399 = arith.constant 16 : index
        %parallel_loop3A_400 = tpu.vector_load %arg18[%parallel_loop3A_398, %parallel_loop3A_399] {strides = array<i32>} : memref<128x64xi32, #tpu.memory_space<vmem>>, vector<16xi32>,
        %parallel_loop3A_401 = vector.bitcast %parallel_loop3A_400 : vector<16xi32> to vector<32xbf16>
        %parallel_loop3A_402 = arith.index_cast %parallel_loop3A_380 : i32 to index
        %parallel_loop3A_403 = arith.constant 16 : index
        %parallel_loop3A_404 = tpu.vector_load %arg19[%parallel_loop3A_402, %parallel_loop3A_403] {strides = array<i32>} : memref<128x64xi32, #tpu.memory_space<vmem>>, vector<16xi32>,
        %parallel_loop3A_405 = vector.bitcast %parallel_loop3A_404 : vector<16xi32> to vector<32xbf16>
        %parallel_loop3A_406 = arith.subf %parallel_loop3A_401, %parallel_loop3A_405 : vector<32xbf16>
        %parallel_loop3A_407 = tpu.unpack_subelements %parallel_loop3A_406, 0 {pack_format = #tpu.pack_format<interleaved>} : vector<32xbf16> -> vector<16xf32>
        %parallel_loop3A_408 = tpu.unpack_subelements %parallel_loop3A_406, 1 {pack_format = #tpu.pack_format<interleaved>} : vector<32xbf16> -> vector<16xf32>
        %parallel_loop3A_409 = arith.mulf %parallel_loop3A_407, %parallel_loop3A_407 : vector<16xf32>
        %parallel_loop3A_410 = arith.addf %parallel_loop3A_397, %parallel_loop3A_409 : vector<16xf32>
        %parallel_loop3A_411 = arith.mulf %parallel_loop3A_408, %parallel_loop3A_408 : vector<16xf32>
        %parallel_loop3A_412 = arith.addf %parallel_loop3A_410, %parallel_loop3A_411 : vector<16xf32>
        %parallel_loop3A_413 = arith.index_cast %parallel_loop3A_380 : i32 to index
        %parallel_loop3A_414 = arith.constant 32 : index
        %parallel_loop3A_415 = tpu.vector_load %arg18[%parallel_loop3A_413, %parallel_loop3A_414] {strides = array<i32>} : memref<128x64xi32, #tpu.memory_space<vmem>>, vector<16xi32>,
        %parallel_loop3A_416 = vector.bitcast %parallel_loop3A_415 : vector<16xi32> to vector<32xbf16>
        %parallel_loop3A_417 = arith.index_cast %parallel_loop3A_380 : i32 to index
        %parallel_loop3A_418 = arith.constant 32 : index
        %parallel_loop3A_419 = tpu.vector_load %arg19[%parallel_loop3A_417, %parallel_loop3A_418] {strides = array<i32>} : memref<128x64xi32, #tpu.memory_space<vmem>>, vector<16xi32>,
        %parallel_loop3A_420 = vector.bitcast %parallel_loop3A_419 : vector<16xi32> to vector<32xbf16>
        %parallel_loop3A_421 = arith.subf %parallel_loop3A_416, %parallel_loop3A_420 : vector<32xbf16>
        %parallel_loop3A_422 = tpu.unpack_subelements %parallel_loop3A_421, 0 {pack_format = #tpu.pack_format<interleaved>} : vector<32xbf16> -> vector<16xf32>
        %parallel_loop3A_423 = tpu.unpack_subelements %parallel_loop3A_421, 1 {pack_format = #tpu.pack_format<interleaved>} : vector<32xbf16> -> vector<16xf32>
        %parallel_loop3A_424 = arith.mulf %parallel_loop3A_422, %parallel_loop3A_422 : vector<16xf32>
        %parallel_loop3A_425 = arith.addf %parallel_loop3A_412, %parallel_loop3A_424 : vector<16xf32>
        %parallel_loop3A_426 = arith.mulf %parallel_loop3A_423, %parallel_loop3A_423 : vector<16xf32>
        %parallel_loop3A_427 = arith.addf %parallel_loop3A_425, %parallel_loop3A_426 : vector<16xf32>
        %parallel_loop3A_428 = arith.index_cast %parallel_loop3A_380 : i32 to index
        %parallel_loop3A_429 = arith.constant 48 : index
        %parallel_loop3A_430 = tpu.vector_load %arg18[%parallel_loop3A_428, %parallel_loop3A_429] {strides = array<i32>} : memref<128x64xi32, #tpu.memory_space<vmem>>, vector<16xi32>,
        %parallel_loop3A_431 = vector.bitcast %parallel_loop3A_430 : vector<16xi32> to vector<32xbf16>
        %parallel_loop3A_432 = arith.index_cast %parallel_loop3A_380 : i32 to index
        %parallel_loop3A_433 = arith.constant 48 : index
        %parallel_loop3A_434 = tpu.vector_load %arg19[%parallel_loop3A_432, %parallel_loop3A_433] {strides = array<i32>} : memref<128x64xi32, #tpu.memory_space<vmem>>, vector<16xi32>,
        %parallel_loop3A_435 = vector.bitcast %parallel_loop3A_434 : vector<16xi32> to vector<32xbf16>
        %parallel_loop3A_436 = arith.subf %parallel_loop3A_431, %parallel_loop3A_435 : vector<32xbf16>
        %parallel_loop3A_437 = tpu.unpack_subelements %parallel_loop3A_436, 0 {pack_format = #tpu.pack_format<interleaved>} : vector<32xbf16> -> vector<16xf32>
        %parallel_loop3A_438 = tpu.unpack_subelements %parallel_loop3A_436, 1 {pack_format = #tpu.pack_format<interleaved>} : vector<32xbf16> -> vector<16xf32>
        %parallel_loop3A_439 = arith.mulf %parallel_loop3A_437, %parallel_loop3A_437 : vector<16xf32>
        %parallel_loop3A_440 = arith.addf %parallel_loop3A_427, %parallel_loop3A_439 : vector<16xf32>
        %parallel_loop3A_441 = arith.mulf %parallel_loop3A_438, %parallel_loop3A_438 : vector<16xf32>
        %parallel_loop3A_442 = arith.addf %parallel_loop3A_440, %parallel_loop3A_441 : vector<16xf32>
        %parallel_loop3A_443 = vector.broadcast %parallel_loop3A_378 : i32 to vector<16xi32>
        %parallel_loop3A_444 = arith.cmpi eq, %iota3A, %parallel_loop3A_443 : vector<16xi32>
        %parallel_loop3A_445 = arith.constant true
        %parallel_loop3A_446 = vector.broadcast %parallel_loop3A_445 : i1 to vector<16xi1>
        %parallel_loop3A_447 = tpu.scan <sum>, %parallel_loop3A_442 masked %parallel_loop3A_446 : vector<16xf32>, vector<16xi1> -> vector<16xf32>
        %parallel_loop3A_448 = vector.extract %parallel_loop3A_447[15] : f32 from vector<16xf32>
        %parallel_loop3A_449 = vector.broadcast %parallel_loop3A_448 : f32 to vector<16xf32>
        %parallel_loop3A_450 = arith.select %parallel_loop3A_444, %parallel_loop3A_449, %parallel_loop3A_379 : vector<16xi1>, vector<16xf32>
        scf.yield %parallel_loop3A_450 : vector<16xf32>
      } {sc.loop_unroll_factor = 4 : i64, sc.parallel_access}
      %bitcast3A_342 = vector.bitcast %parallel_loop3A_341 : vector<16xf32> to vector<16xi32>
      %shift_right_arithmetic3A_343 = arith.constant 1 : i32
      %shift_right_arithmetic3A_344 = vector.broadcast %shift_right_arithmetic3A_343 : i32 to vector<16xi32>
      %shift_right_arithmetic3A_345 = arith.shrsi %bitcast3A_342, %shift_right_arithmetic3A_344 : vector<16xi32>
      %sub3A_346 = arith.constant 1597463007 : i32
      %sub3A_347 = vector.broadcast %sub3A_346 : i32 to vector<16xi32>
      %sub3A_348 = arith.subi %sub3A_347, %shift_right_arithmetic3A_345 : vector<16xi32>
      %bitcast3A_349 = vector.bitcast %sub3A_348 : vector<16xi32> to vector<16xf32>
      %mul3A_350 = arith.constant 5.000000e-01 : f32
      %mul3A_351 = vector.broadcast %mul3A_350 : f32 to vector<16xf32>
      %mul3A_352 = arith.mulf %parallel_loop3A_341, %mul3A_351 : vector<16xf32>
      %mul3A_353 = arith.mulf %mul3A_352, %bitcast3A_349 : vector<16xf32>
      %mul3A_354 = arith.mulf %mul3A_353, %bitcast3A_349 : vector<16xf32>
      %sub3A_355 = arith.constant 1.500000e+00 : f32
      %sub3A_356 = vector.broadcast %sub3A_355 : f32 to vector<16xf32>
      %sub3A_357 = arith.subf %sub3A_356, %mul3A_354 : vector<16xf32>
      %mul3A_358 = arith.mulf %bitcast3A_349, %sub3A_357 : vector<16xf32>
      %mul3A_359 = arith.mulf %mul3A_352, %mul3A_358 : vector<16xf32>
      %mul3A_360 = arith.mulf %mul3A_359, %mul3A_358 : vector<16xf32>
      %sub3A_361 = arith.constant 1.500000e+00 : f32
      %sub3A_362 = vector.broadcast %sub3A_361 : f32 to vector<16xf32>
      %sub3A_363 = arith.subf %sub3A_362, %mul3A_360 : vector<16xf32>
      %mul3A_364 = arith.mulf %mul3A_358, %sub3A_363 : vector<16xf32>
      %mul3A_365 = arith.mulf %mul3A_352, %mul3A_364 : vector<16xf32>
      %mul3A_366 = arith.mulf %mul3A_365, %mul3A_364 : vector<16xf32>
      %sub3A_367 = arith.constant 1.500000e+00 : f32
      %sub3A_368 = vector.broadcast %sub3A_367 : f32 to vector<16xf32>
      %sub3A_369 = arith.subf %sub3A_368, %mul3A_366 : vector<16xf32>
      %mul3A_370 = arith.mulf %mul3A_364, %sub3A_369 : vector<16xf32>
      %mul3A_371 = arith.mulf %parallel_loop3A_341, %mul3A_370 : vector<16xf32>
      %neg3A_372 = arith.constant 0.000000e+00 : f32
      %neg3A_373 = vector.broadcast %neg3A_372 : f32 to vector<16xf32>
      %neg3A_374 = arith.subf %neg3A_373, %mul3A_371 : vector<16xf32>
      %exp3A_375 = math.exp %neg3A_374 : vector<16xf32>
      %swap3A_376 = arith.index_cast %multiple_of3A_335 : i32 to index
      %swap3A_377 = tpu.vector_load %arg22[%swap3A_376] {strides = array<i32>} : memref<128xf32, #tpu.memory_space<vmem>>, vector<16xf32>,
      tpu.vector_store %arg22[%swap3A_376], %exp3A_375 {strides = array<i32>} : memref<128xf32, #tpu.memory_space<vmem>>, vector<16xf32>,
    }
    %scan3A_220 = arith.constant 8 : i32
    %add3A_221 = arith.constant 9728 : i32
    %add3A_222 = arith.addi %mul3A_2, %add3A_221 : i32
    %multiple_of3A_223 = tpu.assume_multiple %add3A_222, 16 : i32
    %dma_start3A_224 = tpu.memref_slice %arg4[%multiple_of3A_223] : memref<320000xf32, #tpu.memory_space<hbm>> -> memref<128xf32, #tpu.memory_space<hbm>>
    %dma_start3A_225 = tpu.memref_slice %arg4[%multiple_of3A_223] : memref<320000xf32, #tpu.memory_space<hbm>> -> memref<128xf32, #tpu.memory_space<hbm>>
    tpu.enqueue_dma source(%arg22 : memref<128xf32, #tpu.memory_space<vmem>>) target(%dma_start3A_225 : memref<128xf32, #tpu.memory_space<hbm>>) target_semaphore(%arg33 : memref<!tpu.dma_semaphore, #tpu.memory_space<semaphore_mem>>)
    %dma_wait3A_226 = arith.constant 0 : i32
    %dma_wait3A_227 = arith.constant 0 : i32
    %dma_wait3A_228 = tpu.memref_slice %arg5[%dma_wait3A_226, %dma_wait3A_227] : memref<10000x64xi32, #tpu.memory_space<hbm>> -> memref<10000x64xi32, #tpu.memory_space<hbm>>
    tpu.wait_indirect_dma semaphore(%arg32 : memref<!tpu.dma_semaphore, #tpu.memory_space<semaphore_mem>>) src(%dma_wait3A_228 : memref<10000x64xi32, #tpu.memory_space<hbm>>) dst(%arg20 : memref<128x64xi32, #tpu.memory_space<vmem>>)
    %dma_wait3A_229 = arith.constant 0 : i32
    %dma_wait3A_230 = arith.constant 0 : i32
    %dma_wait3A_231 = tpu.memref_slice %arg5[%dma_wait3A_229, %dma_wait3A_230] : memref<10000x64xi32, #tpu.memory_space<hbm>> -> memref<10000x64xi32, #tpu.memory_space<hbm>>
    tpu.wait_indirect_dma semaphore(%arg32 : memref<!tpu.dma_semaphore, #tpu.memory_space<semaphore_mem>>) src(%dma_wait3A_231 : memref<10000x64xi32, #tpu.memory_space<hbm>>) dst(%arg21 : memref<128x64xi32, #tpu.memory_space<vmem>>)
    %dma_wait3A_232 = arith.constant 0 : i32
    %dma_wait3A_233 = tpu.memref_slice %arg4[%dma_wait3A_232] : memref<320000xf32, #tpu.memory_space<hbm>> -> memref<128xf32, #tpu.memory_space<hbm>>
    %dma_wait3A_234 = arith.constant 0 : i32
    %dma_wait3A_235 = tpu.memref_slice %arg4[%dma_wait3A_234] : memref<320000xf32, #tpu.memory_space<hbm>> -> memref<128xf32, #tpu.memory_space<hbm>>
    tpu.wait_dma2 semaphore(%arg34 : memref<!tpu.dma_semaphore, #tpu.memory_space<semaphore_mem>>) src(%arg23 : memref<128xf32, #tpu.memory_space<vmem>>) dst(%dma_wait3A_235 : memref<128xf32, #tpu.memory_space<hbm>>)
    %scan3A_236 = arith.constant 0 : i32
    %scan3A_237 = arith.constant 8 : i32
    %scan3A_238 = arith.addi %scan3A_236, %scan3A_237 : i32
    %scan3A_239 = arith.constant 1 : i32
    scf.for %scan3A_328 = %scan3A_236 to %scan3A_238 step %scan3A_239  : i32 {
      %mul3A_329 = arith.constant 1 : i32
      %mul3A_330 = arith.muli %scan3A_328, %mul3A_329 : i32
      %add3A_331 = arith.constant 0 : i32
      %add3A_332 = arith.addi %add3A_331, %mul3A_330 : i32
      %mul3A_333 = arith.constant 16 : i32
      %mul3A_334 = arith.muli %add3A_332, %mul3A_333 : i32
      %multiple_of3A_335 = tpu.assume_multiple %mul3A_334, 16 : i32
      %broadcast_in_dim3A_336 = arith.constant 0.000000e+00 : f32
      %broadcast_in_dim3A_337 = vector.broadcast %broadcast_in_dim3A_336 : f32 to vector<16xf32>
      %parallel_loop3A_338 = arith.constant 0 : i32
      %parallel_loop3A_339 = arith.constant 16 : i32
      %parallel_loop3A_340 = arith.constant 1 : i32
      %parallel_loop3A_341 = scf.for %parallel_loop3A_378 = %parallel_loop3A_338 to %parallel_loop3A_339 step %parallel_loop3A_340 iter_args(%parallel_loop3A_379 = %broadcast_in_dim3A_337) -> (vector<16xf32>)  : i32 {
        %parallel_loop3A_380 = arith.addi %multiple_of3A_335, %parallel_loop3A_378 : i32
        %parallel_loop3A_381 = arith.constant 0.000000e+00 : f32
        %parallel_loop3A_382 = vector.broadcast %parallel_loop3A_381 : f32 to vector<16xf32>
        %parallel_loop3A_383 = arith.index_cast %parallel_loop3A_380 : i32 to index
        %parallel_loop3A_384 = arith.constant 0 : index
        %parallel_loop3A_385 = tpu.vector_load %arg20[%parallel_loop3A_383, %parallel_loop3A_384] {strides = array<i32>} : memref<128x64xi32, #tpu.memory_space<vmem>>, vector<16xi32>,
        %parallel_loop3A_386 = vector.bitcast %parallel_loop3A_385 : vector<16xi32> to vector<32xbf16>
        %parallel_loop3A_387 = arith.index_cast %parallel_loop3A_380 : i32 to index
        %parallel_loop3A_388 = arith.constant 0 : index
        %parallel_loop3A_389 = tpu.vector_load %arg21[%parallel_loop3A_387, %parallel_loop3A_388] {strides = array<i32>} : memref<128x64xi32, #tpu.memory_space<vmem>>, vector<16xi32>,
        %parallel_loop3A_390 = vector.bitcast %parallel_loop3A_389 : vector<16xi32> to vector<32xbf16>
        %parallel_loop3A_391 = arith.subf %parallel_loop3A_386, %parallel_loop3A_390 : vector<32xbf16>
        %parallel_loop3A_392 = tpu.unpack_subelements %parallel_loop3A_391, 0 {pack_format = #tpu.pack_format<interleaved>} : vector<32xbf16> -> vector<16xf32>
        %parallel_loop3A_393 = tpu.unpack_subelements %parallel_loop3A_391, 1 {pack_format = #tpu.pack_format<interleaved>} : vector<32xbf16> -> vector<16xf32>
        %parallel_loop3A_394 = arith.mulf %parallel_loop3A_392, %parallel_loop3A_392 : vector<16xf32>
        %parallel_loop3A_395 = arith.addf %parallel_loop3A_382, %parallel_loop3A_394 : vector<16xf32>
        %parallel_loop3A_396 = arith.mulf %parallel_loop3A_393, %parallel_loop3A_393 : vector<16xf32>
        %parallel_loop3A_397 = arith.addf %parallel_loop3A_395, %parallel_loop3A_396 : vector<16xf32>
        %parallel_loop3A_398 = arith.index_cast %parallel_loop3A_380 : i32 to index
        %parallel_loop3A_399 = arith.constant 16 : index
        %parallel_loop3A_400 = tpu.vector_load %arg20[%parallel_loop3A_398, %parallel_loop3A_399] {strides = array<i32>} : memref<128x64xi32, #tpu.memory_space<vmem>>, vector<16xi32>,
        %parallel_loop3A_401 = vector.bitcast %parallel_loop3A_400 : vector<16xi32> to vector<32xbf16>
        %parallel_loop3A_402 = arith.index_cast %parallel_loop3A_380 : i32 to index
        %parallel_loop3A_403 = arith.constant 16 : index
        %parallel_loop3A_404 = tpu.vector_load %arg21[%parallel_loop3A_402, %parallel_loop3A_403] {strides = array<i32>} : memref<128x64xi32, #tpu.memory_space<vmem>>, vector<16xi32>,
        %parallel_loop3A_405 = vector.bitcast %parallel_loop3A_404 : vector<16xi32> to vector<32xbf16>
        %parallel_loop3A_406 = arith.subf %parallel_loop3A_401, %parallel_loop3A_405 : vector<32xbf16>
        %parallel_loop3A_407 = tpu.unpack_subelements %parallel_loop3A_406, 0 {pack_format = #tpu.pack_format<interleaved>} : vector<32xbf16> -> vector<16xf32>
        %parallel_loop3A_408 = tpu.unpack_subelements %parallel_loop3A_406, 1 {pack_format = #tpu.pack_format<interleaved>} : vector<32xbf16> -> vector<16xf32>
        %parallel_loop3A_409 = arith.mulf %parallel_loop3A_407, %parallel_loop3A_407 : vector<16xf32>
        %parallel_loop3A_410 = arith.addf %parallel_loop3A_397, %parallel_loop3A_409 : vector<16xf32>
        %parallel_loop3A_411 = arith.mulf %parallel_loop3A_408, %parallel_loop3A_408 : vector<16xf32>
        %parallel_loop3A_412 = arith.addf %parallel_loop3A_410, %parallel_loop3A_411 : vector<16xf32>
        %parallel_loop3A_413 = arith.index_cast %parallel_loop3A_380 : i32 to index
        %parallel_loop3A_414 = arith.constant 32 : index
        %parallel_loop3A_415 = tpu.vector_load %arg20[%parallel_loop3A_413, %parallel_loop3A_414] {strides = array<i32>} : memref<128x64xi32, #tpu.memory_space<vmem>>, vector<16xi32>,
        %parallel_loop3A_416 = vector.bitcast %parallel_loop3A_415 : vector<16xi32> to vector<32xbf16>
        %parallel_loop3A_417 = arith.index_cast %parallel_loop3A_380 : i32 to index
        %parallel_loop3A_418 = arith.constant 32 : index
        %parallel_loop3A_419 = tpu.vector_load %arg21[%parallel_loop3A_417, %parallel_loop3A_418] {strides = array<i32>} : memref<128x64xi32, #tpu.memory_space<vmem>>, vector<16xi32>,
        %parallel_loop3A_420 = vector.bitcast %parallel_loop3A_419 : vector<16xi32> to vector<32xbf16>
        %parallel_loop3A_421 = arith.subf %parallel_loop3A_416, %parallel_loop3A_420 : vector<32xbf16>
        %parallel_loop3A_422 = tpu.unpack_subelements %parallel_loop3A_421, 0 {pack_format = #tpu.pack_format<interleaved>} : vector<32xbf16> -> vector<16xf32>
        %parallel_loop3A_423 = tpu.unpack_subelements %parallel_loop3A_421, 1 {pack_format = #tpu.pack_format<interleaved>} : vector<32xbf16> -> vector<16xf32>
        %parallel_loop3A_424 = arith.mulf %parallel_loop3A_422, %parallel_loop3A_422 : vector<16xf32>
        %parallel_loop3A_425 = arith.addf %parallel_loop3A_412, %parallel_loop3A_424 : vector<16xf32>
        %parallel_loop3A_426 = arith.mulf %parallel_loop3A_423, %parallel_loop3A_423 : vector<16xf32>
        %parallel_loop3A_427 = arith.addf %parallel_loop3A_425, %parallel_loop3A_426 : vector<16xf32>
        %parallel_loop3A_428 = arith.index_cast %parallel_loop3A_380 : i32 to index
        %parallel_loop3A_429 = arith.constant 48 : index
        %parallel_loop3A_430 = tpu.vector_load %arg20[%parallel_loop3A_428, %parallel_loop3A_429] {strides = array<i32>} : memref<128x64xi32, #tpu.memory_space<vmem>>, vector<16xi32>,
        %parallel_loop3A_431 = vector.bitcast %parallel_loop3A_430 : vector<16xi32> to vector<32xbf16>
        %parallel_loop3A_432 = arith.index_cast %parallel_loop3A_380 : i32 to index
        %parallel_loop3A_433 = arith.constant 48 : index
        %parallel_loop3A_434 = tpu.vector_load %arg21[%parallel_loop3A_432, %parallel_loop3A_433] {strides = array<i32>} : memref<128x64xi32, #tpu.memory_space<vmem>>, vector<16xi32>,
        %parallel_loop3A_435 = vector.bitcast %parallel_loop3A_434 : vector<16xi32> to vector<32xbf16>
        %parallel_loop3A_436 = arith.subf %parallel_loop3A_431, %parallel_loop3A_435 : vector<32xbf16>
        %parallel_loop3A_437 = tpu.unpack_subelements %parallel_loop3A_436, 0 {pack_format = #tpu.pack_format<interleaved>} : vector<32xbf16> -> vector<16xf32>
        %parallel_loop3A_438 = tpu.unpack_subelements %parallel_loop3A_436, 1 {pack_format = #tpu.pack_format<interleaved>} : vector<32xbf16> -> vector<16xf32>
        %parallel_loop3A_439 = arith.mulf %parallel_loop3A_437, %parallel_loop3A_437 : vector<16xf32>
        %parallel_loop3A_440 = arith.addf %parallel_loop3A_427, %parallel_loop3A_439 : vector<16xf32>
        %parallel_loop3A_441 = arith.mulf %parallel_loop3A_438, %parallel_loop3A_438 : vector<16xf32>
        %parallel_loop3A_442 = arith.addf %parallel_loop3A_440, %parallel_loop3A_441 : vector<16xf32>
        %parallel_loop3A_443 = vector.broadcast %parallel_loop3A_378 : i32 to vector<16xi32>
        %parallel_loop3A_444 = arith.cmpi eq, %iota3A, %parallel_loop3A_443 : vector<16xi32>
        %parallel_loop3A_445 = arith.constant true
        %parallel_loop3A_446 = vector.broadcast %parallel_loop3A_445 : i1 to vector<16xi1>
        %parallel_loop3A_447 = tpu.scan <sum>, %parallel_loop3A_442 masked %parallel_loop3A_446 : vector<16xf32>, vector<16xi1> -> vector<16xf32>
        %parallel_loop3A_448 = vector.extract %parallel_loop3A_447[15] : f32 from vector<16xf32>
        %parallel_loop3A_449 = vector.broadcast %parallel_loop3A_448 : f32 to vector<16xf32>
        %parallel_loop3A_450 = arith.select %parallel_loop3A_444, %parallel_loop3A_449, %parallel_loop3A_379 : vector<16xi1>, vector<16xf32>
        scf.yield %parallel_loop3A_450 : vector<16xf32>
      } {sc.loop_unroll_factor = 4 : i64, sc.parallel_access}
      %bitcast3A_342 = vector.bitcast %parallel_loop3A_341 : vector<16xf32> to vector<16xi32>
      %shift_right_arithmetic3A_343 = arith.constant 1 : i32
      %shift_right_arithmetic3A_344 = vector.broadcast %shift_right_arithmetic3A_343 : i32 to vector<16xi32>
      %shift_right_arithmetic3A_345 = arith.shrsi %bitcast3A_342, %shift_right_arithmetic3A_344 : vector<16xi32>
      %sub3A_346 = arith.constant 1597463007 : i32
      %sub3A_347 = vector.broadcast %sub3A_346 : i32 to vector<16xi32>
      %sub3A_348 = arith.subi %sub3A_347, %shift_right_arithmetic3A_345 : vector<16xi32>
      %bitcast3A_349 = vector.bitcast %sub3A_348 : vector<16xi32> to vector<16xf32>
      %mul3A_350 = arith.constant 5.000000e-01 : f32
      %mul3A_351 = vector.broadcast %mul3A_350 : f32 to vector<16xf32>
      %mul3A_352 = arith.mulf %parallel_loop3A_341, %mul3A_351 : vector<16xf32>
      %mul3A_353 = arith.mulf %mul3A_352, %bitcast3A_349 : vector<16xf32>
      %mul3A_354 = arith.mulf %mul3A_353, %bitcast3A_349 : vector<16xf32>
      %sub3A_355 = arith.constant 1.500000e+00 : f32
      %sub3A_356 = vector.broadcast %sub3A_355 : f32 to vector<16xf32>
      %sub3A_357 = arith.subf %sub3A_356, %mul3A_354 : vector<16xf32>
      %mul3A_358 = arith.mulf %bitcast3A_349, %sub3A_357 : vector<16xf32>
      %mul3A_359 = arith.mulf %mul3A_352, %mul3A_358 : vector<16xf32>
      %mul3A_360 = arith.mulf %mul3A_359, %mul3A_358 : vector<16xf32>
      %sub3A_361 = arith.constant 1.500000e+00 : f32
      %sub3A_362 = vector.broadcast %sub3A_361 : f32 to vector<16xf32>
      %sub3A_363 = arith.subf %sub3A_362, %mul3A_360 : vector<16xf32>
      %mul3A_364 = arith.mulf %mul3A_358, %sub3A_363 : vector<16xf32>
      %mul3A_365 = arith.mulf %mul3A_352, %mul3A_364 : vector<16xf32>
      %mul3A_366 = arith.mulf %mul3A_365, %mul3A_364 : vector<16xf32>
      %sub3A_367 = arith.constant 1.500000e+00 : f32
      %sub3A_368 = vector.broadcast %sub3A_367 : f32 to vector<16xf32>
      %sub3A_369 = arith.subf %sub3A_368, %mul3A_366 : vector<16xf32>
      %mul3A_370 = arith.mulf %mul3A_364, %sub3A_369 : vector<16xf32>
      %mul3A_371 = arith.mulf %parallel_loop3A_341, %mul3A_370 : vector<16xf32>
      %neg3A_372 = arith.constant 0.000000e+00 : f32
      %neg3A_373 = vector.broadcast %neg3A_372 : f32 to vector<16xf32>
      %neg3A_374 = arith.subf %neg3A_373, %mul3A_371 : vector<16xf32>
      %exp3A_375 = math.exp %neg3A_374 : vector<16xf32>
      %swap3A_376 = arith.index_cast %multiple_of3A_335 : i32 to index
      %swap3A_377 = tpu.vector_load %arg23[%swap3A_376] {strides = array<i32>} : memref<128xf32, #tpu.memory_space<vmem>>, vector<16xf32>,
      tpu.vector_store %arg23[%swap3A_376], %exp3A_375 {strides = array<i32>} : memref<128xf32, #tpu.memory_space<vmem>>, vector<16xf32>,
    }
    %scan3A_240 = arith.constant 8 : i32
    %add3A_241 = arith.constant 9856 : i32
    %add3A_242 = arith.addi %mul3A_2, %add3A_241 : i32
    %multiple_of3A_243 = tpu.assume_multiple %add3A_242, 16 : i32
    %dma_start3A_244 = tpu.memref_slice %arg4[%multiple_of3A_243] : memref<320000xf32, #tpu.memory_space<hbm>> -> memref<128xf32, #tpu.memory_space<hbm>>
    %dma_start3A_245 = tpu.memref_slice %arg4[%multiple_of3A_243] : memref<320000xf32, #tpu.memory_space<hbm>> -> memref<128xf32, #tpu.memory_space<hbm>>
    tpu.enqueue_dma source(%arg23 : memref<128xf32, #tpu.memory_space<vmem>>) target(%dma_start3A_245 : memref<128xf32, #tpu.memory_space<hbm>>) target_semaphore(%arg34 : memref<!tpu.dma_semaphore, #tpu.memory_space<semaphore_mem>>)
    %add3A_246 = arith.constant 9984 : i32
    %add3A_247 = arith.addi %mul3A_2, %add3A_246 : i32
    %multiple_of3A_248 = tpu.assume_multiple %add3A_247, 16 : i32
    %dma_start3A_249 = arith.constant 0 : i32
    %dma_start3A_250 = tpu.memref_slice %arg3[%dma_start3A_249, %multiple_of3A_248] : memref<2x320000xi32, #tpu.memory_space<hbm>> -> memref<1x16xi32, #tpu.memory_space<hbm>>
    %dma_start3A_251 = tpu.memref_squeeze %dma_start3A_250 : memref<1x16xi32, #tpu.memory_space<hbm>> -> memref<16xi32, #tpu.memory_space<hbm>>
    %dma_start3A_252 = tpu.memref_slice %arg3[%dma_start3A_249, %multiple_of3A_248] : memref<2x320000xi32, #tpu.memory_space<hbm>> -> memref<1x16xi32, #tpu.memory_space<hbm>>
    %dma_start3A_253 = tpu.memref_squeeze %dma_start3A_252 : memref<1x16xi32, #tpu.memory_space<hbm>> -> memref<16xi32, #tpu.memory_space<hbm>>
    tpu.enqueue_dma source(%dma_start3A_253 : memref<16xi32, #tpu.memory_space<hbm>>) target(%arg24 : memref<16xi32, #tpu.memory_space<vmem>>) target_semaphore(%arg29 : memref<!tpu.dma_semaphore, #tpu.memory_space<semaphore_mem>>)
    %dma_start3A_254 = arith.constant 1 : i32
    %dma_start3A_255 = tpu.memref_slice %arg3[%dma_start3A_254, %multiple_of3A_248] : memref<2x320000xi32, #tpu.memory_space<hbm>> -> memref<1x16xi32, #tpu.memory_space<hbm>>
    %dma_start3A_256 = tpu.memref_squeeze %dma_start3A_255 : memref<1x16xi32, #tpu.memory_space<hbm>> -> memref<16xi32, #tpu.memory_space<hbm>>
    %dma_start3A_257 = tpu.memref_slice %arg3[%dma_start3A_254, %multiple_of3A_248] : memref<2x320000xi32, #tpu.memory_space<hbm>> -> memref<1x16xi32, #tpu.memory_space<hbm>>
    %dma_start3A_258 = tpu.memref_squeeze %dma_start3A_257 : memref<1x16xi32, #tpu.memory_space<hbm>> -> memref<16xi32, #tpu.memory_space<hbm>>
    tpu.enqueue_dma source(%dma_start3A_258 : memref<16xi32, #tpu.memory_space<hbm>>) target(%arg25 : memref<16xi32, #tpu.memory_space<vmem>>) target_semaphore(%arg29 : memref<!tpu.dma_semaphore, #tpu.memory_space<semaphore_mem>>)
    %dma_wait3A_259 = arith.constant 0 : i32
    %dma_wait3A_260 = arith.constant 0 : i32
    %dma_wait3A_261 = tpu.memref_slice %arg3[%dma_wait3A_259, %dma_wait3A_260] : memref<2x320000xi32, #tpu.memory_space<hbm>> -> memref<1x16xi32, #tpu.memory_space<hbm>>
    %dma_wait3A_262 = tpu.memref_squeeze %dma_wait3A_261 : memref<1x16xi32, #tpu.memory_space<hbm>> -> memref<16xi32, #tpu.memory_space<hbm>>
    %dma_wait3A_263 = arith.constant 0 : i32
    %dma_wait3A_264 = tpu.memref_slice %arg3[%dma_wait3A_259, %dma_wait3A_263] : memref<2x320000xi32, #tpu.memory_space<hbm>> -> memref<1x16xi32, #tpu.memory_space<hbm>>
    %dma_wait3A_265 = tpu.memref_squeeze %dma_wait3A_264 : memref<1x16xi32, #tpu.memory_space<hbm>> -> memref<16xi32, #tpu.memory_space<hbm>>
    tpu.wait_dma2 semaphore(%arg29 : memref<!tpu.dma_semaphore, #tpu.memory_space<semaphore_mem>>) src(%dma_wait3A_265 : memref<16xi32, #tpu.memory_space<hbm>>) dst(%arg24 : memref<16xi32, #tpu.memory_space<vmem>>)
    %dma_wait3A_266 = arith.constant 1 : i32
    %dma_wait3A_267 = arith.constant 0 : i32
    %dma_wait3A_268 = tpu.memref_slice %arg3[%dma_wait3A_266, %dma_wait3A_267] : memref<2x320000xi32, #tpu.memory_space<hbm>> -> memref<1x16xi32, #tpu.memory_space<hbm>>
    %dma_wait3A_269 = tpu.memref_squeeze %dma_wait3A_268 : memref<1x16xi32, #tpu.memory_space<hbm>> -> memref<16xi32, #tpu.memory_space<hbm>>
    %dma_wait3A_270 = arith.constant 0 : i32
    %dma_wait3A_271 = tpu.memref_slice %arg3[%dma_wait3A_266, %dma_wait3A_270] : memref<2x320000xi32, #tpu.memory_space<hbm>> -> memref<1x16xi32, #tpu.memory_space<hbm>>
    %dma_wait3A_272 = tpu.memref_squeeze %dma_wait3A_271 : memref<1x16xi32, #tpu.memory_space<hbm>> -> memref<16xi32, #tpu.memory_space<hbm>>
    tpu.wait_dma2 semaphore(%arg29 : memref<!tpu.dma_semaphore, #tpu.memory_space<semaphore_mem>>) src(%dma_wait3A_272 : memref<16xi32, #tpu.memory_space<hbm>>) dst(%arg25 : memref<16xi32, #tpu.memory_space<vmem>>)
    %dma_start3A_273 = arith.constant 0 : i32
    %dma_start3A_274 = arith.constant 0 : i32
    %dma_start3A_275 = tpu.memref_slice %arg5[%dma_start3A_273, %dma_start3A_274] : memref<10000x64xi32, #tpu.memory_space<hbm>> -> memref<10000x64xi32, #tpu.memory_space<hbm>>
    tpu.enqueue_indirect_dma source(%dma_start3A_275 : memref<10000x64xi32, #tpu.memory_space<hbm>>) target(%arg26 : memref<16x64xi32, #tpu.memory_space<vmem>>) offsets(%arg24 : memref<16xi32, #tpu.memory_space<vmem>>) semaphore(%arg31 : memref<!tpu.dma_semaphore, #tpu.memory_space<semaphore_mem>>)
    %dma_start3A_276 = arith.constant 0 : i32
    %dma_start3A_277 = arith.constant 0 : i32
    %dma_start3A_278 = tpu.memref_slice %arg5[%dma_start3A_276, %dma_start3A_277] : memref<10000x64xi32, #tpu.memory_space<hbm>> -> memref<10000x64xi32, #tpu.memory_space<hbm>>
    tpu.enqueue_indirect_dma source(%dma_start3A_278 : memref<10000x64xi32, #tpu.memory_space<hbm>>) target(%arg27 : memref<16x64xi32, #tpu.memory_space<vmem>>) offsets(%arg25 : memref<16xi32, #tpu.memory_space<vmem>>) semaphore(%arg31 : memref<!tpu.dma_semaphore, #tpu.memory_space<semaphore_mem>>)
    %dma_wait3A_279 = arith.constant 0 : i32
    %dma_wait3A_280 = arith.constant 0 : i32
    %dma_wait3A_281 = tpu.memref_slice %arg5[%dma_wait3A_279, %dma_wait3A_280] : memref<10000x64xi32, #tpu.memory_space<hbm>> -> memref<10000x64xi32, #tpu.memory_space<hbm>>
    tpu.wait_indirect_dma semaphore(%arg31 : memref<!tpu.dma_semaphore, #tpu.memory_space<semaphore_mem>>) src(%dma_wait3A_281 : memref<10000x64xi32, #tpu.memory_space<hbm>>) dst(%arg26 : memref<16x64xi32, #tpu.memory_space<vmem>>)
    %dma_wait3A_282 = arith.constant 0 : i32
    %dma_wait3A_283 = arith.constant 0 : i32
    %dma_wait3A_284 = tpu.memref_slice %arg5[%dma_wait3A_282, %dma_wait3A_283] : memref<10000x64xi32, #tpu.memory_space<hbm>> -> memref<10000x64xi32, #tpu.memory_space<hbm>>
    tpu.wait_indirect_dma semaphore(%arg31 : memref<!tpu.dma_semaphore, #tpu.memory_space<semaphore_mem>>) src(%dma_wait3A_284 : memref<10000x64xi32, #tpu.memory_space<hbm>>) dst(%arg27 : memref<16x64xi32, #tpu.memory_space<vmem>>)
    %broadcast_in_dim3A = arith.constant 0.000000e+00 : f32
    %broadcast_in_dim3A_285 = vector.broadcast %broadcast_in_dim3A : f32 to vector<16xf32>
    %parallel_loop3A_286 = arith.constant 0 : i32
    %parallel_loop3A_287 = arith.constant 16 : i32
    %parallel_loop3A_288 = arith.constant 1 : i32
    %parallel_loop3A_289 = scf.for %parallel_loop3A_328 = %parallel_loop3A_286 to %parallel_loop3A_287 step %parallel_loop3A_288 iter_args(%parallel_loop3A_329 = %broadcast_in_dim3A_285) -> (vector<16xf32>)  : i32 {
      %parallel_loop3A_330 = arith.constant 0 : i32
      %parallel_loop3A_331 = arith.addi %parallel_loop3A_330, %parallel_loop3A_328 : i32
      %parallel_loop3A_332 = arith.constant 0.000000e+00 : f32
      %parallel_loop3A_333 = vector.broadcast %parallel_loop3A_332 : f32 to vector<16xf32>
      %parallel_loop3A_334 = arith.index_cast %parallel_loop3A_331 : i32 to index
      %parallel_loop3A_335 = arith.constant 0 : index
      %parallel_loop3A_336 = tpu.vector_load %arg26[%parallel_loop3A_334, %parallel_loop3A_335] {strides = array<i32>} : memref<16x64xi32, #tpu.memory_space<vmem>>, vector<16xi32>,
      %parallel_loop3A_337 = vector.bitcast %parallel_loop3A_336 : vector<16xi32> to vector<32xbf16>
      %parallel_loop3A_338 = arith.index_cast %parallel_loop3A_331 : i32 to index
      %parallel_loop3A_339 = arith.constant 0 : index
      %parallel_loop3A_340 = tpu.vector_load %arg27[%parallel_loop3A_338, %parallel_loop3A_339] {strides = array<i32>} : memref<16x64xi32, #tpu.memory_space<vmem>>, vector<16xi32>,
      %parallel_loop3A_341 = vector.bitcast %parallel_loop3A_340 : vector<16xi32> to vector<32xbf16>
      %parallel_loop3A_342 = arith.subf %parallel_loop3A_337, %parallel_loop3A_341 : vector<32xbf16>
      %parallel_loop3A_343 = tpu.unpack_subelements %parallel_loop3A_342, 0 {pack_format = #tpu.pack_format<interleaved>} : vector<32xbf16> -> vector<16xf32>
      %parallel_loop3A_344 = tpu.unpack_subelements %parallel_loop3A_342, 1 {pack_format = #tpu.pack_format<interleaved>} : vector<32xbf16> -> vector<16xf32>
      %parallel_loop3A_345 = arith.mulf %parallel_loop3A_343, %parallel_loop3A_343 : vector<16xf32>
      %parallel_loop3A_346 = arith.addf %parallel_loop3A_333, %parallel_loop3A_345 : vector<16xf32>
      %parallel_loop3A_347 = arith.mulf %parallel_loop3A_344, %parallel_loop3A_344 : vector<16xf32>
      %parallel_loop3A_348 = arith.addf %parallel_loop3A_346, %parallel_loop3A_347 : vector<16xf32>
      %parallel_loop3A_349 = arith.index_cast %parallel_loop3A_331 : i32 to index
      %parallel_loop3A_350 = arith.constant 16 : index
      %parallel_loop3A_351 = tpu.vector_load %arg26[%parallel_loop3A_349, %parallel_loop3A_350] {strides = array<i32>} : memref<16x64xi32, #tpu.memory_space<vmem>>, vector<16xi32>,
      %parallel_loop3A_352 = vector.bitcast %parallel_loop3A_351 : vector<16xi32> to vector<32xbf16>
      %parallel_loop3A_353 = arith.index_cast %parallel_loop3A_331 : i32 to index
      %parallel_loop3A_354 = arith.constant 16 : index
      %parallel_loop3A_355 = tpu.vector_load %arg27[%parallel_loop3A_353, %parallel_loop3A_354] {strides = array<i32>} : memref<16x64xi32, #tpu.memory_space<vmem>>, vector<16xi32>,
      %parallel_loop3A_356 = vector.bitcast %parallel_loop3A_355 : vector<16xi32> to vector<32xbf16>
      %parallel_loop3A_357 = arith.subf %parallel_loop3A_352, %parallel_loop3A_356 : vector<32xbf16>
      %parallel_loop3A_358 = tpu.unpack_subelements %parallel_loop3A_357, 0 {pack_format = #tpu.pack_format<interleaved>} : vector<32xbf16> -> vector<16xf32>
      %parallel_loop3A_359 = tpu.unpack_subelements %parallel_loop3A_357, 1 {pack_format = #tpu.pack_format<interleaved>} : vector<32xbf16> -> vector<16xf32>
      %parallel_loop3A_360 = arith.mulf %parallel_loop3A_358, %parallel_loop3A_358 : vector<16xf32>
      %parallel_loop3A_361 = arith.addf %parallel_loop3A_348, %parallel_loop3A_360 : vector<16xf32>
      %parallel_loop3A_362 = arith.mulf %parallel_loop3A_359, %parallel_loop3A_359 : vector<16xf32>
      %parallel_loop3A_363 = arith.addf %parallel_loop3A_361, %parallel_loop3A_362 : vector<16xf32>
      %parallel_loop3A_364 = arith.index_cast %parallel_loop3A_331 : i32 to index
      %parallel_loop3A_365 = arith.constant 32 : index
      %parallel_loop3A_366 = tpu.vector_load %arg26[%parallel_loop3A_364, %parallel_loop3A_365] {strides = array<i32>} : memref<16x64xi32, #tpu.memory_space<vmem>>, vector<16xi32>,
      %parallel_loop3A_367 = vector.bitcast %parallel_loop3A_366 : vector<16xi32> to vector<32xbf16>
      %parallel_loop3A_368 = arith.index_cast %parallel_loop3A_331 : i32 to index
      %parallel_loop3A_369 = arith.constant 32 : index
      %parallel_loop3A_370 = tpu.vector_load %arg27[%parallel_loop3A_368, %parallel_loop3A_369] {strides = array<i32>} : memref<16x64xi32, #tpu.memory_space<vmem>>, vector<16xi32>,
      %parallel_loop3A_371 = vector.bitcast %parallel_loop3A_370 : vector<16xi32> to vector<32xbf16>
      %parallel_loop3A_372 = arith.subf %parallel_loop3A_367, %parallel_loop3A_371 : vector<32xbf16>
      %parallel_loop3A_373 = tpu.unpack_subelements %parallel_loop3A_372, 0 {pack_format = #tpu.pack_format<interleaved>} : vector<32xbf16> -> vector<16xf32>
      %parallel_loop3A_374 = tpu.unpack_subelements %parallel_loop3A_372, 1 {pack_format = #tpu.pack_format<interleaved>} : vector<32xbf16> -> vector<16xf32>
      %parallel_loop3A_375 = arith.mulf %parallel_loop3A_373, %parallel_loop3A_373 : vector<16xf32>
      %parallel_loop3A_376 = arith.addf %parallel_loop3A_363, %parallel_loop3A_375 : vector<16xf32>
      %parallel_loop3A_377 = arith.mulf %parallel_loop3A_374, %parallel_loop3A_374 : vector<16xf32>
      %parallel_loop3A_378 = arith.addf %parallel_loop3A_376, %parallel_loop3A_377 : vector<16xf32>
      %parallel_loop3A_379 = arith.index_cast %parallel_loop3A_331 : i32 to index
      %parallel_loop3A_380 = arith.constant 48 : index
      %parallel_loop3A_381 = tpu.vector_load %arg26[%parallel_loop3A_379, %parallel_loop3A_380] {strides = array<i32>} : memref<16x64xi32, #tpu.memory_space<vmem>>, vector<16xi32>,
      %parallel_loop3A_382 = vector.bitcast %parallel_loop3A_381 : vector<16xi32> to vector<32xbf16>
      %parallel_loop3A_383 = arith.index_cast %parallel_loop3A_331 : i32 to index
      %parallel_loop3A_384 = arith.constant 48 : index
      %parallel_loop3A_385 = tpu.vector_load %arg27[%parallel_loop3A_383, %parallel_loop3A_384] {strides = array<i32>} : memref<16x64xi32, #tpu.memory_space<vmem>>, vector<16xi32>,
      %parallel_loop3A_386 = vector.bitcast %parallel_loop3A_385 : vector<16xi32> to vector<32xbf16>
      %parallel_loop3A_387 = arith.subf %parallel_loop3A_382, %parallel_loop3A_386 : vector<32xbf16>
      %parallel_loop3A_388 = tpu.unpack_subelements %parallel_loop3A_387, 0 {pack_format = #tpu.pack_format<interleaved>} : vector<32xbf16> -> vector<16xf32>
      %parallel_loop3A_389 = tpu.unpack_subelements %parallel_loop3A_387, 1 {pack_format = #tpu.pack_format<interleaved>} : vector<32xbf16> -> vector<16xf32>
      %parallel_loop3A_390 = arith.mulf %parallel_loop3A_388, %parallel_loop3A_388 : vector<16xf32>
      %parallel_loop3A_391 = arith.addf %parallel_loop3A_378, %parallel_loop3A_390 : vector<16xf32>
      %parallel_loop3A_392 = arith.mulf %parallel_loop3A_389, %parallel_loop3A_389 : vector<16xf32>
      %parallel_loop3A_393 = arith.addf %parallel_loop3A_391, %parallel_loop3A_392 : vector<16xf32>
      %parallel_loop3A_394 = vector.broadcast %parallel_loop3A_328 : i32 to vector<16xi32>
      %parallel_loop3A_395 = arith.cmpi eq, %iota3A, %parallel_loop3A_394 : vector<16xi32>
      %parallel_loop3A_396 = arith.constant true
      %parallel_loop3A_397 = vector.broadcast %parallel_loop3A_396 : i1 to vector<16xi1>
      %parallel_loop3A_398 = tpu.scan <sum>, %parallel_loop3A_393 masked %parallel_loop3A_397 : vector<16xf32>, vector<16xi1> -> vector<16xf32>
      %parallel_loop3A_399 = vector.extract %parallel_loop3A_398[15] : f32 from vector<16xf32>
      %parallel_loop3A_400 = vector.broadcast %parallel_loop3A_399 : f32 to vector<16xf32>
      %parallel_loop3A_401 = arith.select %parallel_loop3A_395, %parallel_loop3A_400, %parallel_loop3A_329 : vector<16xi1>, vector<16xf32>
      scf.yield %parallel_loop3A_401 : vector<16xf32>
    } {sc.loop_unroll_factor = 4 : i64, sc.parallel_access}
    %bitcast3A = vector.bitcast %parallel_loop3A_289 : vector<16xf32> to vector<16xi32>
    %shift_right_arithmetic3A = arith.constant 1 : i32
    %shift_right_arithmetic3A_290 = vector.broadcast %shift_right_arithmetic3A : i32 to vector<16xi32>
    %shift_right_arithmetic3A_291 = arith.shrsi %bitcast3A, %shift_right_arithmetic3A_290 : vector<16xi32>
    %sub3A = arith.constant 1597463007 : i32
    %sub3A_292 = vector.broadcast %sub3A : i32 to vector<16xi32>
    %sub3A_293 = arith.subi %sub3A_292, %shift_right_arithmetic3A_291 : vector<16xi32>
    %bitcast3A_294 = vector.bitcast %sub3A_293 : vector<16xi32> to vector<16xf32>
    %mul3A_295 = arith.constant 5.000000e-01 : f32
    %mul3A_296 = vector.broadcast %mul3A_295 : f32 to vector<16xf32>
    %mul3A_297 = arith.mulf %parallel_loop3A_289, %mul3A_296 : vector<16xf32>
    %mul3A_298 = arith.mulf %mul3A_297, %bitcast3A_294 : vector<16xf32>
    %mul3A_299 = arith.mulf %mul3A_298, %bitcast3A_294 : vector<16xf32>
    %sub3A_300 = arith.constant 1.500000e+00 : f32
    %sub3A_301 = vector.broadcast %sub3A_300 : f32 to vector<16xf32>
    %sub3A_302 = arith.subf %sub3A_301, %mul3A_299 : vector<16xf32>
    %mul3A_303 = arith.mulf %bitcast3A_294, %sub3A_302 : vector<16xf32>
    %mul3A_304 = arith.mulf %mul3A_297, %mul3A_303 : vector<16xf32>
    %mul3A_305 = arith.mulf %mul3A_304, %mul3A_303 : vector<16xf32>
    %sub3A_306 = arith.constant 1.500000e+00 : f32
    %sub3A_307 = vector.broadcast %sub3A_306 : f32 to vector<16xf32>
    %sub3A_308 = arith.subf %sub3A_307, %mul3A_305 : vector<16xf32>
    %mul3A_309 = arith.mulf %mul3A_303, %sub3A_308 : vector<16xf32>
    %mul3A_310 = arith.mulf %mul3A_297, %mul3A_309 : vector<16xf32>
    %mul3A_311 = arith.mulf %mul3A_310, %mul3A_309 : vector<16xf32>
    %sub3A_312 = arith.constant 1.500000e+00 : f32
    %sub3A_313 = vector.broadcast %sub3A_312 : f32 to vector<16xf32>
    %sub3A_314 = arith.subf %sub3A_313, %mul3A_311 : vector<16xf32>
    %mul3A_315 = arith.mulf %mul3A_309, %sub3A_314 : vector<16xf32>
    %mul3A_316 = arith.mulf %parallel_loop3A_289, %mul3A_315 : vector<16xf32>
    %neg3A = arith.constant 0.000000e+00 : f32
    %neg3A_317 = vector.broadcast %neg3A : f32 to vector<16xf32>
    %neg3A_318 = arith.subf %neg3A_317, %mul3A_316 : vector<16xf32>
    %exp3A = math.exp %neg3A_318 : vector<16xf32>
    %swap3A = arith.constant 0 : index
    %swap3A_319 = tpu.vector_load %arg28[%swap3A] {strides = array<i32>} : memref<16xf32, #tpu.memory_space<vmem>>, vector<16xf32>,
    tpu.vector_store %arg28[%swap3A], %exp3A {strides = array<i32>} : memref<16xf32, #tpu.memory_space<vmem>>, vector<16xf32>,
    "tpu.region"() ({
      %run_scoped3A = tpu.sem_alloc : memref<!tpu.dma_semaphore, #tpu.memory_space<semaphore_mem>>
      %dma_start3A_328 = tpu.memref_slice %arg4[%multiple_of3A_248] : memref<320000xf32, #tpu.memory_space<hbm>> -> memref<16xf32, #tpu.memory_space<hbm>>
      %dma_start3A_329 = tpu.memref_slice %arg4[%multiple_of3A_248] : memref<320000xf32, #tpu.memory_space<hbm>> -> memref<16xf32, #tpu.memory_space<hbm>>
      tpu.enqueue_dma source(%arg28 : memref<16xf32, #tpu.memory_space<vmem>>) target(%dma_start3A_329 : memref<16xf32, #tpu.memory_space<hbm>>) target_semaphore(%run_scoped3A : memref<!tpu.dma_semaphore, #tpu.memory_space<semaphore_mem>>)
      %dma_wait3A_330 = tpu.memref_slice %arg4[%multiple_of3A_248] : memref<320000xf32, #tpu.memory_space<hbm>> -> memref<16xf32, #tpu.memory_space<hbm>>
      %dma_wait3A_331 = tpu.memref_slice %arg4[%multiple_of3A_248] : memref<320000xf32, #tpu.memory_space<hbm>> -> memref<16xf32, #tpu.memory_space<hbm>>
      tpu.wait_dma2 semaphore(%run_scoped3A : memref<!tpu.dma_semaphore, #tpu.memory_space<semaphore_mem>>) src(%arg28 : memref<16xf32, #tpu.memory_space<vmem>>) dst(%dma_wait3A_331 : memref<16xf32, #tpu.memory_space<hbm>>)
      tpu.yield
    }) : () -> ()
    %dma_wait3A_320 = arith.constant 0 : i32
    %dma_wait3A_321 = tpu.memref_slice %arg4[%dma_wait3A_320] : memref<320000xf32, #tpu.memory_space<hbm>> -> memref<128xf32, #tpu.memory_space<hbm>>
    %dma_wait3A_322 = arith.constant 0 : i32
    %dma_wait3A_323 = tpu.memref_slice %arg4[%dma_wait3A_322] : memref<320000xf32, #tpu.memory_space<hbm>> -> memref<128xf32, #tpu.memory_space<hbm>>
    tpu.wait_dma2 semaphore(%arg33 : memref<!tpu.dma_semaphore, #tpu.memory_space<semaphore_mem>>) src(%arg22 : memref<128xf32, #tpu.memory_space<vmem>>) dst(%dma_wait3A_323 : memref<128xf32, #tpu.memory_space<hbm>>)
    %dma_wait3A_324 = arith.constant 0 : i32
    %dma_wait3A_325 = tpu.memref_slice %arg4[%dma_wait3A_324] : memref<320000xf32, #tpu.memory_space<hbm>> -> memref<128xf32, #tpu.memory_space<hbm>>
    %dma_wait3A_326 = arith.constant 0 : i32
    %dma_wait3A_327 = tpu.memref_slice %arg4[%dma_wait3A_326] : memref<320000xf32, #tpu.memory_space<hbm>> -> memref<128xf32, #tpu.memory_space<hbm>>
    tpu.wait_dma2 semaphore(%arg34 : memref<!tpu.dma_semaphore, #tpu.memory_space<semaphore_mem>>) src(%arg23 : memref<128xf32, #tpu.memory_space<vmem>>) dst(%dma_wait3A_327 : memref<128xf32, #tpu.memory_space<hbm>>)
    return
  }
}

</mosaic_0001>

<sc_bundles>
// kernel: kernel.3.cloned.1.call-start
scs
__scs_entry_jumppad:
0x0: {  	(pc) =	sbr.rel $0x88, $3  }
0x1: {  	(tag) =	ssettag $0x0;
	lr =	simm.s32 $0x1  }
0x2: {  	[smem:$0x3F9F] =	sst lr;
	_ =	strace $0xD0000000  }
0x3: {  	_ = 	snop  }
0x4: {  	_ = 	snop  }
0x5: {  	_ = 	snop  }
0x6: {  	_ = 	snop  }
0x7: {  	_ = 	snop  }
__scs_overlays_trampoline_lowered:
0x8: {  	[smem:$0x3FAE] =	sst s0  }
0x9: {  	[smem:$0x3FAF] =	sst s1  }
0xa: {  	[smem:$0x3FB0] =	sst s2  }
0xb: {  	[smem:$0x3FB1] =	sst s3  }
0xc: {  	[smem:$0x3FB2] =	sst s4  }
0xd: {  	[smem:$0x3FB3] =	sst s5  }
0xe: {  	[smem:$0x3FB4] =	sst s6  }
0xf: {  	[smem:$0x3FB5] =	sst s7  }
0x10: {  	[smem:$0x3FB6] =	sst s8  }
0x11: {  	[smem:$0x3FB7] =	sst s9;
	s0 =	simm.s32 @!p0 $0x0  }
0x12: {  	s1 =	sld [smem:$0x3F9D];
	s0 =	simm.s32 @p0 $0x1  }
0x13: {  	[smem:$0x3FB8] =	sst s0;
	s0 =	simm.s32 @!p1 $0x0  }
0x14: {  	s2 =	sld [smem:$0x3F9C];
	s0 =	simm.s32 @p1 $0x1  }
0x15: {  	[smem:$0x3FB9] =	sst s0;
	s0 =	simm.s32 @!p2 $0x0  }
0x16: {  	s3 =	sld [smem:$0x3FDB];
	s0 =	simm.s32 @p2 $0x1  }
0x17: {  	s4 =	simm.s32 $0x1BF5;
	[smem:$0x3FBB] =	sst s0  }
0x18: {  	s0 =	sld [smem:$0x3F9E];
	_ =	swait.ge [sflag:s4], $0x0  }
0x19: {  	s7 =	sld [smem:$0x3F9F]  }
0x1a: {  	s8 =	sadd.s32 $0xFFFFE003, lr  }
0x1b: {  	s9 =	sadd.s32 $0xFFFFFEF7, lr;
	s5 =	simm.s32 $0xFFFFFFFF;
	p2 =	slt.u32 s8, $0xFFFFF086  }
0x1c: {  	p1 =	slt.u32 s9, $0xF7A;
	s5 =	simm.s32 @!p2 $0x0  }
0x1d: {  	s5 =	simm.s32 @p1 $0x1;
	p0 =	seq.s32 s7, s2  }
0x1e: {  	s7 =	smul.u32 @!p0 $0xF7A, s2;
	p2 =	seq.s32 @!p0 s5, $0x0  }
0x1f: {  	s9 =	smul.u32 $0xF7A, s1;
	s8 =	simm.s32 @!p0 $0x1BF5;
	p2 =	por !p2, p0  }
0x20: {  	[sflag:s8] =	ssyncset.s32 @!p0 $0xFFFFF086;
	s6 =	sadd.s32 @!p0 s3, s7;
	s7 =	simm.s32 @!p0 $0x108  }
0x21: {  	s3 =	sadd.s32 s3, s9;
	s6 =	sadd.s32 @!p0 $0x88, s6;
	s7 =	simm.s32 @p2 $0x1082  }
0x22: {  	[simem:s7], [sflag:s8] =	dma.local @!p0 [hbm:s6], $0xF7A  }
0x23: {  	s9 =	sor.u32 $0xD0000000, s2;
	s6 =	simm.s32 $0x108;
	_ =	swait.ge @!p0 [sflag:s8], $0x0  }
0x24: {  	s3 =	sadd.s32 $0x88, s3;
	s6 =	simm.s32 @!p1 $0x1082;
	[sflag:s4] =	ssyncset.s32 $0xFFFFF086  }
0x25: {  	[simem:s6], [sflag:s4] =	dma.local [hbm:s3], $0xF7A  }
0x26: {  	[smem:$0x3F9F] =	sst s1;
	(tag) =	ssettag s2;
	_ =	strace s9  }
0x27: {  	s1 =	sld [smem:$0x3FAF]  }
0x28: {  	s2 =	sld [smem:$0x3FB0]  }
0x29: {  	s4 =	sld [smem:$0x3FB2]  }
0x2a: {  	p0 =	seq.s32 s5, $0x0;
	s5 =	sld [smem:$0x3FB3]  }
0x2b: {  	s6 =	sld [smem:$0x3FB4]  }
0x2c: {  	s7 =	sld [smem:$0x3FB5]  }
0x2d: {  	s3 =	simm.s32 $0x108;
	s8 =	sld [smem:$0x3FB6]  }
0x2e: {  	s3 =	simm.s32 @!p0 $0x1082;
	s9 =	sld [smem:$0x3FB7]  }
0x2f: {  	lr =	sadd.s32 s0, s3;
	s0 =	sld [smem:$0x3FAE]  }
0x30: {  	s3 =	sld [smem:$0x3FB1]  }
0x31: {  	[smem:$0x3FBA] =	sst s10  }
0x32: {  	s10 =	sld [smem:$0x3FB8];
	_ =	sdelay $0x3  }
0x33: {  	p0 =	seq.s32 s10, $0x1;
	s10 =	sld [smem:$0x3FBA];
	_ =	sdelay $0x3  }
0x34: {  	[smem:$0x3FBA] =	sst s10  }
0x35: {  	s10 =	sld [smem:$0x3FB9];
	_ =	sdelay $0x3  }
0x36: {  	p1 =	seq.s32 s10, $0x1;
	s10 =	sld [smem:$0x3FBA];
	_ =	sdelay $0x3  }
0x37: {  	[smem:$0x3FBA] =	sst s10  }
0x38: {  	s10 =	sld [smem:$0x3FBB]  }
0x39: {  	_ = 	snop;
	(pc) =	sbr.ind lr, $3  }
0x3a: {  	_ = 	snop  }
0x3b: {  	_ = 	snop  }
0x3c: {  	p2 =	seq.s32 s10, $0x1;
	s10 =	sld [smem:$0x3FBA]  }
0x3d: {  	_ =	shalt  }
0x3e: {  	_ =	shalt  }
0x3f: {  	_ =	shalt  }
0x40: {  	_ =	shalt  }
0x41: {  	_ =	shalt  }
0x42: {  	_ =	shalt  }
0x43: {  	_ =	shalt  }
0x44: {  	_ =	shalt  }
0x45: {  	_ =	shalt  }
0x46: {  	_ =	shalt  }
0x47: {  	_ =	shalt  }
0x48: {  	_ =	shalt  }
0x49: {  	_ =	shalt  }
0x4a: {  	_ =	shalt  }
0x4b: {  	_ =	shalt  }
0x4c: {  	_ =	shalt  }
0x4d: {  	_ =	shalt  }
0x4e: {  	_ =	shalt  }
0x4f: {  	_ =	shalt  }
0x50: {  	_ =	shalt  }
0x51: {  	_ =	shalt  }
0x52: {  	_ =	shalt  }
0x53: {  	_ =	shalt  }
0x54: {  	_ =	shalt  }
0x55: {  	_ =	shalt  }
0x56: {  	_ =	shalt  }
0x57: {  	_ =	shalt  }
0x58: {  	_ =	shalt  }
0x59: {  	_ =	shalt  }
0x5a: {  	_ =	shalt  }
0x5b: {  	_ =	shalt  }
0x5c: {  	_ =	shalt  }
0x5d: {  	_ =	shalt  }
0x5e: {  	_ =	shalt  }
0x5f: {  	_ =	shalt  }
0x60: {  	_ =	shalt  }
0x61: {  	_ =	shalt  }
0x62: {  	_ =	shalt  }
0x63: {  	_ =	shalt  }
0x64: {  	_ =	shalt  }
0x65: {  	_ =	shalt  }
0x66: {  	_ =	shalt  }
0x67: {  	_ =	shalt  }
0x68: {  	_ =	shalt  }
0x69: {  	_ =	shalt  }
0x6a: {  	_ =	shalt  }
0x6b: {  	_ =	shalt  }
0x6c: {  	_ =	shalt  }
0x6d: {  	_ =	shalt  }
0x6e: {  	_ =	shalt  }
0x6f: {  	_ =	shalt  }
0x70: {  	_ =	shalt  }
0x71: {  	_ =	shalt  }
0x72: {  	_ =	shalt  }
0x73: {  	_ =	shalt  }
0x74: {  	_ =	shalt  }
0x75: {  	_ =	shalt  }
0x76: {  	_ =	shalt  }
0x77: {  	_ =	shalt  }
0x78: {  	_ =	shalt  }
0x79: {  	_ =	shalt  }
0x7a: {  	_ =	shalt  }
0x7b: {  	_ =	shalt  }
0x7c: {  	_ =	shalt  }
0x7d: {  	_ =	shalt  }
0x7e: {  	_ =	shalt  }
0x7f: {  	_ =	shalt  }
0x80: {  	_ =	shalt  }
0x81: {  	_ =	shalt  }
0x82: {  	_ =	shalt  }
0x83: {  	_ =	shalt  }
0x84: {  	_ =	shalt  }
0x85: {  	_ =	shalt  }
0x86: {  	_ =	shalt  }
0x87: {  	_ =	shalt  }
.Lfunc_end0:
.L_simem_size_0:
called_computation_lowered:
.L_overlay_start_0:
0x88: {  	s2 =	sld [smem:$0x3FD9]  }
0x89: {  	s3 =	sld [smem:$0x3FFE];
	_ =	sdelay $0x1  }
0x8a: {  	s1 =	srdreg.scid  }
0x8b: {  	s0 =	sand.u32 $0x1, s1  }
0x8c: {  	s17 =	sshll.u32 s0, $0xA;
	s2 =	sadd.s32 s3, s2  }
0x8d: {  	s2 =	sadd.s32 s2, s17  }
0x8e: {  	[smem:$0x3FC6] =	sst s2  }
0x8f: {  	_ = 	snop  }
0x90: {  	s2 =	sld [smem:$0x3FC9]  }
0x91: {  	s18 =	sld [smem:$0x3FD0];
	(tm) =	ssettm $0x1  }
0x92: {  	s4 =	sld [smem:$0x3FFB];
	_ =	sdelay $0x3  }
0x93: {  	_ =	strace s4  }
0x94: {  	s4 =	sld [smem:$0x3FFC];
	_ =	sdelay $0x3  }
0x95: {  	_ =	strace s4  }
0x96: {  	s4 =	sld [smem:$0x3FFD];
	_ =	sdelay $0x3  }
0x97: {  	_ =	strace s4  }
0x98: {  	_ =	strace $0x8FFFFFFF  }
0x99: {  	s19 =	sld [smem:$0x3FDB];
	_ =	sdelay $0x1  }
0x9a: {  	s5 =	simm.s32 $_scs_section_size  }
0x9b: {  	s6 =	simm.s32 $_size__tile_overlayer_lowered;
	s7 =	simm.s32 $_tile_overlayer_lowered  }
0x9c: {  	s22 =	simm.s32 $0x1BFF;
	s21 =	sshll.u32 s7, $0x1;
	s4 =	sadd.s32 s5, s19  }
0x9d: {  	s8 =	simm.s32 $0x0;
	s20 =	sshll.u32 s6, $0x1;
	s6 =	sadd.s32 s21, s4  }
0x9e: {  	[timem:s8], [sflag:s22] =	dma.local [hbm:s6], s20  }
0x9f: {  	_ =	swait.ge [sflag:s22], s20  }
0xa0: {  	s5 =	ssub.s32 $0x0, s20;
	[sflag:s22] =	ssyncset.done $0x0  }
0xa1: {  	[sflag:s22] =	ssyncadd.s32 s5;
	_ =	sdelay $0x1  }
0xa2: {  	s23 =	simm.s32 $0x1B8B  }
0xa3: {  	_ =	swait.ge [sflag:s23], $0x1  }
0xa4: {  	[sflag:s23] =	ssyncset.done $0x0  }
0xa5: {  	s25 =	simm.s32 $0x1B8E;
	s24 =	sld [smem:$0x3FFE];
	[sflag:s23] =	ssyncadd.s32 $0xFFFFFFFF  }
0xa6: {  	s26 =	simm.s32 $execute0_lowered;
	[smem:$0x3FD2] =	sst s25  }
0xa7: {  	s6 =	sshll.u32 s26, $0x1;
	_ =	strace $0x80000046;
	[dreg:$0x1] =	wrdreg $0xFFFFFFFF  }
0xa8: {  	s28 =	simm.s32 $_size_execute0_lowered;
	s4 =	sadd.s32 s4, s6;
	[dreg:$0x0] =	wrdreg $0x0  }
0xa9: {  	s6 =	sshll.u32 s28, $0x1;
	[dreg:$0x2] =	wrdreg s4  }
0xaa: {  	[dreg:$0x3] =	wrdreg s6  }
0xab: {  	[dreg:$0x4] =	wrdreg $0xC0  }
0xac: {  	_ =	task [dreg:s8], $0x5FFFF  }
0xad: {  	[dreg:$0x1] =	wrdreg $0xFFFFFFFF  }
0xae: {  	[dreg:$0x0] =	wrdreg $0x60  }
0xaf: {  	[dreg:$0x2] =	wrdreg s2  }
0xb0: {  	[dreg:$0x3] =	wrdreg s24  }
0xb1: {  	[dreg:$0x4] =	wrdreg s18  }
0xb2: {  	[dreg:$0x5] =	wrdreg $0x9  }
0xb3: {  	_ =	task.clear_ibuf [dreg:s8], $0x6FFFF;
	_ =	strace $0x90000046  }
0xb4: {  	s29 =	simm.s32 $0x9;
	_ =	strace $0x80000048  }
0xb5: {  	_ =	swait.ge [sflag:s29], $0x1  }
0xb6: {  	[sflag:s29] =	ssyncadd.s32 $0xFFFFFFFF  }
0xb7: {  	_ =	strace $0x90000048  }
0xb8: {  	_ =	sfence  }
0xb9: {  	s30 =	sld [smem:$0x0];
	_ =	sdelay $0x2  }
0xba: {  	s31 =	sshll.u32 s1, $0xD;
	s1 =	sshrl.u32 s1, $0x2  }
0xbb: {  	s3 =	sand.u32 $0x4000, s31;
	s1 =	sadd.s32 s1, s30  }
0xbc: {  	s0 =	sor.u32 s3, s0;
	s1 =	sshll.u32 s1, $0x11  }
0xbd: {  	s0 =	sor.u32 s1, s0  }
0xbe: {  	s0 =	sadd.s32 $0x8F2B, s0  }
0xbf: {  	[sflag:s0] =	ssyncadd.remote.s32 $0x1  }
0xc0: {  	_ =	sfence.sel $0xFFFF  }
0xc1: {  	[dreg:$0x0] =	wrdreg $0xFFFFFFFF;
	(pc) =	sbr.abs _section_cstart, $3  }
0xc2: {  	[dreg:$0x1] =	wrdreg $0xFFFFFFFF  }
0xc3: {  	_ =	task.clear_ibuf [dreg:s8], $0x2FFFF;
	_ =	strace $0x9FFFFFFF  }
0xc4: {  	(tm) =	ssettm $0x7FFFFFFF  }
0xc5: {  	_ =	shalt  }
tec
execute0_lowered:
.L_overlay_start_1:
0x0: {  	(tag) =	ssettag $0x1  }
0x1: {  	s0 =	rddreg [dreg:$0x0]  }
0x2: {  	s1 =	rddreg [dreg:$0x1]  }
0x3: {  	s3 =	srdreg.scid;
	s13 =	stileid.u32  }
0x4: {  	s2 =	rddreg [dreg:$0x2];
	s31 =	simm.s32 $0xBB80;
	s7 =	sand.u32 $0x1, s3  }
0x5: {  	s4 =	sshll.u32 s13, $0x1;
	s3 =	simm.s32 $0x0;
	s10 =	smul.u32 $0x271, s13  }
0x6: {  	s5 =	sadd.s32 $0x800, s1;
	s6 =	sadd.s32 $0x14200, s1;
	s11 =	smul.u32 $0x2710, s13  }
0x7: {  	s13 =	smul.u32 $0x1388, s13;
	s4 =	sor.u32 s7, s4;
	[smem:$0x7FF] =	sst s3  }
0x8: {  	s22 =	ssub.s32 $0x2, s7;
	s4 =	smul.u32 $0x2710, s4;
	_ =	strace $0x80000047  }
0x9: {  	s8 =	sshrl.u32 s22, $0x1;
	s12 =	sadd.s32 $0x7D, s10;
	s11 =	sadd.s32 s0, s11  }
0xa: {  	s26 =	sadd.s32 $0xFA, s10;
	s30 =	sadd.s32 s6, s13;
	s16 =	sadd.s32 $0x177, s10  }
0xb: {  	s10 =	sadd.s32 $0x1F4, s10;
	s1 =	ssub.s32 s22, s8;
	[dreg:$0x7] =	wrdreg s11  }
0xc: {  	s25 =	sshll.u32 s12, $0x4;
	[dreg:$0x9] =	wrdreg s30;
	s13 =	sshll.u32 s26, $0x4  }
0xd: {  	s12 =	sshll.u32 s12, $0x3;
	s17 =	sshll.u32 s16, $0x4;
	s18 =	sshll.u32 s10, $0x4  }
0xe: {  	s19 =	sshll.u32 s16, $0x3;
	s20 =	sshll.u32 s10, $0x3;
	s16 =	simm.s32 $0x80  }
0xf: {  	s7 =	sshrl.u32 s4, $0x3;
	s9 =	sadd.s32 $0x80, s4;
	s11 =	sadd.s32 s0, s13  }
0x10: {  	s15 =	sadd.s32 s6, s12;
	s12 =	sadd.s32 s0, s17;
	[dreg:$0xa] =	wrdreg s11  }
0x11: {  	s21 =	sadd.s32 s6, s20;
	s28 =	sadd.s32 $0x100, s4;
	[dreg:$0xb] =	wrdreg s15  }
0x12: {  	s29 =	sadd.s32 $0x180, s4;
	s17 =	simm.s32 $0x1;
	[dreg:$0xc] =	wrdreg s12  }
0x13: {  	s20 =	simm.s32 $0x2;
	s14 =	sadd.s32 s5, s7;
	[dreg:$0x10] =	wrdreg s21  }
0x14: {  	s24 =	sshrl.u32 s9, $0x3;
	s23 =	sadd.s32 $0x9C40, s14;
	[dreg:$0x4] =	wrdreg s14  }
0x15: {  	s22 =	sadd.s32 s2, s7;
	s8 =	sadd.s32 s5, s24;
	[dreg:$0x5] =	wrdreg s23  }
0x16: {  	s21 =	simm.s32 $0x9C40;
	s30 =	sadd.s32 $0xA120, s14;
	[dreg:$0x6] =	wrdreg s8  }
0x17: {  	s15 =	simm.s32 $0x5;
	s8 =	sadd.s32 s0, s25;
	[dreg:$0x17] =	wrdreg s30  }
0x18: {  	s11 =	simm.s32 $0x0;
	s0 =	sadd.s32 s0, s18;
	[dreg:$0x8] =	wrdreg s8  }
0x19: {  	s24 =	sadd.s32 $0x4E0, s7;
	s23 =	sadd.s32 $0x4C0, s22;
	[dreg:$0xe] =	wrdreg s0  }
0x1a: {  	s7 =	sadd.s32 s5, s24;
	s25 =	smax.u32 s1, $0x1;
	[dreg:$0x11] =	wrdreg s23  }
0x1b: {  	s1 =	simm.s32 $0xBC00;
	s18 =	simm.s32 $0x7D00;
	[dreg:$0x13] =	wrdreg s7  }
0x1c: {  	s8 =	sshll.u32 s26, $0x3;
	s0 =	sadd.s32 s6, s19;
	[dreg:$0x15] =	wrdreg s25  }
0x1d: {  	s26 =	sadd.s32 $0x9C50, s14;
	s14 =	simm.s32 $0x3E80;
	s23 =	simm.s32 $0x3  }
0x1e: {  	s19 =	simm.s32 $0x6;
	s25 =	simm.s32 $0x13E00;
	[dreg:$0xf] =	wrdreg s0  }
0x1f: {  	s8 =	sadd.s32 s6, s8;
	s0 =	sadd.s32 $0x4D0, s22;
	[dreg:$0x16] =	wrdreg s26  }
0x20: {  	s26 =	simm.s32 $0x4;
	s22 =	simm.s32 $0x7;
	[dreg:$0xd] =	wrdreg s8  }
0x21: {  	[dreg:$0x12] =	wrdreg s0;
	s0 =	sadd.s32 s2, s24;
	s8 =	simm.s32 $0xBD00  }
0x22: {  	v0 =	vlaneseq.u32;
	s24 =	simm.s32 $0x8;
	[dreg:$0x14] =	wrdreg s0;
	s0 =	simm.s32 $0xBC80  }
.LBB2_1:
0x23: {  	[dreg:$0x18] =	wrdreg s11  }
0x24: {  	s7 =	rddreg [dreg:$0x4]  }
0x25: {  	[tilespmem:s31], [sflag:$0x5] =	stream.linear.gather [hbm4b:s7+s3], $0x80, $0x38;
	[tilespmem:$0x146B0] =	vst v63  }
0x26: {  	s10 =	rddreg [dreg:$0x5]  }
0x27: {  	[tilespmem:s1], [sflag:$0x5] =	stream.linear.gather [hbm4b:s10+s3], $0x80, $0x38;
	[tilespmem:$0x146B0] =	vst v63  }
0x28: {  	s11 =	rddreg [dreg:$0x6]  }
0x29: {  	[tilespmem:s0], [sflag:$0x6] =	stream.linear.gather [hbm4b:s11+s3], $0x80, $0x38;
	[tilespmem:$0x146B0] =	vst v63  }
0x2a: {  	s12 =	rddreg [dreg:$0x16]  }
0x2b: {  	[tilespmem:s8], [sflag:$0x6] =	stream.linear.gather [hbm4b:s12+s3], $0x80, $0x38;
	[tilespmem:$0x146B0] =	vst v63  }
0x2c: {  	s13 =	rddreg [dreg:$0x7]  }
0x2d: {  	[tilespmem:s3], [sflag:$0x1] =	stream.linear.gather [hbm4b:s13+s3], $0x3E80, $0x38;
	[tilespmem:$0x146B0] =	vst v63  }
0x2e: {  	s30 =	rddreg [dreg:$0x8]  }
0x2f: {  	[tilespmem:s14], [sflag:$0x2] =	stream.linear.gather [hbm4b:s30+s3], $0x3E80, $0x38;
	[tilespmem:$0x146B0] =	vst v63  }
0x30: {  	_ =	swait.ge [sflag:s17], $0x3E80  }
0x31: {  	[sflag:s17] =	ssyncset.done $0x0  }
0x32: {  	s7 =	simm.s32 $0x100;
	[sflag:s17] =	ssyncadd.s32 $0xFFFFC180  }
0x33: {  	v1 =	vld [tilespmem:s7+$0x80]  }
0x34: {  	v2 =	vld [tilespmem:s7+$0x90];
	_ =	sdelay $0x2  }
0x35: {  	v3 =	vld [tilespmem:s7+$0xFFFFFF80]  }
0x36: {  	v4 =	vld [tilespmem:s7+$0xFFFFFF90]  }
0x37: {  	s10 =	simm.s32 $0x7D80;
	v5 =	vld [tilespmem:s7+$0xFFFFFF10];
	v1 =	vpack.i.f32.bf16 v2, v1  }
0x38: {  	v2 =	vld [tilespmem:s7+$0xFFFFFF00];
	[tilespmem:s10+$0x40] =	vst v1  }
0x39: {  	v1 =	vld [tilespmem:s7+$0xA0]  }
0x3a: {  	v6 =	vld [tilespmem:s7+$0xB0]  }
0x3b: {  	v7 =	vld [tilespmem:s7+$0x0];
	v3 =	vpack.i.f32.bf16 v4, v3  }
0x3c: {  	v4 =	vld [tilespmem:s7+$0x10];
	[tilespmem:s10+$0xFFFFFFC0] =	vst v3  }
0x3d: {  	v3 =	vld [tilespmem:s7+$0xFFFFFFA0];
	v2 =	vpack.i.f32.bf16 v5, v2  }
0x3e: {  	v5 =	vld [tilespmem:s7+$0xFFFFFFB0];
	[tilespmem:s10+$0xFFFFFF80] =	vst v2  }
0x3f: {  	v2 =	vld [tilespmem:s7+$0xFFFFFF20];
	v1 =	vpack.i.f32.bf16 v6, v1  }
0x40: {  	v6 =	vld [tilespmem:s7+$0xFFFFFF30];
	[tilespmem:s10+$0x50] =	vst v1  }
0x41: {  	v1 =	vpack.i.f32.bf16 v4, v7;
	v4 =	vld [tilespmem:s7+$0xC0]  }
0x42: {  	[tilespmem:s10+$0x0] =	vst v1;
	v1 =	vld [tilespmem:s7+$0xD0]  }
0x43: {  	v7 =	vld [tilespmem:s7+$0x20];
	v3 =	vpack.i.f32.bf16 v5, v3  }
0x44: {  	[tilespmem:s10+$0xFFFFFFD0] =	vst v3;
	v3 =	vld [tilespmem:s7+$0x30]  }
0x45: {  	v5 =	vld [tilespmem:s7+$0xFFFFFFC0];
	v2 =	vpack.i.f32.bf16 v6, v2  }
0x46: {  	v6 =	vld [tilespmem:s7+$0xFFFFFFD0];
	[tilespmem:s10+$0xFFFFFF90] =	vst v2  }
0x47: {  	v2 =	vld [tilespmem:s7+$0xFFFFFF40];
	v1 =	vpack.i.f32.bf16 v1, v4  }
0x48: {  	v8 =	vld [tilespmem:s7+$0xFFFFFF50];
	[tilespmem:s10+$0x60] =	vst v1  }
0x49: {  	v1 =	vpack.i.f32.bf16 v3, v7;
	v7 =	vld [tilespmem:s7+$0xE0]  }
0x4a: {  	v9 =	vld [tilespmem:s7+$0xF0];
	[tilespmem:s10+$0x10] =	vst v1  }
0x4b: {  	v3 =	vpack.i.f32.bf16 v6, v5;
	v1 =	vld [tilespmem:s7+$0x40]  }
0x4c: {  	[tilespmem:s10+$0xFFFFFFE0] =	vst v3;
	v4 =	vld [tilespmem:s7+$0x50]  }
0x4d: {  	v2 =	vpack.i.f32.bf16 v8, v2;
	v3 =	vld [tilespmem:s7+$0xFFFFFFE0]  }
0x4e: {  	v5 =	vld [tilespmem:s7+$0xFFFFFFF0];
	[tilespmem:s10+$0xFFFFFFA0] =	vst v2  }
0x4f: {  	v2 =	vld [tilespmem:s7+$0xFFFFFF60];
	v7 =	vpack.i.f32.bf16 v9, v7  }
0x50: {  	s11 =	simm.s32 $0x7D80;
	s12 =	simm.s32 $0x0;
	s13 =	simm.s32 $0x300;
	v6 =	vld [tilespmem:s7+$0xFFFFFF70];
	[tilespmem:s10+$0x70] =	vst v7  }
.LBB2_2:
0x51: {  	v7 =	vld [tilespmem:s13+$0x80];
	v1 =	vpack.i.f32.bf16 v4, v1  }
0x52: {  	v4 =	vld [tilespmem:s13+$0x90];
	[tilespmem:s10+$0x20] =	vst v1  }
0x53: {  	v1 =	vld [tilespmem:s13+$0xFFFFFF10];
	v3 =	vpack.i.f32.bf16 v5, v3  }
0x54: {  	v5 =	vld [tilespmem:s13+$0xFFFFFF80];
	[tilespmem:s10+$0xFFFFFFF0] =	vst v3  }
0x55: {  	s12 =	sadd.s32 $0x4, s12;
	v3 =	vld [tilespmem:s13+$0xFFFFFF90];
	v2 =	vpack.i.f32.bf16 v6, v2  }
0x56: {  	p0 =	slt.u32 s12, $0x78;
	v6 =	vld [tilespmem:s13+$0x0];
	[tilespmem:s10+$0xFFFFFFB0] =	vst v2  }
0x57: {  	s10 =	sadd.s32 $0x100, s10;
	v2 =	vld [tilespmem:s13+$0x10];
	v4 =	vpack.i.f32.bf16 v4, v7  }
0x58: {  	v7 =	vld [tilespmem:s13+$0xFFFFFF00];
	[tilespmem:s10+$0x40] =	vst v4  }
0x59: {  	v4 =	vld [tilespmem:s13+$0xA0]  }
0x5a: {  	v3 =	vpack.i.f32.bf16 v3, v5;
	v5 =	vld [tilespmem:s13+$0xB0]  }
0x5b: {  	[tilespmem:s10+$0xFFFFFFC0] =	vst v3;
	v3 =	vld [tilespmem:s7+$0x60]  }
0x5c: {  	v8 =	vld [tilespmem:s13+$0xFFFFFFA0];
	v2 =	vpack.i.f32.bf16 v2, v6  }
0x5d: {  	v1 =	vpack.i.f32.bf16 v1, v7;
	v6 =	vld [tilespmem:s13+$0xFFFFFFB0];
	[tilespmem:s10+$0x0] =	vst v2  }
0x5e: {  	[tilespmem:s10+$0xFFFFFF80] =	vst v1;
	v1 =	vld [tilespmem:s13+$0x20]  }
0x5f: {  	v2 =	vld [tilespmem:s13+$0xFFFFFF20];
	v4 =	vpack.i.f32.bf16 v5, v4  }
0x60: {  	v5 =	vld [tilespmem:s13+$0xFFFFFF30];
	[tilespmem:s10+$0x50] =	vst v4  }
0x61: {  	v4 =	vld [tilespmem:s13+$0xC0]  }
0x62: {  	v6 =	vpack.i.f32.bf16 v6, v8;
	v7 =	vld [tilespmem:s13+$0xD0]  }
0x63: {  	[tilespmem:s10+$0xFFFFFFD0] =	vst v6;
	v6 =	vld [tilespmem:s13+$0x30]  }
0x64: {  	v8 =	vld [tilespmem:s13+$0xFFFFFFC0]  }
0x65: {  	v2 =	vpack.i.f32.bf16 v5, v2;
	v5 =	vld [tilespmem:s13+$0xFFFFFFD0]  }
0x66: {  	[tilespmem:s10+$0xFFFFFF90] =	vst v2;
	v2 =	vld [tilespmem:s7+$0x70];
	s7 =	smov.u32 s13  }
0x67: {  	v9 =	vld [tilespmem:s13+$0xFFFFFF40];
	v4 =	vpack.i.f32.bf16 v7, v4  }
0x68: {  	v7 =	vld [tilespmem:s13+$0xFFFFFF50];
	v1 =	vpack.i.f32.bf16 v6, v1;
	[tilespmem:s10+$0x60] =	vst v4  }
0x69: {  	[tilespmem:s10+$0x10] =	vst v1;
	v6 =	vld [tilespmem:s13+$0xE0]  }
0x6a: {  	v1 =	vpack.i.f32.bf16 v5, v8;
	v8 =	vld [tilespmem:s13+$0xF0]  }
0x6b: {  	[tilespmem:s10+$0xFFFFFFE0] =	vst v1;
	v1 =	vld [tilespmem:s13+$0x40];
	v2 =	vpack.i.f32.bf16 v2, v3  }
.Ltmp0:
0x6c: {  	v4 =	vld [tilespmem:s13+$0x50];
	[tilespmem:s11+$0x30] =	vst v2;
	s11 =	smov.u32 s10;
	(pc) =	sbr.rel @p0 .LBB2_2-.Ltmp0, $4  }
0x6d: {  	v2 =	vpack.i.f32.bf16 v7, v9;
	v3 =	vld [tilespmem:s13+$0xFFFFFFE0]  }
0x6e: {  	[tilespmem:s10+$0xFFFFFFA0] =	vst v2;
	v5 =	vld [tilespmem:s13+$0xFFFFFFF0]  }
0x6f: {  	v2 =	vld [tilespmem:s13+$0xFFFFFF60];
	v7 =	vpack.i.f32.bf16 v8, v6  }
0x70: {  	s13 =	sadd.s32 $0x200, s13;
	v6 =	vld [tilespmem:s7+$0xFFFFFF70];
	[tilespmem:s10+$0x70] =	vst v7  }
0x71: {  	v1 =	vpack.i.f32.bf16 v4, v1  }
0x72: {  	[tilespmem:s10+$0x20] =	vst v1  }
0x73: {  	v1 =	vld [tilespmem:s7+$0x60]  }
0x74: {  	v4 =	vld [tilespmem:s7+$0x70];
	_ =	sdelay $0x2  }
0x75: {  	v3 =	vpack.i.f32.bf16 v5, v3  }
0x76: {  	[tilespmem:s10+$0xFFFFFFF0] =	vst v3;
	v2 =	vpack.i.f32.bf16 v6, v2  }
0x77: {  	[tilespmem:s10+$0xFFFFFFB0] =	vst v2;
	v1 =	vpack.i.f32.bf16 v4, v1  }
0x78: {  	[tilespmem:s11+$0x30] =	vst v1  }
0x79: {  	v1 =	vld [tilespmem:$0x3E00]  }
0x7a: {  	v2 =	vld [tilespmem:$0x3E10]  }
0x7b: {  	v3 =	vld [tilespmem:$0x3E20]  }
0x7c: {  	v4 =	vld [tilespmem:$0x3E30]  }
0x7d: {  	v5 =	vld [tilespmem:$0x3E40]  }
0x7e: {  	v6 =	vld [tilespmem:$0x3E50]  }
0x7f: {  	v7 =	vld [tilespmem:$0x3E60]  }
0x80: {  	v8 =	vld [tilespmem:$0x3E70];
	_ =	sdelay $0x1  }
0x81: {  	v1 =	vpack.i.f32.bf16 v2, v1  }
0x82: {  	[tilespmem:$0x9C00] =	vst v1;
	v1 =	vpack.i.f32.bf16 v4, v3  }
0x83: {  	[tilespmem:$0x9C10] =	vst v1;
	v1 =	vpack.i.f32.bf16 v6, v5  }
0x84: {  	[tilespmem:$0x9C20] =	vst v1;
	v1 =	vpack.i.f32.bf16 v8, v7  }
0x85: {  	s13 =	rddreg [dreg:$0x9];
	[tilespmem:$0x9C30] =	vst v1  }
0x86: {  	[hbm4b:s13+s3] =	stream.linear.scatter [tilespmem:s18], [sflag:$0x3], $0x1F40, $0x38;
	[tilespmem:$0x146B0] =	vst v63  }
0x87: {  	s30 =	rddreg [dreg:$0xa]  }
0x88: {  	[tilespmem:s3], [sflag:$0x1] =	stream.linear.gather [hbm4b:s30+s3], $0x3E80, $0x38;
	[tilespmem:$0x146B0] =	vst v63  }
0x89: {  	_ =	swait.ge [sflag:s20], $0x3E80  }
0x8a: {  	[sflag:s20] =	ssyncset.done $0x0  }
0x8b: {  	s7 =	simm.s32 $0x3F80;
	[sflag:s20] =	ssyncadd.s32 $0xFFFFC180  }
0x8c: {  	v1 =	vld [tilespmem:s7+$0x80]  }
0x8d: {  	v2 =	vld [tilespmem:s7+$0x90];
	_ =	sdelay $0x2  }
0x8e: {  	v3 =	vld [tilespmem:s7+$0xFFFFFF80]  }
0x8f: {  	v4 =	vld [tilespmem:s7+$0xFFFFFF90]  }
0x90: {  	s10 =	simm.s32 $0x9CC0;
	v5 =	vld [tilespmem:s7+$0xFFFFFF10];
	v1 =	vpack.i.f32.bf16 v2, v1  }
0x91: {  	v2 =	vld [tilespmem:s7+$0xFFFFFF00];
	[tilespmem:s10+$0x40] =	vst v1  }
0x92: {  	v1 =	vld [tilespmem:s7+$0xA0]  }
0x93: {  	v6 =	vld [tilespmem:s7+$0xB0]  }
0x94: {  	v7 =	vld [tilespmem:s7+$0x0];
	v3 =	vpack.i.f32.bf16 v4, v3  }
0x95: {  	v4 =	vld [tilespmem:s7+$0x10];
	[tilespmem:s10+$0xFFFFFFC0] =	vst v3  }
0x96: {  	v3 =	vld [tilespmem:s7+$0xFFFFFFA0];
	v2 =	vpack.i.f32.bf16 v5, v2  }
0x97: {  	v5 =	vld [tilespmem:s7+$0xFFFFFFB0];
	[tilespmem:s10+$0xFFFFFF80] =	vst v2  }
0x98: {  	v2 =	vld [tilespmem:s7+$0xFFFFFF20];
	v1 =	vpack.i.f32.bf16 v6, v1  }
0x99: {  	v6 =	vld [tilespmem:s7+$0xFFFFFF30];
	[tilespmem:s10+$0x50] =	vst v1  }
0x9a: {  	v1 =	vpack.i.f32.bf16 v4, v7;
	v4 =	vld [tilespmem:s7+$0xC0]  }
0x9b: {  	[tilespmem:s10+$0x0] =	vst v1;
	v1 =	vld [tilespmem:s7+$0xD0]  }
0x9c: {  	v7 =	vld [tilespmem:s7+$0x20];
	v3 =	vpack.i.f32.bf16 v5, v3  }
0x9d: {  	[tilespmem:s10+$0xFFFFFFD0] =	vst v3;
	v3 =	vld [tilespmem:s7+$0x30]  }
0x9e: {  	v5 =	vld [tilespmem:s7+$0xFFFFFFC0];
	v2 =	vpack.i.f32.bf16 v6, v2  }
0x9f: {  	v6 =	vld [tilespmem:s7+$0xFFFFFFD0];
	[tilespmem:s10+$0xFFFFFF90] =	vst v2  }
0xa0: {  	v2 =	vld [tilespmem:s7+$0xFFFFFF40];
	v1 =	vpack.i.f32.bf16 v1, v4  }
0xa1: {  	v8 =	vld [tilespmem:s7+$0xFFFFFF50];
	[tilespmem:s10+$0x60] =	vst v1  }
0xa2: {  	v1 =	vpack.i.f32.bf16 v3, v7;
	v7 =	vld [tilespmem:s7+$0xE0]  }
0xa3: {  	v9 =	vld [tilespmem:s7+$0xF0];
	[tilespmem:s10+$0x10] =	vst v1  }
0xa4: {  	v3 =	vpack.i.f32.bf16 v6, v5;
	v1 =	vld [tilespmem:s7+$0x40]  }
0xa5: {  	[tilespmem:s10+$0xFFFFFFE0] =	vst v3;
	v4 =	vld [tilespmem:s7+$0x50]  }
0xa6: {  	v2 =	vpack.i.f32.bf16 v8, v2;
	v3 =	vld [tilespmem:s7+$0xFFFFFFE0]  }
0xa7: {  	v5 =	vld [tilespmem:s7+$0xFFFFFFF0];
	[tilespmem:s10+$0xFFFFFFA0] =	vst v2  }
0xa8: {  	v2 =	vld [tilespmem:s7+$0xFFFFFF60];
	v7 =	vpack.i.f32.bf16 v9, v7  }
0xa9: {  	s12 =	simm.s32 $0x0;
	s11 =	simm.s32 $0x9CC0;
	s13 =	simm.s32 $0x4180;
	v6 =	vld [tilespmem:s7+$0xFFFFFF70];
	[tilespmem:s10+$0x70] =	vst v7  }
.LBB2_4:
0xaa: {  	v7 =	vld [tilespmem:s13+$0x80];
	v1 =	vpack.i.f32.bf16 v4, v1  }
0xab: {  	v4 =	vld [tilespmem:s13+$0x90];
	[tilespmem:s10+$0x20] =	vst v1  }
0xac: {  	v1 =	vld [tilespmem:s13+$0xFFFFFF10];
	v3 =	vpack.i.f32.bf16 v5, v3  }
0xad: {  	v5 =	vld [tilespmem:s13+$0xFFFFFF80];
	[tilespmem:s10+$0xFFFFFFF0] =	vst v3  }
0xae: {  	s12 =	sadd.s32 $0x4, s12;
	v3 =	vld [tilespmem:s13+$0xFFFFFF90];
	v2 =	vpack.i.f32.bf16 v6, v2  }
0xaf: {  	p0 =	slt.u32 s12, $0x78;
	v6 =	vld [tilespmem:s13+$0x0];
	[tilespmem:s10+$0xFFFFFFB0] =	vst v2  }
0xb0: {  	s10 =	sadd.s32 $0x100, s10;
	v2 =	vld [tilespmem:s13+$0x10];
	v4 =	vpack.i.f32.bf16 v4, v7  }
0xb1: {  	v7 =	vld [tilespmem:s13+$0xFFFFFF00];
	[tilespmem:s10+$0x40] =	vst v4  }
0xb2: {  	v4 =	vld [tilespmem:s13+$0xA0]  }
0xb3: {  	v3 =	vpack.i.f32.bf16 v3, v5;
	v5 =	vld [tilespmem:s13+$0xB0]  }
0xb4: {  	[tilespmem:s10+$0xFFFFFFC0] =	vst v3;
	v3 =	vld [tilespmem:s7+$0x60]  }
0xb5: {  	v8 =	vld [tilespmem:s13+$0xFFFFFFA0];
	v2 =	vpack.i.f32.bf16 v2, v6  }
0xb6: {  	v1 =	vpack.i.f32.bf16 v1, v7;
	v6 =	vld [tilespmem:s13+$0xFFFFFFB0];
	[tilespmem:s10+$0x0] =	vst v2  }
0xb7: {  	[tilespmem:s10+$0xFFFFFF80] =	vst v1;
	v1 =	vld [tilespmem:s13+$0x20]  }
0xb8: {  	v2 =	vld [tilespmem:s13+$0xFFFFFF20];
	v4 =	vpack.i.f32.bf16 v5, v4  }
0xb9: {  	v5 =	vld [tilespmem:s13+$0xFFFFFF30];
	[tilespmem:s10+$0x50] =	vst v4  }
0xba: {  	v4 =	vld [tilespmem:s13+$0xC0]  }
0xbb: {  	v6 =	vpack.i.f32.bf16 v6, v8;
	v7 =	vld [tilespmem:s13+$0xD0]  }
0xbc: {  	[tilespmem:s10+$0xFFFFFFD0] =	vst v6;
	v6 =	vld [tilespmem:s13+$0x30]  }
0xbd: {  	v8 =	vld [tilespmem:s13+$0xFFFFFFC0]  }
0xbe: {  	v2 =	vpack.i.f32.bf16 v5, v2;
	v5 =	vld [tilespmem:s13+$0xFFFFFFD0]  }
0xbf: {  	[tilespmem:s10+$0xFFFFFF90] =	vst v2;
	v2 =	vld [tilespmem:s7+$0x70];
	s7 =	smov.u32 s13  }
0xc0: {  	v9 =	vld [tilespmem:s13+$0xFFFFFF40];
	v4 =	vpack.i.f32.bf16 v7, v4  }
0xc1: {  	v7 =	vld [tilespmem:s13+$0xFFFFFF50];
	v1 =	vpack.i.f32.bf16 v6, v1;
	[tilespmem:s10+$0x60] =	vst v4  }
0xc2: {  	[tilespmem:s10+$0x10] =	vst v1;
	v6 =	vld [tilespmem:s13+$0xE0]  }
0xc3: {  	v1 =	vpack.i.f32.bf16 v5, v8;
	v8 =	vld [tilespmem:s13+$0xF0]  }
0xc4: {  	[tilespmem:s10+$0xFFFFFFE0] =	vst v1;
	v1 =	vld [tilespmem:s13+$0x40];
	v2 =	vpack.i.f32.bf16 v2, v3  }
.Ltmp1:
0xc5: {  	v4 =	vld [tilespmem:s13+$0x50];
	[tilespmem:s11+$0x30] =	vst v2;
	s11 =	smov.u32 s10;
	(pc) =	sbr.rel @p0 .LBB2_4-.Ltmp1, $4  }
0xc6: {  	v2 =	vpack.i.f32.bf16 v7, v9;
	v3 =	vld [tilespmem:s13+$0xFFFFFFE0]  }
0xc7: {  	[tilespmem:s10+$0xFFFFFFA0] =	vst v2;
	v5 =	vld [tilespmem:s13+$0xFFFFFFF0]  }
0xc8: {  	v2 =	vld [tilespmem:s13+$0xFFFFFF60];
	v7 =	vpack.i.f32.bf16 v8, v6  }
0xc9: {  	s13 =	sadd.s32 $0x200, s13;
	v6 =	vld [tilespmem:s7+$0xFFFFFF70];
	[tilespmem:s10+$0x70] =	vst v7  }
0xca: {  	v1 =	vpack.i.f32.bf16 v4, v1  }
0xcb: {  	[tilespmem:s10+$0x20] =	vst v1  }
0xcc: {  	v1 =	vld [tilespmem:s7+$0x60]  }
0xcd: {  	v4 =	vld [tilespmem:s7+$0x70];
	_ =	sdelay $0x2  }
0xce: {  	v3 =	vpack.i.f32.bf16 v5, v3  }
0xcf: {  	[tilespmem:s10+$0xFFFFFFF0] =	vst v3;
	v2 =	vpack.i.f32.bf16 v6, v2  }
0xd0: {  	[tilespmem:s10+$0xFFFFFFB0] =	vst v2;
	v1 =	vpack.i.f32.bf16 v4, v1  }
0xd1: {  	[tilespmem:s11+$0x30] =	vst v1  }
0xd2: {  	v1 =	vld [tilespmem:$0x7C80]  }
0xd3: {  	v2 =	vld [tilespmem:$0x7C90]  }
0xd4: {  	v3 =	vld [tilespmem:$0x7CA0]  }
0xd5: {  	v4 =	vld [tilespmem:$0x7CB0]  }
0xd6: {  	v5 =	vld [tilespmem:$0x7CC0]  }
0xd7: {  	v6 =	vld [tilespmem:$0x7CD0]  }
0xd8: {  	v7 =	vld [tilespmem:$0x7CE0]  }
0xd9: {  	v8 =	vld [tilespmem:$0x7CF0];
	_ =	sdelay $0x1  }
0xda: {  	v1 =	vpack.i.f32.bf16 v2, v1  }
0xdb: {  	[tilespmem:$0xBB40] =	vst v1;
	v1 =	vpack.i.f32.bf16 v4, v3  }
0xdc: {  	[tilespmem:$0xBB50] =	vst v1;
	v1 =	vpack.i.f32.bf16 v6, v5  }
0xdd: {  	[tilespmem:$0xBB60] =	vst v1;
	v1 =	vpack.i.f32.bf16 v8, v7  }
0xde: {  	s13 =	rddreg [dreg:$0xb];
	[tilespmem:$0xBB70] =	vst v1  }
0xdf: {  	[hbm4b:s13+s3] =	stream.linear.scatter [tilespmem:s21], [sflag:$0x4], $0x1F40, $0x38;
	[tilespmem:$0x146B0] =	vst v63  }
0xe0: {  	s30 =	rddreg [dreg:$0xc]  }
0xe1: {  	[tilespmem:s14], [sflag:$0x2] =	stream.linear.gather [hbm4b:s30+s3], $0x3E80, $0x38;
	[tilespmem:$0x146B0] =	vst v63  }
0xe2: {  	_ =	swait.ge [sflag:s17], $0x3E80  }
0xe3: {  	[sflag:s17] =	ssyncset.done $0x0  }
0xe4: {  	[sflag:s17] =	ssyncadd.s32 $0xFFFFC180  }
0xe5: {  	_ =	swait.ge [sflag:s23], $0x1F40  }
0xe6: {  	[sflag:s23] =	ssyncset.done $0x0  }
0xe7: {  	s7 =	simm.s32 $0x100;
	[sflag:s23] =	ssyncadd.s32 $0xFFFFE0C0  }
0xe8: {  	v1 =	vld [tilespmem:s7+$0x80]  }
0xe9: {  	v2 =	vld [tilespmem:s7+$0x90];
	_ =	sdelay $0x2  }
0xea: {  	v3 =	vld [tilespmem:s7+$0xFFFFFF80]  }
0xeb: {  	v4 =	vld [tilespmem:s7+$0xFFFFFF90]  }
0xec: {  	s10 =	simm.s32 $0x7D80;
	v5 =	vld [tilespmem:s7+$0xFFFFFF10];
	v1 =	vpack.i.f32.bf16 v2, v1  }
0xed: {  	v2 =	vld [tilespmem:s7+$0xFFFFFF00];
	[tilespmem:s10+$0x40] =	vst v1  }
0xee: {  	v1 =	vld [tilespmem:s7+$0xA0]  }
0xef: {  	v6 =	vld [tilespmem:s7+$0xB0]  }
0xf0: {  	v7 =	vld [tilespmem:s7+$0x0];
	v3 =	vpack.i.f32.bf16 v4, v3  }
0xf1: {  	v4 =	vld [tilespmem:s7+$0x10];
	[tilespmem:s10+$0xFFFFFFC0] =	vst v3  }
0xf2: {  	v3 =	vld [tilespmem:s7+$0xFFFFFFA0];
	v2 =	vpack.i.f32.bf16 v5, v2  }
0xf3: {  	v5 =	vld [tilespmem:s7+$0xFFFFFFB0];
	[tilespmem:s10+$0xFFFFFF80] =	vst v2  }
0xf4: {  	v2 =	vld [tilespmem:s7+$0xFFFFFF20];
	v1 =	vpack.i.f32.bf16 v6, v1  }
0xf5: {  	v6 =	vld [tilespmem:s7+$0xFFFFFF30];
	[tilespmem:s10+$0x50] =	vst v1  }
0xf6: {  	v1 =	vpack.i.f32.bf16 v4, v7;
	v4 =	vld [tilespmem:s7+$0xC0]  }
0xf7: {  	[tilespmem:s10+$0x0] =	vst v1;
	v1 =	vld [tilespmem:s7+$0xD0]  }
0xf8: {  	v7 =	vld [tilespmem:s7+$0x20];
	v3 =	vpack.i.f32.bf16 v5, v3  }
0xf9: {  	[tilespmem:s10+$0xFFFFFFD0] =	vst v3;
	v3 =	vld [tilespmem:s7+$0x30]  }
0xfa: {  	v5 =	vld [tilespmem:s7+$0xFFFFFFC0];
	v2 =	vpack.i.f32.bf16 v6, v2  }
0xfb: {  	v6 =	vld [tilespmem:s7+$0xFFFFFFD0];
	[tilespmem:s10+$0xFFFFFF90] =	vst v2  }
0xfc: {  	v2 =	vld [tilespmem:s7+$0xFFFFFF40];
	v1 =	vpack.i.f32.bf16 v1, v4  }
0xfd: {  	v8 =	vld [tilespmem:s7+$0xFFFFFF50];
	[tilespmem:s10+$0x60] =	vst v1  }
0xfe: {  	v1 =	vpack.i.f32.bf16 v3, v7;
	v7 =	vld [tilespmem:s7+$0xE0]  }
0xff: {  	v9 =	vld [tilespmem:s7+$0xF0];
	[tilespmem:s10+$0x10] =	vst v1  }
0x100: {  	v3 =	vpack.i.f32.bf16 v6, v5;
	v1 =	vld [tilespmem:s7+$0x40]  }
0x101: {  	[tilespmem:s10+$0xFFFFFFE0] =	vst v3;
	v4 =	vld [tilespmem:s7+$0x50]  }
0x102: {  	v2 =	vpack.i.f32.bf16 v8, v2;
	v3 =	vld [tilespmem:s7+$0xFFFFFFE0]  }
0x103: {  	v5 =	vld [tilespmem:s7+$0xFFFFFFF0];
	[tilespmem:s10+$0xFFFFFFA0] =	vst v2  }
0x104: {  	v2 =	vld [tilespmem:s7+$0xFFFFFF60];
	v7 =	vpack.i.f32.bf16 v9, v7  }
0x105: {  	s12 =	simm.s32 $0x0;
	s11 =	simm.s32 $0x7D80;
	s13 =	simm.s32 $0x300;
	v6 =	vld [tilespmem:s7+$0xFFFFFF70];
	[tilespmem:s10+$0x70] =	vst v7  }
.LBB2_6:
0x106: {  	v7 =	vld [tilespmem:s13+$0x80];
	v1 =	vpack.i.f32.bf16 v4, v1  }
0x107: {  	v4 =	vld [tilespmem:s13+$0x90];
	[tilespmem:s10+$0x20] =	vst v1  }
0x108: {  	v1 =	vld [tilespmem:s13+$0xFFFFFF10];
	v3 =	vpack.i.f32.bf16 v5, v3  }
0x109: {  	v5 =	vld [tilespmem:s13+$0xFFFFFF80];
	[tilespmem:s10+$0xFFFFFFF0] =	vst v3  }
0x10a: {  	s12 =	sadd.s32 $0x4, s12;
	v3 =	vld [tilespmem:s13+$0xFFFFFF90];
	v2 =	vpack.i.f32.bf16 v6, v2  }
0x10b: {  	p0 =	slt.u32 s12, $0x78;
	v6 =	vld [tilespmem:s13+$0x0];
	[tilespmem:s10+$0xFFFFFFB0] =	vst v2  }
0x10c: {  	s10 =	sadd.s32 $0x100, s10;
	v2 =	vld [tilespmem:s13+$0x10];
	v4 =	vpack.i.f32.bf16 v4, v7  }
0x10d: {  	v7 =	vld [tilespmem:s13+$0xFFFFFF00];
	[tilespmem:s10+$0x40] =	vst v4  }
0x10e: {  	v4 =	vld [tilespmem:s13+$0xA0]  }
0x10f: {  	v3 =	vpack.i.f32.bf16 v3, v5;
	v5 =	vld [tilespmem:s13+$0xB0]  }
0x110: {  	[tilespmem:s10+$0xFFFFFFC0] =	vst v3;
	v3 =	vld [tilespmem:s7+$0x60]  }
0x111: {  	v8 =	vld [tilespmem:s13+$0xFFFFFFA0];
	v2 =	vpack.i.f32.bf16 v2, v6  }
0x112: {  	v1 =	vpack.i.f32.bf16 v1, v7;
	v6 =	vld [tilespmem:s13+$0xFFFFFFB0];
	[tilespmem:s10+$0x0] =	vst v2  }
0x113: {  	[tilespmem:s10+$0xFFFFFF80] =	vst v1;
	v1 =	vld [tilespmem:s13+$0x20]  }
0x114: {  	v2 =	vld [tilespmem:s13+$0xFFFFFF20];
	v4 =	vpack.i.f32.bf16 v5, v4  }
0x115: {  	v5 =	vld [tilespmem:s13+$0xFFFFFF30];
	[tilespmem:s10+$0x50] =	vst v4  }
0x116: {  	v4 =	vld [tilespmem:s13+$0xC0]  }
0x117: {  	v6 =	vpack.i.f32.bf16 v6, v8;
	v7 =	vld [tilespmem:s13+$0xD0]  }
0x118: {  	[tilespmem:s10+$0xFFFFFFD0] =	vst v6;
	v6 =	vld [tilespmem:s13+$0x30]  }
0x119: {  	v8 =	vld [tilespmem:s13+$0xFFFFFFC0]  }
0x11a: {  	v2 =	vpack.i.f32.bf16 v5, v2;
	v5 =	vld [tilespmem:s13+$0xFFFFFFD0]  }
0x11b: {  	[tilespmem:s10+$0xFFFFFF90] =	vst v2;
	v2 =	vld [tilespmem:s7+$0x70];
	s7 =	smov.u32 s13  }
0x11c: {  	v9 =	vld [tilespmem:s13+$0xFFFFFF40];
	v4 =	vpack.i.f32.bf16 v7, v4  }
0x11d: {  	v7 =	vld [tilespmem:s13+$0xFFFFFF50];
	v1 =	vpack.i.f32.bf16 v6, v1;
	[tilespmem:s10+$0x60] =	vst v4  }
0x11e: {  	[tilespmem:s10+$0x10] =	vst v1;
	v6 =	vld [tilespmem:s13+$0xE0]  }
0x11f: {  	v1 =	vpack.i.f32.bf16 v5, v8;
	v8 =	vld [tilespmem:s13+$0xF0]  }
0x120: {  	[tilespmem:s10+$0xFFFFFFE0] =	vst v1;
	v1 =	vld [tilespmem:s13+$0x40];
	v2 =	vpack.i.f32.bf16 v2, v3  }
.Ltmp2:
0x121: {  	v4 =	vld [tilespmem:s13+$0x50];
	[tilespmem:s11+$0x30] =	vst v2;
	s11 =	smov.u32 s10;
	(pc) =	sbr.rel @p0 .LBB2_6-.Ltmp2, $4  }
0x122: {  	v2 =	vpack.i.f32.bf16 v7, v9;
	v3 =	vld [tilespmem:s13+$0xFFFFFFE0]  }
0x123: {  	[tilespmem:s10+$0xFFFFFFA0] =	vst v2;
	v5 =	vld [tilespmem:s13+$0xFFFFFFF0]  }
0x124: {  	v2 =	vld [tilespmem:s13+$0xFFFFFF60];
	v7 =	vpack.i.f32.bf16 v8, v6  }
0x125: {  	s13 =	sadd.s32 $0x200, s13;
	v6 =	vld [tilespmem:s7+$0xFFFFFF70];
	[tilespmem:s10+$0x70] =	vst v7  }
0x126: {  	v1 =	vpack.i.f32.bf16 v4, v1  }
0x127: {  	[tilespmem:s10+$0x20] =	vst v1  }
0x128: {  	v1 =	vld [tilespmem:s7+$0x60]  }
0x129: {  	v4 =	vld [tilespmem:s7+$0x70];
	_ =	sdelay $0x2  }
0x12a: {  	v3 =	vpack.i.f32.bf16 v5, v3  }
0x12b: {  	[tilespmem:s10+$0xFFFFFFF0] =	vst v3;
	v2 =	vpack.i.f32.bf16 v6, v2  }
0x12c: {  	[tilespmem:s10+$0xFFFFFFB0] =	vst v2;
	v1 =	vpack.i.f32.bf16 v4, v1  }
0x12d: {  	[tilespmem:s11+$0x30] =	vst v1  }
0x12e: {  	v1 =	vld [tilespmem:$0x3E00]  }
0x12f: {  	v2 =	vld [tilespmem:$0x3E10]  }
0x130: {  	v3 =	vld [tilespmem:$0x3E20]  }
0x131: {  	v4 =	vld [tilespmem:$0x3E30]  }
0x132: {  	v5 =	vld [tilespmem:$0x3E40]  }
0x133: {  	v6 =	vld [tilespmem:$0x3E50]  }
0x134: {  	v7 =	vld [tilespmem:$0x3E60]  }
0x135: {  	v8 =	vld [tilespmem:$0x3E70];
	_ =	sdelay $0x1  }
0x136: {  	v1 =	vpack.i.f32.bf16 v2, v1  }
0x137: {  	[tilespmem:$0x9C00] =	vst v1;
	v1 =	vpack.i.f32.bf16 v4, v3  }
0x138: {  	[tilespmem:$0x9C10] =	vst v1;
	v1 =	vpack.i.f32.bf16 v6, v5  }
0x139: {  	[tilespmem:$0x9C20] =	vst v1;
	v1 =	vpack.i.f32.bf16 v8, v7  }
0x13a: {  	s14 =	rddreg [dreg:$0xd];
	[tilespmem:$0x9C30] =	vst v1  }
0x13b: {  	[hbm4b:s14+s3] =	stream.linear.scatter [tilespmem:s18], [sflag:$0x3], $0x1F40, $0x38;
	[tilespmem:$0x146B0] =	vst v63  }
0x13c: {  	s30 =	rddreg [dreg:$0xe]  }
0x13d: {  	[tilespmem:s3], [sflag:$0x1] =	stream.linear.gather [hbm4b:s30+s3], $0x3E80, $0x38;
	[tilespmem:$0x146B0] =	vst v63  }
0x13e: {  	_ =	swait.ge [sflag:s20], $0x3E80  }
0x13f: {  	[sflag:s20] =	ssyncset.done $0x0  }
0x140: {  	[sflag:s20] =	ssyncadd.s32 $0xFFFFC180  }
0x141: {  	_ =	swait.ge [sflag:s26], $0x1F40  }
0x142: {  	[sflag:s26] =	ssyncset.done $0x0  }
0x143: {  	s7 =	simm.s32 $0x3F80;
	[sflag:s26] =	ssyncadd.s32 $0xFFFFE0C0  }
0x144: {  	v1 =	vld [tilespmem:s7+$0x80]  }
0x145: {  	v2 =	vld [tilespmem:s7+$0x90];
	_ =	sdelay $0x2  }
0x146: {  	v3 =	vld [tilespmem:s7+$0xFFFFFF80]  }
0x147: {  	v4 =	vld [tilespmem:s7+$0xFFFFFF90]  }
0x148: {  	s10 =	simm.s32 $0x9CC0;
	v5 =	vld [tilespmem:s7+$0xFFFFFF10];
	v1 =	vpack.i.f32.bf16 v2, v1  }
0x149: {  	v2 =	vld [tilespmem:s7+$0xFFFFFF00];
	[tilespmem:s10+$0x40] =	vst v1  }
0x14a: {  	v1 =	vld [tilespmem:s7+$0xA0]  }
0x14b: {  	v6 =	vld [tilespmem:s7+$0xB0]  }
0x14c: {  	v7 =	vld [tilespmem:s7+$0x0];
	v3 =	vpack.i.f32.bf16 v4, v3  }
0x14d: {  	v4 =	vld [tilespmem:s7+$0x10];
	[tilespmem:s10+$0xFFFFFFC0] =	vst v3  }
0x14e: {  	v3 =	vld [tilespmem:s7+$0xFFFFFFA0];
	v2 =	vpack.i.f32.bf16 v5, v2  }
0x14f: {  	v5 =	vld [tilespmem:s7+$0xFFFFFFB0];
	[tilespmem:s10+$0xFFFFFF80] =	vst v2  }
0x150: {  	v2 =	vld [tilespmem:s7+$0xFFFFFF20];
	v1 =	vpack.i.f32.bf16 v6, v1  }
0x151: {  	v6 =	vld [tilespmem:s7+$0xFFFFFF30];
	[tilespmem:s10+$0x50] =	vst v1  }
0x152: {  	v1 =	vpack.i.f32.bf16 v4, v7;
	v4 =	vld [tilespmem:s7+$0xC0]  }
0x153: {  	[tilespmem:s10+$0x0] =	vst v1;
	v1 =	vld [tilespmem:s7+$0xD0]  }
0x154: {  	v7 =	vld [tilespmem:s7+$0x20];
	v3 =	vpack.i.f32.bf16 v5, v3  }
0x155: {  	[tilespmem:s10+$0xFFFFFFD0] =	vst v3;
	v3 =	vld [tilespmem:s7+$0x30]  }
0x156: {  	v5 =	vld [tilespmem:s7+$0xFFFFFFC0];
	v2 =	vpack.i.f32.bf16 v6, v2  }
0x157: {  	v6 =	vld [tilespmem:s7+$0xFFFFFFD0];
	[tilespmem:s10+$0xFFFFFF90] =	vst v2  }
0x158: {  	v2 =	vld [tilespmem:s7+$0xFFFFFF40];
	v1 =	vpack.i.f32.bf16 v1, v4  }
0x159: {  	v8 =	vld [tilespmem:s7+$0xFFFFFF50];
	[tilespmem:s10+$0x60] =	vst v1  }
0x15a: {  	v1 =	vpack.i.f32.bf16 v3, v7;
	v7 =	vld [tilespmem:s7+$0xE0]  }
0x15b: {  	v9 =	vld [tilespmem:s7+$0xF0];
	[tilespmem:s10+$0x10] =	vst v1  }
0x15c: {  	v3 =	vpack.i.f32.bf16 v6, v5;
	v1 =	vld [tilespmem:s7+$0x40]  }
0x15d: {  	[tilespmem:s10+$0xFFFFFFE0] =	vst v3;
	v4 =	vld [tilespmem:s7+$0x50]  }
0x15e: {  	v2 =	vpack.i.f32.bf16 v8, v2;
	v3 =	vld [tilespmem:s7+$0xFFFFFFE0]  }
0x15f: {  	v5 =	vld [tilespmem:s7+$0xFFFFFFF0];
	[tilespmem:s10+$0xFFFFFFA0] =	vst v2  }
0x160: {  	v2 =	vld [tilespmem:s7+$0xFFFFFF60];
	v7 =	vpack.i.f32.bf16 v9, v7  }
0x161: {  	s12 =	simm.s32 $0x0;
	s13 =	simm.s32 $0x4180;
	s11 =	simm.s32 $0x9CC0;
	v6 =	vld [tilespmem:s7+$0xFFFFFF70];
	[tilespmem:s10+$0x70] =	vst v7  }
.LBB2_8:
0x162: {  	v7 =	vld [tilespmem:s13+$0x80];
	v1 =	vpack.i.f32.bf16 v4, v1  }
0x163: {  	v4 =	vld [tilespmem:s13+$0x90];
	[tilespmem:s10+$0x20] =	vst v1  }
0x164: {  	v1 =	vld [tilespmem:s13+$0xFFFFFF10];
	v3 =	vpack.i.f32.bf16 v5, v3  }
0x165: {  	v5 =	vld [tilespmem:s13+$0xFFFFFF80];
	[tilespmem:s10+$0xFFFFFFF0] =	vst v3  }
0x166: {  	s12 =	sadd.s32 $0x4, s12;
	v3 =	vld [tilespmem:s13+$0xFFFFFF90];
	v2 =	vpack.i.f32.bf16 v6, v2  }
0x167: {  	p0 =	slt.u32 s12, $0x78;
	v6 =	vld [tilespmem:s13+$0x0];
	[tilespmem:s10+$0xFFFFFFB0] =	vst v2  }
0x168: {  	s10 =	sadd.s32 $0x100, s10;
	v2 =	vld [tilespmem:s13+$0x10];
	v4 =	vpack.i.f32.bf16 v4, v7  }
0x169: {  	v7 =	vld [tilespmem:s13+$0xFFFFFF00];
	[tilespmem:s10+$0x40] =	vst v4  }
0x16a: {  	v4 =	vld [tilespmem:s13+$0xA0]  }
0x16b: {  	v3 =	vpack.i.f32.bf16 v3, v5;
	v5 =	vld [tilespmem:s13+$0xB0]  }
0x16c: {  	[tilespmem:s10+$0xFFFFFFC0] =	vst v3;
	v3 =	vld [tilespmem:s7+$0x60]  }
0x16d: {  	v8 =	vld [tilespmem:s13+$0xFFFFFFA0];
	v2 =	vpack.i.f32.bf16 v2, v6  }
0x16e: {  	v1 =	vpack.i.f32.bf16 v1, v7;
	v6 =	vld [tilespmem:s13+$0xFFFFFFB0];
	[tilespmem:s10+$0x0] =	vst v2  }
0x16f: {  	[tilespmem:s10+$0xFFFFFF80] =	vst v1;
	v1 =	vld [tilespmem:s13+$0x20]  }
0x170: {  	v2 =	vld [tilespmem:s13+$0xFFFFFF20];
	v4 =	vpack.i.f32.bf16 v5, v4  }
0x171: {  	v5 =	vld [tilespmem:s13+$0xFFFFFF30];
	[tilespmem:s10+$0x50] =	vst v4  }
0x172: {  	v4 =	vld [tilespmem:s13+$0xC0]  }
0x173: {  	v6 =	vpack.i.f32.bf16 v6, v8;
	v7 =	vld [tilespmem:s13+$0xD0]  }
0x174: {  	[tilespmem:s10+$0xFFFFFFD0] =	vst v6;
	v6 =	vld [tilespmem:s13+$0x30]  }
0x175: {  	v8 =	vld [tilespmem:s13+$0xFFFFFFC0]  }
0x176: {  	v2 =	vpack.i.f32.bf16 v5, v2;
	v5 =	vld [tilespmem:s13+$0xFFFFFFD0]  }
0x177: {  	[tilespmem:s10+$0xFFFFFF90] =	vst v2;
	v2 =	vld [tilespmem:s7+$0x70];
	s7 =	smov.u32 s13  }
0x178: {  	v9 =	vld [tilespmem:s13+$0xFFFFFF40];
	v4 =	vpack.i.f32.bf16 v7, v4  }
0x179: {  	v7 =	vld [tilespmem:s13+$0xFFFFFF50];
	v1 =	vpack.i.f32.bf16 v6, v1;
	[tilespmem:s10+$0x60] =	vst v4  }
0x17a: {  	[tilespmem:s10+$0x10] =	vst v1;
	v6 =	vld [tilespmem:s13+$0xE0]  }
0x17b: {  	v1 =	vpack.i.f32.bf16 v5, v8;
	v8 =	vld [tilespmem:s13+$0xF0]  }
0x17c: {  	[tilespmem:s10+$0xFFFFFFE0] =	vst v1;
	v1 =	vld [tilespmem:s13+$0x40];
	v2 =	vpack.i.f32.bf16 v2, v3  }
.Ltmp3:
0x17d: {  	v4 =	vld [tilespmem:s13+$0x50];
	[tilespmem:s11+$0x30] =	vst v2;
	s11 =	smov.u32 s10;
	(pc) =	sbr.rel @p0 .LBB2_8-.Ltmp3, $4  }
0x17e: {  	v2 =	vpack.i.f32.bf16 v7, v9;
	v3 =	vld [tilespmem:s13+$0xFFFFFFE0]  }
0x17f: {  	[tilespmem:s10+$0xFFFFFFA0] =	vst v2;
	v5 =	vld [tilespmem:s13+$0xFFFFFFF0]  }
0x180: {  	v2 =	vld [tilespmem:s13+$0xFFFFFF60];
	v7 =	vpack.i.f32.bf16 v8, v6  }
0x181: {  	s13 =	sadd.s32 $0x200, s13;
	v6 =	vld [tilespmem:s7+$0xFFFFFF70];
	[tilespmem:s10+$0x70] =	vst v7  }
0x182: {  	v1 =	vpack.i.f32.bf16 v4, v1  }
0x183: {  	[tilespmem:s10+$0x20] =	vst v1  }
0x184: {  	v1 =	vld [tilespmem:s7+$0x60]  }
0x185: {  	v4 =	vld [tilespmem:s7+$0x70];
	_ =	sdelay $0x2  }
0x186: {  	v3 =	vpack.i.f32.bf16 v5, v3  }
0x187: {  	[tilespmem:s10+$0xFFFFFFF0] =	vst v3;
	v2 =	vpack.i.f32.bf16 v6, v2  }
0x188: {  	[tilespmem:s10+$0xFFFFFFB0] =	vst v2;
	v1 =	vpack.i.f32.bf16 v4, v1  }
0x189: {  	[tilespmem:s11+$0x30] =	vst v1  }
0x18a: {  	v1 =	vld [tilespmem:$0x7C80]  }
0x18b: {  	v2 =	vld [tilespmem:$0x7C90]  }
0x18c: {  	v3 =	vld [tilespmem:$0x7CA0]  }
0x18d: {  	v4 =	vld [tilespmem:$0x7CB0]  }
0x18e: {  	v5 =	vld [tilespmem:$0x7CC0]  }
0x18f: {  	v6 =	vld [tilespmem:$0x7CD0]  }
0x190: {  	v7 =	vld [tilespmem:$0x7CE0]  }
0x191: {  	v8 =	vld [tilespmem:$0x7CF0];
	_ =	sdelay $0x1  }
0x192: {  	v1 =	vpack.i.f32.bf16 v2, v1  }
0x193: {  	[tilespmem:$0xBB40] =	vst v1;
	v1 =	vpack.i.f32.bf16 v4, v3  }
0x194: {  	[tilespmem:$0xBB50] =	vst v1;
	v1 =	vpack.i.f32.bf16 v6, v5  }
0x195: {  	[tilespmem:$0xBB60] =	vst v1;
	v1 =	vpack.i.f32.bf16 v8, v7  }
0x196: {  	s30 =	rddreg [dreg:$0xf];
	[tilespmem:$0xBB70] =	vst v1  }
0x197: {  	[hbm4b:s30+s3] =	stream.linear.scatter [tilespmem:s21], [sflag:$0x4], $0x1F40, $0x38;
	[tilespmem:$0x146B0] =	vst v63  }
0x198: {  	_ =	swait.ge [sflag:s17], $0x3E80  }
0x199: {  	[sflag:s17] =	ssyncset.done $0x0  }
0x19a: {  	[sflag:s17] =	ssyncadd.s32 $0xFFFFC180  }
0x19b: {  	_ =	swait.ge [sflag:s23], $0x1F40  }
0x19c: {  	[sflag:s23] =	ssyncset.done $0x0  }
0x19d: {  	s7 =	simm.s32 $0x100;
	[sflag:s23] =	ssyncadd.s32 $0xFFFFE0C0  }
0x19e: {  	v1 =	vld [tilespmem:s7+$0x80]  }
0x19f: {  	v2 =	vld [tilespmem:s7+$0x90];
	_ =	sdelay $0x2  }
0x1a0: {  	v3 =	vld [tilespmem:s7+$0xFFFFFF80]  }
0x1a1: {  	v4 =	vld [tilespmem:s7+$0xFFFFFF90]  }
0x1a2: {  	s10 =	simm.s32 $0x7D80;
	v5 =	vld [tilespmem:s7+$0xFFFFFF10];
	v1 =	vpack.i.f32.bf16 v2, v1  }
0x1a3: {  	v2 =	vld [tilespmem:s7+$0xFFFFFF00];
	[tilespmem:s10+$0x40] =	vst v1  }
0x1a4: {  	v1 =	vld [tilespmem:s7+$0xA0]  }
0x1a5: {  	v6 =	vld [tilespmem:s7+$0xB0]  }
0x1a6: {  	v7 =	vld [tilespmem:s7+$0x0];
	v3 =	vpack.i.f32.bf16 v4, v3  }
0x1a7: {  	v4 =	vld [tilespmem:s7+$0x10];
	[tilespmem:s10+$0xFFFFFFC0] =	vst v3  }
0x1a8: {  	v3 =	vld [tilespmem:s7+$0xFFFFFFA0];
	v2 =	vpack.i.f32.bf16 v5, v2  }
0x1a9: {  	v5 =	vld [tilespmem:s7+$0xFFFFFFB0];
	[tilespmem:s10+$0xFFFFFF80] =	vst v2  }
0x1aa: {  	v2 =	vld [tilespmem:s7+$0xFFFFFF20];
	v1 =	vpack.i.f32.bf16 v6, v1  }
0x1ab: {  	v6 =	vld [tilespmem:s7+$0xFFFFFF30];
	[tilespmem:s10+$0x50] =	vst v1  }
0x1ac: {  	v1 =	vpack.i.f32.bf16 v4, v7;
	v4 =	vld [tilespmem:s7+$0xC0]  }
0x1ad: {  	[tilespmem:s10+$0x0] =	vst v1;
	v1 =	vld [tilespmem:s7+$0xD0]  }
0x1ae: {  	v7 =	vld [tilespmem:s7+$0x20];
	v3 =	vpack.i.f32.bf16 v5, v3  }
0x1af: {  	[tilespmem:s10+$0xFFFFFFD0] =	vst v3;
	v3 =	vld [tilespmem:s7+$0x30]  }
0x1b0: {  	v5 =	vld [tilespmem:s7+$0xFFFFFFC0];
	v2 =	vpack.i.f32.bf16 v6, v2  }
0x1b1: {  	v6 =	vld [tilespmem:s7+$0xFFFFFFD0];
	[tilespmem:s10+$0xFFFFFF90] =	vst v2  }
0x1b2: {  	v2 =	vld [tilespmem:s7+$0xFFFFFF40];
	v1 =	vpack.i.f32.bf16 v1, v4  }
0x1b3: {  	v8 =	vld [tilespmem:s7+$0xFFFFFF50];
	[tilespmem:s10+$0x60] =	vst v1  }
0x1b4: {  	v1 =	vpack.i.f32.bf16 v3, v7;
	v7 =	vld [tilespmem:s7+$0xE0]  }
0x1b5: {  	v9 =	vld [tilespmem:s7+$0xF0];
	[tilespmem:s10+$0x10] =	vst v1  }
0x1b6: {  	v3 =	vpack.i.f32.bf16 v6, v5;
	v1 =	vld [tilespmem:s7+$0x40]  }
0x1b7: {  	[tilespmem:s10+$0xFFFFFFE0] =	vst v3;
	v4 =	vld [tilespmem:s7+$0x50]  }
0x1b8: {  	v2 =	vpack.i.f32.bf16 v8, v2;
	v3 =	vld [tilespmem:s7+$0xFFFFFFE0]  }
0x1b9: {  	v5 =	vld [tilespmem:s7+$0xFFFFFFF0];
	[tilespmem:s10+$0xFFFFFFA0] =	vst v2  }
0x1ba: {  	v2 =	vld [tilespmem:s7+$0xFFFFFF60];
	v7 =	vpack.i.f32.bf16 v9, v7  }
0x1bb: {  	s12 =	simm.s32 $0x0;
	s13 =	simm.s32 $0x300;
	s11 =	simm.s32 $0x7D80;
	v6 =	vld [tilespmem:s7+$0xFFFFFF70];
	[tilespmem:s10+$0x70] =	vst v7  }
.LBB2_10:
0x1bc: {  	v7 =	vld [tilespmem:s13+$0x80];
	v1 =	vpack.i.f32.bf16 v4, v1  }
0x1bd: {  	v4 =	vld [tilespmem:s13+$0x90];
	[tilespmem:s10+$0x20] =	vst v1  }
0x1be: {  	v1 =	vld [tilespmem:s13+$0xFFFFFF10];
	v3 =	vpack.i.f32.bf16 v5, v3  }
0x1bf: {  	v5 =	vld [tilespmem:s13+$0xFFFFFF80];
	[tilespmem:s10+$0xFFFFFFF0] =	vst v3  }
0x1c0: {  	s12 =	sadd.s32 $0x4, s12;
	v3 =	vld [tilespmem:s13+$0xFFFFFF90];
	v2 =	vpack.i.f32.bf16 v6, v2  }
0x1c1: {  	p0 =	slt.u32 s12, $0x78;
	v6 =	vld [tilespmem:s13+$0x0];
	[tilespmem:s10+$0xFFFFFFB0] =	vst v2  }
0x1c2: {  	s10 =	sadd.s32 $0x100, s10;
	v2 =	vld [tilespmem:s13+$0x10];
	v4 =	vpack.i.f32.bf16 v4, v7  }
0x1c3: {  	v7 =	vld [tilespmem:s13+$0xFFFFFF00];
	[tilespmem:s10+$0x40] =	vst v4  }
0x1c4: {  	v4 =	vld [tilespmem:s13+$0xA0]  }
0x1c5: {  	v3 =	vpack.i.f32.bf16 v3, v5;
	v5 =	vld [tilespmem:s13+$0xB0]  }
0x1c6: {  	[tilespmem:s10+$0xFFFFFFC0] =	vst v3;
	v3 =	vld [tilespmem:s7+$0x60]  }
0x1c7: {  	v8 =	vld [tilespmem:s13+$0xFFFFFFA0];
	v2 =	vpack.i.f32.bf16 v2, v6  }
0x1c8: {  	v1 =	vpack.i.f32.bf16 v1, v7;
	v6 =	vld [tilespmem:s13+$0xFFFFFFB0];
	[tilespmem:s10+$0x0] =	vst v2  }
0x1c9: {  	[tilespmem:s10+$0xFFFFFF80] =	vst v1;
	v1 =	vld [tilespmem:s13+$0x20]  }
0x1ca: {  	v2 =	vld [tilespmem:s13+$0xFFFFFF20];
	v4 =	vpack.i.f32.bf16 v5, v4  }
0x1cb: {  	v5 =	vld [tilespmem:s13+$0xFFFFFF30];
	[tilespmem:s10+$0x50] =	vst v4  }
0x1cc: {  	v4 =	vld [tilespmem:s13+$0xC0]  }
0x1cd: {  	v6 =	vpack.i.f32.bf16 v6, v8;
	v7 =	vld [tilespmem:s13+$0xD0]  }
0x1ce: {  	[tilespmem:s10+$0xFFFFFFD0] =	vst v6;
	v6 =	vld [tilespmem:s13+$0x30]  }
0x1cf: {  	v8 =	vld [tilespmem:s13+$0xFFFFFFC0]  }
0x1d0: {  	v2 =	vpack.i.f32.bf16 v5, v2;
	v5 =	vld [tilespmem:s13+$0xFFFFFFD0]  }
0x1d1: {  	[tilespmem:s10+$0xFFFFFF90] =	vst v2;
	v2 =	vld [tilespmem:s7+$0x70];
	s7 =	smov.u32 s13  }
0x1d2: {  	v9 =	vld [tilespmem:s13+$0xFFFFFF40];
	v4 =	vpack.i.f32.bf16 v7, v4  }
0x1d3: {  	v7 =	vld [tilespmem:s13+$0xFFFFFF50];
	v1 =	vpack.i.f32.bf16 v6, v1;
	[tilespmem:s10+$0x60] =	vst v4  }
0x1d4: {  	[tilespmem:s10+$0x10] =	vst v1;
	v6 =	vld [tilespmem:s13+$0xE0]  }
0x1d5: {  	v1 =	vpack.i.f32.bf16 v5, v8;
	v8 =	vld [tilespmem:s13+$0xF0]  }
0x1d6: {  	[tilespmem:s10+$0xFFFFFFE0] =	vst v1;
	v1 =	vld [tilespmem:s13+$0x40];
	v2 =	vpack.i.f32.bf16 v2, v3  }
.Ltmp4:
0x1d7: {  	v4 =	vld [tilespmem:s13+$0x50];
	[tilespmem:s11+$0x30] =	vst v2;
	s11 =	smov.u32 s10;
	(pc) =	sbr.rel @p0 .LBB2_10-.Ltmp4, $4  }
0x1d8: {  	v2 =	vpack.i.f32.bf16 v7, v9;
	v3 =	vld [tilespmem:s13+$0xFFFFFFE0]  }
0x1d9: {  	[tilespmem:s10+$0xFFFFFFA0] =	vst v2;
	v5 =	vld [tilespmem:s13+$0xFFFFFFF0]  }
0x1da: {  	v2 =	vld [tilespmem:s13+$0xFFFFFF60];
	v7 =	vpack.i.f32.bf16 v8, v6  }
0x1db: {  	s13 =	sadd.s32 $0x200, s13;
	v6 =	vld [tilespmem:s7+$0xFFFFFF70];
	[tilespmem:s10+$0x70] =	vst v7  }
0x1dc: {  	v1 =	vpack.i.f32.bf16 v4, v1  }
0x1dd: {  	[tilespmem:s10+$0x20] =	vst v1  }
0x1de: {  	v1 =	vld [tilespmem:s7+$0x60]  }
0x1df: {  	v60 =	vld [tilespmem:s7+$0x70];
	_ =	sdelay $0x2  }
0x1e0: {  	v3 =	vpack.i.f32.bf16 v5, v3  }
0x1e1: {  	[tilespmem:s10+$0xFFFFFFF0] =	vst v3;
	v2 =	vpack.i.f32.bf16 v6, v2  }
0x1e2: {  	[tilespmem:s10+$0xFFFFFFB0] =	vst v2;
	v1 =	vpack.i.f32.bf16 v60, v1  }
0x1e3: {  	[tilespmem:s11+$0x30] =	vst v1  }
0x1e4: {  	v1 =	vld [tilespmem:$0x3E00]  }
0x1e5: {  	v2 =	vld [tilespmem:$0x3E10]  }
0x1e6: {  	v3 =	vld [tilespmem:$0x3E20]  }
0x1e7: {  	v61 =	vld [tilespmem:$0x3E30]  }
0x1e8: {  	v62 =	vld [tilespmem:$0x3E40]  }
0x1e9: {  	v63 =	vld [tilespmem:$0x3E50]  }
0x1ea: {  	v7 =	vld [tilespmem:$0x3E60]  }
0x1eb: {  	v8 =	vld [tilespmem:$0x3E70];
	_ =	sdelay $0x1  }
0x1ec: {  	v1 =	vpack.i.f32.bf16 v2, v1  }
0x1ed: {  	[tilespmem:$0x9C00] =	vst v1;
	v1 =	vpack.i.f32.bf16 v61, v3  }
0x1ee: {  	[tilespmem:$0x9C10] =	vst v1;
	v1 =	vpack.i.f32.bf16 v63, v62  }
0x1ef: {  	[tilespmem:$0x9C20] =	vst v1;
	v1 =	vpack.i.f32.bf16 v8, v7  }
0x1f0: {  	s7 =	simm.s32 $0x0;
	s10 =	rddreg [dreg:$0x10];
	[tilespmem:$0x9C30] =	vst v1  }
0x1f1: {  	[hbm4b:s10+s7] =	stream.linear.scatter [tilespmem:s18], [sflag:$0x3], $0x1F40, $0x38;
	[tilespmem:$0x146B0] =	vst v63  }
0x1f2: {  	_ =	swait.ge [sflag:s26], $0x1F40  }
0x1f3: {  	[sflag:s26] =	ssyncset.done $0x0  }
0x1f4: {  	[sflag:s26] =	ssyncadd.s32 $0xFFFFE0C0  }
0x1f5: {  	_ =	swait.ge [sflag:s23], $0x1F40  }
0x1f6: {  	[sflag:s23] =	ssyncset.done $0x0  }
0x1f7: {  	[sflag:s23] =	ssyncadd.s32 $0xFFFFE0C0  }
0x1f8: {  	[bflag:$0x0] =	sbarrier.arrive $0xFFFF  }
0x1f9: {  	_ =	swait.ge [sflag:s15], $0x80  }
0x1fa: {  	[sflag:s15] =	ssyncset.done $0x0  }
0x1fb: {  	[sflag:s15] =	ssyncadd.s32 $0xFFFFFF80  }
0x1fc: {  	_ =	swait.ge [sflag:s15], $0x80  }
0x1fd: {  	[sflag:s15] =	ssyncset.done $0x0  }
0x1fe: {  	s26 =	simm.s32 $0xBD80;
	[sflag:s15] =	ssyncadd.s32 $0xFFFFFF80  }
0x1ff: {  	[tilespmem:s26], [sflag:$0x7] =	stream.indirect.gather [hbm4b:s6+s16], $0x40, s31, s16, $0xb8;
	[tilespmem:$0x146B0] =	vst v63  }
0x200: {  	s30 =	simm.s32 $0xDD80  }
0x201: {  	[tilespmem:s30], [sflag:$0x7] =	stream.indirect.gather [hbm4b:s6+s16], $0x40, s1, s16, $0xb8;
	[tilespmem:$0x146B0] =	vst v63  }
.LBB2_12:
0x202: {  	_ =	swait.ge [sflag:s19], $0x80  }
0x203: {  	[sflag:s19] =	ssyncset.done $0x0  }
0x204: {  	[sflag:s19] =	ssyncadd.s32 $0xFFFFFF80  }
0x205: {  	_ =	swait.ge [sflag:s19], $0x80  }
0x206: {  	[sflag:s19] =	ssyncset.done $0x0  }
0x207: {  	s10 =	simm.s32 $0xFD80;
	[sflag:s19] =	ssyncadd.s32 $0xFFFFFF80  }
0x208: {  	[tilespmem:s10], [sflag:$0x8] =	stream.indirect.gather [hbm4b:s6+s16], $0x40, s0, s16, $0xb8;
	[tilespmem:$0x146B0] =	vst v63  }
0x209: {  	s23 =	simm.s32 $0x11D80  }
0x20a: {  	[tilespmem:s23], [sflag:$0x8] =	stream.indirect.gather [hbm4b:s6+s16], $0x40, s8, s16, $0xb8;
	[tilespmem:$0x146B0] =	vst v63  }
0x20b: {  	_ =	swait.ge [sflag:s22], $0x2000  }
0x20c: {  	[sflag:s22] =	ssyncset.done $0x0  }
0x20d: {  	s12 =	sshll.u32 s7, $0x8;
	[sflag:s22] =	ssyncadd.s32 $0xFFFFE000  }
0x20e: {  	s26 =	sadd.s32 s12, s28;
	_ =	swait.ge [sflag:s22], $0x2000  }
0x20f: {  	s10 =	sshrl.u32 s26, $0x3;
	[sflag:s22] =	ssyncset.done $0x0  }
0x210: {  	s10 =	sadd.s32 s5, s10;
	[sflag:s22] =	ssyncadd.s32 $0xFFFFE000  }
0x211: {  	[tilespmem:s31], [sflag:$0x5] =	stream.linear.gather [hbm4b:s10+s3], $0x80, $0x38;
	[tilespmem:$0x146B0] =	vst v63  }
0x212: {  	p0 =	seq.s32 s7, $0x0;
	s10 =	sadd.s32 $0x9C40, s10  }
0x213: {  	[tilespmem:s1], [sflag:$0x5] =	stream.linear.gather [hbm4b:s10+s3], $0x80, $0x38;
	[tilespmem:$0x146B0] =	vst v63  }
0x214: {  	s10 =	simm.s32 @!p0 $0x9  }
0x215: {  	_ =	swait.ge @!p0 [sflag:s10], $0x80  }
0x216: {  	s14 =	simm.s32 $0xDE00;
	[sflag:s10] =	ssyncset.done @!p0 $0x0  }
0x217: {  	s30 =	simm.s32 $0x0;
	s26 =	simm.s32 $0xBE00;
	[sflag:s10] =	ssyncadd.s32 @!p0 $0xFFFFFF80  }
.LBB2_13:
0x218: {  	v1 =	vld [tilespmem:s14+$0x70]  }
0x219: {  	v2 =	vld [tilespmem:s26+$0x70]  }
0x21a: {  	v5 =	vld [tilespmem:s14+$0x50]  }
0x21b: {  	v6 =	vld [tilespmem:s14+$0x60]  }
0x21c: {  	v7 =	vld [tilespmem:s14+$0xFFFFFFB0]  }
0x21d: {  	v8 =	vld [tilespmem:s14+$0xFFFFFFF0]  }
0x21e: {  	v9 =	vld [tilespmem:s26+$0x50]  }
0x21f: {  	v10 =	vld [tilespmem:s14+$0x30]  }
0x220: {  	v11 =	vld [tilespmem:s26+$0xFFFFFF80]  }
0x221: {  	v12 =	vld [tilespmem:s26+$0x30]  }
0x222: {  	v13 =	vld [tilespmem:s26+$0x60]  }
0x223: {  	v14 =	vld [tilespmem:s14+$0x40]  }
0x224: {  	v15 =	vld [tilespmem:s26+$0x40]  }
0x225: {  	v16 =	vld [tilespmem:s26+$0xFFFFFFB0]  }
0x226: {  	v17 =	vld [tilespmem:s26+$0xFFFFFFF0]  }
0x227: {  	v18 =	vld [tilespmem:s14+$0x20]  }
0x228: {  	v21 =	vld [tilespmem:s26+$0x20]  }
0x229: {  	v27 =	vld [tilespmem:s14+$0xFFFFFF80]  }
0x22a: {  	v3 =	vimm.f32 $0.0e+00;
	s10 =	simm.s32 $0x1;
	v20 =	vsub.bf16 v2, v1  }
0x22b: {  	s11 =	simm.s32 $0x2;
	v2 =	vmov s10;
	v5 =	vsub.bf16 v9, v5;
	v6 =	vsub.bf16 v13, v6  }
0x22c: {  	s13 =	simm.s32 $0x3;
	v1 =	vmov s11;
	v14 =	vsub.bf16 v15, v14;
	v8 =	vsub.bf16 v17, v8  }
0x22d: {  	v4 =	vld [tilespmem:s26+$0xFFFFFFC0];
	v12 =	vsub.bf16 v12, v10;
	v7 =	vsub.bf16 v16, v7;
	v10 =	vmov s13  }
0x22e: {  	v19 =	vld [tilespmem:s14+$0xFFFFFF90];
	v18 =	vsub.bf16 v21, v18;
	v11 =	vsub.bf16 v11, v27;
	vm0 =	veq.s32 v10, v0  }
0x22f: {  	v25 =	vld [tilespmem:s14+$0x10];
	v22 =	vunpack.i.u.bf16.f32 v20;
	v20 =	vunpack.i.l.bf16.f32 v20;
	v23 =	vunpack.i.u.bf16.f32 v5  }
0x230: {  	v26 =	vld [tilespmem:s26+$0x10];
	v5 =	vunpack.i.l.bf16.f32 v5;
	v24 =	vunpack.i.l.bf16.f32 v6;
	v6 =	vunpack.i.u.bf16.f32 v6  }
0x231: {  	v9 =	vld [tilespmem:s14+$0xFFFFFFE0];
	v17 =	vunpack.i.l.bf16.f32 v14;
	v14 =	vunpack.i.u.bf16.f32 v14;
	v20 =	vmul.f32 v20, v20  }
0x232: {  	v15 =	vld [tilespmem:s26+$0xFFFFFFE0];
	v28 =	vunpack.i.l.bf16.f32 v18;
	v17 =	vmul.f32 v17, v17;
	v23 =	vmul.f32 v23, v23  }
0x233: {  	v16 =	vld [tilespmem:s14+$0xFFFFFFC0];
	v30 =	vunpack.i.l.bf16.f32 v12;
	v14 =	vmul.f32 v14, v14;
	v5 =	vmul.f32 v5, v5  }
0x234: {  	s18 =	sadd.s32 $0x100, s14;
	v21 =	vld [tilespmem:s26+$0xFFFFFF90];
	v12 =	vunpack.i.u.bf16.f32 v12;
	v24 =	vmul.f32 v24, v24;
	v6 =	vmul.f32 v6, v6  }
0x235: {  	s20 =	sadd.s32 $0x100, s26;
	v33 =	vld [tilespmem:s18+$0x60];
	v36 =	vunpack.i.u.bf16.f32 v7;
	v12 =	vmul.f32 v12, v12;
	v30 =	vmul.f32 v30, v30  }
0x236: {  	v51 =	vld [tilespmem:s20+$0x60];
	v18 =	vunpack.i.u.bf16.f32 v18;
	v36 =	vmul.f32 v36, v36;
	v28 =	vmul.f32 v28, v28  }
0x237: {  	v58 =	vld [tilespmem:s18+$0xFFFFFFA0];
	v18 =	vmul.f32 v18, v18;
	v9 =	vsub.bf16 v15, v9;
	v15 =	vunpack.i.l.bf16.f32 v8  }
0x238: {  	v59 =	vld [tilespmem:s20+$0xFFFFFFA0];
	v14 =	vadd.f32 v17, v14;
	v17 =	vmul.f32 v22, v22;
	v8 =	vunpack.i.u.bf16.f32 v8  }
0x239: {  	v13 =	vld [tilespmem:s14+$0xFFFFFFD0];
	v19 =	vsub.bf16 v21, v19;
	v4 =	vsub.bf16 v4, v16;
	v8 =	vmul.f32 v8, v8  }
0x23a: {  	v22 =	vld [tilespmem:s26+$0xFFFFFFD0];
	v15 =	vmul.f32 v15, v15;
	v29 =	vunpack.i.l.bf16.f32 v9;
	v5 =	vadd.f32 v5, v14  }
0x23b: {  	v21 =	vld [tilespmem:s26+$0x0];
	v14 =	vsub.bf16 v26, v25;
	v26 =	vunpack.i.u.bf16.f32 v11;
	v11 =	vunpack.i.l.bf16.f32 v11  }
0x23c: {  	v25 =	vld [tilespmem:s14+$0x0];
	v32 =	vunpack.i.u.bf16.f32 v4;
	v4 =	vunpack.i.l.bf16.f32 v4;
	v16 =	vmul.f32 v26, v26  }
0x23d: {  	v9 =	vunpack.i.u.bf16.f32 v9;
	v11 =	vmul.f32 v11, v11;
	v4 =	vmul.f32 v4, v4  }
0x23e: {  	v31 =	vld [tilespmem:s26+$0xFFFFFFA0];
	v29 =	vmul.f32 v29, v29;
	v9 =	vmul.f32 v9, v9;
	v5 =	vadd.f32 v5, v23  }
0x23f: {  	v26 =	vld [tilespmem:s14+$0xFFFFFFA0];
	v23 =	vmul.f32 v32, v32;
	v13 =	vsub.bf16 v22, v13;
	v22 =	vunpack.i.l.bf16.f32 v19  }
0x240: {  	v35 =	vld [tilespmem:s18+$0xFFFFFFB0];
	v32 =	vsub.bf16 v51, v33;
	v11 =	vadd.f32 v11, v16;
	v22 =	vmul.f32 v22, v22  }
0x241: {  	v33 =	vsub.bf16 v59, v58;
	v16 =	vunpack.i.l.bf16.f32 v14;
	v21 =	vsub.bf16 v21, v25;
	v25 =	vld [tilespmem:s18+$0x70]  }
0x242: {  	v19 =	vunpack.i.u.bf16.f32 v19;
	v14 =	vunpack.i.u.bf16.f32 v14;
	v11 =	vadd.f32 v22, v11;
	v22 =	vld [tilespmem:s20+$0x70]  }
0x243: {  	v37 =	vld [tilespmem:s20+$0x50];
	v5 =	vadd.f32 v24, v5;
	v24 =	vunpack.i.l.bf16.f32 v7;
	v23 =	vadd.f32 v4, v23  }
0x244: {  	v38 =	vld [tilespmem:s20+$0xFFFFFF80];
	v27 =	vunpack.i.l.bf16.f32 v13;
	v13 =	vunpack.i.u.bf16.f32 v13;
	v26 =	vsub.bf16 v31, v26  }
0x245: {  	v52 =	vld [tilespmem:s18+$0x40];
	v27 =	vmul.f32 v27, v27;
	v49 =	vunpack.i.u.bf16.f32 v21;
	v21 =	vunpack.i.l.bf16.f32 v21  }
0x246: {  	v53 =	vld [tilespmem:s18+$0x20];
	v5 =	vadd.f32 v5, v6;
	v34 =	vunpack.i.l.bf16.f32 v26;
	v21 =	vmul.f32 v21, v21  }
0x247: {  	s17 =	simm.s32 $0x5;
	v55 =	vld [tilespmem:s18+$0xFFFFFF80];
	v7 =	vsub.bf16 v22, v25;
	v22 =	vunpack.i.u.bf16.f32 v26;
	v26 =	vmul.f32 v49, v49  }
0x248: {  	v4 =	vmov s17;
	v13 =	vmul.f32 v13, v13;
	v6 =	vld [tilespmem:s18+$0x50];
	v23 =	vadd.f32 v27, v23  }
0x249: {  	v41 =	vld [tilespmem:s18+$0xFFFFFFC0];
	v16 =	vmul.f32 v16, v16;
	v20 =	vadd.f32 v20, v5;
	v21 =	vadd.f32 v21, v26  }
0x24a: {  	v19 =	vmul.f32 v19, v19;
	v14 =	vmul.f32 v14, v14;
	v27 =	vld [tilespmem:s20+$0x40];
	v13 =	vadd.f32 v23, v13  }
0x24b: {  	s21 =	simm.s32 $0x6;
	v24 =	vmul.f32 v24, v24;
	v20 =	vadd.f32 v20, v17;
	v17 =	vld [tilespmem:s18+$0xFFFFFFF0];
	v16 =	vadd.f32 v16, v21  }
0x24c: {  	v5 =	vmov s21;
	v11 =	vadd.f32 v11, v19;
	v23 =	vld [tilespmem:s20+$0xFFFFFFF0];
	v13 =	vadd.f32 v29, v13  }
0x24d: {  	v25 =	vld [tilespmem:s18+$0x30];
	v6 =	vsub.bf16 v37, v6;
	v26 =	vmul.f32 v34, v34;
	v14 =	vadd.f32 v16, v14  }
0x24e: {  	v22 =	vmul.f32 v22, v22;
	v50 =	vunpack.i.l.bf16.f32 v7;
	v9 =	vadd.f32 v13, v9;
	v21 =	vld [tilespmem:s20+$0x30]  }
0x24f: {  	v57 =	vld [tilespmem:s20+$0xFFFFFFD0];
	v39 =	vunpack.i.u.bf16.f32 v7;
	v11 =	vadd.f32 v26, v11;
	v14 =	vadd.f32 v28, v14  }
0x250: {  	v29 =	vld [tilespmem:s18+$0xFFFFFF90];
	v37 =	vunpack.i.u.bf16.f32 v6;
	v19 =	vsub.bf16 v27, v52;
	v9 =	vadd.f32 v15, v9  }
0x251: {  	v6 =	vunpack.i.l.bf16.f32 v6;
	v27 =	vld [tilespmem:s20+$0x20];
	v22 =	vadd.f32 v11, v22;
	v14 =	vadd.f32 v14, v18  }
0x252: {  	v13 =	vld [tilespmem:s18+$0xFFFFFFE0];
	v18 =	vsub.bf16 v23, v17;
	v17 =	vunpack.i.l.bf16.f32 v19;
	v19 =	vunpack.i.u.bf16.f32 v19  }
0x253: {  	(xrf2) =	vadd.scan.msk.f32 $0xffff, v20;
	v26 =	vld [tilespmem:s18+$0x10];
	v54 =	vmul.f32 v17, v17;
	v17 =	vsub.bf16 v21, v25;
	v15 =	vmul.f32 v19, v19  }
0x254: {  	v16 =	vld [tilespmem:s20+$0xFFFFFFB0];
	v19 =	vadd.f32 v9, v8;
	v14 =	vadd.f32 v30, v14;
	v8 =	vunpack.i.l.bf16.f32 v18  }
0x255: {  	v21 =	vld [tilespmem:s20+$0x10];
	v9 =	vunpack.i.u.bf16.f32 v18;
	v18 =	vadd.f32 v24, v22;
	v22 =	vsub.bf16 v38, v55  }
0x256: {  	s23 =	simm.s32 $0x7;
	v7 =	vmul.f32 v50, v50;
	v14 =	vadd.f32 v14, v12;
	v12 =	vsub.bf16 v27, v53;
	v27 =	vld [tilespmem:s20+$0xFFFFFF90]  }
0x257: {  	v37 =	vmul.f32 v37, v37;
	v40 =	vmul.f32 v6, v6;
	v6 =	vmov s23;
	v23 =	vld [tilespmem:s18+$0xFFFFFFD0]  }
0x258: {  	v28 =	vunpack.i.l.bf16.f32 v32;
	v32 =	vunpack.i.u.bf16.f32 v32;
	v30 =	vld [tilespmem:s20+$0xFFFFFFE0];
	v10 =	vunpack.i.l.bf16.f32 v22  }
0x259: {  	v31 =	vld [tilespmem:s20+$0xFFFFFFC0];
	v16 =	vsub.bf16 v16, v35;
	v24 =	vmul.f32 v28, v28;
	v10 =	vmul.f32 v10, v10;
	(xrf2) =	vadd.scan.msk.f32 $0xffff, v14  }
0x25a: {  	v56 =	vadd.f32 v54, v15;
	(xrf2) =	vadd.scan.msk.f32 $0xffff, v19;
	v19 =	vsub.bf16 v21, v26;
	v21 =	vunpack.i.u.bf16.f32 v22  }
0x25b: {  	v18 =	vadd.f32 v18, v36;
	v29 =	vsub.bf16 v27, v29;
	v27 =	vmul.f32 v21, v21  }
0x25c: {  	v15 =	vmul.f32 v39, v39;
	v20 =	vadd.f32 v40, v56;
	v23 =	vsub.bf16 v57, v23  }
0x25d: {  	v28 =	vld [tilespmem:s18+$0x0];
	v11 =	vunpack.i.l.bf16.f32 v12;
	v30 =	vsub.bf16 v30, v13;
	v27 =	vadd.f32 v10, v27;
	v10, _, _ =	vpop (xrf2);
	(xrf2) =	vadd.scan.msk.f32 $0xffff, v18  }
0x25e: {  	v13 =	vunpack.i.l.bf16.f32 v17;
	v26 =	vsub.bf16 v31, v41;
	v31 =	vld [tilespmem:s20+$0x0];
	v20 =	vadd.f32 v20, v37  }
0x25f: {  	v25 =	vunpack.i.l.bf16.f32 v30;
	v14 =	vunpack.i.u.bf16.f32 v30;
	v30 =	vmul.f32 v32, v32  }
0x260: {  	v60 =	vunpack.i.u.bf16.f32 v26;
	v61 =	vunpack.i.l.bf16.f32 v26;
	v26 =	vunpack.i.l.bf16.f32 v19  }
0x261: {  	v34 =	vadd.f32 v24, v20;
	v20 =	vunpack.i.l.bf16.f32 v16;
	v21 =	vunpack.i.l.bf16.f32 v29  }
0x262: {  	v62 =	vmul.f32 v60, v60;
	v22 =	vmul.f32 v21, v21;
	v21 =	vunpack.i.l.bf16.f32 v23  }
0x263: {  	v23 =	vunpack.i.u.bf16.f32 v23;
	v63 =	vsub.bf16 v31, v28;
	v28 =	vmul.f32 v61, v61  }
0x264: {  	s10 =	sshll.u32 s30, $0x4;
	s11 =	simm.s32 $0x0;
	s13 =	simm.s32 $0x4;
	v21 =	vmul.f32 v21, v21;
	v23 =	vmul.f32 v23, v23;
	v22 =	vadd.f32 v22, v27;
	v24, _, _ =	vpop (xrf2)  }
0x265: {  	s17 =	simm.s32 $0x8;
	s18 =	sadd.s32 $0x100, s18;
	s20 =	sadd.s32 $0x100, s20;
	v31 =	vunpack.i.u.bf16.f32 v63;
	v28 =	vadd.f32 v28, v62;
	v32 =	vunpack.i.l.bf16.f32 v63;
	v27, _, _ =	vpop (xrf2)  }
.LBB2_14:
0x266: {  	s21 =	sadd.s32 $0x1, s17  }
0x267: {  	v18 =	vld [tilespmem:s20+$0xFFFFFFC0];
	p1 =	slt.u32 s17, $0xC;
	v29 =	vunpack.i.u.bf16.f32 v29;
	v17 =	vunpack.i.u.bf16.f32 v17;
	v30 =	vadd.f32 v34, v30;
	v34, _, _ =	vpop (xrf2);
	s23 =	smov.u32 s17;
	s17 =	sadd.s32 $0x4, s17  }
0x268: {  	v25 =	vmul.f32 v25, v25;
	v35 =	vmov s21;
	v36 =	vld [tilespmem:s18+$0x70];
	v37 =	vunpack.i.l.bf16.f32 v33  }
0x269: {  	v16 =	vunpack.i.u.bf16.f32 v16;
	s21 =	sadd.s32 $0x2, s23;
	v38 =	vld [tilespmem:s20+$0x70];
	v7 =	vadd.f32 v7, v30;
	v30 =	vbroadcast v34, $0xF  }
0x26a: {  	v40 =	vmov s11;
	v27 =	vbroadcast v27, $0xF;
	s11 =	smov.u32 s13;
	s13 =	smov.u32 s23;
	v34 =	vmov s21;
	v39 =	vld [tilespmem:s18+$0x50]  }
0x26b: {  	v10 =	vbroadcast v10, $0xF;
	vm1 =	veq.s32 v40, v0;
	v41 =	vld [tilespmem:s18+$0x60];
	v7 =	vadd.f32 v7, v15  }
0x26c: {  	v24 =	vbroadcast v24, $0xF;
	v3 =	vsel vm1, v30, v3;
	vm1 =	veq.s32 v2, v0;
	v2 =	vmovc v4;
	v4 =	vmovc v35;
	v15 =	vld [tilespmem:s18+$0xFFFFFFB0]  }
0x26d: {  	v33 =	vunpack.i.u.bf16.f32 v33;
	v3 =	vsel vm1, v27, v3;
	vm1 =	veq.s32 v1, v0;
	v1 =	vmovc v5;
	v30 =	vld [tilespmem:s18+$0xFFFFFFF0];
	(xrf2) =	vadd.scan.msk.f32 $0xffff, v7  }
0x26e: {  	v19 =	vunpack.i.u.bf16.f32 v19;
	v5 =	vmovc v34;
	v3 =	vsel vm1, v24, v3;
	v27 =	vld [tilespmem:s20+$0x50];
	v7 =	vsub.bf16 v38, v36  }
0x26f: {  	v31 =	vmul.f32 v31, v31;
	v29 =	vmul.f32 v29, v29;
	v3 =	vsel vm0, v10, v3;
	v24 =	vld [tilespmem:s18+$0x30]  }
0x270: {  	v10 =	vmul.f32 v32, v32;
	v34 =	vld [tilespmem:s20+$0xFFFFFF80];
	v35 =	vunpack.i.u.bf16.f32 v7;
	v7 =	vunpack.i.l.bf16.f32 v7  }
0x271: {  	v26 =	vmul.f32 v26, v26;
	v12 =	vunpack.i.u.bf16.f32 v12;
	v32 =	vld [tilespmem:s20+$0x30];
	v7 =	vmul.f32 v7, v7  }
0x272: {  	v37 =	vmul.f32 v37, v37;
	v10 =	vadd.f32 v10, v31;
	v31 =	vmul.f32 v17, v17;
	v36 =	vld [tilespmem:s20+$0x60]  }
0x273: {  	v14 =	vmul.f32 v14, v14;
	v21 =	vadd.f32 v21, v28;
	v17 =	vld [tilespmem:s18+$0x40];
	v27 =	vsub.bf16 v27, v39  }
0x274: {  	v13 =	vmul.f32 v13, v13;
	v19 =	vmul.f32 v19, v19;
	v40 =	vadd.f32 v26, v10;
	v28 =	vld [tilespmem:s20+$0x40]  }
0x275: {  	v21 =	vadd.f32 v21, v23;
	v26 =	vld [tilespmem:s20+$0xFFFFFFB0];
	v38 =	vunpack.i.u.bf16.f32 v27;
	v27 =	vunpack.i.l.bf16.f32 v27  }
0x276: {  	v11 =	vmul.f32 v11, v11;
	v39 =	vmul.f32 v16, v16;
	v16 =	vadd.f32 v40, v19;
	v23 =	vld [tilespmem:s20+$0xFFFFFFF0]  }
0x277: {  	v20 =	vmul.f32 v20, v20;
	v21 =	vadd.f32 v25, v21;
	v19 =	vld [tilespmem:s18+$0x20];
	v36 =	vsub.bf16 v36, v41;
	v10, _, _ =	vpop (xrf2)  }
0x278: {  	v12 =	vmul.f32 v12, v12;
	v22 =	vadd.f32 v22, v29;
	v11 =	vadd.f32 v11, v16;
	v40 =	vld [tilespmem:s18+$0xFFFFFF90]  }
0x279: {  	v14 =	vadd.f32 v21, v14;
	v25 =	vld [tilespmem:s20+$0x20];
	v16 =	vsub.bf16 v28, v17;
	v28 =	vunpack.i.l.bf16.f32 v36  }
0x27a: {  	v9 =	vmul.f32 v9, v9;
	v11 =	vadd.f32 v11, v12;
	v36 =	vunpack.i.u.bf16.f32 v36;
	v21 =	vld [tilespmem:s18+$0xFFFFFFE0]  }
0x27b: {  	v8 =	vmul.f32 v8, v8;
	v23 =	vsub.bf16 v23, v30;
	v41 =	vld [tilespmem:s18+$0x0];
	v12 =	vunpack.i.l.bf16.f32 v16  }
0x27c: {  	v11 =	vadd.f32 v13, v11;
	v29 =	vunpack.i.u.bf16.f32 v16;
	v30 =	vld [tilespmem:s18+$0xFFFFFFD0];
	v42 =	vmul.f32 v12, v12  }
0x27d: {  	v8 =	vadd.f32 v8, v14;
	v12 =	vadd.f32 v37, v22;
	v22 =	vmul.f32 v33, v33;
	v13 =	vld [tilespmem:s20+$0xFFFFFFE0]  }
0x27e: {  	v17 =	vsub.bf16 v32, v24;
	v32 =	vmul.f32 v38, v38;
	v11 =	vadd.f32 v11, v31;
	v33 =	vld [tilespmem:s18+$0x10]  }
0x27f: {  	s21 =	sadd.s32 $0x3, s13;
	v16 =	vsub.bf16 v26, v15;
	v26 =	vadd.f32 v8, v9;
	v14 =	vmul.f32 v29, v29;
	v24 =	vld [tilespmem:s20+$0x10]  }
0x280: {  	v27 =	vmul.f32 v27, v27;
	v31 =	vmov s21;
	v22 =	vadd.f32 v12, v22;
	v29 =	vld [tilespmem:s18+$0xFFFFFF80];
	(xrf2) =	vadd.scan.msk.f32 $0xffff, v11  }
0x281: {  	v8 =	vunpack.i.l.bf16.f32 v23;
	v12 =	vsub.bf16 v25, v19;
	v37 =	vld [tilespmem:s18+$0xFFFFFFC0]  }
0x282: {  	v15 =	vmul.f32 v35, v35;
	v14 =	vadd.f32 v42, v14;
	v38 =	vld [tilespmem:s20+$0xFFFFFF90];
	v19 =	vsub.bf16 v13, v21  }
0x283: {  	v9 =	vunpack.i.u.bf16.f32 v23;
	v11 =	vunpack.i.l.bf16.f32 v12;
	v20 =	vadd.f32 v20, v22;
	v21 =	vld [tilespmem:s20+$0xFFFFFFD0];
	(xrf2) =	vadd.scan.msk.f32 $0xffff, v26  }
0x284: {  	v22 =	vadd.f32 v27, v14;
	v13 =	vunpack.i.l.bf16.f32 v17;
	v25 =	vunpack.i.l.bf16.f32 v19  }
0x285: {  	v20 =	vadd.f32 v20, v39;
	v14 =	vunpack.i.u.bf16.f32 v19;
	v23 =	vsub.bf16 v34, v29  }
0x286: {  	v28 =	vmul.f32 v28, v28;
	v19 =	vsub.bf16 v24, v33  }
0x287: {  	v18 =	vsub.bf16 v18, v37;
	v24 =	vunpack.i.u.bf16.f32 v23;
	v29 =	vsub.bf16 v38, v40;
	(xrf2) =	vadd.scan.msk.f32 $0xffff, v20  }
0x288: {  	vm0 =	veq.s32 v6, v0;
	v6 =	vmovc v31;
	v20 =	vmul.f32 v24, v24;
	v27 =	vsub.bf16 v21, v30;
	v33 =	vld [tilespmem:s20+$0x0]  }
0x289: {  	v21 =	vunpack.i.l.bf16.f32 v23;
	v30 =	vmul.f32 v36, v36;
	v23 =	vunpack.i.l.bf16.f32 v29  }
0x28a: {  	v26 =	vmul.f32 v21, v21;
	v31 =	vmul.f32 v23, v23;
	v35 =	vld [tilespmem:s18+$0xFFFFFFA0];
	v21 =	vunpack.i.l.bf16.f32 v27;
	v24, _, _ =	vpop (xrf2)  }
0x28b: {  	v22 =	vadd.f32 v22, v32;
	v23 =	vunpack.i.u.bf16.f32 v18;
	v36 =	vld [tilespmem:s20+$0xFFFFFFA0];
	v21 =	vmul.f32 v21, v21  }
.Ltmp5:
0x28c: {  	v18 =	vunpack.i.l.bf16.f32 v18;
	v20 =	vadd.f32 v26, v20;
	v26 =	vunpack.i.l.bf16.f32 v19;
	(pc) =	sbr.rel @p1 .LBB2_14-.Ltmp5, $4  }
0x28d: {  	v32 =	vmul.f32 v23, v23;
	v23 =	vunpack.i.u.bf16.f32 v27;
	v37 =	vsub.bf16 v33, v41;
	v27, _, _ =	vpop (xrf2)  }
0x28e: {  	v34 =	vadd.f32 v28, v22;
	v18 =	vmul.f32 v18, v18;
	v23 =	vmul.f32 v23, v23  }
0x28f: {  	v22 =	vadd.f32 v31, v20;
	v20 =	vunpack.i.l.bf16.f32 v16;
	v31 =	vunpack.i.u.bf16.f32 v37  }
0x290: {  	s18 =	sadd.s32 $0x100, s18;
	s20 =	sadd.s32 $0x100, s20;
	v28 =	vadd.f32 v18, v32;
	v32 =	vunpack.i.l.bf16.f32 v37;
	v33 =	vsub.bf16 v36, v35  }
0x291: {  	v18 =	vmul.f32 v31, v31;
	v45 =	vmul.f32 v32, v32  }
0x292: {  	v29 =	vunpack.i.u.bf16.f32 v29;
	v17 =	vunpack.i.u.bf16.f32 v17  }
0x293: {  	v30 =	vadd.f32 v34, v30;
	v26 =	vmul.f32 v26, v26;
	v18 =	vadd.f32 v45, v18  }
0x294: {  	v25 =	vmul.f32 v25, v25;
	v19 =	vunpack.i.u.bf16.f32 v19;
	v16 =	vunpack.i.u.bf16.f32 v16  }
0x295: {  	v11 =	vmul.f32 v11, v11;
	v19 =	vmul.f32 v19, v19;
	v18 =	vadd.f32 v26, v18  }
0x296: {  	v12 =	vunpack.i.u.bf16.f32 v12;
	v14 =	vmul.f32 v14, v14;
	v21 =	vadd.f32 v21, v28  }
0x297: {  	v13 =	vmul.f32 v13, v13;
	v48 =	vmul.f32 v29, v29;
	v18 =	vadd.f32 v18, v19  }
0x298: {  	v46 =	vunpack.i.l.bf16.f32 v33;
	v12 =	vmul.f32 v12, v12;
	v21 =	vadd.f32 v21, v23  }
0x299: {  	v49 =	vmul.f32 v46, v46;
	v22 =	vadd.f32 v22, v48;
	v11 =	vadd.f32 v11, v18  }
0x29a: {  	v8 =	vmul.f32 v8, v8;
	v47 =	vunpack.i.u.bf16.f32 v33;
	v50 =	vadd.f32 v25, v21  }
0x29b: {  	v52 =	vmul.f32 v47, v47;
	v51 =	vadd.f32 v49, v22;
	v11 =	vadd.f32 v11, v12  }
0x29c: {  	v53 =	vmul.f32 v20, v20;
	v7 =	vadd.f32 v7, v30;
	v14 =	vadd.f32 v50, v14  }
0x29d: {  	v17 =	vmul.f32 v17, v17;
	v12 =	vadd.f32 v51, v52;
	v11 =	vadd.f32 v13, v11  }
0x29e: {  	v9 =	vmul.f32 v9, v9;
	v7 =	vadd.f32 v7, v15;
	v8 =	vadd.f32 v8, v14  }
0x29f: {  	v54 =	vmul.f32 v16, v16;
	v12 =	vadd.f32 v53, v12;
	v11 =	vadd.f32 v11, v17  }
0x2a0: {  	(xrf2) =	vadd.scan.msk.f32 $0xffff, v7;
	v55 =	vadd.f32 v8, v9  }
0x2a1: {  	v56 =	vadd.f32 v12, v54;
	(xrf2) =	vadd.scan.msk.f32 $0xffff, v11  }
0x2a2: {  	(xrf2) =	vadd.scan.msk.f32 $0xffff, v55  }
0x2a3: {  	(xrf2) =	vadd.scan.msk.f32 $0xffff, v56;
	_ =	sdelay $0x5  }
0x2a4: {  	v57, _, _ =	vpop (xrf2)  }
0x2a5: {  	v59 =	vmov s11;
	v7 =	vbroadcast v57, $0xF;
	v58, _, _ =	vpop (xrf2)  }
0x2a6: {  	v60 =	vbroadcast v27, $0xF;
	vm1 =	veq.s32 v59, v0;
	v61, _, _ =	vpop (xrf2)  }
0x2a7: {  	vm10 =	veq.s32 v2, v0;
	v2 =	vbroadcast v24, $0xF;
	v3 =	vsel vm1, v7, v3;
	v62, _, _ =	vpop (xrf2)  }
0x2a8: {  	v10 =	vbroadcast v10, $0xF;
	vm11 =	veq.s32 v1, v0;
	v3 =	vsel vm10, v60, v3;
	v1, _, _ =	vpop (xrf2)  }
0x2a9: {  	v2 =	vsel vm11, v2, v3;
	v3 =	vmov s13;
	v1 =	vbroadcast v1, $0xF  }
0x2aa: {  	v2 =	vsel vm0, v10, v2;
	vm12 =	veq.s32 v3, v0;
	v7 =	vbroadcast v62, $0xF  }
0x2ab: {  	vm13 =	veq.s32 v4, v0;
	v1 =	vsel vm12, v1, v2;
	v2 =	vbroadcast v61, $0xF  }
0x2ac: {  	vm14 =	veq.s32 v5, v0;
	v3 =	vbroadcast v58, $0xF;
	v1 =	vsel vm13, v7, v1  }
0x2ad: {  	vm15 =	veq.s32 v6, v0;
	v1 =	vsel vm14, v2, v1  }
0x2ae: {  	v1 =	vsel vm15, v3, v1  }
0x2af: {  	v2 =	vshra.s32 v1, $0x1;
	v3 =	vmul.f32 $5.000000000e-01, v1  }
0x2b0: {  	v2 =	vsub.s32 $0x5F3759DF, v2  }
0x2b1: {  	v63 =	vmul.f32 v2, v3;
	_ =	sdelay $0x1  }
0x2b2: {  	v4 =	vmul.f32 v2, v63;
	_ =	sdelay $0x1  }
0x2b3: {  	v4 =	vsub.f32 $1.500000000e+00, v4;
	_ =	sdelay $0x1  }
0x2b4: {  	v2 =	vmul.f32 v2, v4;
	_ =	sdelay $0x1  }
0x2b5: {  	v4 =	vmul.f32 v2, v3;
	_ =	sdelay $0x1  }
0x2b6: {  	v4 =	vmul.f32 v4, v2;
	_ =	sdelay $0x1  }
0x2b7: {  	v4 =	vsub.f32 $1.500000000e+00, v4;
	_ =	sdelay $0x1  }
0x2b8: {  	v2 =	vmul.f32 v4, v2;
	_ =	sdelay $0x1  }
0x2b9: {  	v3 =	vmul.f32 v2, v3;
	_ =	sdelay $0x1  }
0x2ba: {  	v3 =	vmul.f32 v3, v2;
	_ =	sdelay $0x1  }
0x2bb: {  	v3 =	vsub.f32 $1.500000000e+00, v3;
	_ =	sdelay $0x1  }
0x2bc: {  	v2 =	vmul.f32 v3, v2;
	_ =	sdelay $0x1  }
0x2bd: {  	v1 =	vmul.f32 v2, v1;
	_ =	sdelay $0x1  }
0x2be: {  	v1 =	vsub.f32 $0.0e+00, v1;
	_ =	sdelay $0x1  }
0x2bf: {  	v1 =	vmul.f32 $1.442695020e+00, v1;
	_ =	sdelay $0x1  }
0x2c0: {  	(erf) = vpow2.f32 v1;
	_ =	sdelay $0x3  }
0x2c1: {  	s30 =	sadd.s32 $0x1, s30  }
0x2c2: {  	p1 =	sne.s32 s30, $0x8  }
.Ltmp6:
0x2c3: {  	_ = 	snop;
	(pc) =	sbr.rel @p1 .LBB2_13-.Ltmp6, $3  }
0x2c4: {  	_ =	sdelay $0x1  }
0x2c5: {  	v1 =	vpop (erf)  }
0x2c6: {  	s14 =	sadd.s32 $0x400, s14;
	s26 =	sadd.s32 $0x400, s26;
	[tilespmem:s10+$0x13D80] =	vst v1  }
0x2c7: {  	s10 =	sadd.s32 s4, s12  }
0x2c8: {  	s10 =	sshrl.u32 s10, $0x3  }
0x2c9: {  	s11 =	simm.s32 $0x13D80;
	s10 =	sadd.s32 s2, s10  }
0x2ca: {  	[hbm4b:s10+s3] =	stream.linear.scatter [tilespmem:s11], [sflag:$0x9], $0x80, $0x38;
	[tilespmem:$0x146B0] =	vst v63  }
0x2cb: {  	_ =	swait.ge [sflag:s24], $0x2000  }
0x2cc: {  	[sflag:s24] =	ssyncset.done $0x0  }
0x2cd: {  	[sflag:s24] =	ssyncadd.s32 $0xFFFFE000  }
0x2ce: {  	s21 =	sadd.s32 s12, s29;
	_ =	swait.ge [sflag:s24], $0x2000  }
0x2cf: {  	s10 =	sshrl.u32 s21, $0x3;
	[sflag:s24] =	ssyncset.done $0x0  }
0x2d0: {  	s10 =	sadd.s32 s5, s10;
	[sflag:s24] =	ssyncadd.s32 $0xFFFFE000  }
0x2d1: {  	[tilespmem:s0], [sflag:$0x6] =	stream.linear.gather [hbm4b:s10+s3], $0x80, $0x38;
	[tilespmem:$0x146B0] =	vst v63  }
0x2d2: {  	s10 =	sadd.s32 $0x9C40, s10  }
0x2d3: {  	[tilespmem:s8], [sflag:$0x6] =	stream.linear.gather [hbm4b:s10+s3], $0x80, $0x38;
	[tilespmem:$0x146B0] =	vst v63  }
0x2d4: {  	_ =	swait.ge [sflag:s15], $0x80  }
0x2d5: {  	[sflag:s15] =	ssyncset.done $0x0  }
0x2d6: {  	[sflag:s15] =	ssyncadd.s32 $0xFFFFFF80  }
0x2d7: {  	_ =	swait.ge [sflag:s15], $0x80  }
0x2d8: {  	[sflag:s15] =	ssyncset.done $0x0  }
0x2d9: {  	s23 =	simm.s32 $0xBD80;
	[sflag:s15] =	ssyncadd.s32 $0xFFFFFF80  }
0x2da: {  	[tilespmem:s23], [sflag:$0x7] =	stream.indirect.gather [hbm4b:s6+s16], $0x40, s31, s16, $0xb8;
	[tilespmem:$0x146B0] =	vst v63  }
0x2db: {  	s26 =	simm.s32 $0xDD80;
	s10 =	simm.s32 @!p0 $0xA  }
0x2dc: {  	[tilespmem:s26], [sflag:$0x7] =	stream.indirect.gather [hbm4b:s6+s16], $0x40, s1, s16, $0xb8;
	[tilespmem:$0x146B0] =	vst v63  }
0x2dd: {  	_ =	swait.ge @!p0 [sflag:s10], $0x80  }
0x2de: {  	s14 =	simm.s32 $0x0;
	[sflag:s10] =	ssyncset.done @!p0 $0x0  }
0x2df: {  	s30 =	simm.s32 $0xFE00;
	s26 =	simm.s32 $0x11E00;
	[sflag:s10] =	ssyncadd.s32 @!p0 $0xFFFFFF80  }
.LBB2_17:
0x2e0: {  	v1 =	vld [tilespmem:s26+$0x70]  }
0x2e1: {  	v2 =	vld [tilespmem:s30+$0x70]  }
0x2e2: {  	v5 =	vld [tilespmem:s26+$0x50]  }
0x2e3: {  	v6 =	vld [tilespmem:s26+$0x60]  }
0x2e4: {  	v7 =	vld [tilespmem:s26+$0xFFFFFFB0]  }
0x2e5: {  	v8 =	vld [tilespmem:s26+$0xFFFFFFF0]  }
0x2e6: {  	v9 =	vld [tilespmem:s30+$0x50]  }
0x2e7: {  	v10 =	vld [tilespmem:s26+$0x30]  }
0x2e8: {  	v11 =	vld [tilespmem:s30+$0xFFFFFF80]  }
0x2e9: {  	v12 =	vld [tilespmem:s30+$0x30]  }
0x2ea: {  	v13 =	vld [tilespmem:s30+$0x60]  }
0x2eb: {  	v14 =	vld [tilespmem:s26+$0x40]  }
0x2ec: {  	v15 =	vld [tilespmem:s30+$0x40]  }
0x2ed: {  	v16 =	vld [tilespmem:s30+$0xFFFFFFB0]  }
0x2ee: {  	v17 =	vld [tilespmem:s30+$0xFFFFFFF0]  }
0x2ef: {  	v18 =	vld [tilespmem:s26+$0x20]  }
0x2f0: {  	v21 =	vld [tilespmem:s30+$0x20]  }
0x2f1: {  	v27 =	vld [tilespmem:s26+$0xFFFFFF80]  }
0x2f2: {  	v3 =	vimm.f32 $0.0e+00;
	s10 =	simm.s32 $0x1;
	v20 =	vsub.bf16 v2, v1  }
0x2f3: {  	s11 =	simm.s32 $0x2;
	v2 =	vmov s10;
	v5 =	vsub.bf16 v9, v5;
	v6 =	vsub.bf16 v13, v6  }
0x2f4: {  	s17 =	simm.s32 $0x3;
	v1 =	vmov s11;
	v14 =	vsub.bf16 v15, v14;
	v8 =	vsub.bf16 v17, v8  }
0x2f5: {  	v4 =	vld [tilespmem:s30+$0xFFFFFFC0];
	v12 =	vsub.bf16 v12, v10;
	v7 =	vsub.bf16 v16, v7;
	v10 =	vmov s17  }
0x2f6: {  	v19 =	vld [tilespmem:s26+$0xFFFFFF90];
	v18 =	vsub.bf16 v21, v18;
	v11 =	vsub.bf16 v11, v27;
	vm0 =	veq.s32 v10, v0  }
0x2f7: {  	v25 =	vld [tilespmem:s26+$0x10];
	v22 =	vunpack.i.u.bf16.f32 v20;
	v20 =	vunpack.i.l.bf16.f32 v20;
	v23 =	vunpack.i.u.bf16.f32 v5  }
0x2f8: {  	v26 =	vld [tilespmem:s30+$0x10];
	v5 =	vunpack.i.l.bf16.f32 v5;
	v24 =	vunpack.i.l.bf16.f32 v6;
	v6 =	vunpack.i.u.bf16.f32 v6  }
0x2f9: {  	v9 =	vld [tilespmem:s26+$0xFFFFFFE0];
	v17 =	vunpack.i.l.bf16.f32 v14;
	v14 =	vunpack.i.u.bf16.f32 v14;
	v20 =	vmul.f32 v20, v20  }
0x2fa: {  	v15 =	vld [tilespmem:s30+$0xFFFFFFE0];
	v28 =	vunpack.i.l.bf16.f32 v18;
	v17 =	vmul.f32 v17, v17;
	v23 =	vmul.f32 v23, v23  }
0x2fb: {  	v16 =	vld [tilespmem:s26+$0xFFFFFFC0];
	v30 =	vunpack.i.l.bf16.f32 v12;
	v14 =	vmul.f32 v14, v14;
	v5 =	vmul.f32 v5, v5  }
0x2fc: {  	s20 =	sadd.s32 $0x100, s30;
	v21 =	vld [tilespmem:s30+$0xFFFFFF90];
	v12 =	vunpack.i.u.bf16.f32 v12;
	v24 =	vmul.f32 v24, v24;
	v6 =	vmul.f32 v6, v6  }
0x2fd: {  	v51 =	vld [tilespmem:s20+$0x60];
	v36 =	vunpack.i.u.bf16.f32 v7;
	v12 =	vmul.f32 v12, v12;
	v30 =	vmul.f32 v30, v30  }
0x2fe: {  	v59 =	vld [tilespmem:s20+$0xFFFFFFA0];
	v18 =	vunpack.i.u.bf16.f32 v18;
	v36 =	vmul.f32 v36, v36;
	v28 =	vmul.f32 v28, v28  }
0x2ff: {  	v13 =	vld [tilespmem:s26+$0xFFFFFFD0];
	s11 =	sadd.s32 $0x100, s26;
	v18 =	vmul.f32 v18, v18;
	v9 =	vsub.bf16 v15, v9;
	v15 =	vunpack.i.l.bf16.f32 v8  }
0x300: {  	v33 =	vld [tilespmem:s11+$0x60];
	v14 =	vadd.f32 v17, v14;
	v17 =	vmul.f32 v22, v22;
	v8 =	vunpack.i.u.bf16.f32 v8  }
0x301: {  	v58 =	vld [tilespmem:s11+$0xFFFFFFA0];
	v19 =	vsub.bf16 v21, v19;
	v4 =	vsub.bf16 v4, v16;
	v8 =	vmul.f32 v8, v8  }
0x302: {  	v22 =	vld [tilespmem:s30+$0xFFFFFFD0];
	v15 =	vmul.f32 v15, v15;
	v29 =	vunpack.i.l.bf16.f32 v9;
	v5 =	vadd.f32 v5, v14  }
0x303: {  	v21 =	vld [tilespmem:s30+$0x0];
	v14 =	vsub.bf16 v26, v25;
	v26 =	vunpack.i.u.bf16.f32 v11;
	v11 =	vunpack.i.l.bf16.f32 v11  }
0x304: {  	v25 =	vld [tilespmem:s26+$0x0];
	v32 =	vunpack.i.u.bf16.f32 v4;
	v4 =	vunpack.i.l.bf16.f32 v4;
	v16 =	vmul.f32 v26, v26  }
0x305: {  	v9 =	vunpack.i.u.bf16.f32 v9;
	v11 =	vmul.f32 v11, v11;
	v4 =	vmul.f32 v4, v4  }
0x306: {  	v31 =	vld [tilespmem:s30+$0xFFFFFFA0];
	v29 =	vmul.f32 v29, v29;
	v9 =	vmul.f32 v9, v9;
	v5 =	vadd.f32 v5, v23  }
0x307: {  	v26 =	vld [tilespmem:s26+$0xFFFFFFA0];
	v23 =	vmul.f32 v32, v32;
	v13 =	vsub.bf16 v22, v13;
	v22 =	vunpack.i.l.bf16.f32 v19  }
0x308: {  	v37 =	vld [tilespmem:s20+$0x50];
	v32 =	vsub.bf16 v51, v33;
	v11 =	vadd.f32 v11, v16;
	v22 =	vmul.f32 v22, v22  }
0x309: {  	v33 =	vsub.bf16 v59, v58;
	v16 =	vunpack.i.l.bf16.f32 v14;
	v21 =	vsub.bf16 v21, v25;
	v25 =	vld [tilespmem:s11+$0x70]  }
0x30a: {  	v19 =	vunpack.i.u.bf16.f32 v19;
	v14 =	vunpack.i.u.bf16.f32 v14;
	v11 =	vadd.f32 v22, v11;
	v22 =	vld [tilespmem:s20+$0x70]  }
0x30b: {  	v38 =	vld [tilespmem:s20+$0xFFFFFF80];
	v5 =	vadd.f32 v24, v5;
	v24 =	vunpack.i.l.bf16.f32 v7;
	v23 =	vadd.f32 v4, v23  }
0x30c: {  	v57 =	vld [tilespmem:s20+$0xFFFFFFD0];
	v27 =	vunpack.i.l.bf16.f32 v13;
	v13 =	vunpack.i.u.bf16.f32 v13;
	v26 =	vsub.bf16 v31, v26  }
0x30d: {  	v35 =	vld [tilespmem:s11+$0xFFFFFFB0];
	v27 =	vmul.f32 v27, v27;
	v49 =	vunpack.i.u.bf16.f32 v21;
	v21 =	vunpack.i.l.bf16.f32 v21  }
0x30e: {  	v52 =	vld [tilespmem:s11+$0x40];
	v5 =	vadd.f32 v5, v6;
	v34 =	vunpack.i.l.bf16.f32 v26;
	v21 =	vmul.f32 v21, v21  }
0x30f: {  	s18 =	simm.s32 $0x5;
	v53 =	vld [tilespmem:s11+$0x20];
	v7 =	vsub.bf16 v22, v25;
	v22 =	vunpack.i.u.bf16.f32 v26;
	v26 =	vmul.f32 v49, v49  }
0x310: {  	v4 =	vmov s18;
	v13 =	vmul.f32 v13, v13;
	v6 =	vld [tilespmem:s11+$0x50];
	v23 =	vadd.f32 v27, v23  }
0x311: {  	v55 =	vld [tilespmem:s11+$0xFFFFFF80];
	v16 =	vmul.f32 v16, v16;
	v20 =	vadd.f32 v20, v5;
	v21 =	vadd.f32 v21, v26  }
0x312: {  	v19 =	vmul.f32 v19, v19;
	v14 =	vmul.f32 v14, v14;
	v27 =	vld [tilespmem:s20+$0x40];
	v13 =	vadd.f32 v23, v13  }
0x313: {  	s21 =	simm.s32 $0x6;
	v24 =	vmul.f32 v24, v24;
	v20 =	vadd.f32 v20, v17;
	v17 =	vld [tilespmem:s11+$0xFFFFFFF0];
	v16 =	vadd.f32 v16, v21  }
0x314: {  	v5 =	vmov s21;
	v11 =	vadd.f32 v11, v19;
	v23 =	vld [tilespmem:s20+$0xFFFFFFF0];
	v13 =	vadd.f32 v29, v13  }
0x315: {  	v25 =	vld [tilespmem:s11+$0x30];
	v6 =	vsub.bf16 v37, v6;
	v26 =	vmul.f32 v34, v34;
	v14 =	vadd.f32 v16, v14  }
0x316: {  	v22 =	vmul.f32 v22, v22;
	v50 =	vunpack.i.l.bf16.f32 v7;
	v9 =	vadd.f32 v13, v9;
	v21 =	vld [tilespmem:s20+$0x30]  }
0x317: {  	v41 =	vld [tilespmem:s11+$0xFFFFFFC0];
	v39 =	vunpack.i.u.bf16.f32 v7;
	v11 =	vadd.f32 v26, v11;
	v14 =	vadd.f32 v28, v14  }
0x318: {  	v29 =	vld [tilespmem:s11+$0xFFFFFF90];
	v37 =	vunpack.i.u.bf16.f32 v6;
	v19 =	vsub.bf16 v27, v52;
	v9 =	vadd.f32 v15, v9  }
0x319: {  	v6 =	vunpack.i.l.bf16.f32 v6;
	v27 =	vld [tilespmem:s20+$0x20];
	v22 =	vadd.f32 v11, v22;
	v14 =	vadd.f32 v14, v18  }
0x31a: {  	v13 =	vld [tilespmem:s11+$0xFFFFFFE0];
	v18 =	vsub.bf16 v23, v17;
	v17 =	vunpack.i.l.bf16.f32 v19;
	v19 =	vunpack.i.u.bf16.f32 v19  }
0x31b: {  	(xrf2) =	vadd.scan.msk.f32 $0xffff, v20;
	v26 =	vld [tilespmem:s11+$0x10];
	v54 =	vmul.f32 v17, v17;
	v17 =	vsub.bf16 v21, v25;
	v15 =	vmul.f32 v19, v19  }
0x31c: {  	v16 =	vld [tilespmem:s20+$0xFFFFFFB0];
	v19 =	vadd.f32 v9, v8;
	v14 =	vadd.f32 v30, v14;
	v8 =	vunpack.i.l.bf16.f32 v18  }
0x31d: {  	v21 =	vld [tilespmem:s20+$0x10];
	v9 =	vunpack.i.u.bf16.f32 v18;
	v18 =	vadd.f32 v24, v22;
	v22 =	vsub.bf16 v38, v55  }
0x31e: {  	s23 =	simm.s32 $0x7;
	v7 =	vmul.f32 v50, v50;
	v14 =	vadd.f32 v14, v12;
	v12 =	vsub.bf16 v27, v53;
	v27 =	vld [tilespmem:s20+$0xFFFFFF90]  }
0x31f: {  	v37 =	vmul.f32 v37, v37;
	v40 =	vmul.f32 v6, v6;
	v6 =	vmov s23;
	v23 =	vld [tilespmem:s11+$0xFFFFFFD0]  }
0x320: {  	v28 =	vunpack.i.l.bf16.f32 v32;
	v32 =	vunpack.i.u.bf16.f32 v32;
	v30 =	vld [tilespmem:s20+$0xFFFFFFE0];
	v10 =	vunpack.i.l.bf16.f32 v22  }
0x321: {  	v31 =	vld [tilespmem:s20+$0xFFFFFFC0];
	v16 =	vsub.bf16 v16, v35;
	v24 =	vmul.f32 v28, v28;
	v10 =	vmul.f32 v10, v10;
	(xrf2) =	vadd.scan.msk.f32 $0xffff, v14  }
0x322: {  	v56 =	vadd.f32 v54, v15;
	(xrf2) =	vadd.scan.msk.f32 $0xffff, v19;
	v19 =	vsub.bf16 v21, v26;
	v21 =	vunpack.i.u.bf16.f32 v22  }
0x323: {  	v18 =	vadd.f32 v18, v36;
	v29 =	vsub.bf16 v27, v29;
	v27 =	vmul.f32 v21, v21  }
0x324: {  	v15 =	vmul.f32 v39, v39;
	v20 =	vadd.f32 v40, v56;
	v23 =	vsub.bf16 v57, v23  }
0x325: {  	v28 =	vld [tilespmem:s11+$0x0];
	v11 =	vunpack.i.l.bf16.f32 v12;
	v30 =	vsub.bf16 v30, v13;
	v27 =	vadd.f32 v10, v27;
	v10, _, _ =	vpop (xrf2);
	(xrf2) =	vadd.scan.msk.f32 $0xffff, v18  }
0x326: {  	v13 =	vunpack.i.l.bf16.f32 v17;
	v26 =	vsub.bf16 v31, v41;
	v31 =	vld [tilespmem:s20+$0x0];
	v20 =	vadd.f32 v20, v37  }
0x327: {  	v25 =	vunpack.i.l.bf16.f32 v30;
	v14 =	vunpack.i.u.bf16.f32 v30;
	v30 =	vmul.f32 v32, v32  }
0x328: {  	v60 =	vunpack.i.u.bf16.f32 v26;
	v61 =	vunpack.i.l.bf16.f32 v26;
	v26 =	vunpack.i.l.bf16.f32 v19  }
0x329: {  	v34 =	vadd.f32 v24, v20;
	v20 =	vunpack.i.l.bf16.f32 v16;
	v21 =	vunpack.i.l.bf16.f32 v29  }
0x32a: {  	v62 =	vmul.f32 v60, v60;
	v22 =	vmul.f32 v21, v21;
	v21 =	vunpack.i.l.bf16.f32 v23  }
0x32b: {  	v23 =	vunpack.i.u.bf16.f32 v23;
	v63 =	vsub.bf16 v31, v28;
	v28 =	vmul.f32 v61, v61  }
0x32c: {  	s13 =	simm.s32 $0x4;
	s10 =	sshll.u32 s14, $0x4;
	s17 =	simm.s32 $0x8;
	v21 =	vmul.f32 v21, v21;
	v23 =	vmul.f32 v23, v23;
	v22 =	vadd.f32 v22, v27;
	v24, _, _ =	vpop (xrf2)  }
0x32d: {  	s18 =	sadd.s32 $0x100, s11;
	s11 =	simm.s32 $0x0;
	s20 =	sadd.s32 $0x100, s20;
	v31 =	vunpack.i.u.bf16.f32 v63;
	v28 =	vadd.f32 v28, v62;
	v32 =	vunpack.i.l.bf16.f32 v63;
	v27, _, _ =	vpop (xrf2)  }
.LBB2_18:
0x32e: {  	s21 =	sadd.s32 $0x1, s17  }
0x32f: {  	v18 =	vld [tilespmem:s20+$0xFFFFFFC0];
	p0 =	slt.u32 s17, $0xC;
	v29 =	vunpack.i.u.bf16.f32 v29;
	v17 =	vunpack.i.u.bf16.f32 v17;
	v30 =	vadd.f32 v34, v30;
	v34, _, _ =	vpop (xrf2);
	s23 =	smov.u32 s17;
	s17 =	sadd.s32 $0x4, s17  }
0x330: {  	v25 =	vmul.f32 v25, v25;
	v35 =	vmov s21;
	v36 =	vld [tilespmem:s18+$0x70];
	v37 =	vunpack.i.l.bf16.f32 v33  }
0x331: {  	v16 =	vunpack.i.u.bf16.f32 v16;
	s21 =	sadd.s32 $0x2, s23;
	v38 =	vld [tilespmem:s20+$0x70];
	v7 =	vadd.f32 v7, v30;
	v30 =	vbroadcast v34, $0xF  }
0x332: {  	v40 =	vmov s11;
	v27 =	vbroadcast v27, $0xF;
	s11 =	smov.u32 s13;
	s13 =	smov.u32 s23;
	v34 =	vmov s21;
	v39 =	vld [tilespmem:s18+$0x50]  }
0x333: {  	v10 =	vbroadcast v10, $0xF;
	vm1 =	veq.s32 v40, v0;
	v41 =	vld [tilespmem:s18+$0x60];
	v7 =	vadd.f32 v7, v15  }
0x334: {  	v24 =	vbroadcast v24, $0xF;
	v3 =	vsel vm1, v30, v3;
	vm1 =	veq.s32 v2, v0;
	v2 =	vmovc v4;
	v4 =	vmovc v35;
	v15 =	vld [tilespmem:s18+$0xFFFFFFB0]  }
0x335: {  	v33 =	vunpack.i.u.bf16.f32 v33;
	v3 =	vsel vm1, v27, v3;
	vm1 =	veq.s32 v1, v0;
	v1 =	vmovc v5;
	v30 =	vld [tilespmem:s18+$0xFFFFFFF0];
	(xrf2) =	vadd.scan.msk.f32 $0xffff, v7  }
0x336: {  	v19 =	vunpack.i.u.bf16.f32 v19;
	v5 =	vmovc v34;
	v3 =	vsel vm1, v24, v3;
	v27 =	vld [tilespmem:s20+$0x50];
	v7 =	vsub.bf16 v38, v36  }
0x337: {  	v31 =	vmul.f32 v31, v31;
	v29 =	vmul.f32 v29, v29;
	v3 =	vsel vm0, v10, v3;
	v24 =	vld [tilespmem:s18+$0x30]  }
0x338: {  	v10 =	vmul.f32 v32, v32;
	v34 =	vld [tilespmem:s20+$0xFFFFFF80];
	v35 =	vunpack.i.u.bf16.f32 v7;
	v7 =	vunpack.i.l.bf16.f32 v7  }
0x339: {  	v26 =	vmul.f32 v26, v26;
	v12 =	vunpack.i.u.bf16.f32 v12;
	v32 =	vld [tilespmem:s20+$0x30];
	v7 =	vmul.f32 v7, v7  }
0x33a: {  	v37 =	vmul.f32 v37, v37;
	v10 =	vadd.f32 v10, v31;
	v31 =	vmul.f32 v17, v17;
	v36 =	vld [tilespmem:s20+$0x60]  }
0x33b: {  	v14 =	vmul.f32 v14, v14;
	v21 =	vadd.f32 v21, v28;
	v17 =	vld [tilespmem:s18+$0x40];
	v27 =	vsub.bf16 v27, v39  }
0x33c: {  	v13 =	vmul.f32 v13, v13;
	v19 =	vmul.f32 v19, v19;
	v40 =	vadd.f32 v26, v10;
	v28 =	vld [tilespmem:s20+$0x40]  }
0x33d: {  	v21 =	vadd.f32 v21, v23;
	v26 =	vld [tilespmem:s20+$0xFFFFFFB0];
	v38 =	vunpack.i.u.bf16.f32 v27;
	v27 =	vunpack.i.l.bf16.f32 v27  }
0x33e: {  	v11 =	vmul.f32 v11, v11;
	v39 =	vmul.f32 v16, v16;
	v16 =	vadd.f32 v40, v19;
	v23 =	vld [tilespmem:s20+$0xFFFFFFF0]  }
0x33f: {  	v20 =	vmul.f32 v20, v20;
	v21 =	vadd.f32 v25, v21;
	v19 =	vld [tilespmem:s18+$0x20];
	v36 =	vsub.bf16 v36, v41;
	v10, _, _ =	vpop (xrf2)  }
0x340: {  	v12 =	vmul.f32 v12, v12;
	v22 =	vadd.f32 v22, v29;
	v11 =	vadd.f32 v11, v16;
	v40 =	vld [tilespmem:s18+$0xFFFFFF90]  }
0x341: {  	v14 =	vadd.f32 v21, v14;
	v25 =	vld [tilespmem:s20+$0x20];
	v16 =	vsub.bf16 v28, v17;
	v28 =	vunpack.i.l.bf16.f32 v36  }
0x342: {  	v9 =	vmul.f32 v9, v9;
	v11 =	vadd.f32 v11, v12;
	v36 =	vunpack.i.u.bf16.f32 v36;
	v21 =	vld [tilespmem:s18+$0xFFFFFFE0]  }
0x343: {  	v8 =	vmul.f32 v8, v8;
	v23 =	vsub.bf16 v23, v30;
	v41 =	vld [tilespmem:s18+$0x0];
	v12 =	vunpack.i.l.bf16.f32 v16  }
0x344: {  	v11 =	vadd.f32 v13, v11;
	v29 =	vunpack.i.u.bf16.f32 v16;
	v30 =	vld [tilespmem:s18+$0xFFFFFFD0];
	v42 =	vmul.f32 v12, v12  }
0x345: {  	v8 =	vadd.f32 v8, v14;
	v12 =	vadd.f32 v37, v22;
	v22 =	vmul.f32 v33, v33;
	v13 =	vld [tilespmem:s20+$0xFFFFFFE0]  }
0x346: {  	v17 =	vsub.bf16 v32, v24;
	v32 =	vmul.f32 v38, v38;
	v11 =	vadd.f32 v11, v31;
	v33 =	vld [tilespmem:s18+$0x10]  }
0x347: {  	s21 =	sadd.s32 $0x3, s13;
	v16 =	vsub.bf16 v26, v15;
	v26 =	vadd.f32 v8, v9;
	v14 =	vmul.f32 v29, v29;
	v24 =	vld [tilespmem:s20+$0x10]  }
0x348: {  	v27 =	vmul.f32 v27, v27;
	v31 =	vmov s21;
	v22 =	vadd.f32 v12, v22;
	v29 =	vld [tilespmem:s18+$0xFFFFFF80];
	(xrf2) =	vadd.scan.msk.f32 $0xffff, v11  }
0x349: {  	v8 =	vunpack.i.l.bf16.f32 v23;
	v12 =	vsub.bf16 v25, v19;
	v37 =	vld [tilespmem:s18+$0xFFFFFFC0]  }
0x34a: {  	v15 =	vmul.f32 v35, v35;
	v14 =	vadd.f32 v42, v14;
	v38 =	vld [tilespmem:s20+$0xFFFFFF90];
	v19 =	vsub.bf16 v13, v21  }
0x34b: {  	v9 =	vunpack.i.u.bf16.f32 v23;
	v11 =	vunpack.i.l.bf16.f32 v12;
	v20 =	vadd.f32 v20, v22;
	v21 =	vld [tilespmem:s20+$0xFFFFFFD0];
	(xrf2) =	vadd.scan.msk.f32 $0xffff, v26  }
0x34c: {  	v22 =	vadd.f32 v27, v14;
	v13 =	vunpack.i.l.bf16.f32 v17;
	v25 =	vunpack.i.l.bf16.f32 v19  }
0x34d: {  	v20 =	vadd.f32 v20, v39;
	v14 =	vunpack.i.u.bf16.f32 v19;
	v23 =	vsub.bf16 v34, v29  }
0x34e: {  	v28 =	vmul.f32 v28, v28;
	v19 =	vsub.bf16 v24, v33  }
0x34f: {  	v18 =	vsub.bf16 v18, v37;
	v24 =	vunpack.i.u.bf16.f32 v23;
	v29 =	vsub.bf16 v38, v40;
	(xrf2) =	vadd.scan.msk.f32 $0xffff, v20  }
0x350: {  	vm0 =	veq.s32 v6, v0;
	v6 =	vmovc v31;
	v20 =	vmul.f32 v24, v24;
	v27 =	vsub.bf16 v21, v30;
	v33 =	vld [tilespmem:s20+$0x0]  }
0x351: {  	v21 =	vunpack.i.l.bf16.f32 v23;
	v30 =	vmul.f32 v36, v36;
	v23 =	vunpack.i.l.bf16.f32 v29  }
0x352: {  	v26 =	vmul.f32 v21, v21;
	v31 =	vmul.f32 v23, v23;
	v35 =	vld [tilespmem:s18+$0xFFFFFFA0];
	v21 =	vunpack.i.l.bf16.f32 v27;
	v24, _, _ =	vpop (xrf2)  }
0x353: {  	v22 =	vadd.f32 v22, v32;
	v23 =	vunpack.i.u.bf16.f32 v18;
	v36 =	vld [tilespmem:s20+$0xFFFFFFA0];
	v21 =	vmul.f32 v21, v21  }
.Ltmp7:
0x354: {  	v18 =	vunpack.i.l.bf16.f32 v18;
	v20 =	vadd.f32 v26, v20;
	v26 =	vunpack.i.l.bf16.f32 v19;
	(pc) =	sbr.rel @p0 .LBB2_18-.Ltmp7, $4  }
0x355: {  	v32 =	vmul.f32 v23, v23;
	v23 =	vunpack.i.u.bf16.f32 v27;
	v37 =	vsub.bf16 v33, v41;
	v27, _, _ =	vpop (xrf2)  }
0x356: {  	v34 =	vadd.f32 v28, v22;
	v18 =	vmul.f32 v18, v18;
	v23 =	vmul.f32 v23, v23  }
0x357: {  	v22 =	vadd.f32 v31, v20;
	v20 =	vunpack.i.l.bf16.f32 v16;
	v31 =	vunpack.i.u.bf16.f32 v37  }
0x358: {  	s18 =	sadd.s32 $0x100, s18;
	s20 =	sadd.s32 $0x100, s20;
	v28 =	vadd.f32 v18, v32;
	v32 =	vunpack.i.l.bf16.f32 v37;
	v33 =	vsub.bf16 v36, v35  }
0x359: {  	v18 =	vmul.f32 v31, v31;
	v45 =	vmul.f32 v32, v32  }
0x35a: {  	v29 =	vunpack.i.u.bf16.f32 v29;
	v17 =	vunpack.i.u.bf16.f32 v17  }
0x35b: {  	v30 =	vadd.f32 v34, v30;
	v26 =	vmul.f32 v26, v26;
	v18 =	vadd.f32 v45, v18  }
0x35c: {  	v25 =	vmul.f32 v25, v25;
	v19 =	vunpack.i.u.bf16.f32 v19;
	v16 =	vunpack.i.u.bf16.f32 v16  }
0x35d: {  	v11 =	vmul.f32 v11, v11;
	v19 =	vmul.f32 v19, v19;
	v18 =	vadd.f32 v26, v18  }
0x35e: {  	v12 =	vunpack.i.u.bf16.f32 v12;
	v14 =	vmul.f32 v14, v14;
	v21 =	vadd.f32 v21, v28  }
0x35f: {  	v13 =	vmul.f32 v13, v13;
	v48 =	vmul.f32 v29, v29;
	v18 =	vadd.f32 v18, v19  }
0x360: {  	v46 =	vunpack.i.l.bf16.f32 v33;
	v12 =	vmul.f32 v12, v12;
	v21 =	vadd.f32 v21, v23  }
0x361: {  	v49 =	vmul.f32 v46, v46;
	v22 =	vadd.f32 v22, v48;
	v11 =	vadd.f32 v11, v18  }
0x362: {  	v8 =	vmul.f32 v8, v8;
	v47 =	vunpack.i.u.bf16.f32 v33;
	v50 =	vadd.f32 v25, v21  }
0x363: {  	v52 =	vmul.f32 v47, v47;
	v51 =	vadd.f32 v49, v22;
	v11 =	vadd.f32 v11, v12  }
0x364: {  	v53 =	vmul.f32 v20, v20;
	v7 =	vadd.f32 v7, v30;
	v14 =	vadd.f32 v50, v14  }
0x365: {  	v17 =	vmul.f32 v17, v17;
	v12 =	vadd.f32 v51, v52;
	v11 =	vadd.f32 v13, v11  }
0x366: {  	v9 =	vmul.f32 v9, v9;
	v7 =	vadd.f32 v7, v15;
	v8 =	vadd.f32 v8, v14  }
0x367: {  	v54 =	vmul.f32 v16, v16;
	v12 =	vadd.f32 v53, v12;
	v11 =	vadd.f32 v11, v17  }
0x368: {  	(xrf2) =	vadd.scan.msk.f32 $0xffff, v7;
	v55 =	vadd.f32 v8, v9  }
0x369: {  	v56 =	vadd.f32 v12, v54;
	(xrf2) =	vadd.scan.msk.f32 $0xffff, v11  }
0x36a: {  	(xrf2) =	vadd.scan.msk.f32 $0xffff, v55  }
0x36b: {  	(xrf2) =	vadd.scan.msk.f32 $0xffff, v56;
	_ =	sdelay $0x5  }
0x36c: {  	v57, _, _ =	vpop (xrf2)  }
0x36d: {  	v59 =	vmov s11;
	v7 =	vbroadcast v57, $0xF;
	v58, _, _ =	vpop (xrf2)  }
0x36e: {  	v60 =	vbroadcast v27, $0xF;
	vm1 =	veq.s32 v59, v0;
	v61, _, _ =	vpop (xrf2)  }
0x36f: {  	vm10 =	veq.s32 v2, v0;
	v2 =	vbroadcast v24, $0xF;
	v3 =	vsel vm1, v7, v3;
	v62, _, _ =	vpop (xrf2)  }
0x370: {  	v10 =	vbroadcast v10, $0xF;
	vm11 =	veq.s32 v1, v0;
	v3 =	vsel vm10, v60, v3;
	v1, _, _ =	vpop (xrf2)  }
0x371: {  	v2 =	vsel vm11, v2, v3;
	v3 =	vmov s13;
	v1 =	vbroadcast v1, $0xF  }
0x372: {  	v2 =	vsel vm0, v10, v2;
	vm12 =	veq.s32 v3, v0;
	v7 =	vbroadcast v62, $0xF  }
0x373: {  	vm13 =	veq.s32 v4, v0;
	v1 =	vsel vm12, v1, v2;
	v2 =	vbroadcast v61, $0xF  }
0x374: {  	vm14 =	veq.s32 v5, v0;
	v3 =	vbroadcast v58, $0xF;
	v1 =	vsel vm13, v7, v1  }
0x375: {  	vm15 =	veq.s32 v6, v0;
	v1 =	vsel vm14, v2, v1  }
0x376: {  	v1 =	vsel vm15, v3, v1  }
0x377: {  	v2 =	vshra.s32 v1, $0x1;
	v3 =	vmul.f32 $5.000000000e-01, v1  }
0x378: {  	v2 =	vsub.s32 $0x5F3759DF, v2  }
0x379: {  	v63 =	vmul.f32 v2, v3;
	_ =	sdelay $0x1  }
0x37a: {  	v4 =	vmul.f32 v2, v63;
	_ =	sdelay $0x1  }
0x37b: {  	v4 =	vsub.f32 $1.500000000e+00, v4;
	_ =	sdelay $0x1  }
0x37c: {  	v2 =	vmul.f32 v2, v4;
	_ =	sdelay $0x1  }
0x37d: {  	v4 =	vmul.f32 v2, v3;
	_ =	sdelay $0x1  }
0x37e: {  	v4 =	vmul.f32 v4, v2;
	_ =	sdelay $0x1  }
0x37f: {  	v4 =	vsub.f32 $1.500000000e+00, v4;
	_ =	sdelay $0x1  }
0x380: {  	v2 =	vmul.f32 v4, v2;
	_ =	sdelay $0x1  }
0x381: {  	v3 =	vmul.f32 v2, v3;
	_ =	sdelay $0x1  }
0x382: {  	v3 =	vmul.f32 v3, v2;
	_ =	sdelay $0x1  }
0x383: {  	v3 =	vsub.f32 $1.500000000e+00, v3;
	_ =	sdelay $0x1  }
0x384: {  	v2 =	vmul.f32 v3, v2;
	_ =	sdelay $0x1  }
0x385: {  	v1 =	vmul.f32 v2, v1;
	_ =	sdelay $0x1  }
0x386: {  	v1 =	vsub.f32 $0.0e+00, v1;
	_ =	sdelay $0x1  }
0x387: {  	v1 =	vmul.f32 $1.442695020e+00, v1;
	_ =	sdelay $0x1  }
0x388: {  	(erf) = vpow2.f32 v1;
	_ =	sdelay $0x3  }
0x389: {  	s14 =	sadd.s32 $0x1, s14  }
0x38a: {  	p0 =	sne.s32 s14, $0x8  }
.Ltmp8:
0x38b: {  	_ = 	snop;
	(pc) =	sbr.rel @p0 .LBB2_17-.Ltmp8, $3  }
0x38c: {  	_ =	sdelay $0x1  }
0x38d: {  	v1 =	vpop (erf)  }
0x38e: {  	s26 =	sadd.s32 $0x400, s26;
	s30 =	sadd.s32 $0x400, s30;
	[tilespmem:s10+$0x13E00] =	vst v1  }
0x38f: {  	s7 =	sadd.s32 $0x1, s7  }
0x390: {  	p0 =	sne.s32 s7, $0x26  }
.Ltmp9:
0x391: {  	_ = 	snop;
	(pc) =	sbr.rel @p0 .LBB2_12-.Ltmp9, $4  }
0x392: {  	s10 =	sadd.s32 s12, s9  }
0x393: {  	s10 =	sshrl.u32 s10, $0x3  }
0x394: {  	s10 =	sadd.s32 s2, s10  }
0x395: {  	[hbm4b:s10+s3] =	stream.linear.scatter [tilespmem:s25], [sflag:$0xA], $0x80, $0x38;
	[tilespmem:$0x146B0] =	vst v63  }
0x396: {  	_ =	swait.ge [sflag:s19], $0x80  }
0x397: {  	[sflag:s19] =	ssyncset.done $0x0  }
0x398: {  	[sflag:s19] =	ssyncadd.s32 $0xFFFFFF80  }
0x399: {  	_ =	swait.ge [sflag:s19], $0x80  }
0x39a: {  	[sflag:s19] =	ssyncset.done $0x0  }
0x39b: {  	s7 =	simm.s32 $0xFD80;
	[sflag:s19] =	ssyncadd.s32 $0xFFFFFF80  }
0x39c: {  	[tilespmem:s7], [sflag:$0x8] =	stream.indirect.gather [hbm4b:s6+s16], $0x40, s0, s16, $0xb8;
	[tilespmem:$0x146B0] =	vst v63  }
0x39d: {  	s26 =	simm.s32 $0x11D80  }
0x39e: {  	[tilespmem:s26], [sflag:$0x8] =	stream.indirect.gather [hbm4b:s6+s16], $0x40, s8, s16, $0xb8;
	[tilespmem:$0x146B0] =	vst v63  }
0x39f: {  	_ =	swait.ge [sflag:s22], $0x2000  }
0x3a0: {  	[sflag:s22] =	ssyncset.done $0x0  }
0x3a1: {  	[sflag:s22] =	ssyncadd.s32 $0xFFFFE000  }
0x3a2: {  	_ =	swait.ge [sflag:s22], $0x2000  }
0x3a3: {  	[sflag:s22] =	ssyncset.done $0x0  }
0x3a4: {  	s30 =	simm.s32 $0x9;
	[sflag:s22] =	ssyncadd.s32 $0xFFFFE000  }
0x3a5: {  	_ =	swait.ge [sflag:s30], $0x80  }
0x3a6: {  	s12 =	simm.s32 $0xDE00;
	s14 =	simm.s32 $0xBE00;
	[sflag:s30] =	ssyncset.done $0x0  }
0x3a7: {  	s7 =	simm.s32 $0x0;
	s26 =	simm.s32 $0x4;
	[sflag:s30] =	ssyncadd.s32 $0xFFFFFF80  }
.LBB2_22:
0x3a8: {  	v1 =	vld [tilespmem:s12+$0x70]  }
0x3a9: {  	v2 =	vld [tilespmem:s14+$0x70]  }
0x3aa: {  	v5 =	vld [tilespmem:s12+$0x50]  }
0x3ab: {  	v6 =	vld [tilespmem:s12+$0x60]  }
0x3ac: {  	v7 =	vld [tilespmem:s12+$0xFFFFFFB0]  }
0x3ad: {  	v8 =	vld [tilespmem:s12+$0xFFFFFFF0]  }
0x3ae: {  	v9 =	vld [tilespmem:s14+$0x50]  }
0x3af: {  	v10 =	vld [tilespmem:s12+$0x30]  }
0x3b0: {  	v11 =	vld [tilespmem:s14+$0xFFFFFF80]  }
0x3b1: {  	v12 =	vld [tilespmem:s14+$0x30]  }
0x3b2: {  	v13 =	vld [tilespmem:s14+$0x60]  }
0x3b3: {  	v14 =	vld [tilespmem:s12+$0x40]  }
0x3b4: {  	v15 =	vld [tilespmem:s14+$0x40]  }
0x3b5: {  	v16 =	vld [tilespmem:s14+$0xFFFFFFB0]  }
0x3b6: {  	v17 =	vld [tilespmem:s14+$0xFFFFFFF0]  }
0x3b7: {  	v18 =	vld [tilespmem:s12+$0x20]  }
0x3b8: {  	v21 =	vld [tilespmem:s14+$0x20]  }
0x3b9: {  	v27 =	vld [tilespmem:s12+$0xFFFFFF80]  }
0x3ba: {  	v3 =	vimm.f32 $0.0e+00;
	s10 =	simm.s32 $0x1;
	v20 =	vsub.bf16 v2, v1  }
0x3bb: {  	s11 =	simm.s32 $0x2;
	v2 =	vmov s10;
	v5 =	vsub.bf16 v9, v5;
	v6 =	vsub.bf16 v13, v6  }
0x3bc: {  	s17 =	simm.s32 $0x3;
	v1 =	vmov s11;
	v14 =	vsub.bf16 v15, v14;
	v8 =	vsub.bf16 v17, v8  }
0x3bd: {  	v4 =	vld [tilespmem:s14+$0xFFFFFFC0];
	v12 =	vsub.bf16 v12, v10;
	v7 =	vsub.bf16 v16, v7;
	v10 =	vmov s17  }
0x3be: {  	v19 =	vld [tilespmem:s12+$0xFFFFFF90];
	v18 =	vsub.bf16 v21, v18;
	v11 =	vsub.bf16 v11, v27;
	vm0 =	veq.s32 v10, v0  }
0x3bf: {  	v25 =	vld [tilespmem:s12+$0x10];
	v22 =	vunpack.i.u.bf16.f32 v20;
	v20 =	vunpack.i.l.bf16.f32 v20;
	v23 =	vunpack.i.u.bf16.f32 v5  }
0x3c0: {  	v26 =	vld [tilespmem:s14+$0x10];
	v5 =	vunpack.i.l.bf16.f32 v5;
	v24 =	vunpack.i.l.bf16.f32 v6;
	v6 =	vunpack.i.u.bf16.f32 v6  }
0x3c1: {  	v9 =	vld [tilespmem:s12+$0xFFFFFFE0];
	v17 =	vunpack.i.l.bf16.f32 v14;
	v14 =	vunpack.i.u.bf16.f32 v14;
	v20 =	vmul.f32 v20, v20  }
0x3c2: {  	v15 =	vld [tilespmem:s14+$0xFFFFFFE0];
	v28 =	vunpack.i.l.bf16.f32 v18;
	v17 =	vmul.f32 v17, v17;
	v23 =	vmul.f32 v23, v23  }
0x3c3: {  	v16 =	vld [tilespmem:s12+$0xFFFFFFC0];
	v30 =	vunpack.i.l.bf16.f32 v12;
	v14 =	vmul.f32 v14, v14;
	v5 =	vmul.f32 v5, v5  }
0x3c4: {  	s20 =	sadd.s32 $0x100, s14;
	v21 =	vld [tilespmem:s14+$0xFFFFFF90];
	v12 =	vunpack.i.u.bf16.f32 v12;
	v24 =	vmul.f32 v24, v24;
	v6 =	vmul.f32 v6, v6  }
0x3c5: {  	v51 =	vld [tilespmem:s20+$0x60];
	v36 =	vunpack.i.u.bf16.f32 v7;
	v12 =	vmul.f32 v12, v12;
	v30 =	vmul.f32 v30, v30  }
0x3c6: {  	v59 =	vld [tilespmem:s20+$0xFFFFFFA0];
	v18 =	vunpack.i.u.bf16.f32 v18;
	v36 =	vmul.f32 v36, v36;
	v28 =	vmul.f32 v28, v28  }
0x3c7: {  	v13 =	vld [tilespmem:s12+$0xFFFFFFD0];
	s11 =	sadd.s32 $0x100, s12;
	v18 =	vmul.f32 v18, v18;
	v9 =	vsub.bf16 v15, v9;
	v15 =	vunpack.i.l.bf16.f32 v8  }
0x3c8: {  	v33 =	vld [tilespmem:s11+$0x60];
	v14 =	vadd.f32 v17, v14;
	v17 =	vmul.f32 v22, v22;
	v8 =	vunpack.i.u.bf16.f32 v8  }
0x3c9: {  	v58 =	vld [tilespmem:s11+$0xFFFFFFA0];
	v19 =	vsub.bf16 v21, v19;
	v4 =	vsub.bf16 v4, v16;
	v8 =	vmul.f32 v8, v8  }
0x3ca: {  	v22 =	vld [tilespmem:s14+$0xFFFFFFD0];
	v15 =	vmul.f32 v15, v15;
	v29 =	vunpack.i.l.bf16.f32 v9;
	v5 =	vadd.f32 v5, v14  }
0x3cb: {  	v21 =	vld [tilespmem:s14+$0x0];
	v14 =	vsub.bf16 v26, v25;
	v26 =	vunpack.i.u.bf16.f32 v11;
	v11 =	vunpack.i.l.bf16.f32 v11  }
0x3cc: {  	v25 =	vld [tilespmem:s12+$0x0];
	v32 =	vunpack.i.u.bf16.f32 v4;
	v4 =	vunpack.i.l.bf16.f32 v4;
	v16 =	vmul.f32 v26, v26  }
0x3cd: {  	v9 =	vunpack.i.u.bf16.f32 v9;
	v11 =	vmul.f32 v11, v11;
	v4 =	vmul.f32 v4, v4  }
0x3ce: {  	v31 =	vld [tilespmem:s14+$0xFFFFFFA0];
	v29 =	vmul.f32 v29, v29;
	v9 =	vmul.f32 v9, v9;
	v5 =	vadd.f32 v5, v23  }
0x3cf: {  	v26 =	vld [tilespmem:s12+$0xFFFFFFA0];
	v23 =	vmul.f32 v32, v32;
	v13 =	vsub.bf16 v22, v13;
	v22 =	vunpack.i.l.bf16.f32 v19  }
0x3d0: {  	v37 =	vld [tilespmem:s20+$0x50];
	v32 =	vsub.bf16 v51, v33;
	v11 =	vadd.f32 v11, v16;
	v22 =	vmul.f32 v22, v22  }
0x3d1: {  	v33 =	vsub.bf16 v59, v58;
	v16 =	vunpack.i.l.bf16.f32 v14;
	v21 =	vsub.bf16 v21, v25;
	v25 =	vld [tilespmem:s11+$0x70]  }
0x3d2: {  	v19 =	vunpack.i.u.bf16.f32 v19;
	v14 =	vunpack.i.u.bf16.f32 v14;
	v11 =	vadd.f32 v22, v11;
	v22 =	vld [tilespmem:s20+$0x70]  }
0x3d3: {  	v38 =	vld [tilespmem:s20+$0xFFFFFF80];
	v5 =	vadd.f32 v24, v5;
	v24 =	vunpack.i.l.bf16.f32 v7;
	v23 =	vadd.f32 v4, v23  }
0x3d4: {  	v57 =	vld [tilespmem:s20+$0xFFFFFFD0];
	v27 =	vunpack.i.l.bf16.f32 v13;
	v13 =	vunpack.i.u.bf16.f32 v13;
	v26 =	vsub.bf16 v31, v26  }
0x3d5: {  	v35 =	vld [tilespmem:s11+$0xFFFFFFB0];
	v27 =	vmul.f32 v27, v27;
	v49 =	vunpack.i.u.bf16.f32 v21;
	v21 =	vunpack.i.l.bf16.f32 v21  }
0x3d6: {  	v52 =	vld [tilespmem:s11+$0x40];
	v5 =	vadd.f32 v5, v6;
	v34 =	vunpack.i.l.bf16.f32 v26;
	v21 =	vmul.f32 v21, v21  }
0x3d7: {  	s18 =	simm.s32 $0x5;
	v53 =	vld [tilespmem:s11+$0x20];
	v7 =	vsub.bf16 v22, v25;
	v22 =	vunpack.i.u.bf16.f32 v26;
	v26 =	vmul.f32 v49, v49  }
0x3d8: {  	v4 =	vmov s18;
	v13 =	vmul.f32 v13, v13;
	v6 =	vld [tilespmem:s11+$0x50];
	v23 =	vadd.f32 v27, v23  }
0x3d9: {  	v55 =	vld [tilespmem:s11+$0xFFFFFF80];
	v16 =	vmul.f32 v16, v16;
	v20 =	vadd.f32 v20, v5;
	v21 =	vadd.f32 v21, v26  }
0x3da: {  	v19 =	vmul.f32 v19, v19;
	v14 =	vmul.f32 v14, v14;
	v27 =	vld [tilespmem:s20+$0x40];
	v13 =	vadd.f32 v23, v13  }
0x3db: {  	s21 =	simm.s32 $0x6;
	v24 =	vmul.f32 v24, v24;
	v20 =	vadd.f32 v20, v17;
	v17 =	vld [tilespmem:s11+$0xFFFFFFF0];
	v16 =	vadd.f32 v16, v21  }
0x3dc: {  	v5 =	vmov s21;
	v11 =	vadd.f32 v11, v19;
	v23 =	vld [tilespmem:s20+$0xFFFFFFF0];
	v13 =	vadd.f32 v29, v13  }
0x3dd: {  	v25 =	vld [tilespmem:s11+$0x30];
	v6 =	vsub.bf16 v37, v6;
	v26 =	vmul.f32 v34, v34;
	v14 =	vadd.f32 v16, v14  }
0x3de: {  	v22 =	vmul.f32 v22, v22;
	v50 =	vunpack.i.l.bf16.f32 v7;
	v9 =	vadd.f32 v13, v9;
	v21 =	vld [tilespmem:s20+$0x30]  }
0x3df: {  	v41 =	vld [tilespmem:s11+$0xFFFFFFC0];
	v39 =	vunpack.i.u.bf16.f32 v7;
	v11 =	vadd.f32 v26, v11;
	v14 =	vadd.f32 v28, v14  }
0x3e0: {  	v29 =	vld [tilespmem:s11+$0xFFFFFF90];
	v37 =	vunpack.i.u.bf16.f32 v6;
	v19 =	vsub.bf16 v27, v52;
	v9 =	vadd.f32 v15, v9  }
0x3e1: {  	v6 =	vunpack.i.l.bf16.f32 v6;
	v27 =	vld [tilespmem:s20+$0x20];
	v22 =	vadd.f32 v11, v22;
	v14 =	vadd.f32 v14, v18  }
0x3e2: {  	v13 =	vld [tilespmem:s11+$0xFFFFFFE0];
	v18 =	vsub.bf16 v23, v17;
	v17 =	vunpack.i.l.bf16.f32 v19;
	v19 =	vunpack.i.u.bf16.f32 v19  }
0x3e3: {  	(xrf2) =	vadd.scan.msk.f32 $0xffff, v20;
	v26 =	vld [tilespmem:s11+$0x10];
	v54 =	vmul.f32 v17, v17;
	v17 =	vsub.bf16 v21, v25;
	v15 =	vmul.f32 v19, v19  }
0x3e4: {  	v16 =	vld [tilespmem:s20+$0xFFFFFFB0];
	v19 =	vadd.f32 v9, v8;
	v14 =	vadd.f32 v30, v14;
	v8 =	vunpack.i.l.bf16.f32 v18  }
0x3e5: {  	v21 =	vld [tilespmem:s20+$0x10];
	v9 =	vunpack.i.u.bf16.f32 v18;
	v18 =	vadd.f32 v24, v22;
	v22 =	vsub.bf16 v38, v55  }
0x3e6: {  	s23 =	simm.s32 $0x7;
	v7 =	vmul.f32 v50, v50;
	v14 =	vadd.f32 v14, v12;
	v12 =	vsub.bf16 v27, v53;
	v27 =	vld [tilespmem:s20+$0xFFFFFF90]  }
0x3e7: {  	v37 =	vmul.f32 v37, v37;
	v40 =	vmul.f32 v6, v6;
	v6 =	vmov s23;
	v23 =	vld [tilespmem:s11+$0xFFFFFFD0]  }
0x3e8: {  	v28 =	vunpack.i.l.bf16.f32 v32;
	v32 =	vunpack.i.u.bf16.f32 v32;
	v30 =	vld [tilespmem:s20+$0xFFFFFFE0];
	v10 =	vunpack.i.l.bf16.f32 v22  }
0x3e9: {  	v31 =	vld [tilespmem:s20+$0xFFFFFFC0];
	v16 =	vsub.bf16 v16, v35;
	v24 =	vmul.f32 v28, v28;
	v10 =	vmul.f32 v10, v10;
	(xrf2) =	vadd.scan.msk.f32 $0xffff, v14  }
0x3ea: {  	v56 =	vadd.f32 v54, v15;
	(xrf2) =	vadd.scan.msk.f32 $0xffff, v19;
	v19 =	vsub.bf16 v21, v26;
	v21 =	vunpack.i.u.bf16.f32 v22  }
0x3eb: {  	v18 =	vadd.f32 v18, v36;
	v29 =	vsub.bf16 v27, v29;
	v27 =	vmul.f32 v21, v21  }
0x3ec: {  	v15 =	vmul.f32 v39, v39;
	v20 =	vadd.f32 v40, v56;
	v23 =	vsub.bf16 v57, v23  }
0x3ed: {  	v28 =	vld [tilespmem:s11+$0x0];
	v11 =	vunpack.i.l.bf16.f32 v12;
	v30 =	vsub.bf16 v30, v13;
	v27 =	vadd.f32 v10, v27;
	v10, _, _ =	vpop (xrf2);
	(xrf2) =	vadd.scan.msk.f32 $0xffff, v18  }
0x3ee: {  	v13 =	vunpack.i.l.bf16.f32 v17;
	v26 =	vsub.bf16 v31, v41;
	v31 =	vld [tilespmem:s20+$0x0];
	v20 =	vadd.f32 v20, v37  }
0x3ef: {  	v25 =	vunpack.i.l.bf16.f32 v30;
	v14 =	vunpack.i.u.bf16.f32 v30;
	v30 =	vmul.f32 v32, v32  }
0x3f0: {  	v60 =	vunpack.i.u.bf16.f32 v26;
	v61 =	vunpack.i.l.bf16.f32 v26;
	v26 =	vunpack.i.l.bf16.f32 v19  }
0x3f1: {  	v34 =	vadd.f32 v24, v20;
	v20 =	vunpack.i.l.bf16.f32 v16;
	v21 =	vunpack.i.l.bf16.f32 v29  }
0x3f2: {  	v62 =	vmul.f32 v60, v60;
	v22 =	vmul.f32 v21, v21;
	v21 =	vunpack.i.l.bf16.f32 v23  }
0x3f3: {  	v23 =	vunpack.i.u.bf16.f32 v23;
	v63 =	vsub.bf16 v31, v28;
	v28 =	vmul.f32 v61, v61  }
0x3f4: {  	s13 =	simm.s32 $0x4;
	s10 =	sshll.u32 s7, $0x4;
	s17 =	simm.s32 $0x8;
	v21 =	vmul.f32 v21, v21;
	v23 =	vmul.f32 v23, v23;
	v22 =	vadd.f32 v22, v27;
	v24, _, _ =	vpop (xrf2)  }
0x3f5: {  	s18 =	sadd.s32 $0x100, s11;
	s11 =	simm.s32 $0x0;
	s20 =	sadd.s32 $0x100, s20;
	v31 =	vunpack.i.u.bf16.f32 v63;
	v28 =	vadd.f32 v28, v62;
	v32 =	vunpack.i.l.bf16.f32 v63;
	v27, _, _ =	vpop (xrf2)  }
.LBB2_23:
0x3f6: {  	s21 =	sadd.s32 $0x1, s17  }
0x3f7: {  	v18 =	vld [tilespmem:s20+$0xFFFFFFC0];
	p0 =	slt.u32 s17, $0xC;
	v29 =	vunpack.i.u.bf16.f32 v29;
	v17 =	vunpack.i.u.bf16.f32 v17;
	v30 =	vadd.f32 v34, v30;
	v34, _, _ =	vpop (xrf2);
	s23 =	smov.u32 s17;
	s17 =	sadd.s32 $0x4, s17  }
0x3f8: {  	v25 =	vmul.f32 v25, v25;
	v35 =	vmov s21;
	v36 =	vld [tilespmem:s18+$0x70];
	v37 =	vunpack.i.l.bf16.f32 v33  }
0x3f9: {  	v16 =	vunpack.i.u.bf16.f32 v16;
	s21 =	sadd.s32 $0x2, s23;
	v38 =	vld [tilespmem:s20+$0x70];
	v7 =	vadd.f32 v7, v30;
	v30 =	vbroadcast v34, $0xF  }
0x3fa: {  	v40 =	vmov s11;
	v27 =	vbroadcast v27, $0xF;
	s11 =	smov.u32 s13;
	s13 =	smov.u32 s23;
	v34 =	vmov s21;
	v39 =	vld [tilespmem:s18+$0x50]  }
0x3fb: {  	v10 =	vbroadcast v10, $0xF;
	vm1 =	veq.s32 v40, v0;
	v41 =	vld [tilespmem:s18+$0x60];
	v7 =	vadd.f32 v7, v15  }
0x3fc: {  	v24 =	vbroadcast v24, $0xF;
	v3 =	vsel vm1, v30, v3;
	vm1 =	veq.s32 v2, v0;
	v2 =	vmovc v4;
	v4 =	vmovc v35;
	v15 =	vld [tilespmem:s18+$0xFFFFFFB0]  }
0x3fd: {  	v33 =	vunpack.i.u.bf16.f32 v33;
	v3 =	vsel vm1, v27, v3;
	vm1 =	veq.s32 v1, v0;
	v1 =	vmovc v5;
	v30 =	vld [tilespmem:s18+$0xFFFFFFF0];
	(xrf2) =	vadd.scan.msk.f32 $0xffff, v7  }
0x3fe: {  	v19 =	vunpack.i.u.bf16.f32 v19;
	v5 =	vmovc v34;
	v3 =	vsel vm1, v24, v3;
	v27 =	vld [tilespmem:s20+$0x50];
	v7 =	vsub.bf16 v38, v36  }
0x3ff: {  	v31 =	vmul.f32 v31, v31;
	v29 =	vmul.f32 v29, v29;
	v3 =	vsel vm0, v10, v3;
	v24 =	vld [tilespmem:s18+$0x30]  }
0x400: {  	v10 =	vmul.f32 v32, v32;
	v34 =	vld [tilespmem:s20+$0xFFFFFF80];
	v35 =	vunpack.i.u.bf16.f32 v7;
	v7 =	vunpack.i.l.bf16.f32 v7  }
0x401: {  	v26 =	vmul.f32 v26, v26;
	v12 =	vunpack.i.u.bf16.f32 v12;
	v32 =	vld [tilespmem:s20+$0x30];
	v7 =	vmul.f32 v7, v7  }
0x402: {  	v37 =	vmul.f32 v37, v37;
	v10 =	vadd.f32 v10, v31;
	v31 =	vmul.f32 v17, v17;
	v36 =	vld [tilespmem:s20+$0x60]  }
0x403: {  	v14 =	vmul.f32 v14, v14;
	v21 =	vadd.f32 v21, v28;
	v17 =	vld [tilespmem:s18+$0x40];
	v27 =	vsub.bf16 v27, v39  }
0x404: {  	v13 =	vmul.f32 v13, v13;
	v19 =	vmul.f32 v19, v19;
	v40 =	vadd.f32 v26, v10;
	v28 =	vld [tilespmem:s20+$0x40]  }
0x405: {  	v21 =	vadd.f32 v21, v23;
	v26 =	vld [tilespmem:s20+$0xFFFFFFB0];
	v38 =	vunpack.i.u.bf16.f32 v27;
	v27 =	vunpack.i.l.bf16.f32 v27  }
0x406: {  	v11 =	vmul.f32 v11, v11;
	v39 =	vmul.f32 v16, v16;
	v16 =	vadd.f32 v40, v19;
	v23 =	vld [tilespmem:s20+$0xFFFFFFF0]  }
0x407: {  	v20 =	vmul.f32 v20, v20;
	v21 =	vadd.f32 v25, v21;
	v19 =	vld [tilespmem:s18+$0x20];
	v36 =	vsub.bf16 v36, v41;
	v10, _, _ =	vpop (xrf2)  }
0x408: {  	v12 =	vmul.f32 v12, v12;
	v22 =	vadd.f32 v22, v29;
	v11 =	vadd.f32 v11, v16;
	v40 =	vld [tilespmem:s18+$0xFFFFFF90]  }
0x409: {  	v14 =	vadd.f32 v21, v14;
	v25 =	vld [tilespmem:s20+$0x20];
	v16 =	vsub.bf16 v28, v17;
	v28 =	vunpack.i.l.bf16.f32 v36  }
0x40a: {  	v9 =	vmul.f32 v9, v9;
	v11 =	vadd.f32 v11, v12;
	v36 =	vunpack.i.u.bf16.f32 v36;
	v21 =	vld [tilespmem:s18+$0xFFFFFFE0]  }
0x40b: {  	v8 =	vmul.f32 v8, v8;
	v23 =	vsub.bf16 v23, v30;
	v41 =	vld [tilespmem:s18+$0x0];
	v12 =	vunpack.i.l.bf16.f32 v16  }
0x40c: {  	v11 =	vadd.f32 v13, v11;
	v29 =	vunpack.i.u.bf16.f32 v16;
	v30 =	vld [tilespmem:s18+$0xFFFFFFD0];
	v42 =	vmul.f32 v12, v12  }
0x40d: {  	v8 =	vadd.f32 v8, v14;
	v12 =	vadd.f32 v37, v22;
	v22 =	vmul.f32 v33, v33;
	v13 =	vld [tilespmem:s20+$0xFFFFFFE0]  }
0x40e: {  	v17 =	vsub.bf16 v32, v24;
	v32 =	vmul.f32 v38, v38;
	v11 =	vadd.f32 v11, v31;
	v33 =	vld [tilespmem:s18+$0x10]  }
0x40f: {  	s21 =	sadd.s32 $0x3, s13;
	v16 =	vsub.bf16 v26, v15;
	v26 =	vadd.f32 v8, v9;
	v14 =	vmul.f32 v29, v29;
	v24 =	vld [tilespmem:s20+$0x10]  }
0x410: {  	v27 =	vmul.f32 v27, v27;
	v31 =	vmov s21;
	v22 =	vadd.f32 v12, v22;
	v29 =	vld [tilespmem:s18+$0xFFFFFF80];
	(xrf2) =	vadd.scan.msk.f32 $0xffff, v11  }
0x411: {  	v8 =	vunpack.i.l.bf16.f32 v23;
	v12 =	vsub.bf16 v25, v19;
	v37 =	vld [tilespmem:s18+$0xFFFFFFC0]  }
0x412: {  	v15 =	vmul.f32 v35, v35;
	v14 =	vadd.f32 v42, v14;
	v38 =	vld [tilespmem:s20+$0xFFFFFF90];
	v19 =	vsub.bf16 v13, v21  }
0x413: {  	v9 =	vunpack.i.u.bf16.f32 v23;
	v11 =	vunpack.i.l.bf16.f32 v12;
	v20 =	vadd.f32 v20, v22;
	v21 =	vld [tilespmem:s20+$0xFFFFFFD0];
	(xrf2) =	vadd.scan.msk.f32 $0xffff, v26  }
0x414: {  	v22 =	vadd.f32 v27, v14;
	v13 =	vunpack.i.l.bf16.f32 v17;
	v25 =	vunpack.i.l.bf16.f32 v19  }
0x415: {  	v20 =	vadd.f32 v20, v39;
	v14 =	vunpack.i.u.bf16.f32 v19;
	v23 =	vsub.bf16 v34, v29  }
0x416: {  	v28 =	vmul.f32 v28, v28;
	v19 =	vsub.bf16 v24, v33  }
0x417: {  	v18 =	vsub.bf16 v18, v37;
	v24 =	vunpack.i.u.bf16.f32 v23;
	v29 =	vsub.bf16 v38, v40;
	(xrf2) =	vadd.scan.msk.f32 $0xffff, v20  }
0x418: {  	vm0 =	veq.s32 v6, v0;
	v6 =	vmovc v31;
	v20 =	vmul.f32 v24, v24;
	v27 =	vsub.bf16 v21, v30;
	v33 =	vld [tilespmem:s20+$0x0]  }
0x419: {  	v21 =	vunpack.i.l.bf16.f32 v23;
	v30 =	vmul.f32 v36, v36;
	v23 =	vunpack.i.l.bf16.f32 v29  }
0x41a: {  	v26 =	vmul.f32 v21, v21;
	v31 =	vmul.f32 v23, v23;
	v35 =	vld [tilespmem:s18+$0xFFFFFFA0];
	v21 =	vunpack.i.l.bf16.f32 v27;
	v24, _, _ =	vpop (xrf2)  }
0x41b: {  	v22 =	vadd.f32 v22, v32;
	v23 =	vunpack.i.u.bf16.f32 v18;
	v36 =	vld [tilespmem:s20+$0xFFFFFFA0];
	v21 =	vmul.f32 v21, v21  }
.Ltmp10:
0x41c: {  	v18 =	vunpack.i.l.bf16.f32 v18;
	v20 =	vadd.f32 v26, v20;
	v26 =	vunpack.i.l.bf16.f32 v19;
	(pc) =	sbr.rel @p0 .LBB2_23-.Ltmp10, $4  }
0x41d: {  	v32 =	vmul.f32 v23, v23;
	v23 =	vunpack.i.u.bf16.f32 v27;
	v37 =	vsub.bf16 v33, v41;
	v27, _, _ =	vpop (xrf2)  }
0x41e: {  	v34 =	vadd.f32 v28, v22;
	v18 =	vmul.f32 v18, v18;
	v23 =	vmul.f32 v23, v23  }
0x41f: {  	v22 =	vadd.f32 v31, v20;
	v20 =	vunpack.i.l.bf16.f32 v16;
	v31 =	vunpack.i.u.bf16.f32 v37  }
0x420: {  	s18 =	sadd.s32 $0x100, s18;
	s20 =	sadd.s32 $0x100, s20;
	v28 =	vadd.f32 v18, v32;
	v32 =	vunpack.i.l.bf16.f32 v37;
	v33 =	vsub.bf16 v36, v35  }
0x421: {  	v18 =	vmul.f32 v31, v31;
	v45 =	vmul.f32 v32, v32  }
0x422: {  	v29 =	vunpack.i.u.bf16.f32 v29;
	v17 =	vunpack.i.u.bf16.f32 v17  }
0x423: {  	v30 =	vadd.f32 v34, v30;
	v26 =	vmul.f32 v26, v26;
	v18 =	vadd.f32 v45, v18  }
0x424: {  	v25 =	vmul.f32 v25, v25;
	v19 =	vunpack.i.u.bf16.f32 v19;
	v16 =	vunpack.i.u.bf16.f32 v16  }
0x425: {  	v11 =	vmul.f32 v11, v11;
	v19 =	vmul.f32 v19, v19;
	v18 =	vadd.f32 v26, v18  }
0x426: {  	v12 =	vunpack.i.u.bf16.f32 v12;
	v14 =	vmul.f32 v14, v14;
	v21 =	vadd.f32 v21, v28  }
0x427: {  	v13 =	vmul.f32 v13, v13;
	v48 =	vmul.f32 v29, v29;
	v18 =	vadd.f32 v18, v19  }
0x428: {  	v46 =	vunpack.i.l.bf16.f32 v33;
	v12 =	vmul.f32 v12, v12;
	v21 =	vadd.f32 v21, v23  }
0x429: {  	v49 =	vmul.f32 v46, v46;
	v22 =	vadd.f32 v22, v48;
	v11 =	vadd.f32 v11, v18  }
0x42a: {  	v8 =	vmul.f32 v8, v8;
	v47 =	vunpack.i.u.bf16.f32 v33;
	v50 =	vadd.f32 v25, v21  }
0x42b: {  	v52 =	vmul.f32 v47, v47;
	v51 =	vadd.f32 v49, v22;
	v11 =	vadd.f32 v11, v12  }
0x42c: {  	v53 =	vmul.f32 v20, v20;
	v7 =	vadd.f32 v7, v30;
	v14 =	vadd.f32 v50, v14  }
0x42d: {  	v17 =	vmul.f32 v17, v17;
	v12 =	vadd.f32 v51, v52;
	v11 =	vadd.f32 v13, v11  }
0x42e: {  	v9 =	vmul.f32 v9, v9;
	v7 =	vadd.f32 v7, v15;
	v8 =	vadd.f32 v8, v14  }
0x42f: {  	v54 =	vmul.f32 v16, v16;
	v12 =	vadd.f32 v53, v12;
	v11 =	vadd.f32 v11, v17  }
0x430: {  	(xrf2) =	vadd.scan.msk.f32 $0xffff, v7;
	v55 =	vadd.f32 v8, v9  }
0x431: {  	v56 =	vadd.f32 v12, v54;
	(xrf2) =	vadd.scan.msk.f32 $0xffff, v11  }
0x432: {  	(xrf2) =	vadd.scan.msk.f32 $0xffff, v55  }
0x433: {  	(xrf2) =	vadd.scan.msk.f32 $0xffff, v56;
	_ =	sdelay $0x5  }
0x434: {  	v57, _, _ =	vpop (xrf2)  }
0x435: {  	v59 =	vmov s11;
	v7 =	vbroadcast v57, $0xF;
	v58, _, _ =	vpop (xrf2)  }
0x436: {  	v60 =	vbroadcast v27, $0xF;
	vm1 =	veq.s32 v59, v0;
	v61, _, _ =	vpop (xrf2)  }
0x437: {  	vm10 =	veq.s32 v2, v0;
	v2 =	vbroadcast v24, $0xF;
	v3 =	vsel vm1, v7, v3;
	v62, _, _ =	vpop (xrf2)  }
0x438: {  	v10 =	vbroadcast v10, $0xF;
	vm11 =	veq.s32 v1, v0;
	v3 =	vsel vm10, v60, v3;
	v1, _, _ =	vpop (xrf2)  }
0x439: {  	v2 =	vsel vm11, v2, v3;
	v3 =	vmov s13;
	v1 =	vbroadcast v1, $0xF  }
0x43a: {  	v2 =	vsel vm0, v10, v2;
	vm12 =	veq.s32 v3, v0;
	v7 =	vbroadcast v62, $0xF  }
0x43b: {  	vm13 =	veq.s32 v4, v0;
	v1 =	vsel vm12, v1, v2;
	v2 =	vbroadcast v61, $0xF  }
0x43c: {  	vm14 =	veq.s32 v5, v0;
	v3 =	vbroadcast v58, $0xF;
	v1 =	vsel vm13, v7, v1  }
0x43d: {  	vm15 =	veq.s32 v6, v0;
	v1 =	vsel vm14, v2, v1  }
0x43e: {  	v1 =	vsel vm15, v3, v1  }
0x43f: {  	v2 =	vshra.s32 v1, $0x1;
	v3 =	vmul.f32 $5.000000000e-01, v1  }
0x440: {  	v2 =	vsub.s32 $0x5F3759DF, v2  }
0x441: {  	v63 =	vmul.f32 v2, v3;
	_ =	sdelay $0x1  }
0x442: {  	v4 =	vmul.f32 v2, v63;
	_ =	sdelay $0x1  }
0x443: {  	v4 =	vsub.f32 $1.500000000e+00, v4;
	_ =	sdelay $0x1  }
0x444: {  	v2 =	vmul.f32 v2, v4;
	_ =	sdelay $0x1  }
0x445: {  	v4 =	vmul.f32 v2, v3;
	_ =	sdelay $0x1  }
0x446: {  	v4 =	vmul.f32 v4, v2;
	_ =	sdelay $0x1  }
0x447: {  	v4 =	vsub.f32 $1.500000000e+00, v4;
	_ =	sdelay $0x1  }
0x448: {  	v2 =	vmul.f32 v4, v2;
	_ =	sdelay $0x1  }
0x449: {  	v3 =	vmul.f32 v2, v3;
	_ =	sdelay $0x1  }
0x44a: {  	v3 =	vmul.f32 v3, v2;
	_ =	sdelay $0x1  }
0x44b: {  	v3 =	vsub.f32 $1.500000000e+00, v3;
	_ =	sdelay $0x1  }
0x44c: {  	v2 =	vmul.f32 v3, v2;
	_ =	sdelay $0x1  }
0x44d: {  	v1 =	vmul.f32 v2, v1;
	_ =	sdelay $0x1  }
0x44e: {  	v1 =	vsub.f32 $0.0e+00, v1;
	_ =	sdelay $0x1  }
0x44f: {  	v1 =	vmul.f32 $1.442695020e+00, v1;
	_ =	sdelay $0x1  }
0x450: {  	(erf) = vpow2.f32 v1;
	_ =	sdelay $0x3  }
0x451: {  	s7 =	sadd.s32 $0x1, s7  }
0x452: {  	p0 =	sne.s32 s7, $0x8  }
.Ltmp11:
0x453: {  	_ = 	snop;
	(pc) =	sbr.rel @p0 .LBB2_22-.Ltmp11, $3  }
0x454: {  	_ =	sdelay $0x1  }
0x455: {  	v1 =	vpop (erf)  }
0x456: {  	s12 =	sadd.s32 $0x400, s12;
	s14 =	sadd.s32 $0x400, s14;
	[tilespmem:s10+$0x13D80] =	vst v1  }
0x457: {  	s7 =	simm.s32 $0x0;
	s10 =	rddreg [dreg:$0x11];
	s11 =	simm.s32 $0x13D80  }
0x458: {  	[hbm4b:s10+s7] =	stream.linear.scatter [tilespmem:s11], [sflag:$0x9], $0x80, $0x38;
	[tilespmem:$0x146B0] =	vst v63  }
0x459: {  	_ =	swait.ge [sflag:s24], $0x2000  }
0x45a: {  	[sflag:s24] =	ssyncset.done $0x0  }
0x45b: {  	[sflag:s24] =	ssyncadd.s32 $0xFFFFE000  }
0x45c: {  	_ =	swait.ge [sflag:s24], $0x2000  }
0x45d: {  	[sflag:s24] =	ssyncset.done $0x0  }
0x45e: {  	s23 =	simm.s32 $0xA;
	[sflag:s24] =	ssyncadd.s32 $0xFFFFE000  }
0x45f: {  	_ =	swait.ge [sflag:s23], $0x80  }
0x460: {  	[sflag:s23] =	ssyncset.done $0x0  }
0x461: {  	s12 =	simm.s32 $0x11E00;
	s14 =	simm.s32 $0xFE00;
	[sflag:s23] =	ssyncadd.s32 $0xFFFFFF80  }
.LBB2_26:
0x462: {  	v1 =	vld [tilespmem:s12+$0x70]  }
0x463: {  	v2 =	vld [tilespmem:s14+$0x70]  }
0x464: {  	v5 =	vld [tilespmem:s12+$0x50]  }
0x465: {  	v6 =	vld [tilespmem:s12+$0x60]  }
0x466: {  	v7 =	vld [tilespmem:s12+$0xFFFFFFB0]  }
0x467: {  	v8 =	vld [tilespmem:s12+$0xFFFFFFF0]  }
0x468: {  	v9 =	vld [tilespmem:s14+$0x50]  }
0x469: {  	v10 =	vld [tilespmem:s12+$0x30]  }
0x46a: {  	v11 =	vld [tilespmem:s14+$0xFFFFFF80]  }
0x46b: {  	v12 =	vld [tilespmem:s14+$0x30]  }
0x46c: {  	v13 =	vld [tilespmem:s14+$0x60]  }
0x46d: {  	v14 =	vld [tilespmem:s12+$0x40]  }
0x46e: {  	v15 =	vld [tilespmem:s14+$0x40]  }
0x46f: {  	v16 =	vld [tilespmem:s14+$0xFFFFFFB0]  }
0x470: {  	v17 =	vld [tilespmem:s14+$0xFFFFFFF0]  }
0x471: {  	v18 =	vld [tilespmem:s12+$0x20]  }
0x472: {  	v21 =	vld [tilespmem:s14+$0x20]  }
0x473: {  	v27 =	vld [tilespmem:s12+$0xFFFFFF80]  }
0x474: {  	v3 =	vimm.f32 $0.0e+00;
	s10 =	simm.s32 $0x1;
	v20 =	vsub.bf16 v2, v1  }
0x475: {  	s11 =	simm.s32 $0x2;
	v2 =	vmov s10;
	v5 =	vsub.bf16 v9, v5;
	v6 =	vsub.bf16 v13, v6  }
0x476: {  	s17 =	simm.s32 $0x3;
	v1 =	vmov s11;
	v14 =	vsub.bf16 v15, v14;
	v8 =	vsub.bf16 v17, v8  }
0x477: {  	v4 =	vld [tilespmem:s14+$0xFFFFFFC0];
	v12 =	vsub.bf16 v12, v10;
	v7 =	vsub.bf16 v16, v7;
	v10 =	vmov s17  }
0x478: {  	v19 =	vld [tilespmem:s12+$0xFFFFFF90];
	v18 =	vsub.bf16 v21, v18;
	v11 =	vsub.bf16 v11, v27;
	vm0 =	veq.s32 v10, v0  }
0x479: {  	v25 =	vld [tilespmem:s12+$0x10];
	v22 =	vunpack.i.u.bf16.f32 v20;
	v20 =	vunpack.i.l.bf16.f32 v20;
	v23 =	vunpack.i.u.bf16.f32 v5  }
0x47a: {  	v26 =	vld [tilespmem:s14+$0x10];
	v5 =	vunpack.i.l.bf16.f32 v5;
	v24 =	vunpack.i.l.bf16.f32 v6;
	v6 =	vunpack.i.u.bf16.f32 v6  }
0x47b: {  	v9 =	vld [tilespmem:s12+$0xFFFFFFE0];
	v17 =	vunpack.i.l.bf16.f32 v14;
	v14 =	vunpack.i.u.bf16.f32 v14;
	v20 =	vmul.f32 v20, v20  }
0x47c: {  	v15 =	vld [tilespmem:s14+$0xFFFFFFE0];
	v28 =	vunpack.i.l.bf16.f32 v18;
	v17 =	vmul.f32 v17, v17;
	v23 =	vmul.f32 v23, v23  }
0x47d: {  	v16 =	vld [tilespmem:s12+$0xFFFFFFC0];
	v30 =	vunpack.i.l.bf16.f32 v12;
	v14 =	vmul.f32 v14, v14;
	v5 =	vmul.f32 v5, v5  }
0x47e: {  	s20 =	sadd.s32 $0x100, s14;
	v21 =	vld [tilespmem:s14+$0xFFFFFF90];
	v12 =	vunpack.i.u.bf16.f32 v12;
	v24 =	vmul.f32 v24, v24;
	v6 =	vmul.f32 v6, v6  }
0x47f: {  	v51 =	vld [tilespmem:s20+$0x60];
	v36 =	vunpack.i.u.bf16.f32 v7;
	v12 =	vmul.f32 v12, v12;
	v30 =	vmul.f32 v30, v30  }
0x480: {  	v59 =	vld [tilespmem:s20+$0xFFFFFFA0];
	v18 =	vunpack.i.u.bf16.f32 v18;
	v36 =	vmul.f32 v36, v36;
	v28 =	vmul.f32 v28, v28  }
0x481: {  	v13 =	vld [tilespmem:s12+$0xFFFFFFD0];
	s11 =	sadd.s32 $0x100, s12;
	v18 =	vmul.f32 v18, v18;
	v9 =	vsub.bf16 v15, v9;
	v15 =	vunpack.i.l.bf16.f32 v8  }
0x482: {  	v33 =	vld [tilespmem:s11+$0x60];
	v14 =	vadd.f32 v17, v14;
	v17 =	vmul.f32 v22, v22;
	v8 =	vunpack.i.u.bf16.f32 v8  }
0x483: {  	v58 =	vld [tilespmem:s11+$0xFFFFFFA0];
	v19 =	vsub.bf16 v21, v19;
	v4 =	vsub.bf16 v4, v16;
	v8 =	vmul.f32 v8, v8  }
0x484: {  	v22 =	vld [tilespmem:s14+$0xFFFFFFD0];
	v15 =	vmul.f32 v15, v15;
	v29 =	vunpack.i.l.bf16.f32 v9;
	v5 =	vadd.f32 v5, v14  }
0x485: {  	v21 =	vld [tilespmem:s14+$0x0];
	v14 =	vsub.bf16 v26, v25;
	v26 =	vunpack.i.u.bf16.f32 v11;
	v11 =	vunpack.i.l.bf16.f32 v11  }
0x486: {  	v25 =	vld [tilespmem:s12+$0x0];
	v32 =	vunpack.i.u.bf16.f32 v4;
	v4 =	vunpack.i.l.bf16.f32 v4;
	v16 =	vmul.f32 v26, v26  }
0x487: {  	v9 =	vunpack.i.u.bf16.f32 v9;
	v11 =	vmul.f32 v11, v11;
	v4 =	vmul.f32 v4, v4  }
0x488: {  	v31 =	vld [tilespmem:s14+$0xFFFFFFA0];
	v29 =	vmul.f32 v29, v29;
	v9 =	vmul.f32 v9, v9;
	v5 =	vadd.f32 v5, v23  }
0x489: {  	v26 =	vld [tilespmem:s12+$0xFFFFFFA0];
	v23 =	vmul.f32 v32, v32;
	v13 =	vsub.bf16 v22, v13;
	v22 =	vunpack.i.l.bf16.f32 v19  }
0x48a: {  	v37 =	vld [tilespmem:s20+$0x50];
	v32 =	vsub.bf16 v51, v33;
	v11 =	vadd.f32 v11, v16;
	v22 =	vmul.f32 v22, v22  }
0x48b: {  	v33 =	vsub.bf16 v59, v58;
	v16 =	vunpack.i.l.bf16.f32 v14;
	v21 =	vsub.bf16 v21, v25;
	v25 =	vld [tilespmem:s11+$0x70]  }
0x48c: {  	v19 =	vunpack.i.u.bf16.f32 v19;
	v14 =	vunpack.i.u.bf16.f32 v14;
	v11 =	vadd.f32 v22, v11;
	v22 =	vld [tilespmem:s20+$0x70]  }
0x48d: {  	v38 =	vld [tilespmem:s20+$0xFFFFFF80];
	v5 =	vadd.f32 v24, v5;
	v24 =	vunpack.i.l.bf16.f32 v7;
	v23 =	vadd.f32 v4, v23  }
0x48e: {  	v57 =	vld [tilespmem:s20+$0xFFFFFFD0];
	v27 =	vunpack.i.l.bf16.f32 v13;
	v13 =	vunpack.i.u.bf16.f32 v13;
	v26 =	vsub.bf16 v31, v26  }
0x48f: {  	v35 =	vld [tilespmem:s11+$0xFFFFFFB0];
	v27 =	vmul.f32 v27, v27;
	v49 =	vunpack.i.u.bf16.f32 v21;
	v21 =	vunpack.i.l.bf16.f32 v21  }
0x490: {  	v52 =	vld [tilespmem:s11+$0x40];
	v5 =	vadd.f32 v5, v6;
	v34 =	vunpack.i.l.bf16.f32 v26;
	v21 =	vmul.f32 v21, v21  }
0x491: {  	s18 =	simm.s32 $0x5;
	v53 =	vld [tilespmem:s11+$0x20];
	v7 =	vsub.bf16 v22, v25;
	v22 =	vunpack.i.u.bf16.f32 v26;
	v26 =	vmul.f32 v49, v49  }
0x492: {  	v4 =	vmov s18;
	v13 =	vmul.f32 v13, v13;
	v6 =	vld [tilespmem:s11+$0x50];
	v23 =	vadd.f32 v27, v23  }
0x493: {  	v55 =	vld [tilespmem:s11+$0xFFFFFF80];
	v16 =	vmul.f32 v16, v16;
	v20 =	vadd.f32 v20, v5;
	v21 =	vadd.f32 v21, v26  }
0x494: {  	v19 =	vmul.f32 v19, v19;
	v14 =	vmul.f32 v14, v14;
	v27 =	vld [tilespmem:s20+$0x40];
	v13 =	vadd.f32 v23, v13  }
0x495: {  	s21 =	simm.s32 $0x6;
	v24 =	vmul.f32 v24, v24;
	v20 =	vadd.f32 v20, v17;
	v17 =	vld [tilespmem:s11+$0xFFFFFFF0];
	v16 =	vadd.f32 v16, v21  }
0x496: {  	v5 =	vmov s21;
	v11 =	vadd.f32 v11, v19;
	v23 =	vld [tilespmem:s20+$0xFFFFFFF0];
	v13 =	vadd.f32 v29, v13  }
0x497: {  	v25 =	vld [tilespmem:s11+$0x30];
	v6 =	vsub.bf16 v37, v6;
	v26 =	vmul.f32 v34, v34;
	v14 =	vadd.f32 v16, v14  }
0x498: {  	v22 =	vmul.f32 v22, v22;
	v50 =	vunpack.i.l.bf16.f32 v7;
	v9 =	vadd.f32 v13, v9;
	v21 =	vld [tilespmem:s20+$0x30]  }
0x499: {  	v41 =	vld [tilespmem:s11+$0xFFFFFFC0];
	v39 =	vunpack.i.u.bf16.f32 v7;
	v11 =	vadd.f32 v26, v11;
	v14 =	vadd.f32 v28, v14  }
0x49a: {  	v29 =	vld [tilespmem:s11+$0xFFFFFF90];
	v37 =	vunpack.i.u.bf16.f32 v6;
	v19 =	vsub.bf16 v27, v52;
	v9 =	vadd.f32 v15, v9  }
0x49b: {  	v6 =	vunpack.i.l.bf16.f32 v6;
	v27 =	vld [tilespmem:s20+$0x20];
	v22 =	vadd.f32 v11, v22;
	v14 =	vadd.f32 v14, v18  }
0x49c: {  	v13 =	vld [tilespmem:s11+$0xFFFFFFE0];
	v18 =	vsub.bf16 v23, v17;
	v17 =	vunpack.i.l.bf16.f32 v19;
	v19 =	vunpack.i.u.bf16.f32 v19  }
0x49d: {  	(xrf2) =	vadd.scan.msk.f32 $0xffff, v20;
	v26 =	vld [tilespmem:s11+$0x10];
	v54 =	vmul.f32 v17, v17;
	v17 =	vsub.bf16 v21, v25;
	v15 =	vmul.f32 v19, v19  }
0x49e: {  	v16 =	vld [tilespmem:s20+$0xFFFFFFB0];
	v19 =	vadd.f32 v9, v8;
	v14 =	vadd.f32 v30, v14;
	v8 =	vunpack.i.l.bf16.f32 v18  }
0x49f: {  	v21 =	vld [tilespmem:s20+$0x10];
	v9 =	vunpack.i.u.bf16.f32 v18;
	v18 =	vadd.f32 v24, v22;
	v22 =	vsub.bf16 v38, v55  }
0x4a0: {  	s23 =	simm.s32 $0x7;
	v7 =	vmul.f32 v50, v50;
	v14 =	vadd.f32 v14, v12;
	v12 =	vsub.bf16 v27, v53;
	v27 =	vld [tilespmem:s20+$0xFFFFFF90]  }
0x4a1: {  	v37 =	vmul.f32 v37, v37;
	v40 =	vmul.f32 v6, v6;
	v6 =	vmov s23;
	v23 =	vld [tilespmem:s11+$0xFFFFFFD0]  }
0x4a2: {  	v28 =	vunpack.i.l.bf16.f32 v32;
	v32 =	vunpack.i.u.bf16.f32 v32;
	v30 =	vld [tilespmem:s20+$0xFFFFFFE0];
	v10 =	vunpack.i.l.bf16.f32 v22  }
0x4a3: {  	v31 =	vld [tilespmem:s20+$0xFFFFFFC0];
	v16 =	vsub.bf16 v16, v35;
	v24 =	vmul.f32 v28, v28;
	v10 =	vmul.f32 v10, v10;
	(xrf2) =	vadd.scan.msk.f32 $0xffff, v14  }
0x4a4: {  	v56 =	vadd.f32 v54, v15;
	(xrf2) =	vadd.scan.msk.f32 $0xffff, v19;
	v19 =	vsub.bf16 v21, v26;
	v21 =	vunpack.i.u.bf16.f32 v22  }
0x4a5: {  	v18 =	vadd.f32 v18, v36;
	v29 =	vsub.bf16 v27, v29;
	v27 =	vmul.f32 v21, v21  }
0x4a6: {  	v15 =	vmul.f32 v39, v39;
	v20 =	vadd.f32 v40, v56;
	v23 =	vsub.bf16 v57, v23  }
0x4a7: {  	v28 =	vld [tilespmem:s11+$0x0];
	v11 =	vunpack.i.l.bf16.f32 v12;
	v30 =	vsub.bf16 v30, v13;
	v27 =	vadd.f32 v10, v27;
	v10, _, _ =	vpop (xrf2);
	(xrf2) =	vadd.scan.msk.f32 $0xffff, v18  }
0x4a8: {  	v13 =	vunpack.i.l.bf16.f32 v17;
	v26 =	vsub.bf16 v31, v41;
	v31 =	vld [tilespmem:s20+$0x0];
	v20 =	vadd.f32 v20, v37  }
0x4a9: {  	v25 =	vunpack.i.l.bf16.f32 v30;
	v14 =	vunpack.i.u.bf16.f32 v30;
	v30 =	vmul.f32 v32, v32  }
0x4aa: {  	v60 =	vunpack.i.u.bf16.f32 v26;
	v61 =	vunpack.i.l.bf16.f32 v26;
	v26 =	vunpack.i.l.bf16.f32 v19  }
0x4ab: {  	v34 =	vadd.f32 v24, v20;
	v20 =	vunpack.i.l.bf16.f32 v16;
	v21 =	vunpack.i.l.bf16.f32 v29  }
0x4ac: {  	v62 =	vmul.f32 v60, v60;
	v22 =	vmul.f32 v21, v21;
	v21 =	vunpack.i.l.bf16.f32 v23  }
0x4ad: {  	v23 =	vunpack.i.u.bf16.f32 v23;
	v63 =	vsub.bf16 v31, v28;
	v28 =	vmul.f32 v61, v61  }
0x4ae: {  	s13 =	simm.s32 $0x4;
	s10 =	sshll.u32 s7, $0x4;
	s17 =	simm.s32 $0x8;
	v21 =	vmul.f32 v21, v21;
	v23 =	vmul.f32 v23, v23;
	v22 =	vadd.f32 v22, v27;
	v24, _, _ =	vpop (xrf2)  }
0x4af: {  	s18 =	sadd.s32 $0x100, s11;
	s11 =	simm.s32 $0x0;
	s20 =	sadd.s32 $0x100, s20;
	v31 =	vunpack.i.u.bf16.f32 v63;
	v28 =	vadd.f32 v28, v62;
	v32 =	vunpack.i.l.bf16.f32 v63;
	v27, _, _ =	vpop (xrf2)  }
.LBB2_27:
0x4b0: {  	s21 =	sadd.s32 $0x1, s17  }
0x4b1: {  	v18 =	vld [tilespmem:s20+$0xFFFFFFC0];
	p0 =	slt.u32 s17, $0xC;
	v29 =	vunpack.i.u.bf16.f32 v29;
	v17 =	vunpack.i.u.bf16.f32 v17;
	v30 =	vadd.f32 v34, v30;
	v34, _, _ =	vpop (xrf2);
	s23 =	smov.u32 s17;
	s17 =	sadd.s32 $0x4, s17  }
0x4b2: {  	v25 =	vmul.f32 v25, v25;
	v35 =	vmov s21;
	v36 =	vld [tilespmem:s18+$0x70];
	v37 =	vunpack.i.l.bf16.f32 v33  }
0x4b3: {  	v16 =	vunpack.i.u.bf16.f32 v16;
	s21 =	sadd.s32 $0x2, s23;
	v38 =	vld [tilespmem:s20+$0x70];
	v7 =	vadd.f32 v7, v30;
	v30 =	vbroadcast v34, $0xF  }
0x4b4: {  	v40 =	vmov s11;
	v27 =	vbroadcast v27, $0xF;
	s11 =	smov.u32 s13;
	s13 =	smov.u32 s23;
	v34 =	vmov s21;
	v39 =	vld [tilespmem:s18+$0x50]  }
0x4b5: {  	v10 =	vbroadcast v10, $0xF;
	vm1 =	veq.s32 v40, v0;
	v41 =	vld [tilespmem:s18+$0x60];
	v7 =	vadd.f32 v7, v15  }
0x4b6: {  	v24 =	vbroadcast v24, $0xF;
	v3 =	vsel vm1, v30, v3;
	vm1 =	veq.s32 v2, v0;
	v2 =	vmovc v4;
	v4 =	vmovc v35;
	v15 =	vld [tilespmem:s18+$0xFFFFFFB0]  }
0x4b7: {  	v33 =	vunpack.i.u.bf16.f32 v33;
	v3 =	vsel vm1, v27, v3;
	vm1 =	veq.s32 v1, v0;
	v1 =	vmovc v5;
	v30 =	vld [tilespmem:s18+$0xFFFFFFF0];
	(xrf2) =	vadd.scan.msk.f32 $0xffff, v7  }
0x4b8: {  	v19 =	vunpack.i.u.bf16.f32 v19;
	v5 =	vmovc v34;
	v3 =	vsel vm1, v24, v3;
	v27 =	vld [tilespmem:s20+$0x50];
	v7 =	vsub.bf16 v38, v36  }
0x4b9: {  	v31 =	vmul.f32 v31, v31;
	v29 =	vmul.f32 v29, v29;
	v3 =	vsel vm0, v10, v3;
	v24 =	vld [tilespmem:s18+$0x30]  }
0x4ba: {  	v10 =	vmul.f32 v32, v32;
	v34 =	vld [tilespmem:s20+$0xFFFFFF80];
	v35 =	vunpack.i.u.bf16.f32 v7;
	v7 =	vunpack.i.l.bf16.f32 v7  }
0x4bb: {  	v26 =	vmul.f32 v26, v26;
	v12 =	vunpack.i.u.bf16.f32 v12;
	v32 =	vld [tilespmem:s20+$0x30];
	v7 =	vmul.f32 v7, v7  }
0x4bc: {  	v37 =	vmul.f32 v37, v37;
	v10 =	vadd.f32 v10, v31;
	v31 =	vmul.f32 v17, v17;
	v36 =	vld [tilespmem:s20+$0x60]  }
0x4bd: {  	v14 =	vmul.f32 v14, v14;
	v21 =	vadd.f32 v21, v28;
	v17 =	vld [tilespmem:s18+$0x40];
	v27 =	vsub.bf16 v27, v39  }
0x4be: {  	v13 =	vmul.f32 v13, v13;
	v19 =	vmul.f32 v19, v19;
	v40 =	vadd.f32 v26, v10;
	v28 =	vld [tilespmem:s20+$0x40]  }
0x4bf: {  	v21 =	vadd.f32 v21, v23;
	v26 =	vld [tilespmem:s20+$0xFFFFFFB0];
	v38 =	vunpack.i.u.bf16.f32 v27;
	v27 =	vunpack.i.l.bf16.f32 v27  }
0x4c0: {  	v11 =	vmul.f32 v11, v11;
	v39 =	vmul.f32 v16, v16;
	v16 =	vadd.f32 v40, v19;
	v23 =	vld [tilespmem:s20+$0xFFFFFFF0]  }
0x4c1: {  	v20 =	vmul.f32 v20, v20;
	v21 =	vadd.f32 v25, v21;
	v19 =	vld [tilespmem:s18+$0x20];
	v36 =	vsub.bf16 v36, v41;
	v10, _, _ =	vpop (xrf2)  }
0x4c2: {  	v12 =	vmul.f32 v12, v12;
	v22 =	vadd.f32 v22, v29;
	v11 =	vadd.f32 v11, v16;
	v40 =	vld [tilespmem:s18+$0xFFFFFF90]  }
0x4c3: {  	v14 =	vadd.f32 v21, v14;
	v25 =	vld [tilespmem:s20+$0x20];
	v16 =	vsub.bf16 v28, v17;
	v28 =	vunpack.i.l.bf16.f32 v36  }
0x4c4: {  	v9 =	vmul.f32 v9, v9;
	v11 =	vadd.f32 v11, v12;
	v36 =	vunpack.i.u.bf16.f32 v36;
	v21 =	vld [tilespmem:s18+$0xFFFFFFE0]  }
0x4c5: {  	v8 =	vmul.f32 v8, v8;
	v23 =	vsub.bf16 v23, v30;
	v41 =	vld [tilespmem:s18+$0x0];
	v12 =	vunpack.i.l.bf16.f32 v16  }
0x4c6: {  	v11 =	vadd.f32 v13, v11;
	v29 =	vunpack.i.u.bf16.f32 v16;
	v30 =	vld [tilespmem:s18+$0xFFFFFFD0];
	v42 =	vmul.f32 v12, v12  }
0x4c7: {  	v8 =	vadd.f32 v8, v14;
	v12 =	vadd.f32 v37, v22;
	v22 =	vmul.f32 v33, v33;
	v13 =	vld [tilespmem:s20+$0xFFFFFFE0]  }
0x4c8: {  	v17 =	vsub.bf16 v32, v24;
	v32 =	vmul.f32 v38, v38;
	v11 =	vadd.f32 v11, v31;
	v33 =	vld [tilespmem:s18+$0x10]  }
0x4c9: {  	s21 =	sadd.s32 $0x3, s13;
	v16 =	vsub.bf16 v26, v15;
	v26 =	vadd.f32 v8, v9;
	v14 =	vmul.f32 v29, v29;
	v24 =	vld [tilespmem:s20+$0x10]  }
0x4ca: {  	v27 =	vmul.f32 v27, v27;
	v31 =	vmov s21;
	v22 =	vadd.f32 v12, v22;
	v29 =	vld [tilespmem:s18+$0xFFFFFF80];
	(xrf2) =	vadd.scan.msk.f32 $0xffff, v11  }
0x4cb: {  	v8 =	vunpack.i.l.bf16.f32 v23;
	v12 =	vsub.bf16 v25, v19;
	v37 =	vld [tilespmem:s18+$0xFFFFFFC0]  }
0x4cc: {  	v15 =	vmul.f32 v35, v35;
	v14 =	vadd.f32 v42, v14;
	v38 =	vld [tilespmem:s20+$0xFFFFFF90];
	v19 =	vsub.bf16 v13, v21  }
0x4cd: {  	v9 =	vunpack.i.u.bf16.f32 v23;
	v11 =	vunpack.i.l.bf16.f32 v12;
	v20 =	vadd.f32 v20, v22;
	v21 =	vld [tilespmem:s20+$0xFFFFFFD0];
	(xrf2) =	vadd.scan.msk.f32 $0xffff, v26  }
0x4ce: {  	v22 =	vadd.f32 v27, v14;
	v13 =	vunpack.i.l.bf16.f32 v17;
	v25 =	vunpack.i.l.bf16.f32 v19  }
0x4cf: {  	v20 =	vadd.f32 v20, v39;
	v14 =	vunpack.i.u.bf16.f32 v19;
	v23 =	vsub.bf16 v34, v29  }
0x4d0: {  	v28 =	vmul.f32 v28, v28;
	v19 =	vsub.bf16 v24, v33  }
0x4d1: {  	v18 =	vsub.bf16 v18, v37;
	v24 =	vunpack.i.u.bf16.f32 v23;
	v29 =	vsub.bf16 v38, v40;
	(xrf2) =	vadd.scan.msk.f32 $0xffff, v20  }
0x4d2: {  	vm0 =	veq.s32 v6, v0;
	v6 =	vmovc v31;
	v20 =	vmul.f32 v24, v24;
	v27 =	vsub.bf16 v21, v30;
	v33 =	vld [tilespmem:s20+$0x0]  }
0x4d3: {  	v21 =	vunpack.i.l.bf16.f32 v23;
	v30 =	vmul.f32 v36, v36;
	v23 =	vunpack.i.l.bf16.f32 v29  }
0x4d4: {  	v26 =	vmul.f32 v21, v21;
	v31 =	vmul.f32 v23, v23;
	v35 =	vld [tilespmem:s18+$0xFFFFFFA0];
	v21 =	vunpack.i.l.bf16.f32 v27;
	v24, _, _ =	vpop (xrf2)  }
0x4d5: {  	v22 =	vadd.f32 v22, v32;
	v23 =	vunpack.i.u.bf16.f32 v18;
	v36 =	vld [tilespmem:s20+$0xFFFFFFA0];
	v21 =	vmul.f32 v21, v21  }
.Ltmp12:
0x4d6: {  	v18 =	vunpack.i.l.bf16.f32 v18;
	v20 =	vadd.f32 v26, v20;
	v26 =	vunpack.i.l.bf16.f32 v19;
	(pc) =	sbr.rel @p0 .LBB2_27-.Ltmp12, $4  }
0x4d7: {  	v32 =	vmul.f32 v23, v23;
	v23 =	vunpack.i.u.bf16.f32 v27;
	v37 =	vsub.bf16 v33, v41;
	v27, _, _ =	vpop (xrf2)  }
0x4d8: {  	v34 =	vadd.f32 v28, v22;
	v18 =	vmul.f32 v18, v18;
	v23 =	vmul.f32 v23, v23  }
0x4d9: {  	v22 =	vadd.f32 v31, v20;
	v20 =	vunpack.i.l.bf16.f32 v16;
	v31 =	vunpack.i.u.bf16.f32 v37  }
0x4da: {  	s18 =	sadd.s32 $0x100, s18;
	s20 =	sadd.s32 $0x100, s20;
	v28 =	vadd.f32 v18, v32;
	v32 =	vunpack.i.l.bf16.f32 v37;
	v33 =	vsub.bf16 v36, v35  }
0x4db: {  	v18 =	vmul.f32 v31, v31;
	v45 =	vmul.f32 v32, v32  }
0x4dc: {  	v29 =	vunpack.i.u.bf16.f32 v29;
	v17 =	vunpack.i.u.bf16.f32 v17  }
0x4dd: {  	v30 =	vadd.f32 v34, v30;
	v26 =	vmul.f32 v26, v26;
	v18 =	vadd.f32 v45, v18  }
0x4de: {  	v25 =	vmul.f32 v25, v25;
	v19 =	vunpack.i.u.bf16.f32 v19;
	v16 =	vunpack.i.u.bf16.f32 v16  }
0x4df: {  	v11 =	vmul.f32 v11, v11;
	v19 =	vmul.f32 v19, v19;
	v18 =	vadd.f32 v26, v18  }
0x4e0: {  	v12 =	vunpack.i.u.bf16.f32 v12;
	v14 =	vmul.f32 v14, v14;
	v21 =	vadd.f32 v21, v28  }
0x4e1: {  	v13 =	vmul.f32 v13, v13;
	v48 =	vmul.f32 v29, v29;
	v18 =	vadd.f32 v18, v19  }
0x4e2: {  	v46 =	vunpack.i.l.bf16.f32 v33;
	v12 =	vmul.f32 v12, v12;
	v21 =	vadd.f32 v21, v23  }
0x4e3: {  	v49 =	vmul.f32 v46, v46;
	v22 =	vadd.f32 v22, v48;
	v11 =	vadd.f32 v11, v18  }
0x4e4: {  	v8 =	vmul.f32 v8, v8;
	v47 =	vunpack.i.u.bf16.f32 v33;
	v50 =	vadd.f32 v25, v21  }
0x4e5: {  	v52 =	vmul.f32 v47, v47;
	v51 =	vadd.f32 v49, v22;
	v11 =	vadd.f32 v11, v12  }
0x4e6: {  	v53 =	vmul.f32 v20, v20;
	v7 =	vadd.f32 v7, v30;
	v14 =	vadd.f32 v50, v14  }
0x4e7: {  	v17 =	vmul.f32 v17, v17;
	v12 =	vadd.f32 v51, v52;
	v11 =	vadd.f32 v13, v11  }
0x4e8: {  	v9 =	vmul.f32 v9, v9;
	v7 =	vadd.f32 v7, v15;
	v8 =	vadd.f32 v8, v14  }
0x4e9: {  	v54 =	vmul.f32 v16, v16;
	v12 =	vadd.f32 v53, v12;
	v11 =	vadd.f32 v11, v17  }
0x4ea: {  	(xrf2) =	vadd.scan.msk.f32 $0xffff, v7;
	v55 =	vadd.f32 v8, v9  }
0x4eb: {  	v56 =	vadd.f32 v12, v54;
	(xrf2) =	vadd.scan.msk.f32 $0xffff, v11  }
0x4ec: {  	(xrf2) =	vadd.scan.msk.f32 $0xffff, v55  }
0x4ed: {  	(xrf2) =	vadd.scan.msk.f32 $0xffff, v56;
	_ =	sdelay $0x5  }
0x4ee: {  	v57, _, _ =	vpop (xrf2)  }
0x4ef: {  	v59 =	vmov s11;
	v7 =	vbroadcast v57, $0xF;
	v58, _, _ =	vpop (xrf2)  }
0x4f0: {  	v60 =	vbroadcast v27, $0xF;
	vm1 =	veq.s32 v59, v0;
	v61, _, _ =	vpop (xrf2)  }
0x4f1: {  	vm10 =	veq.s32 v2, v0;
	v2 =	vbroadcast v24, $0xF;
	v3 =	vsel vm1, v7, v3;
	v62, _, _ =	vpop (xrf2)  }
0x4f2: {  	v10 =	vbroadcast v10, $0xF;
	vm11 =	veq.s32 v1, v0;
	v3 =	vsel vm10, v60, v3;
	v1, _, _ =	vpop (xrf2)  }
0x4f3: {  	v2 =	vsel vm11, v2, v3;
	v3 =	vmov s13;
	v1 =	vbroadcast v1, $0xF  }
0x4f4: {  	v2 =	vsel vm0, v10, v2;
	vm12 =	veq.s32 v3, v0;
	v7 =	vbroadcast v62, $0xF  }
0x4f5: {  	vm13 =	veq.s32 v4, v0;
	v1 =	vsel vm12, v1, v2;
	v2 =	vbroadcast v61, $0xF  }
0x4f6: {  	vm14 =	veq.s32 v5, v0;
	v3 =	vbroadcast v58, $0xF;
	v1 =	vsel vm13, v7, v1  }
0x4f7: {  	vm15 =	veq.s32 v6, v0;
	v1 =	vsel vm14, v2, v1  }
0x4f8: {  	v1 =	vsel vm15, v3, v1  }
0x4f9: {  	v2 =	vshra.s32 v1, $0x1;
	v3 =	vmul.f32 $5.000000000e-01, v1  }
0x4fa: {  	v2 =	vsub.s32 $0x5F3759DF, v2  }
0x4fb: {  	v63 =	vmul.f32 v2, v3;
	_ =	sdelay $0x1  }
0x4fc: {  	v4 =	vmul.f32 v2, v63;
	_ =	sdelay $0x1  }
0x4fd: {  	v4 =	vsub.f32 $1.500000000e+00, v4;
	_ =	sdelay $0x1  }
0x4fe: {  	v2 =	vmul.f32 v2, v4;
	_ =	sdelay $0x1  }
0x4ff: {  	v4 =	vmul.f32 v2, v3;
	_ =	sdelay $0x1  }
0x500: {  	v4 =	vmul.f32 v4, v2;
	_ =	sdelay $0x1  }
0x501: {  	v4 =	vsub.f32 $1.500000000e+00, v4;
	_ =	sdelay $0x1  }
0x502: {  	v2 =	vmul.f32 v4, v2;
	_ =	sdelay $0x1  }
0x503: {  	v3 =	vmul.f32 v2, v3;
	_ =	sdelay $0x1  }
0x504: {  	v3 =	vmul.f32 v3, v2;
	_ =	sdelay $0x1  }
0x505: {  	v3 =	vsub.f32 $1.500000000e+00, v3;
	_ =	sdelay $0x1  }
0x506: {  	v2 =	vmul.f32 v3, v2;
	_ =	sdelay $0x1  }
0x507: {  	v1 =	vmul.f32 v2, v1;
	_ =	sdelay $0x1  }
0x508: {  	v1 =	vsub.f32 $0.0e+00, v1;
	_ =	sdelay $0x1  }
0x509: {  	v1 =	vmul.f32 $1.442695020e+00, v1;
	_ =	sdelay $0x1  }
0x50a: {  	(erf) = vpow2.f32 v1;
	_ =	sdelay $0x3  }
0x50b: {  	s7 =	sadd.s32 $0x1, s7  }
0x50c: {  	p0 =	sne.s32 s7, $0x8  }
.Ltmp13:
0x50d: {  	_ = 	snop;
	(pc) =	sbr.rel @p0 .LBB2_26-.Ltmp13, $3  }
0x50e: {  	_ =	sdelay $0x1  }
0x50f: {  	v1 =	vpop (erf)  }
0x510: {  	s12 =	sadd.s32 $0x400, s12;
	s14 =	sadd.s32 $0x400, s14;
	[tilespmem:s10+$0x13E00] =	vst v1  }
0x511: {  	s7 =	simm.s32 $0x0;
	s10 =	rddreg [dreg:$0x12]  }
0x512: {  	[hbm4b:s10+s7] =	stream.linear.scatter [tilespmem:s25], [sflag:$0xA], $0x80, $0x38;
	[tilespmem:$0x146B0] =	vst v63  }
0x513: {  	s12 =	rddreg [dreg:$0x13];
	s11 =	simm.s32 $0x13E80  }
0x514: {  	[tilespmem:s11], [sflag:$0x5] =	stream.linear.gather [hbm4b:s12+s7], $0x10, $0x38;
	[tilespmem:$0x146B0] =	vst v63  }
0x515: {  	s13 =	rddreg [dreg:$0x17];
	s12 =	simm.s32 $0x13E90  }
0x516: {  	[tilespmem:s12], [sflag:$0x5] =	stream.linear.gather [hbm4b:s13+s7], $0x10, $0x38;
	[tilespmem:$0x146B0] =	vst v63  }
0x517: {  	_ =	swait.ge [sflag:s15], $0x10  }
0x518: {  	[sflag:s15] =	ssyncset.done $0x0  }
0x519: {  	[sflag:s15] =	ssyncadd.s32 $0xFFFFFFF0  }
0x51a: {  	_ =	swait.ge [sflag:s15], $0x10  }
0x51b: {  	[sflag:s15] =	ssyncset.done $0x0  }
0x51c: {  	s14 =	simm.s32 $0x10;
	s13 =	simm.s32 $0x13EA0;
	[sflag:s15] =	ssyncadd.s32 $0xFFFFFFF0  }
0x51d: {  	[tilespmem:s13], [sflag:$0x7] =	stream.indirect.gather [hbm4b:s6+s14], $0x40, s11, s14, $0xb8;
	[tilespmem:$0x146B0] =	vst v63  }
0x51e: {  	s17 =	simm.s32 $0x142A0  }
0x51f: {  	[tilespmem:s17], [sflag:$0x7] =	stream.indirect.gather [hbm4b:s6+s14], $0x40, s12, s14, $0xb8;
	[tilespmem:$0x146B0] =	vst v63  }
0x520: {  	_ =	swait.ge [sflag:s22], $0x400  }
0x521: {  	[sflag:s22] =	ssyncset.done $0x0  }
0x522: {  	[sflag:s22] =	ssyncadd.s32 $0xFFFFFC00  }
0x523: {  	_ =	swait.ge [sflag:s22], $0x400  }
0x524: {  	[sflag:s22] =	ssyncset.done $0x0  }
0x525: {  	s20 =	simm.s32 $0x14320;
	[sflag:s22] =	ssyncadd.s32 $0xFFFFFC00  }
0x526: {  	s18 =	simm.s32 $0x13F20;
	v1 =	vld [tilespmem:s20+$0x70]  }
0x527: {  	v2 =	vld [tilespmem:s18+$0x70]  }
0x528: {  	v5 =	vld [tilespmem:s20+$0x50]  }
0x529: {  	v6 =	vld [tilespmem:s20+$0x60]  }
0x52a: {  	v7 =	vld [tilespmem:s20+$0xFFFFFFB0]  }
0x52b: {  	v8 =	vld [tilespmem:s20+$0xFFFFFFF0]  }
0x52c: {  	v9 =	vld [tilespmem:s18+$0x50]  }
0x52d: {  	v10 =	vld [tilespmem:s20+$0x30]  }
0x52e: {  	v11 =	vld [tilespmem:s18+$0xFFFFFF80]  }
0x52f: {  	v12 =	vld [tilespmem:s18+$0x30]  }
0x530: {  	v13 =	vld [tilespmem:s18+$0x60]  }
0x531: {  	v14 =	vld [tilespmem:s20+$0x40]  }
0x532: {  	v15 =	vld [tilespmem:s18+$0x40]  }
0x533: {  	v16 =	vld [tilespmem:s18+$0xFFFFFFB0]  }
0x534: {  	v17 =	vld [tilespmem:s18+$0xFFFFFFF0]  }
0x535: {  	v18 =	vld [tilespmem:s20+$0x20]  }
0x536: {  	v21 =	vld [tilespmem:s18+$0x20]  }
0x537: {  	v27 =	vld [tilespmem:s20+$0xFFFFFF80]  }
0x538: {  	v3 =	vimm.f32 $0.0e+00;
	s21 =	simm.s32 $0x1;
	v20 =	vsub.bf16 v2, v1  }
0x539: {  	s23 =	simm.s32 $0x2;
	v2 =	vmov s21;
	v5 =	vsub.bf16 v9, v5;
	v6 =	vsub.bf16 v13, v6  }
0x53a: {  	s14 =	simm.s32 $0x3;
	v1 =	vmov s23;
	v14 =	vsub.bf16 v15, v14;
	v8 =	vsub.bf16 v17, v8  }
0x53b: {  	v12 =	vsub.bf16 v12, v10;
	v7 =	vsub.bf16 v16, v7;
	v10 =	vmov s14  }
0x53c: {  	v4 =	vld [tilespmem:s18+$0xFFFFFFC0];
	v18 =	vsub.bf16 v21, v18;
	v11 =	vsub.bf16 v11, v27;
	vm0 =	veq.s32 v10, v0  }
0x53d: {  	v19 =	vld [tilespmem:s20+$0xFFFFFF90];
	v22 =	vunpack.i.u.bf16.f32 v20;
	v20 =	vunpack.i.l.bf16.f32 v20;
	v23 =	vunpack.i.u.bf16.f32 v5  }
0x53e: {  	v25 =	vld [tilespmem:s20+$0x10];
	v5 =	vunpack.i.l.bf16.f32 v5;
	v24 =	vunpack.i.l.bf16.f32 v6;
	v6 =	vunpack.i.u.bf16.f32 v6  }
0x53f: {  	v9 =	vld [tilespmem:s20+$0xFFFFFFE0];
	v17 =	vunpack.i.l.bf16.f32 v14;
	v14 =	vunpack.i.u.bf16.f32 v14;
	v20 =	vmul.f32 v20, v20  }
0x540: {  	v15 =	vld [tilespmem:s18+$0xFFFFFFE0];
	v28 =	vunpack.i.l.bf16.f32 v18;
	v17 =	vmul.f32 v17, v17;
	v23 =	vmul.f32 v23, v23  }
0x541: {  	v16 =	vld [tilespmem:s20+$0xFFFFFFC0];
	v30 =	vunpack.i.l.bf16.f32 v12;
	v14 =	vmul.f32 v14, v14;
	v5 =	vmul.f32 v5, v5  }
0x542: {  	v21 =	vld [tilespmem:s18+$0xFFFFFF90];
	v12 =	vunpack.i.u.bf16.f32 v12;
	v24 =	vmul.f32 v24, v24;
	v6 =	vmul.f32 v6, v6  }
0x543: {  	v26 =	vld [tilespmem:s18+$0x10];
	v36 =	vunpack.i.u.bf16.f32 v7;
	v12 =	vmul.f32 v12, v12;
	v30 =	vmul.f32 v30, v30  }
0x544: {  	s17 =	simm.s32 $0x14420;
	v31 =	vld [tilespmem:s18+$0xFFFFFFA0];
	v18 =	vunpack.i.u.bf16.f32 v18;
	v36 =	vmul.f32 v36, v36;
	v28 =	vmul.f32 v28, v28  }
0x545: {  	v33 =	vld [tilespmem:s17+$0x60];
	v18 =	vmul.f32 v18, v18;
	v9 =	vsub.bf16 v15, v9;
	v15 =	vunpack.i.l.bf16.f32 v8  }
0x546: {  	v35 =	vld [tilespmem:s17+$0xFFFFFFB0];
	v14 =	vadd.f32 v17, v14;
	v17 =	vmul.f32 v22, v22;
	v8 =	vunpack.i.u.bf16.f32 v8  }
0x547: {  	v13 =	vld [tilespmem:s20+$0xFFFFFFD0];
	v19 =	vsub.bf16 v21, v19;
	v4 =	vsub.bf16 v4, v16;
	v8 =	vmul.f32 v8, v8  }
0x548: {  	v22 =	vld [tilespmem:s18+$0xFFFFFFD0];
	v15 =	vmul.f32 v15, v15;
	v29 =	vunpack.i.l.bf16.f32 v9;
	v5 =	vadd.f32 v5, v14  }
0x549: {  	v58 =	vld [tilespmem:s17+$0xFFFFFFA0];
	v14 =	vsub.bf16 v26, v25;
	v26 =	vunpack.i.u.bf16.f32 v11;
	v11 =	vunpack.i.l.bf16.f32 v11  }
0x54a: {  	v21 =	vld [tilespmem:s18+$0x0];
	v32 =	vunpack.i.u.bf16.f32 v4;
	v4 =	vunpack.i.l.bf16.f32 v4;
	v16 =	vmul.f32 v26, v26  }
0x54b: {  	s18 =	simm.s32 $0x14020;
	v9 =	vunpack.i.u.bf16.f32 v9;
	v25 =	vld [tilespmem:s20+$0x0];
	v11 =	vmul.f32 v11, v11;
	v4 =	vmul.f32 v4, v4  }
0x54c: {  	v49 =	vld [tilespmem:s18+$0x60];
	v29 =	vmul.f32 v29, v29;
	v9 =	vmul.f32 v9, v9;
	v5 =	vadd.f32 v5, v23  }
0x54d: {  	v59 =	vld [tilespmem:s18+$0xFFFFFFA0];
	v23 =	vmul.f32 v32, v32;
	v13 =	vsub.bf16 v22, v13;
	v22 =	vunpack.i.l.bf16.f32 v19  }
0x54e: {  	v26 =	vld [tilespmem:s20+$0xFFFFFFA0];
	v11 =	vadd.f32 v11, v16;
	v16 =	vunpack.i.l.bf16.f32 v14;
	v19 =	vunpack.i.u.bf16.f32 v19  }
0x54f: {  	v50 =	vld [tilespmem:s17+$0x40];
	v14 =	vunpack.i.u.bf16.f32 v14;
	v22 =	vmul.f32 v22, v22;
	v5 =	vadd.f32 v24, v5  }
0x550: {  	s20 =	simm.s32 $0x5;
	v24 =	vunpack.i.l.bf16.f32 v7;
	v23 =	vadd.f32 v4, v23;
	v21 =	vsub.bf16 v21, v25;
	v25 =	vld [tilespmem:s17+$0x70]  }
0x551: {  	v4 =	vmov s20;
	v19 =	vmul.f32 v19, v19;
	v11 =	vadd.f32 v22, v11;
	v22 =	vld [tilespmem:s18+$0x70]  }
0x552: {  	v51 =	vld [tilespmem:s17+$0x20];
	v16 =	vmul.f32 v16, v16;
	v32 =	vsub.bf16 v49, v33;
	v33 =	vsub.bf16 v59, v58  }
0x553: {  	v54 =	vld [tilespmem:s17+$0xFFFFFF80];
	v27 =	vunpack.i.l.bf16.f32 v13;
	v13 =	vunpack.i.u.bf16.f32 v13;
	v26 =	vsub.bf16 v31, v26  }
0x554: {  	v37 =	vld [tilespmem:s18+$0x50];
	v27 =	vmul.f32 v27, v27;
	v47 =	vunpack.i.u.bf16.f32 v21;
	v21 =	vunpack.i.l.bf16.f32 v21  }
0x555: {  	v5 =	vadd.f32 v5, v6;
	v6 =	vld [tilespmem:s17+$0x50];
	v34 =	vunpack.i.l.bf16.f32 v26;
	v21 =	vmul.f32 v21, v21  }
0x556: {  	v41 =	vld [tilespmem:s17+$0xFFFFFFC0];
	v7 =	vsub.bf16 v22, v25;
	v22 =	vunpack.i.u.bf16.f32 v26;
	v26 =	vmul.f32 v47, v47  }
0x557: {  	v38 =	vld [tilespmem:s18+$0xFFFFFF80];
	v13 =	vmul.f32 v13, v13;
	v20 =	vadd.f32 v20, v5;
	v23 =	vadd.f32 v27, v23  }
0x558: {  	v14 =	vmul.f32 v14, v14;
	v27 =	vld [tilespmem:s18+$0x40];
	v11 =	vadd.f32 v11, v19;
	v21 =	vadd.f32 v21, v26  }
0x559: {  	s21 =	simm.s32 $0x6;
	v53 =	vld [tilespmem:s18+$0x10];
	v24 =	vmul.f32 v24, v24;
	v20 =	vadd.f32 v20, v17;
	v13 =	vadd.f32 v23, v13  }
0x55a: {  	v56 =	vld [tilespmem:s18+$0xFFFFFFD0];
	v5 =	vmov s21;
	v6 =	vsub.bf16 v37, v6;
	v16 =	vadd.f32 v16, v21  }
0x55b: {  	v17 =	vld [tilespmem:s17+$0xFFFFFFF0];
	v13 =	vadd.f32 v29, v13;
	v22 =	vmul.f32 v22, v22;
	v48 =	vunpack.i.l.bf16.f32 v7  }
0x55c: {  	v23 =	vld [tilespmem:s18+$0xFFFFFFF0];
	v39 =	vunpack.i.u.bf16.f32 v7;
	v26 =	vmul.f32 v34, v34;
	v14 =	vadd.f32 v16, v14  }
0x55d: {  	v31 =	vld [tilespmem:s18+$0xFFFFFFC0];
	v37 =	vunpack.i.u.bf16.f32 v6;
	v19 =	vsub.bf16 v27, v50;
	v9 =	vadd.f32 v13, v9  }
0x55e: {  	v25 =	vld [tilespmem:s17+$0x30];
	v6 =	vunpack.i.l.bf16.f32 v6;
	v11 =	vadd.f32 v26, v11;
	v14 =	vadd.f32 v28, v14  }
0x55f: {  	s23 =	simm.s32 $0x7;
	v27 =	vld [tilespmem:s18+$0x20];
	v7 =	vmul.f32 v48, v48;
	v40 =	vmul.f32 v6, v6;
	v9 =	vadd.f32 v15, v9  }
0x560: {  	v13 =	vld [tilespmem:s17+$0xFFFFFFE0];
	v6 =	vmov s23;
	v22 =	vadd.f32 v11, v22;
	v14 =	vadd.f32 v14, v18  }
0x561: {  	(xrf2) =	vadd.scan.msk.f32 $0xffff, v20;
	v21 =	vld [tilespmem:s18+$0x30];
	v18 =	vsub.bf16 v23, v17;
	v17 =	vunpack.i.l.bf16.f32 v19;
	v19 =	vunpack.i.u.bf16.f32 v19  }
0x562: {  	v26 =	vld [tilespmem:s17+$0x10];
	v28 =	vunpack.i.l.bf16.f32 v32;
	v32 =	vunpack.i.u.bf16.f32 v32;
	v15 =	vmul.f32 v19, v19  }
0x563: {  	v16 =	vld [tilespmem:s18+$0xFFFFFFB0];
	v19 =	vadd.f32 v9, v8;
	v14 =	vadd.f32 v30, v14;
	v8 =	vunpack.i.l.bf16.f32 v18  }
0x564: {  	v23 =	vld [tilespmem:s17+$0xFFFFFFD0];
	v9 =	vunpack.i.u.bf16.f32 v18;
	v18 =	vadd.f32 v24, v22;
	v22 =	vsub.bf16 v38, v54  }
0x565: {  	v28 =	vmul.f32 v28, v28;
	v52 =	vmul.f32 v17, v17;
	v30 =	vld [tilespmem:s18+$0xFFFFFFE0];
	v14 =	vadd.f32 v14, v12  }
0x566: {  	v29 =	vld [tilespmem:s17+$0xFFFFFF90];
	v17 =	vsub.bf16 v21, v25;
	v21 =	vmul.f32 v37, v37;
	v10 =	vunpack.i.l.bf16.f32 v22  }
0x567: {  	v55 =	vadd.f32 v52, v15;
	v12 =	vsub.bf16 v27, v51;
	v27 =	vld [tilespmem:s18+$0xFFFFFF90];
	v10 =	vmul.f32 v10, v10;
	(xrf2) =	vadd.scan.msk.f32 $0xffff, v14  }
0x568: {  	v16 =	vsub.bf16 v16, v35;
	(xrf2) =	vadd.scan.msk.f32 $0xffff, v19;
	v19 =	vsub.bf16 v53, v26;
	v26 =	vunpack.i.u.bf16.f32 v22  }
0x569: {  	v18 =	vadd.f32 v18, v36;
	v20 =	vadd.f32 v40, v55;
	v26 =	vmul.f32 v26, v26  }
0x56a: {  	v15 =	vmul.f32 v39, v39;
	v23 =	vsub.bf16 v56, v23;
	v30 =	vsub.bf16 v30, v13  }
0x56b: {  	v24 =	vld [tilespmem:s17+$0x0];
	v11 =	vunpack.i.l.bf16.f32 v12;
	v20 =	vadd.f32 v20, v21;
	v21 =	vadd.f32 v10, v26;
	v10, _, _ =	vpop (xrf2);
	(xrf2) =	vadd.scan.msk.f32 $0xffff, v18  }
0x56c: {  	v13 =	vunpack.i.l.bf16.f32 v17;
	v29 =	vsub.bf16 v27, v29;
	v27 =	vsub.bf16 v31, v41;
	v31 =	vld [tilespmem:s18+$0x0]  }
0x56d: {  	v25 =	vunpack.i.l.bf16.f32 v30;
	v14 =	vunpack.i.u.bf16.f32 v30;
	v30 =	vmul.f32 v32, v32  }
0x56e: {  	v34 =	vadd.f32 v28, v20;
	v20 =	vunpack.i.l.bf16.f32 v16;
	v22 =	vunpack.i.l.bf16.f32 v29  }
0x56f: {  	v57 =	vmul.f32 v22, v22;
	v22 =	vunpack.i.l.bf16.f32 v23;
	v23 =	vunpack.i.u.bf16.f32 v23  }
0x570: {  	v26 =	vunpack.i.l.bf16.f32 v19;
	v60 =	vunpack.i.u.bf16.f32 v27;
	v27 =	vunpack.i.l.bf16.f32 v27  }
0x571: {  	v61 =	vmul.f32 v60, v60;
	v63 =	vmul.f32 v27, v27;
	v62 =	vsub.bf16 v31, v24  }
0x572: {  	s10 =	simm.s32 $0x4;
	s11 =	simm.s32 $0x8;
	v22 =	vmul.f32 v22, v22;
	v24 =	vmul.f32 v23, v23;
	v21 =	vadd.f32 v57, v21;
	v23, _, _ =	vpop (xrf2)  }
0x573: {  	s13 =	simm.s32 $0x14120;
	s12 =	simm.s32 $0x14520;
	s18 =	simm.s32 $0x7D00;
	v28 =	vadd.f32 v63, v61;
	v31 =	vunpack.i.u.bf16.f32 v62;
	v32 =	vunpack.i.l.bf16.f32 v62;
	v27, _, _ =	vpop (xrf2)  }
.LBB2_30:
0x574: {  	s14 =	sadd.s32 $0x1, s11  }
0x575: {  	v18 =	vld [tilespmem:s13+$0xFFFFFFC0];
	p0 =	slt.u32 s11, $0xC;
	v29 =	vunpack.i.u.bf16.f32 v29;
	v17 =	vunpack.i.u.bf16.f32 v17;
	v30 =	vadd.f32 v34, v30;
	v34, _, _ =	vpop (xrf2);
	s17 =	smov.u32 s11;
	s11 =	sadd.s32 $0x4, s11  }
0x576: {  	v25 =	vmul.f32 v25, v25;
	v35 =	vmov s14;
	v36 =	vld [tilespmem:s12+$0x70];
	v37 =	vunpack.i.l.bf16.f32 v33  }
0x577: {  	v16 =	vunpack.i.u.bf16.f32 v16;
	s14 =	sadd.s32 $0x2, s17;
	v38 =	vld [tilespmem:s13+$0x70];
	v7 =	vadd.f32 v7, v30;
	v30 =	vbroadcast v34, $0xF  }
0x578: {  	v40 =	vmov s7;
	v27 =	vbroadcast v27, $0xF;
	s7 =	smov.u32 s10;
	s10 =	smov.u32 s17;
	v34 =	vmov s14;
	v39 =	vld [tilespmem:s12+$0x50]  }
0x579: {  	v10 =	vbroadcast v10, $0xF;
	vm1 =	veq.s32 v40, v0;
	v41 =	vld [tilespmem:s12+$0x60];
	v7 =	vadd.f32 v7, v15  }
0x57a: {  	v23 =	vbroadcast v23, $0xF;
	v3 =	vsel vm1, v30, v3;
	vm1 =	veq.s32 v2, v0;
	v2 =	vmovc v4;
	v4 =	vmovc v35;
	v15 =	vld [tilespmem:s12+$0xFFFFFFB0]  }
0x57b: {  	v33 =	vunpack.i.u.bf16.f32 v33;
	v3 =	vsel vm1, v27, v3;
	vm1 =	veq.s32 v1, v0;
	v1 =	vmovc v5;
	v30 =	vld [tilespmem:s12+$0xFFFFFFF0];
	(xrf2) =	vadd.scan.msk.f32 $0xffff, v7  }
0x57c: {  	v19 =	vunpack.i.u.bf16.f32 v19;
	v5 =	vmovc v34;
	v3 =	vsel vm1, v23, v3;
	v27 =	vld [tilespmem:s13+$0x50];
	v7 =	vsub.bf16 v38, v36  }
0x57d: {  	v31 =	vmul.f32 v31, v31;
	v29 =	vmul.f32 v29, v29;
	v3 =	vsel vm0, v10, v3;
	v23 =	vld [tilespmem:s12+$0x30]  }
0x57e: {  	v10 =	vmul.f32 v32, v32;
	v34 =	vld [tilespmem:s13+$0xFFFFFF80];
	v35 =	vunpack.i.u.bf16.f32 v7;
	v7 =	vunpack.i.l.bf16.f32 v7  }
0x57f: {  	v26 =	vmul.f32 v26, v26;
	v12 =	vunpack.i.u.bf16.f32 v12;
	v32 =	vld [tilespmem:s13+$0x30];
	v7 =	vmul.f32 v7, v7  }
0x580: {  	v37 =	vmul.f32 v37, v37;
	v10 =	vadd.f32 v10, v31;
	v31 =	vmul.f32 v17, v17;
	v36 =	vld [tilespmem:s13+$0x60]  }
0x581: {  	v14 =	vmul.f32 v14, v14;
	v22 =	vadd.f32 v22, v28;
	v17 =	vld [tilespmem:s12+$0x40];
	v27 =	vsub.bf16 v27, v39  }
0x582: {  	v13 =	vmul.f32 v13, v13;
	v19 =	vmul.f32 v19, v19;
	v40 =	vadd.f32 v26, v10;
	v28 =	vld [tilespmem:s13+$0x40]  }
0x583: {  	v22 =	vadd.f32 v22, v24;
	v26 =	vld [tilespmem:s13+$0xFFFFFFB0];
	v38 =	vunpack.i.u.bf16.f32 v27;
	v27 =	vunpack.i.l.bf16.f32 v27  }
0x584: {  	v11 =	vmul.f32 v11, v11;
	v39 =	vmul.f32 v16, v16;
	v16 =	vadd.f32 v40, v19;
	v24 =	vld [tilespmem:s13+$0xFFFFFFF0]  }
0x585: {  	v20 =	vmul.f32 v20, v20;
	v22 =	vadd.f32 v25, v22;
	v19 =	vld [tilespmem:s12+$0x20];
	v36 =	vsub.bf16 v36, v41;
	v10, _, _ =	vpop (xrf2)  }
0x586: {  	v12 =	vmul.f32 v12, v12;
	v21 =	vadd.f32 v21, v29;
	v11 =	vadd.f32 v11, v16;
	v40 =	vld [tilespmem:s12+$0xFFFFFF90]  }
0x587: {  	v14 =	vadd.f32 v22, v14;
	v25 =	vld [tilespmem:s13+$0x20];
	v16 =	vsub.bf16 v28, v17;
	v28 =	vunpack.i.l.bf16.f32 v36  }
0x588: {  	v9 =	vmul.f32 v9, v9;
	v11 =	vadd.f32 v11, v12;
	v36 =	vunpack.i.u.bf16.f32 v36;
	v22 =	vld [tilespmem:s12+$0xFFFFFFE0]  }
0x589: {  	v8 =	vmul.f32 v8, v8;
	v24 =	vsub.bf16 v24, v30;
	v41 =	vld [tilespmem:s12+$0x0];
	v12 =	vunpack.i.l.bf16.f32 v16  }
0x58a: {  	v11 =	vadd.f32 v13, v11;
	v29 =	vunpack.i.u.bf16.f32 v16;
	v30 =	vld [tilespmem:s12+$0xFFFFFFD0];
	v42 =	vmul.f32 v12, v12  }
0x58b: {  	v8 =	vadd.f32 v8, v14;
	v12 =	vadd.f32 v37, v21;
	v21 =	vmul.f32 v33, v33;
	v13 =	vld [tilespmem:s13+$0xFFFFFFE0]  }
0x58c: {  	v17 =	vsub.bf16 v32, v23;
	v32 =	vmul.f32 v38, v38;
	v11 =	vadd.f32 v11, v31;
	v33 =	vld [tilespmem:s12+$0x10]  }
0x58d: {  	s14 =	sadd.s32 $0x3, s10;
	v16 =	vsub.bf16 v26, v15;
	v26 =	vadd.f32 v8, v9;
	v14 =	vmul.f32 v29, v29;
	v23 =	vld [tilespmem:s13+$0x10]  }
0x58e: {  	v27 =	vmul.f32 v27, v27;
	v31 =	vmov s14;
	v21 =	vadd.f32 v12, v21;
	v29 =	vld [tilespmem:s12+$0xFFFFFF80];
	(xrf2) =	vadd.scan.msk.f32 $0xffff, v11  }
0x58f: {  	v8 =	vunpack.i.l.bf16.f32 v24;
	v12 =	vsub.bf16 v25, v19;
	v37 =	vld [tilespmem:s12+$0xFFFFFFC0]  }
0x590: {  	v15 =	vmul.f32 v35, v35;
	v14 =	vadd.f32 v42, v14;
	v38 =	vld [tilespmem:s13+$0xFFFFFF90];
	v19 =	vsub.bf16 v13, v22  }
0x591: {  	v9 =	vunpack.i.u.bf16.f32 v24;
	v11 =	vunpack.i.l.bf16.f32 v12;
	v20 =	vadd.f32 v20, v21;
	v22 =	vld [tilespmem:s13+$0xFFFFFFD0];
	(xrf2) =	vadd.scan.msk.f32 $0xffff, v26  }
0x592: {  	v21 =	vadd.f32 v27, v14;
	v13 =	vunpack.i.l.bf16.f32 v17;
	v25 =	vunpack.i.l.bf16.f32 v19  }
0x593: {  	v20 =	vadd.f32 v20, v39;
	v14 =	vunpack.i.u.bf16.f32 v19;
	v24 =	vsub.bf16 v34, v29  }
0x594: {  	v28 =	vmul.f32 v28, v28;
	v19 =	vsub.bf16 v23, v33  }
0x595: {  	v18 =	vsub.bf16 v18, v37;
	v23 =	vunpack.i.u.bf16.f32 v24;
	v29 =	vsub.bf16 v38, v40;
	(xrf2) =	vadd.scan.msk.f32 $0xffff, v20  }
0x596: {  	vm0 =	veq.s32 v6, v0;
	v6 =	vmovc v31;
	v20 =	vmul.f32 v23, v23;
	v27 =	vsub.bf16 v22, v30;
	v33 =	vld [tilespmem:s13+$0x0]  }
0x597: {  	v22 =	vunpack.i.l.bf16.f32 v24;
	v30 =	vmul.f32 v36, v36;
	v26 =	vunpack.i.l.bf16.f32 v29  }
0x598: {  	v24 =	vmul.f32 v22, v22;
	v31 =	vmul.f32 v26, v26;
	v35 =	vld [tilespmem:s12+$0xFFFFFFA0];
	v22 =	vunpack.i.l.bf16.f32 v27;
	v23, _, _ =	vpop (xrf2)  }
0x599: {  	v21 =	vadd.f32 v21, v32;
	v34 =	vunpack.i.u.bf16.f32 v18;
	v36 =	vld [tilespmem:s13+$0xFFFFFFA0];
	v22 =	vmul.f32 v22, v22  }
.Ltmp14:
0x59a: {  	v18 =	vunpack.i.l.bf16.f32 v18;
	v26 =	vunpack.i.l.bf16.f32 v19;
	v20 =	vadd.f32 v24, v20;
	(pc) =	sbr.rel @p0 .LBB2_30-.Ltmp14, $4  }
0x59b: {  	v32 =	vmul.f32 v34, v34;
	v24 =	vunpack.i.u.bf16.f32 v27;
	v37 =	vsub.bf16 v33, v41;
	v27, _, _ =	vpop (xrf2)  }
0x59c: {  	v18 =	vmul.f32 v18, v18;
	v34 =	vadd.f32 v28, v21;
	v24 =	vmul.f32 v24, v24  }
0x59d: {  	v21 =	vadd.f32 v31, v20;
	v20 =	vunpack.i.l.bf16.f32 v16;
	v31 =	vunpack.i.u.bf16.f32 v37  }
0x59e: {  	s12 =	sadd.s32 $0x100, s12;
	v28 =	vadd.f32 v18, v32;
	s13 =	sadd.s32 $0x100, s13;
	v32 =	vunpack.i.l.bf16.f32 v37;
	v33 =	vsub.bf16 v36, v35  }
0x59f: {  	v18 =	vmul.f32 v31, v31;
	v45 =	vmul.f32 v32, v32  }
0x5a0: {  	v29 =	vunpack.i.u.bf16.f32 v29;
	v17 =	vunpack.i.u.bf16.f32 v17  }
0x5a1: {  	v30 =	vadd.f32 v34, v30;
	v26 =	vmul.f32 v26, v26;
	v18 =	vadd.f32 v45, v18  }
0x5a2: {  	v25 =	vmul.f32 v25, v25;
	v19 =	vunpack.i.u.bf16.f32 v19;
	v16 =	vunpack.i.u.bf16.f32 v16  }
0x5a3: {  	v11 =	vmul.f32 v11, v11;
	v19 =	vmul.f32 v19, v19;
	v18 =	vadd.f32 v26, v18  }
0x5a4: {  	v12 =	vunpack.i.u.bf16.f32 v12;
	v14 =	vmul.f32 v14, v14;
	v22 =	vadd.f32 v22, v28  }
0x5a5: {  	v13 =	vmul.f32 v13, v13;
	v48 =	vmul.f32 v29, v29;
	v18 =	vadd.f32 v18, v19  }
0x5a6: {  	v46 =	vunpack.i.l.bf16.f32 v33;
	v12 =	vmul.f32 v12, v12;
	v22 =	vadd.f32 v22, v24  }
0x5a7: {  	v49 =	vmul.f32 v46, v46;
	v21 =	vadd.f32 v21, v48;
	v11 =	vadd.f32 v11, v18  }
0x5a8: {  	v8 =	vmul.f32 v8, v8;
	v47 =	vunpack.i.u.bf16.f32 v33;
	v50 =	vadd.f32 v25, v22  }
0x5a9: {  	v52 =	vmul.f32 v47, v47;
	v51 =	vadd.f32 v49, v21;
	v11 =	vadd.f32 v11, v12  }
0x5aa: {  	v53 =	vmul.f32 v20, v20;
	v7 =	vadd.f32 v7, v30;
	v14 =	vadd.f32 v50, v14  }
0x5ab: {  	v17 =	vmul.f32 v17, v17;
	v12 =	vadd.f32 v51, v52;
	v11 =	vadd.f32 v13, v11  }
0x5ac: {  	v9 =	vmul.f32 v9, v9;
	v7 =	vadd.f32 v7, v15;
	v8 =	vadd.f32 v8, v14  }
0x5ad: {  	v54 =	vmul.f32 v16, v16;
	v12 =	vadd.f32 v53, v12;
	v11 =	vadd.f32 v11, v17  }
0x5ae: {  	(xrf2) =	vadd.scan.msk.f32 $0xffff, v7;
	v55 =	vadd.f32 v8, v9  }
0x5af: {  	v56 =	vadd.f32 v12, v54;
	(xrf2) =	vadd.scan.msk.f32 $0xffff, v11  }
0x5b0: {  	(xrf2) =	vadd.scan.msk.f32 $0xffff, v55  }
0x5b1: {  	(xrf2) =	vadd.scan.msk.f32 $0xffff, v56;
	_ =	sdelay $0x5  }
0x5b2: {  	v57, _, _ =	vpop (xrf2)  }
0x5b3: {  	v59 =	vmov s7;
	v7 =	vbroadcast v57, $0xF;
	v58, _, _ =	vpop (xrf2)  }
0x5b4: {  	v60 =	vbroadcast v27, $0xF;
	vm1 =	veq.s32 v59, v0;
	v61, _, _ =	vpop (xrf2)  }
0x5b5: {  	vm10 =	veq.s32 v2, v0;
	v2 =	vbroadcast v23, $0xF;
	v3 =	vsel vm1, v7, v3;
	v62, _, _ =	vpop (xrf2)  }
0x5b6: {  	v10 =	vbroadcast v10, $0xF;
	vm11 =	veq.s32 v1, v0;
	v3 =	vsel vm10, v60, v3;
	v1, _, _ =	vpop (xrf2)  }
0x5b7: {  	v2 =	vsel vm11, v2, v3;
	v3 =	vmov s10;
	v1 =	vbroadcast v1, $0xF  }
0x5b8: {  	v2 =	vsel vm0, v10, v2;
	vm12 =	veq.s32 v3, v0;
	v7 =	vbroadcast v62, $0xF  }
0x5b9: {  	vm13 =	veq.s32 v4, v0;
	v1 =	vsel vm12, v1, v2;
	v2 =	vbroadcast v61, $0xF  }
0x5ba: {  	vm14 =	veq.s32 v5, v0;
	v3 =	vbroadcast v58, $0xF;
	v1 =	vsel vm13, v7, v1  }
0x5bb: {  	vm15 =	veq.s32 v6, v0;
	v1 =	vsel vm14, v2, v1  }
0x5bc: {  	v1 =	vsel vm15, v3, v1  }
0x5bd: {  	v2 =	vshra.s32 v1, $0x1;
	v3 =	vmul.f32 $5.000000000e-01, v1  }
0x5be: {  	v2 =	vsub.s32 $0x5F3759DF, v2  }
0x5bf: {  	v63 =	vmul.f32 v2, v3;
	_ =	sdelay $0x1  }
0x5c0: {  	v4 =	vmul.f32 v2, v63;
	_ =	sdelay $0x1  }
0x5c1: {  	v4 =	vsub.f32 $1.500000000e+00, v4;
	_ =	sdelay $0x1  }
0x5c2: {  	v2 =	vmul.f32 v2, v4;
	_ =	sdelay $0x1  }
0x5c3: {  	v4 =	vmul.f32 v2, v3;
	_ =	sdelay $0x1  }
0x5c4: {  	v4 =	vmul.f32 v4, v2;
	_ =	sdelay $0x1  }
0x5c5: {  	v4 =	vsub.f32 $1.500000000e+00, v4;
	_ =	sdelay $0x1  }
0x5c6: {  	v2 =	vmul.f32 v4, v2;
	_ =	sdelay $0x1  }
0x5c7: {  	v3 =	vmul.f32 v2, v3;
	_ =	sdelay $0x1  }
0x5c8: {  	v3 =	vmul.f32 v3, v2;
	_ =	sdelay $0x1  }
0x5c9: {  	v3 =	vsub.f32 $1.500000000e+00, v3;
	_ =	sdelay $0x1  }
0x5ca: {  	v2 =	vmul.f32 v3, v2;
	_ =	sdelay $0x1  }
0x5cb: {  	v1 =	vmul.f32 v2, v1;
	_ =	sdelay $0x1  }
0x5cc: {  	v1 =	vsub.f32 $0.0e+00, v1;
	_ =	sdelay $0x1  }
0x5cd: {  	v1 =	vmul.f32 $1.442695020e+00, v1;
	_ =	sdelay $0x1  }
0x5ce: {  	(erf) = vpow2.f32 v1;
	_ =	sdelay $0x8  }
0x5cf: {  	v1 =	vpop (erf)  }
0x5d0: {  	s17 =	rddreg [dreg:$0x14];
	s20 =	simm.s32 $0x146A0;
	s21 =	simm.s32 $0xB;
	[tilespmem:$0x146A0] =	vst v1  }
0x5d1: {  	[hbm4b:s17+s3] =	stream.linear.scatter [tilespmem:s20], [sflag:$0xB], $0x10, $0x38;
	[tilespmem:$0x146B0] =	vst v63  }
0x5d2: {  	_ =	swait.ge [sflag:s21], $0x10  }
0x5d3: {  	[sflag:s21] =	ssyncset.done $0x0  }
0x5d4: {  	[sflag:s21] =	ssyncadd.s32 $0xFFFFFFF0  }
0x5d5: {  	_ =	swait.ge [sflag:s30], $0x80  }
0x5d6: {  	[sflag:s30] =	ssyncset.done $0x0  }
0x5d7: {  	s23 =	simm.s32 $0xA;
	[sflag:s30] =	ssyncadd.s32 $0xFFFFFF80  }
0x5d8: {  	_ =	swait.ge [sflag:s23], $0x80  }
0x5d9: {  	s11 =	rddreg [dreg:$0x18]  }
0x5da: {  	s30 =	rddreg [dreg:$0x15];
	s11 =	sadd.s32 $0x1, s11  }
0x5db: {  	p0 =	sne.s32 s11, s30  }
.Ltmp15:
0x5dc: {  	_ = 	snop;
	(pc) =	sbr.rel @p0 .LBB2_1-.Ltmp15, $4  }
0x5dd: {  	_ = 	snop  }
0x5de: {  	s14 =	simm.s32 $0x3E80  }
0x5df: {  	s17 =	simm.s32 $0x1;
	s20 =	simm.s32 $0x2;
	[sflag:s23] =	ssyncset.done $0x0  }
0x5e0: {  	s21 =	simm.s32 $0x9C40;
	[sflag:s23] =	ssyncadd.s32 $0xFFFFFF80;
	s23 =	simm.s32 $0x3  }
0x5e1: {  	_ =	sfence.sel $0x180000  }
0x5e2: {  	[bflag:$0x0] =	sbarrier.arrive $0xFFFF  }
0x5e3: {  	_ =	strace $0x90000047  }
0x5e4: {  	s0 =	stileid.u32;
	[bflag:$0x2] =	sbarrier.arrive $0xFFFF  }
0x5e5: {  	p0 =	sne.s32 s0, $0x0;
	s0 =	rddreg [dreg:$0x3]  }
0x5e6: {  	s0 =	sadd.s32 @!p0 $0x100000, s0  }
0x5e7: {  	[sflag:s0] =	ssyncadd.tile.s32 @!p0 $0x1;
	_ =	shalt  }
.Lfunc_end2:
_tile_overlayer_lowered:
.L_overlay_start_2:
0x5e8: {  	(tag) =	ssettag $0x2  }
0x5e9: {  	s0 =	rddreg [dreg:$0x0];
	s2 =	stileid.u32  }
0x5ea: {  	s1 =	rddreg [dreg:$0x1];
	p0 =	sne.s32 s2, $0x0  }
0x5eb: {  	s3 =	rddreg [dreg:$0x2];
	[bflag:$0x3] =	sbarrier.arrive $0xFFFF;
	s2 =	simm.s32 @!p0 $0x1C0B  }
0x5ec: {  	[timem:s3], [sflag:s2] =	dma.local @!p0 [hbm:s0], s1  }
0x5ed: {  	s0 =	simm.s32 @!p0 $0xB  }
0x5ee: {  	_ =	swait.ge @!p0 [sflag:s0], s1  }
0x5ef: {  	s1 =	ssub.s32 @!p0 $0x0, s1;
	[sflag:s0] =	ssyncset.done @!p0 $0x0  }
0x5f0: {  	[sflag:s0] =	ssyncadd.s32 @!p0 s1  }
0x5f1: {  	[bflag:$0x3] =	sbarrier.arrive $0xFFFF  }
0x5f2: {  	_ =	shalt  }

</sc_bundles>
